<compile_context>
chip_gen: v7x
topology: tpu7x:2x2x1
jax: 0.10.2.dev20260603
libtpu: 0.0.44.dev20260713+nightly
codegen_flags: <defaults>
</compile_context>

<pallas_src>
import functools

import jax
import jax.numpy as jnp
from jax import lax
from jax.experimental import pallas as pl
from jax.experimental.pallas import tpu as pltpu
from jax.experimental.pallas import tpu_sc as plsc

N = 10000
D = 256
NC, NS, L = 2, 16, 16
NW = NC * NS
NPAD = 10240
ZROW = N
B = 32
F = 128
ZC = 32
ROWS_PER_TILE = NPAD // NS


def _deg_body(rowp_hbm, colp_hbm, out_hbm, rv, cv, dloc):
    c = lax.axis_index("c")
    s = lax.axis_index("s")
    wid = s * NC + c
    ed = rv.shape[0]
    pltpu.sync_copy(rowp_hbm.at[wid], rv)
    pltpu.sync_copy(colp_hbm.at[wid], cv)

    zeros = jnp.zeros((L,), jnp.float32)

    def zb(i, carry):
        dloc[pl.ds(i * L, L)] = zeros
        return carry

    lax.fori_loop(0, NPAD // L, zb, 0)

    ones = jnp.ones((L,), jnp.float32)

    def body(i, carry):
        r = rv[pl.ds(i * L, L)]
        cc = cv[pl.ds(i * L, L)]
        plsc.addupdate_scatter(dloc, [cc], ones, mask=r != cc)
        return carry

    lax.fori_loop(0, ed // L, body, 0)

    pltpu.sync_copy(dloc, out_hbm.at[wid])


def _make_deg_kernel(ed):
    return pl.kernel(
        _deg_body,
        out_type=jax.ShapeDtypeStruct((NW, NPAD), jnp.float32),
        mesh=plsc.VectorSubcoreMesh(core_axis_name="c", subcore_axis_name="s"),
        compiler_params=pltpu.CompilerParams(needs_layout_passes=False, use_tc_tiling_on_sc=False),
        scratch_types=[
            pltpu.VMEM((ed,), jnp.int32),
            pltpu.VMEM((ed,), jnp.int32),
            pltpu.VMEM((NPAD,), jnp.float32),
        ],
    )


NDB = 7


def _prop_body(row_hbm, col_hbm, zlo_hbm, zhi_hbm, outlo_hbm, outhi_hbm,
               rv, cv, bufs, gsems, acc):
    c = lax.axis_index("c")
    s = lax.axis_index("s")
    ch = rv.shape[0]

    def remap(j):
        for k in range(B // L):
            r = rv[j, pl.ds(k * L, L)]
            cc = cv[j, pl.ds(k * L, L)]
            rv[j, pl.ds(k * L, L)] = jnp.where(r == cc, ZROW, r)

    def run(z_ref, out_ref):
        pltpu.sync_copy(row_hbm.at[s], rv)
        pltpu.sync_copy(col_hbm.at[s], cv)

        zeros = jnp.zeros((L,), jnp.float32)
        nf = F // L

        def zb(i, carry):
            r = i // nf
            f = lax.rem(i, nf)
            bufs[0, r, pl.ds(f * L, L)] = zeros
            return carry

        lax.fori_loop(0, ZC * nf, zb, 0)

        def zc(k, carry):
            pltpu.sync_copy(bufs.at[0, pl.ds(0, ZC)],
                            acc.at[pl.ds(s * ROWS_PER_TILE + k * ZC, ZC)])
            return carry

        lax.fori_loop(0, ROWS_PER_TILE // ZC, zc, 0)
        plsc.subcore_barrier()

        for b in range(NDB):
            remap(b)
            pltpu.async_copy(z_ref.at[rv.at[b]], bufs.at[b], gsems[b])

        def body(i, carry):
            for b in range(NDB):
                j = i * NDB + b
                bp = (b - 1) % NDB

                @pl.when(j < ch)
                def _():
                    pltpu.make_async_copy(
                        z_ref.at[rv.at[j]], bufs.at[b], gsems[b]).wait()
                    pltpu.sync_copy(bufs.at[b], acc.at[cv.at[j]], add=True)

                jn = j + NDB - 1

                @pl.when((j >= 1) & (jn < ch))
                def _():
                    remap(jn)
                    pltpu.async_copy(z_ref.at[rv.at[jn]], bufs.at[bp],
                                     gsems[bp])
            return carry

        lax.fori_loop(0, (ch + NDB - 1) // NDB, body, 0)
        plsc.subcore_barrier()

        def oc(k, carry):
            off = s * ROWS_PER_TILE + k * ZC
            pltpu.sync_copy(acc.at[pl.ds(off, ZC)], out_ref.at[pl.ds(off, ZC)])
            return carry

        lax.fori_loop(0, ROWS_PER_TILE // ZC, oc, 0)

    @pl.when(c == 0)
    def _():
        run(zlo_hbm, outlo_hbm)

    @pl.when(c == 1)
    def _():
        run(zhi_hbm, outhi_hbm)


def _make_prop_kernel(ch):
    return pl.kernel(
        _prop_body,
        out_type=[jax.ShapeDtypeStruct((NPAD, F), jnp.float32),
                  jax.ShapeDtypeStruct((NPAD, F), jnp.float32)],
        mesh=plsc.VectorSubcoreMesh(core_axis_name="c", subcore_axis_name="s"),
        compiler_params=pltpu.CompilerParams(needs_layout_passes=False, use_tc_tiling_on_sc=False),
        scratch_types=[
            pltpu.VMEM((ch, B), jnp.int32),
            pltpu.VMEM((ch, B), jnp.int32),
            pltpu.VMEM((NDB, B, F), jnp.float32),
            [pltpu.SemaphoreType.DMA] * NDB,
            pltpu.VMEM_SHARED((NPAD, F), jnp.float32),
        ],
    )


def _s_body(rowp_hbm, colp_hbm, degp_hbm, out_hbm, rv, cv, disv, spart,
            dpbuf, dstripe, disacc):
    c = lax.axis_index("c")
    s = lax.axis_index("s")
    wid = s * NC + c
    ed = rv.shape[0]
    pltpu.sync_copy(rowp_hbm.at[wid], rv)
    pltpu.sync_copy(colp_hbm.at[wid], cv)

    base = s * ROWS_PER_TILE
    pltpu.sync_copy(degp_hbm.at[:, pl.ds(base, ROWS_PER_TILE)], dpbuf)

    def dc(i, carry):
        deg = jnp.ones((L,), jnp.float32)
        for w in range(NW):
            deg = deg + dpbuf[w, pl.ds(i * L, L)]
        half = 0.5 * deg
        yi = 0x5F3759DF - (plsc.bitcast(deg, jnp.int32) >> 1)
        y = plsc.bitcast(yi, jnp.float32)
        y = y * (1.5 - half * y * y)
        y = y * (1.5 - half * y * y)
        y = y * (1.5 - half * y * y)
        dstripe[pl.ds(i * L, L)] = y
        return carry

    lax.fori_loop(0, ROWS_PER_TILE // L, dc, 0)
    pltpu.sync_copy(dstripe, disacc.at[pl.ds(base, ROWS_PER_TILE)])

    zeros = jnp.zeros((L,), jnp.float32)

    def zb(i, carry):
        spart[pl.ds(i * L, L)] = zeros
        return carry

    lax.fori_loop(0, NPAD // L, zb, 0)
    plsc.subcore_barrier()
    pltpu.sync_copy(disacc, disv)

    def body(i, carry):
        r = rv[pl.ds(i * L, L)]
        cc = cv[pl.ds(i * L, L)]
        vals = plsc.load_gather(disv, [r])
        plsc.addupdate_scatter(spart, [cc], vals, mask=r != cc)
        return carry

    lax.fori_loop(0, ed // L, body, 0)
    pltpu.sync_copy(spart, out_hbm.at[wid])


def _make_s_kernel(ed):
    return pl.kernel(
        _s_body,
        out_type=jax.ShapeDtypeStruct((NW, NPAD), jnp.float32),
        mesh=plsc.VectorSubcoreMesh(core_axis_name="c", subcore_axis_name="s"),
        compiler_params=pltpu.CompilerParams(needs_layout_passes=False, use_tc_tiling_on_sc=False),
        scratch_types=[
            pltpu.VMEM((ed,), jnp.int32),
            pltpu.VMEM((ed,), jnp.int32),
            pltpu.VMEM((NPAD,), jnp.float32),
            pltpu.VMEM((NPAD,), jnp.float32),
            pltpu.VMEM((NW, ROWS_PER_TILE), jnp.float32),
            pltpu.VMEM((ROWS_PER_TILE,), jnp.float32),
            pltpu.VMEM_SHARED((NPAD,), jnp.float32),
        ],
    )


BLK = 1024


def _build_z_body(degp_ref, x_ref, zlo_ref, zhi_ref):
    i = pl.program_id(0)
    deg = jnp.sum(degp_ref[...], axis=1, keepdims=True) + 1.0
    dis = lax.rsqrt(deg)
    rows = i * BLK + lax.broadcasted_iota(jnp.int32, (BLK, 1), 0)
    valid = rows < N
    zlo_ref[...] = jnp.where(valid, dis * x_ref[:, :128], 0.0)
    zhi_ref[...] = jnp.where(valid, dis * x_ref[:, 128:], 0.0)


def _build_z(degp2, xp):
    return pl.pallas_call(
        _build_z_body,
        grid=(NPAD // BLK,),
        in_specs=[
            pl.BlockSpec((BLK, NW), lambda i: (i, 0)),
            pl.BlockSpec((BLK, D), lambda i: (i, 0)),
        ],
        out_specs=[
            pl.BlockSpec((BLK, F), lambda i: (i, 0)),
            pl.BlockSpec((BLK, F), lambda i: (i, 0)),
        ],
        out_shape=[jax.ShapeDtypeStruct((NPAD, F), jnp.float32),
                   jax.ShapeDtypeStruct((NPAD, F), jnp.float32)],
    )(degp2, xp)


def _sigmoid(v):
    return 1.0 / (1.0 + jnp.exp(-v))


def _dense_body(degp_ref, sp_ref, x_ref, alo_ref, ahi_ref,
                whp_ref, wlp_ref, wi_ref, bhp_ref, blp_ref, bi_ref,
                gwh_ref, gwl_ref, gwi_ref, gbh_ref, gbl_ref, gbi_ref,
                out_ref):
    deg = jnp.sum(degp_ref[...], axis=1, keepdims=True) + 1.0
    dis = lax.rsqrt(deg)
    invd = 1.0 / deg
    x = x_ref[...]
    agg = jnp.concatenate([alo_ref[...], ahi_ref[...]], axis=1)
    y = dis * agg + invd * x
    srow = dis * jnp.sum(sp_ref[...], axis=1, keepdims=True) + invd

    h_hp = jnp.dot(x - y, whp_ref[...], preferred_element_type=jnp.float32)
    h_hp = jnp.maximum(h_hp + (1.0 - srow) * bhp_ref[...], 0.0)
    h_lp = jnp.dot(y, wlp_ref[...], preferred_element_type=jnp.float32)
    h_lp = jnp.maximum(h_lp + srow * blp_ref[...], 0.0)
    h_i = jnp.dot(x, wi_ref[...], preferred_element_type=jnp.float32)
    h_i = jnp.maximum(h_i + bi_ref[...], 0.0)

    a_h = _sigmoid(jnp.dot(h_hp, gwh_ref[...],
                           preferred_element_type=jnp.float32) + gbh_ref[...])
    a_l = _sigmoid(jnp.dot(h_lp, gwl_ref[...],
                           preferred_element_type=jnp.float32) + gbl_ref[...])
    a_i = _sigmoid(jnp.dot(h_i, gwi_ref[...],
                           preferred_element_type=jnp.float32) + gbi_ref[...])
    out_ref[...] = a_h * h_hp + a_l * h_lp + a_i * h_i


def _dense(degp2, sparts2, xp, alo, ahi, W_hp, W_lp, W_i, b_hp, b_lp, b_i,
           wh, wl, wi, bh, bl, bi):
    row_spec = lambda w: pl.BlockSpec((BLK, w), lambda i: (i, 0))
    const_spec = lambda a, b: pl.BlockSpec((a, b), lambda i: (0, 0))
    return pl.pallas_call(
        _dense_body,
        grid=(NPAD // BLK,),
        in_specs=[
            row_spec(NW), row_spec(NW), row_spec(D), row_spec(F), row_spec(F),
            const_spec(D, D), const_spec(D, D), const_spec(D, D),
            const_spec(1, D), const_spec(1, D), const_spec(1, D),
            const_spec(D, 1), const_spec(D, 1), const_spec(D, 1),
            const_spec(1, 1), const_spec(1, 1), const_spec(1, 1),
        ],
        out_specs=pl.BlockSpec((BLK, D), lambda i: (i, 0)),
        out_shape=jax.ShapeDtypeStruct((N, D), jnp.float32),
    )(degp2, sparts2, xp, alo, ahi, W_hp, W_lp, W_i,
      b_hp.reshape(1, D), b_lp.reshape(1, D), b_i.reshape(1, D),
      wh, wl, wi, bh.reshape(1, 1), bl.reshape(1, 1), bi.reshape(1, 1))


def kernel(x, edge_index, W_hp, b_hp, W_lp, b_lp, W_i, b_i,
           wh, bh, wl, bl, wi, bi):
    e = edge_index.shape[1]
    ch = -(-e // (NS * B))
    while (NS * ch * B) % (NW * L):
        ch += 1
    epad = NS * ch * B
    row_full = jnp.zeros((epad,), jnp.int32).at[:e].set(
        edge_index[0].astype(jnp.int32))
    col_full = jnp.zeros((epad,), jnp.int32).at[:e].set(
        edge_index[1].astype(jnp.int32))
    rowp3 = row_full.reshape(NS, ch, B)
    colp3 = col_full.reshape(NS, ch, B)
    rowp_d = row_full.reshape(NW, epad // NW)
    colp_d = col_full.reshape(NW, epad // NW)

    degp = _make_deg_kernel(epad // NW)(rowp_d, colp_d)
    degp2 = degp.T
    sparts = _make_s_kernel(epad // NW)(rowp_d, colp_d, degp)
    zlo, zhi = _build_z(degp2, x)
    alo, ahi = _make_prop_kernel(ch)(rowp3, colp3, zlo, zhi)
    return _dense(degp2, sparts.T, x, alo, ahi, W_hp, W_lp, W_i,
                  b_hp, b_lp, b_i, wh, wl, wi, bh, bl, bi)

# --- scband reference (transcript-rebuilt; emitter-appended) ---
"""Pipeline reference for scband-acm-gcn-framework-91156385890843 (READ-ONLY COPY).

The authoritative reference and input builder live on the scoring server;
editing this copy changes nothing except your own understanding.
"""

import jax, jax.numpy as jnp
import numpy as np

N = 10000
E = 160000
D_IN = 256
D_OUT = 256


def _lin_init(key, fan_in, fan_out):
    k1, k2 = jax.random.split(key)
    bound = 1.0 / np.sqrt(fan_in)
    W = jax.random.uniform(k1, (fan_in, fan_out), minval=-bound, maxval=bound, dtype=jnp.float32)
    b = jax.random.uniform(k2, (fan_out,), minval=-bound, maxval=bound, dtype=jnp.float32)
    return W, b


def setup_inputs(seed: int = 0) -> dict:
    key = jax.random.key(seed)
    ks = jax.random.split(key, 10)
    x = jax.random.normal(ks[0], (N, D_IN), dtype=jnp.float32)
    edge_index = jax.random.randint(ks[1], (2, E), 0, N, dtype=jnp.int32)
    W_hp, b_hp = _lin_init(ks[2], D_IN, D_OUT)
    W_lp, b_lp = _lin_init(ks[3], D_IN, D_OUT)
    W_i, b_i = _lin_init(ks[4], D_IN, D_OUT)
    wh, bh = _lin_init(ks[5], D_OUT, 1)
    wl, bl = _lin_init(ks[6], D_OUT, 1)
    wi, bi = _lin_init(ks[7], D_OUT, 1)
    return {"x": x, "edge_index": edge_index, "W_hp": W_hp, "b_hp": b_hp,
            "W_lp": W_lp, "b_lp": b_lp, "W_i": W_i, "b_i": b_i,
            "wh": wh, "bh": bh, "wl": wl, "bl": bl, "wi": wi, "bi": bi}


def add_remaining_self_loops(edge_index, edge_weight, num_nodes):
    # faithful to PyG add_remaining_self_loops with fill_value=1:
    # keep non-self-loop edges, add exactly one self loop per node,
    # preserving weights of pre-existing self loops.
    row, col = edge_index[0], edge_index[1]
    mask = row != col
    loop_index = jnp.arange(num_nodes, dtype=edge_index.dtype)
    loop_weight = jnp.ones((num_nodes,), dtype=edge_weight.dtype)
    idx = jnp.where(mask, num_nodes, row)
    loop_weight = loop_weight.at[idx].set(edge_weight, mode='drop')
    ew_edges = jnp.where(mask, edge_weight, 0.0)
    ei = jnp.concatenate([edge_index, jnp.stack([loop_index, loop_index])], axis=1)
    ew = jnp.concatenate([ew_edges, loop_weight], axis=0)
    return ei, ew


def gcn_norm(edge_index, num_nodes):
    ew = jnp.ones((edge_index.shape[1],), dtype=jnp.float32)
    ei, ew = add_remaining_self_loops(edge_index, ew, num_nodes)
    row, col = ei[0], ei[1]
    deg = jax.ops.segment_sum(ew, col, num_segments=num_nodes)
    dis = jnp.power(deg, -0.5)
    dis = jnp.where(jnp.isinf(dis), 0.0, dis)
    norm = dis[row] * ew * dis[col]
    return ei, norm


def acm_filter(x, W, b, ei, norm, kind):
    h = x @ W + b
    if kind == 'I':
        return h
    row, col = ei[0], ei[1]
    msg = norm[:, None] * h[row]
    aggr = jax.ops.segment_sum(msg, col, num_segments=x.shape[0])
    if kind == 'HP':
        return h - aggr
    return aggr  # LP


def reference(x, edge_index, W_hp, b_hp, W_lp, b_lp, W_i, b_i, wh, bh, wl, bl, wi, bi):
    ei, norm = gcn_norm(edge_index, x.shape[0])
    H_hp = jax.nn.relu(acm_filter(x, W_hp, b_hp, ei, norm, 'HP'))
    H_lp = jax.nn.relu(acm_filter(x, W_lp, b_lp, ei, norm, 'LP'))
    H_i = jax.nn.relu(acm_filter(x, W_i, b_i, ei, norm, 'I'))
    a_h = jax.nn.sigmoid(H_hp @ wh + bh)[:, 0]
    a_l = jax.nn.sigmoid(H_lp @ wl + bl)[:, 0]
    a_i = jax.nn.sigmoid(H_i @ wi + bi)[:, 0]
    out = a_h[:, None] * H_hp + a_l[:, None] * H_lp + a_i[:, None] * H_i
    return out

if __name__ == "__main__":
    import jax
    _d = setup_inputs()
    print(jax.jit(kernel)(*tuple(_d.values())))

</pallas_src>

<mosaic_0001>
#map = affine_map<(d0, d1) -> (0, 0)>
module attributes {stable_mosaic.version = 14 : i64} {
  func.func @_deg_body(%arg0: i32, %arg1: i32, %arg2: memref<32x5008xi32, #tpu.memory_space<hbm>>, %arg3: memref<32x5008xi32, #tpu.memory_space<hbm>>, %arg4: memref<32x10240xf32, #tpu.memory_space<hbm>>, %arg5: memref<5008xi32, #tpu.memory_space<vmem>>, %arg6: memref<5008xi32, #tpu.memory_space<vmem>>, %arg7: memref<10240xf32, #tpu.memory_space<vmem>>) attributes {dimension_semantics = [#tpu.dimension_semantics<core_parallel>, #tpu.dimension_semantics<subcore_parallel>], iteration_bounds = array<i64: 2, 16>, scalar_prefetch = 0 : i64, scratch_operands = 3 : i64, tpu.core_type = #tpu.core_type<sc_vector_subcore>, window_params = [{transform_indices = #map}, {transform_indices = #map}, {transform_indices = #map}]} {
    %mul3A = arith.constant 2 : i32
    %mul3A_0 = arith.muli %arg1, %mul3A : i32
    %add3A = arith.addi %mul3A_0, %arg0 : i32
    "tpu.region"() ({
      %run_scoped3A = tpu.sem_alloc : memref<!tpu.dma_semaphore, #tpu.memory_space<semaphore_mem>>
      %dma_start3A = arith.constant 0 : i32
      %dma_start3A_15 = tpu.memref_slice %arg2[%add3A, %dma_start3A] : memref<32x5008xi32, #tpu.memory_space<hbm>> -> memref<1x5008xi32, #tpu.memory_space<hbm>>
      %dma_start3A_16 = tpu.memref_squeeze %dma_start3A_15 : memref<1x5008xi32, #tpu.memory_space<hbm>> -> memref<5008xi32, #tpu.memory_space<hbm>>
      %dma_start3A_17 = arith.constant 0 : i32
      %dma_start3A_18 = tpu.memref_slice %arg2[%add3A, %dma_start3A_17] : memref<32x5008xi32, #tpu.memory_space<hbm>> -> memref<1x5008xi32, #tpu.memory_space<hbm>>
      %dma_start3A_19 = tpu.memref_squeeze %dma_start3A_18 : memref<1x5008xi32, #tpu.memory_space<hbm>> -> memref<5008xi32, #tpu.memory_space<hbm>>
      tpu.enqueue_dma source(%dma_start3A_19 : memref<5008xi32, #tpu.memory_space<hbm>>) target(%arg5 : memref<5008xi32, #tpu.memory_space<vmem>>) target_semaphore(%run_scoped3A : memref<!tpu.dma_semaphore, #tpu.memory_space<semaphore_mem>>)
      %dma_wait3A = arith.constant 0 : i32
      %dma_wait3A_20 = tpu.memref_slice %arg2[%add3A, %dma_wait3A] : memref<32x5008xi32, #tpu.memory_space<hbm>> -> memref<1x5008xi32, #tpu.memory_space<hbm>>
      %dma_wait3A_21 = tpu.memref_squeeze %dma_wait3A_20 : memref<1x5008xi32, #tpu.memory_space<hbm>> -> memref<5008xi32, #tpu.memory_space<hbm>>
      %dma_wait3A_22 = arith.constant 0 : i32
      %dma_wait3A_23 = tpu.memref_slice %arg2[%add3A, %dma_wait3A_22] : memref<32x5008xi32, #tpu.memory_space<hbm>> -> memref<1x5008xi32, #tpu.memory_space<hbm>>
      %dma_wait3A_24 = tpu.memref_squeeze %dma_wait3A_23 : memref<1x5008xi32, #tpu.memory_space<hbm>> -> memref<5008xi32, #tpu.memory_space<hbm>>
      tpu.wait_dma2 semaphore(%run_scoped3A : memref<!tpu.dma_semaphore, #tpu.memory_space<semaphore_mem>>) src(%dma_wait3A_24 : memref<5008xi32, #tpu.memory_space<hbm>>) dst(%arg5 : memref<5008xi32, #tpu.memory_space<vmem>>)
      tpu.yield
    }) : () -> ()
    "tpu.region"() ({
      %run_scoped3A = tpu.sem_alloc : memref<!tpu.dma_semaphore, #tpu.memory_space<semaphore_mem>>
      %dma_start3A = arith.constant 0 : i32
      %dma_start3A_15 = tpu.memref_slice %arg3[%add3A, %dma_start3A] : memref<32x5008xi32, #tpu.memory_space<hbm>> -> memref<1x5008xi32, #tpu.memory_space<hbm>>
      %dma_start3A_16 = tpu.memref_squeeze %dma_start3A_15 : memref<1x5008xi32, #tpu.memory_space<hbm>> -> memref<5008xi32, #tpu.memory_space<hbm>>
      %dma_start3A_17 = arith.constant 0 : i32
      %dma_start3A_18 = tpu.memref_slice %arg3[%add3A, %dma_start3A_17] : memref<32x5008xi32, #tpu.memory_space<hbm>> -> memref<1x5008xi32, #tpu.memory_space<hbm>>
      %dma_start3A_19 = tpu.memref_squeeze %dma_start3A_18 : memref<1x5008xi32, #tpu.memory_space<hbm>> -> memref<5008xi32, #tpu.memory_space<hbm>>
      tpu.enqueue_dma source(%dma_start3A_19 : memref<5008xi32, #tpu.memory_space<hbm>>) target(%arg6 : memref<5008xi32, #tpu.memory_space<vmem>>) target_semaphore(%run_scoped3A : memref<!tpu.dma_semaphore, #tpu.memory_space<semaphore_mem>>)
      %dma_wait3A = arith.constant 0 : i32
      %dma_wait3A_20 = tpu.memref_slice %arg3[%add3A, %dma_wait3A] : memref<32x5008xi32, #tpu.memory_space<hbm>> -> memref<1x5008xi32, #tpu.memory_space<hbm>>
      %dma_wait3A_21 = tpu.memref_squeeze %dma_wait3A_20 : memref<1x5008xi32, #tpu.memory_space<hbm>> -> memref<5008xi32, #tpu.memory_space<hbm>>
      %dma_wait3A_22 = arith.constant 0 : i32
      %dma_wait3A_23 = tpu.memref_slice %arg3[%add3A, %dma_wait3A_22] : memref<32x5008xi32, #tpu.memory_space<hbm>> -> memref<1x5008xi32, #tpu.memory_space<hbm>>
      %dma_wait3A_24 = tpu.memref_squeeze %dma_wait3A_23 : memref<1x5008xi32, #tpu.memory_space<hbm>> -> memref<5008xi32, #tpu.memory_space<hbm>>
      tpu.wait_dma2 semaphore(%run_scoped3A : memref<!tpu.dma_semaphore, #tpu.memory_space<semaphore_mem>>) src(%dma_wait3A_24 : memref<5008xi32, #tpu.memory_space<hbm>>) dst(%arg6 : memref<5008xi32, #tpu.memory_space<vmem>>)
      tpu.yield
    }) : () -> ()
    %broadcast_in_dim3A = arith.constant 0.000000e+00 : f32
    %broadcast_in_dim3A_1 = vector.broadcast %broadcast_in_dim3A : f32 to vector<16xf32>
    %scan3A = arith.constant 0 : i32
    %scan3A_2 = arith.constant 0 : i32
    %scan3A_3 = arith.constant 640 : i32
    %scan3A_4 = arith.addi %scan3A_2, %scan3A_3 : i32
    %scan3A_5 = arith.constant 1 : i32
    scf.for %scan3A_15 = %scan3A_2 to %scan3A_4 step %scan3A_5  : i32 {
      %mul3A_16 = arith.constant 16 : i32
      %mul3A_17 = arith.muli %scan3A_15, %mul3A_16 : i32
      %swap3A = arith.index_cast %mul3A_17 : i32 to index
      %swap3A_18 = tpu.vector_load %arg7[%swap3A] {strides = array<i32>} : memref<10240xf32, #tpu.memory_space<vmem>>, vector<16xf32>,
      tpu.vector_store %arg7[%swap3A], %broadcast_in_dim3A_1 {strides = array<i32>} : memref<10240xf32, #tpu.memory_space<vmem>>, vector<16xf32>,
    }
    %scan3A_6 = arith.constant 640 : i32
    %broadcast_in_dim3A_7 = arith.constant 1.000000e+00 : f32
    %broadcast_in_dim3A_8 = vector.broadcast %broadcast_in_dim3A_7 : f32 to vector<16xf32>
    %scan3A_9 = arith.constant 0 : i32
    %scan3A_10 = arith.constant 0 : i32
    %scan3A_11 = arith.constant 313 : i32
    %scan3A_12 = arith.addi %scan3A_10, %scan3A_11 : i32
    %scan3A_13 = arith.constant 1 : i32
    scf.for %scan3A_15 = %scan3A_10 to %scan3A_12 step %scan3A_13  : i32 {
      %mul3A_16 = arith.constant 16 : i32
      %mul3A_17 = arith.muli %scan3A_15, %mul3A_16 : i32
      %get3A = arith.index_cast %mul3A_17 : i32 to index
      %get3A_18 = tpu.vector_load %arg5[%get3A] {strides = array<i32>} : memref<5008xi32, #tpu.memory_space<vmem>>, vector<16xi32>,
      %mul3A_19 = arith.constant 16 : i32
      %mul3A_20 = arith.muli %scan3A_15, %mul3A_19 : i32
      %get3A_21 = arith.index_cast %mul3A_20 : i32 to index
      %get3A_22 = tpu.vector_load %arg6[%get3A_21] {strides = array<i32>} : memref<5008xi32, #tpu.memory_space<vmem>>, vector<16xi32>,
      %ne3A = arith.cmpi ne, %get3A_18, %get3A_22 : vector<16xi32>
      tpu.vector_store_idx %arg7[%get3A_22], %broadcast_in_dim3A_8 masked %ne3A {add = true} : memref<10240xf32, #tpu.memory_space<vmem>>[vector<16xi32>], vector<16xf32>, vector<16xi1>
    }
    %scan3A_14 = arith.constant 313 : i32
    "tpu.region"() ({
      %run_scoped3A = tpu.sem_alloc : memref<!tpu.dma_semaphore, #tpu.memory_space<semaphore_mem>>
      %dma_start3A = arith.constant 0 : i32
      %dma_start3A_15 = tpu.memref_slice %arg4[%add3A, %dma_start3A] : memref<32x10240xf32, #tpu.memory_space<hbm>> -> memref<1x10240xf32, #tpu.memory_space<hbm>>
      %dma_start3A_16 = tpu.memref_squeeze %dma_start3A_15 : memref<1x10240xf32, #tpu.memory_space<hbm>> -> memref<10240xf32, #tpu.memory_space<hbm>>
      %dma_start3A_17 = arith.constant 0 : i32
      %dma_start3A_18 = tpu.memref_slice %arg4[%add3A, %dma_start3A_17] : memref<32x10240xf32, #tpu.memory_space<hbm>> -> memref<1x10240xf32, #tpu.memory_space<hbm>>
      %dma_start3A_19 = tpu.memref_squeeze %dma_start3A_18 : memref<1x10240xf32, #tpu.memory_space<hbm>> -> memref<10240xf32, #tpu.memory_space<hbm>>
      tpu.enqueue_dma source(%arg7 : memref<10240xf32, #tpu.memory_space<vmem>>) target(%dma_start3A_19 : memref<10240xf32, #tpu.memory_space<hbm>>) target_semaphore(%run_scoped3A : memref<!tpu.dma_semaphore, #tpu.memory_space<semaphore_mem>>)
      %dma_wait3A = arith.constant 0 : i32
      %dma_wait3A_20 = tpu.memref_slice %arg4[%add3A, %dma_wait3A] : memref<32x10240xf32, #tpu.memory_space<hbm>> -> memref<1x10240xf32, #tpu.memory_space<hbm>>
      %dma_wait3A_21 = tpu.memref_squeeze %dma_wait3A_20 : memref<1x10240xf32, #tpu.memory_space<hbm>> -> memref<10240xf32, #tpu.memory_space<hbm>>
      %dma_wait3A_22 = arith.constant 0 : i32
      %dma_wait3A_23 = tpu.memref_slice %arg4[%add3A, %dma_wait3A_22] : memref<32x10240xf32, #tpu.memory_space<hbm>> -> memref<1x10240xf32, #tpu.memory_space<hbm>>
      %dma_wait3A_24 = tpu.memref_squeeze %dma_wait3A_23 : memref<1x10240xf32, #tpu.memory_space<hbm>> -> memref<10240xf32, #tpu.memory_space<hbm>>
      tpu.wait_dma2 semaphore(%run_scoped3A : memref<!tpu.dma_semaphore, #tpu.memory_space<semaphore_mem>>) src(%arg7 : memref<10240xf32, #tpu.memory_space<vmem>>) dst(%dma_wait3A_24 : memref<10240xf32, #tpu.memory_space<hbm>>)
      tpu.yield
    }) : () -> ()
    return
  }
}

#map = affine_map<(d0, d1) -> (0, 0)>
module attributes {stable_mosaic.version = 14 : i64} {
  func.func @_s_body(%arg0: i32, %arg1: i32, %arg2: memref<32x5008xi32, #tpu.memory_space<hbm>>, %arg3: memref<32x5008xi32, #tpu.memory_space<hbm>>, %arg4: memref<32x10240xf32, #tpu.memory_space<hbm>>, %arg5: memref<32x10240xf32, #tpu.memory_space<hbm>>, %arg6: memref<5008xi32, #tpu.memory_space<vmem>>, %arg7: memref<5008xi32, #tpu.memory_space<vmem>>, %arg8: memref<10240xf32, #tpu.memory_space<vmem>>, %arg9: memref<10240xf32, #tpu.memory_space<vmem>>, %arg10: memref<32x640xf32, #tpu.memory_space<vmem>>, %arg11: memref<640xf32, #tpu.memory_space<vmem>>, %arg12: memref<10240xf32, #tpu.memory_space<vmem_shared>>) attributes {dimension_semantics = [#tpu.dimension_semantics<core_parallel>, #tpu.dimension_semantics<subcore_parallel>], iteration_bounds = array<i64: 2, 16>, scalar_prefetch = 0 : i64, scratch_operands = 7 : i64, tpu.core_type = #tpu.core_type<sc_vector_subcore>, window_params = [{transform_indices = #map}, {transform_indices = #map}, {transform_indices = #map}, {transform_indices = #map}]} {
    %mul3A = arith.constant 2 : i32
    %mul3A_0 = arith.muli %arg1, %mul3A : i32
    %add3A = arith.addi %mul3A_0, %arg0 : i32
    "tpu.region"() ({
      %run_scoped3A = tpu.sem_alloc : memref<!tpu.dma_semaphore, #tpu.memory_space<semaphore_mem>>
      %dma_start3A = arith.constant 0 : i32
      %dma_start3A_21 = tpu.memref_slice %arg2[%add3A, %dma_start3A] : memref<32x5008xi32, #tpu.memory_space<hbm>> -> memref<1x5008xi32, #tpu.memory_space<hbm>>
      %dma_start3A_22 = tpu.memref_squeeze %dma_start3A_21 : memref<1x5008xi32, #tpu.memory_space<hbm>> -> memref<5008xi32, #tpu.memory_space<hbm>>
      %dma_start3A_23 = arith.constant 0 : i32
      %dma_start3A_24 = tpu.memref_slice %arg2[%add3A, %dma_start3A_23] : memref<32x5008xi32, #tpu.memory_space<hbm>> -> memref<1x5008xi32, #tpu.memory_space<hbm>>
      %dma_start3A_25 = tpu.memref_squeeze %dma_start3A_24 : memref<1x5008xi32, #tpu.memory_space<hbm>> -> memref<5008xi32, #tpu.memory_space<hbm>>
      tpu.enqueue_dma source(%dma_start3A_25 : memref<5008xi32, #tpu.memory_space<hbm>>) target(%arg6 : memref<5008xi32, #tpu.memory_space<vmem>>) target_semaphore(%run_scoped3A : memref<!tpu.dma_semaphore, #tpu.memory_space<semaphore_mem>>)
      %dma_wait3A = arith.constant 0 : i32
      %dma_wait3A_26 = tpu.memref_slice %arg2[%add3A, %dma_wait3A] : memref<32x5008xi32, #tpu.memory_space<hbm>> -> memref<1x5008xi32, #tpu.memory_space<hbm>>
      %dma_wait3A_27 = tpu.memref_squeeze %dma_wait3A_26 : memref<1x5008xi32, #tpu.memory_space<hbm>> -> memref<5008xi32, #tpu.memory_space<hbm>>
      %dma_wait3A_28 = arith.constant 0 : i32
      %dma_wait3A_29 = tpu.memref_slice %arg2[%add3A, %dma_wait3A_28] : memref<32x5008xi32, #tpu.memory_space<hbm>> -> memref<1x5008xi32, #tpu.memory_space<hbm>>
      %dma_wait3A_30 = tpu.memref_squeeze %dma_wait3A_29 : memref<1x5008xi32, #tpu.memory_space<hbm>> -> memref<5008xi32, #tpu.memory_space<hbm>>
      tpu.wait_dma2 semaphore(%run_scoped3A : memref<!tpu.dma_semaphore, #tpu.memory_space<semaphore_mem>>) src(%dma_wait3A_30 : memref<5008xi32, #tpu.memory_space<hbm>>) dst(%arg6 : memref<5008xi32, #tpu.memory_space<vmem>>)
      tpu.yield
    }) : () -> ()
    "tpu.region"() ({
      %run_scoped3A = tpu.sem_alloc : memref<!tpu.dma_semaphore, #tpu.memory_space<semaphore_mem>>
      %dma_start3A = arith.constant 0 : i32
      %dma_start3A_21 = tpu.memref_slice %arg3[%add3A, %dma_start3A] : memref<32x5008xi32, #tpu.memory_space<hbm>> -> memref<1x5008xi32, #tpu.memory_space<hbm>>
      %dma_start3A_22 = tpu.memref_squeeze %dma_start3A_21 : memref<1x5008xi32, #tpu.memory_space<hbm>> -> memref<5008xi32, #tpu.memory_space<hbm>>
      %dma_start3A_23 = arith.constant 0 : i32
      %dma_start3A_24 = tpu.memref_slice %arg3[%add3A, %dma_start3A_23] : memref<32x5008xi32, #tpu.memory_space<hbm>> -> memref<1x5008xi32, #tpu.memory_space<hbm>>
      %dma_start3A_25 = tpu.memref_squeeze %dma_start3A_24 : memref<1x5008xi32, #tpu.memory_space<hbm>> -> memref<5008xi32, #tpu.memory_space<hbm>>
      tpu.enqueue_dma source(%dma_start3A_25 : memref<5008xi32, #tpu.memory_space<hbm>>) target(%arg7 : memref<5008xi32, #tpu.memory_space<vmem>>) target_semaphore(%run_scoped3A : memref<!tpu.dma_semaphore, #tpu.memory_space<semaphore_mem>>)
      %dma_wait3A = arith.constant 0 : i32
      %dma_wait3A_26 = tpu.memref_slice %arg3[%add3A, %dma_wait3A] : memref<32x5008xi32, #tpu.memory_space<hbm>> -> memref<1x5008xi32, #tpu.memory_space<hbm>>
      %dma_wait3A_27 = tpu.memref_squeeze %dma_wait3A_26 : memref<1x5008xi32, #tpu.memory_space<hbm>> -> memref<5008xi32, #tpu.memory_space<hbm>>
      %dma_wait3A_28 = arith.constant 0 : i32
      %dma_wait3A_29 = tpu.memref_slice %arg3[%add3A, %dma_wait3A_28] : memref<32x5008xi32, #tpu.memory_space<hbm>> -> memref<1x5008xi32, #tpu.memory_space<hbm>>
      %dma_wait3A_30 = tpu.memref_squeeze %dma_wait3A_29 : memref<1x5008xi32, #tpu.memory_space<hbm>> -> memref<5008xi32, #tpu.memory_space<hbm>>
      tpu.wait_dma2 semaphore(%run_scoped3A : memref<!tpu.dma_semaphore, #tpu.memory_space<semaphore_mem>>) src(%dma_wait3A_30 : memref<5008xi32, #tpu.memory_space<hbm>>) dst(%arg7 : memref<5008xi32, #tpu.memory_space<vmem>>)
      tpu.yield
    }) : () -> ()
    %mul3A_1 = arith.constant 640 : i32
    %mul3A_2 = arith.muli %arg1, %mul3A_1 : i32
    "tpu.region"() ({
      %run_scoped3A = tpu.sem_alloc : memref<!tpu.dma_semaphore, #tpu.memory_space<semaphore_mem>>
      %dma_start3A = arith.constant 0 : i32
      %dma_start3A_21 = tpu.memref_slice %arg4[%dma_start3A, %mul3A_2] : memref<32x10240xf32, #tpu.memory_space<hbm>> -> memref<32x640xf32, #tpu.memory_space<hbm>>
      %dma_start3A_22 = arith.constant 0 : i32
      %dma_start3A_23 = tpu.memref_slice %arg4[%dma_start3A_22, %mul3A_2] : memref<32x10240xf32, #tpu.memory_space<hbm>> -> memref<32x640xf32, #tpu.memory_space<hbm>>
      tpu.enqueue_dma source(%dma_start3A_23 : memref<32x640xf32, #tpu.memory_space<hbm>>) target(%arg10 : memref<32x640xf32, #tpu.memory_space<vmem>>) target_semaphore(%run_scoped3A : memref<!tpu.dma_semaphore, #tpu.memory_space<semaphore_mem>>)
      %dma_wait3A = arith.constant 0 : i32
      %dma_wait3A_24 = tpu.memref_slice %arg4[%dma_wait3A, %mul3A_2] : memref<32x10240xf32, #tpu.memory_space<hbm>> -> memref<32x640xf32, #tpu.memory_space<hbm>>
      %dma_wait3A_25 = arith.constant 0 : i32
      %dma_wait3A_26 = tpu.memref_slice %arg4[%dma_wait3A_25, %mul3A_2] : memref<32x10240xf32, #tpu.memory_space<hbm>> -> memref<32x640xf32, #tpu.memory_space<hbm>>
      tpu.wait_dma2 semaphore(%run_scoped3A : memref<!tpu.dma_semaphore, #tpu.memory_space<semaphore_mem>>) src(%dma_wait3A_26 : memref<32x640xf32, #tpu.memory_space<hbm>>) dst(%arg10 : memref<32x640xf32, #tpu.memory_space<vmem>>)
      tpu.yield
    }) : () -> ()
    %scan3A = arith.constant 0 : i32
    %scan3A_3 = arith.constant 0 : i32
    %scan3A_4 = arith.constant 40 : i32
    %scan3A_5 = arith.addi %scan3A_3, %scan3A_4 : i32
    %scan3A_6 = arith.constant 1 : i32
    scf.for %scan3A_21 = %scan3A_3 to %scan3A_5 step %scan3A_6  : i32 {
      %broadcast_in_dim3A_22 = arith.constant 1.000000e+00 : f32
      %broadcast_in_dim3A_23 = vector.broadcast %broadcast_in_dim3A_22 : f32 to vector<16xf32>
      %mul3A_24 = arith.constant 16 : i32
      %mul3A_25 = arith.muli %scan3A_21, %mul3A_24 : i32
      %get3A = arith.constant 0 : i32
      %get3A_26 = arith.index_cast %get3A : i32 to index
      %get3A_27 = arith.index_cast %mul3A_25 : i32 to index
      %get3A_28 = tpu.vector_load %arg10[%get3A_26, %get3A_27] {strides = array<i32>} : memref<32x640xf32, #tpu.memory_space<vmem>>, vector<16xf32>,
      %add3A_29 = arith.addf %broadcast_in_dim3A_23, %get3A_28 : vector<16xf32>
      %mul3A_30 = arith.constant 16 : i32
      %mul3A_31 = arith.muli %scan3A_21, %mul3A_30 : i32
      %get3A_32 = arith.constant 1 : i32
      %get3A_33 = arith.index_cast %get3A_32 : i32 to index
      %get3A_34 = arith.index_cast %mul3A_31 : i32 to index
      %get3A_35 = tpu.vector_load %arg10[%get3A_33, %get3A_34] {strides = array<i32>} : memref<32x640xf32, #tpu.memory_space<vmem>>, vector<16xf32>,
      %add3A_36 = arith.addf %add3A_29, %get3A_35 : vector<16xf32>
      %mul3A_37 = arith.constant 16 : i32
      %mul3A_38 = arith.muli %scan3A_21, %mul3A_37 : i32
      %get3A_39 = arith.constant 2 : i32
      %get3A_40 = arith.index_cast %get3A_39 : i32 to index
      %get3A_41 = arith.index_cast %mul3A_38 : i32 to index
      %get3A_42 = tpu.vector_load %arg10[%get3A_40, %get3A_41] {strides = array<i32>} : memref<32x640xf32, #tpu.memory_space<vmem>>, vector<16xf32>,
      %add3A_43 = arith.addf %add3A_36, %get3A_42 : vector<16xf32>
      %mul3A_44 = arith.constant 16 : i32
      %mul3A_45 = arith.muli %scan3A_21, %mul3A_44 : i32
      %get3A_46 = arith.constant 3 : i32
      %get3A_47 = arith.index_cast %get3A_46 : i32 to index
      %get3A_48 = arith.index_cast %mul3A_45 : i32 to index
      %get3A_49 = tpu.vector_load %arg10[%get3A_47, %get3A_48] {strides = array<i32>} : memref<32x640xf32, #tpu.memory_space<vmem>>, vector<16xf32>,
      %add3A_50 = arith.addf %add3A_43, %get3A_49 : vector<16xf32>
      %mul3A_51 = arith.constant 16 : i32
      %mul3A_52 = arith.muli %scan3A_21, %mul3A_51 : i32
      %get3A_53 = arith.constant 4 : i32
      %get3A_54 = arith.index_cast %get3A_53 : i32 to index
      %get3A_55 = arith.index_cast %mul3A_52 : i32 to index
      %get3A_56 = tpu.vector_load %arg10[%get3A_54, %get3A_55] {strides = array<i32>} : memref<32x640xf32, #tpu.memory_space<vmem>>, vector<16xf32>,
      %add3A_57 = arith.addf %add3A_50, %get3A_56 : vector<16xf32>
      %mul3A_58 = arith.constant 16 : i32
      %mul3A_59 = arith.muli %scan3A_21, %mul3A_58 : i32
      %get3A_60 = arith.constant 5 : i32
      %get3A_61 = arith.index_cast %get3A_60 : i32 to index
      %get3A_62 = arith.index_cast %mul3A_59 : i32 to index
      %get3A_63 = tpu.vector_load %arg10[%get3A_61, %get3A_62] {strides = array<i32>} : memref<32x640xf32, #tpu.memory_space<vmem>>, vector<16xf32>,
      %add3A_64 = arith.addf %add3A_57, %get3A_63 : vector<16xf32>
      %mul3A_65 = arith.constant 16 : i32
      %mul3A_66 = arith.muli %scan3A_21, %mul3A_65 : i32
      %get3A_67 = arith.constant 6 : i32
      %get3A_68 = arith.index_cast %get3A_67 : i32 to index
      %get3A_69 = arith.index_cast %mul3A_66 : i32 to index
      %get3A_70 = tpu.vector_load %arg10[%get3A_68, %get3A_69] {strides = array<i32>} : memref<32x640xf32, #tpu.memory_space<vmem>>, vector<16xf32>,
      %add3A_71 = arith.addf %add3A_64, %get3A_70 : vector<16xf32>
      %mul3A_72 = arith.constant 16 : i32
      %mul3A_73 = arith.muli %scan3A_21, %mul3A_72 : i32
      %get3A_74 = arith.constant 7 : i32
      %get3A_75 = arith.index_cast %get3A_74 : i32 to index
      %get3A_76 = arith.index_cast %mul3A_73 : i32 to index
      %get3A_77 = tpu.vector_load %arg10[%get3A_75, %get3A_76] {strides = array<i32>} : memref<32x640xf32, #tpu.memory_space<vmem>>, vector<16xf32>,
      %add3A_78 = arith.addf %add3A_71, %get3A_77 : vector<16xf32>
      %mul3A_79 = arith.constant 16 : i32
      %mul3A_80 = arith.muli %scan3A_21, %mul3A_79 : i32
      %get3A_81 = arith.constant 8 : i32
      %get3A_82 = arith.index_cast %get3A_81 : i32 to index
      %get3A_83 = arith.index_cast %mul3A_80 : i32 to index
      %get3A_84 = tpu.vector_load %arg10[%get3A_82, %get3A_83] {strides = array<i32>} : memref<32x640xf32, #tpu.memory_space<vmem>>, vector<16xf32>,
      %add3A_85 = arith.addf %add3A_78, %get3A_84 : vector<16xf32>
      %mul3A_86 = arith.constant 16 : i32
      %mul3A_87 = arith.muli %scan3A_21, %mul3A_86 : i32
      %get3A_88 = arith.constant 9 : i32
      %get3A_89 = arith.index_cast %get3A_88 : i32 to index
      %get3A_90 = arith.index_cast %mul3A_87 : i32 to index
      %get3A_91 = tpu.vector_load %arg10[%get3A_89, %get3A_90] {strides = array<i32>} : memref<32x640xf32, #tpu.memory_space<vmem>>, vector<16xf32>,
      %add3A_92 = arith.addf %add3A_85, %get3A_91 : vector<16xf32>
      %mul3A_93 = arith.constant 16 : i32
      %mul3A_94 = arith.muli %scan3A_21, %mul3A_93 : i32
      %get3A_95 = arith.constant 10 : i32
      %get3A_96 = arith.index_cast %get3A_95 : i32 to index
      %get3A_97 = arith.index_cast %mul3A_94 : i32 to index
      %get3A_98 = tpu.vector_load %arg10[%get3A_96, %get3A_97] {strides = array<i32>} : memref<32x640xf32, #tpu.memory_space<vmem>>, vector<16xf32>,
      %add3A_99 = arith.addf %add3A_92, %get3A_98 : vector<16xf32>
      %mul3A_100 = arith.constant 16 : i32
      %mul3A_101 = arith.muli %scan3A_21, %mul3A_100 : i32
      %get3A_102 = arith.constant 11 : i32
      %get3A_103 = arith.index_cast %get3A_102 : i32 to index
      %get3A_104 = arith.index_cast %mul3A_101 : i32 to index
      %get3A_105 = tpu.vector_load %arg10[%get3A_103, %get3A_104] {strides = array<i32>} : memref<32x640xf32, #tpu.memory_space<vmem>>, vector<16xf32>,
      %add3A_106 = arith.addf %add3A_99, %get3A_105 : vector<16xf32>
      %mul3A_107 = arith.constant 16 : i32
      %mul3A_108 = arith.muli %scan3A_21, %mul3A_107 : i32
      %get3A_109 = arith.constant 12 : i32
      %get3A_110 = arith.index_cast %get3A_109 : i32 to index
      %get3A_111 = arith.index_cast %mul3A_108 : i32 to index
      %get3A_112 = tpu.vector_load %arg10[%get3A_110, %get3A_111] {strides = array<i32>} : memref<32x640xf32, #tpu.memory_space<vmem>>, vector<16xf32>,
      %add3A_113 = arith.addf %add3A_106, %get3A_112 : vector<16xf32>
      %mul3A_114 = arith.constant 16 : i32
      %mul3A_115 = arith.muli %scan3A_21, %mul3A_114 : i32
      %get3A_116 = arith.constant 13 : i32
      %get3A_117 = arith.index_cast %get3A_116 : i32 to index
      %get3A_118 = arith.index_cast %mul3A_115 : i32 to index
      %get3A_119 = tpu.vector_load %arg10[%get3A_117, %get3A_118] {strides = array<i32>} : memref<32x640xf32, #tpu.memory_space<vmem>>, vector<16xf32>,
      %add3A_120 = arith.addf %add3A_113, %get3A_119 : vector<16xf32>
      %mul3A_121 = arith.constant 16 : i32
      %mul3A_122 = arith.muli %scan3A_21, %mul3A_121 : i32
      %get3A_123 = arith.constant 14 : i32
      %get3A_124 = arith.index_cast %get3A_123 : i32 to index
      %get3A_125 = arith.index_cast %mul3A_122 : i32 to index
      %get3A_126 = tpu.vector_load %arg10[%get3A_124, %get3A_125] {strides = array<i32>} : memref<32x640xf32, #tpu.memory_space<vmem>>, vector<16xf32>,
      %add3A_127 = arith.addf %add3A_120, %get3A_126 : vector<16xf32>
      %mul3A_128 = arith.constant 16 : i32
      %mul3A_129 = arith.muli %scan3A_21, %mul3A_128 : i32
      %get3A_130 = arith.constant 15 : i32
      %get3A_131 = arith.index_cast %get3A_130 : i32 to index
      %get3A_132 = arith.index_cast %mul3A_129 : i32 to index
      %get3A_133 = tpu.vector_load %arg10[%get3A_131, %get3A_132] {strides = array<i32>} : memref<32x640xf32, #tpu.memory_space<vmem>>, vector<16xf32>,
      %add3A_134 = arith.addf %add3A_127, %get3A_133 : vector<16xf32>
      %mul3A_135 = arith.constant 16 : i32
      %mul3A_136 = arith.muli %scan3A_21, %mul3A_135 : i32
      %get3A_137 = arith.constant 16 : i32
      %get3A_138 = arith.index_cast %get3A_137 : i32 to index
      %get3A_139 = arith.index_cast %mul3A_136 : i32 to index
      %get3A_140 = tpu.vector_load %arg10[%get3A_138, %get3A_139] {strides = array<i32>} : memref<32x640xf32, #tpu.memory_space<vmem>>, vector<16xf32>,
      %add3A_141 = arith.addf %add3A_134, %get3A_140 : vector<16xf32>
      %mul3A_142 = arith.constant 16 : i32
      %mul3A_143 = arith.muli %scan3A_21, %mul3A_142 : i32
      %get3A_144 = arith.constant 17 : i32
      %get3A_145 = arith.index_cast %get3A_144 : i32 to index
      %get3A_146 = arith.index_cast %mul3A_143 : i32 to index
      %get3A_147 = tpu.vector_load %arg10[%get3A_145, %get3A_146] {strides = array<i32>} : memref<32x640xf32, #tpu.memory_space<vmem>>, vector<16xf32>,
      %add3A_148 = arith.addf %add3A_141, %get3A_147 : vector<16xf32>
      %mul3A_149 = arith.constant 16 : i32
      %mul3A_150 = arith.muli %scan3A_21, %mul3A_149 : i32
      %get3A_151 = arith.constant 18 : i32
      %get3A_152 = arith.index_cast %get3A_151 : i32 to index
      %get3A_153 = arith.index_cast %mul3A_150 : i32 to index
      %get3A_154 = tpu.vector_load %arg10[%get3A_152, %get3A_153] {strides = array<i32>} : memref<32x640xf32, #tpu.memory_space<vmem>>, vector<16xf32>,
      %add3A_155 = arith.addf %add3A_148, %get3A_154 : vector<16xf32>
      %mul3A_156 = arith.constant 16 : i32
      %mul3A_157 = arith.muli %scan3A_21, %mul3A_156 : i32
      %get3A_158 = arith.constant 19 : i32
      %get3A_159 = arith.index_cast %get3A_158 : i32 to index
      %get3A_160 = arith.index_cast %mul3A_157 : i32 to index
      %get3A_161 = tpu.vector_load %arg10[%get3A_159, %get3A_160] {strides = array<i32>} : memref<32x640xf32, #tpu.memory_space<vmem>>, vector<16xf32>,
      %add3A_162 = arith.addf %add3A_155, %get3A_161 : vector<16xf32>
      %mul3A_163 = arith.constant 16 : i32
      %mul3A_164 = arith.muli %scan3A_21, %mul3A_163 : i32
      %get3A_165 = arith.constant 20 : i32
      %get3A_166 = arith.index_cast %get3A_165 : i32 to index
      %get3A_167 = arith.index_cast %mul3A_164 : i32 to index
      %get3A_168 = tpu.vector_load %arg10[%get3A_166, %get3A_167] {strides = array<i32>} : memref<32x640xf32, #tpu.memory_space<vmem>>, vector<16xf32>,
      %add3A_169 = arith.addf %add3A_162, %get3A_168 : vector<16xf32>
      %mul3A_170 = arith.constant 16 : i32
      %mul3A_171 = arith.muli %scan3A_21, %mul3A_170 : i32
      %get3A_172 = arith.constant 21 : i32
      %get3A_173 = arith.index_cast %get3A_172 : i32 to index
      %get3A_174 = arith.index_cast %mul3A_171 : i32 to index
      %get3A_175 = tpu.vector_load %arg10[%get3A_173, %get3A_174] {strides = array<i32>} : memref<32x640xf32, #tpu.memory_space<vmem>>, vector<16xf32>,
      %add3A_176 = arith.addf %add3A_169, %get3A_175 : vector<16xf32>
      %mul3A_177 = arith.constant 16 : i32
      %mul3A_178 = arith.muli %scan3A_21, %mul3A_177 : i32
      %get3A_179 = arith.constant 22 : i32
      %get3A_180 = arith.index_cast %get3A_179 : i32 to index
      %get3A_181 = arith.index_cast %mul3A_178 : i32 to index
      %get3A_182 = tpu.vector_load %arg10[%get3A_180, %get3A_181] {strides = array<i32>} : memref<32x640xf32, #tpu.memory_space<vmem>>, vector<16xf32>,
      %add3A_183 = arith.addf %add3A_176, %get3A_182 : vector<16xf32>
      %mul3A_184 = arith.constant 16 : i32
      %mul3A_185 = arith.muli %scan3A_21, %mul3A_184 : i32
      %get3A_186 = arith.constant 23 : i32
      %get3A_187 = arith.index_cast %get3A_186 : i32 to index
      %get3A_188 = arith.index_cast %mul3A_185 : i32 to index
      %get3A_189 = tpu.vector_load %arg10[%get3A_187, %get3A_188] {strides = array<i32>} : memref<32x640xf32, #tpu.memory_space<vmem>>, vector<16xf32>,
      %add3A_190 = arith.addf %add3A_183, %get3A_189 : vector<16xf32>
      %mul3A_191 = arith.constant 16 : i32
      %mul3A_192 = arith.muli %scan3A_21, %mul3A_191 : i32
      %get3A_193 = arith.constant 24 : i32
      %get3A_194 = arith.index_cast %get3A_193 : i32 to index
      %get3A_195 = arith.index_cast %mul3A_192 : i32 to index
      %get3A_196 = tpu.vector_load %arg10[%get3A_194, %get3A_195] {strides = array<i32>} : memref<32x640xf32, #tpu.memory_space<vmem>>, vector<16xf32>,
      %add3A_197 = arith.addf %add3A_190, %get3A_196 : vector<16xf32>
      %mul3A_198 = arith.constant 16 : i32
      %mul3A_199 = arith.muli %scan3A_21, %mul3A_198 : i32
      %get3A_200 = arith.constant 25 : i32
      %get3A_201 = arith.index_cast %get3A_200 : i32 to index
      %get3A_202 = arith.index_cast %mul3A_199 : i32 to index
      %get3A_203 = tpu.vector_load %arg10[%get3A_201, %get3A_202] {strides = array<i32>} : memref<32x640xf32, #tpu.memory_space<vmem>>, vector<16xf32>,
      %add3A_204 = arith.addf %add3A_197, %get3A_203 : vector<16xf32>
      %mul3A_205 = arith.constant 16 : i32
      %mul3A_206 = arith.muli %scan3A_21, %mul3A_205 : i32
      %get3A_207 = arith.constant 26 : i32
      %get3A_208 = arith.index_cast %get3A_207 : i32 to index
      %get3A_209 = arith.index_cast %mul3A_206 : i32 to index
      %get3A_210 = tpu.vector_load %arg10[%get3A_208, %get3A_209] {strides = array<i32>} : memref<32x640xf32, #tpu.memory_space<vmem>>, vector<16xf32>,
      %add3A_211 = arith.addf %add3A_204, %get3A_210 : vector<16xf32>
      %mul3A_212 = arith.constant 16 : i32
      %mul3A_213 = arith.muli %scan3A_21, %mul3A_212 : i32
      %get3A_214 = arith.constant 27 : i32
      %get3A_215 = arith.index_cast %get3A_214 : i32 to index
      %get3A_216 = arith.index_cast %mul3A_213 : i32 to index
      %get3A_217 = tpu.vector_load %arg10[%get3A_215, %get3A_216] {strides = array<i32>} : memref<32x640xf32, #tpu.memory_space<vmem>>, vector<16xf32>,
      %add3A_218 = arith.addf %add3A_211, %get3A_217 : vector<16xf32>
      %mul3A_219 = arith.constant 16 : i32
      %mul3A_220 = arith.muli %scan3A_21, %mul3A_219 : i32
      %get3A_221 = arith.constant 28 : i32
      %get3A_222 = arith.index_cast %get3A_221 : i32 to index
      %get3A_223 = arith.index_cast %mul3A_220 : i32 to index
      %get3A_224 = tpu.vector_load %arg10[%get3A_222, %get3A_223] {strides = array<i32>} : memref<32x640xf32, #tpu.memory_space<vmem>>, vector<16xf32>,
      %add3A_225 = arith.addf %add3A_218, %get3A_224 : vector<16xf32>
      %mul3A_226 = arith.constant 16 : i32
      %mul3A_227 = arith.muli %scan3A_21, %mul3A_226 : i32
      %get3A_228 = arith.constant 29 : i32
      %get3A_229 = arith.index_cast %get3A_228 : i32 to index
      %get3A_230 = arith.index_cast %mul3A_227 : i32 to index
      %get3A_231 = tpu.vector_load %arg10[%get3A_229, %get3A_230] {strides = array<i32>} : memref<32x640xf32, #tpu.memory_space<vmem>>, vector<16xf32>,
      %add3A_232 = arith.addf %add3A_225, %get3A_231 : vector<16xf32>
      %mul3A_233 = arith.constant 16 : i32
      %mul3A_234 = arith.muli %scan3A_21, %mul3A_233 : i32
      %get3A_235 = arith.constant 30 : i32
      %get3A_236 = arith.index_cast %get3A_235 : i32 to index
      %get3A_237 = arith.index_cast %mul3A_234 : i32 to index
      %get3A_238 = tpu.vector_load %arg10[%get3A_236, %get3A_237] {strides = array<i32>} : memref<32x640xf32, #tpu.memory_space<vmem>>, vector<16xf32>,
      %add3A_239 = arith.addf %add3A_232, %get3A_238 : vector<16xf32>
      %mul3A_240 = arith.constant 16 : i32
      %mul3A_241 = arith.muli %scan3A_21, %mul3A_240 : i32
      %get3A_242 = arith.constant 31 : i32
      %get3A_243 = arith.index_cast %get3A_242 : i32 to index
      %get3A_244 = arith.index_cast %mul3A_241 : i32 to index
      %get3A_245 = tpu.vector_load %arg10[%get3A_243, %get3A_244] {strides = array<i32>} : memref<32x640xf32, #tpu.memory_space<vmem>>, vector<16xf32>,
      %add3A_246 = arith.addf %add3A_239, %get3A_245 : vector<16xf32>
      %mul3A_247 = arith.constant 5.000000e-01 : f32
      %mul3A_248 = vector.broadcast %mul3A_247 : f32 to vector<16xf32>
      %mul3A_249 = arith.mulf %mul3A_248, %add3A_246 : vector<16xf32>
      %bitcast3A = vector.bitcast %add3A_246 : vector<16xf32> to vector<16xi32>
      %shift_right_arithmetic3A = arith.constant 1 : i32
      %shift_right_arithmetic3A_250 = vector.broadcast %shift_right_arithmetic3A : i32 to vector<16xi32>
      %shift_right_arithmetic3A_251 = arith.shrsi %bitcast3A, %shift_right_arithmetic3A_250 : vector<16xi32>
      %sub3A = arith.constant 1597463007 : i32
      %sub3A_252 = vector.broadcast %sub3A : i32 to vector<16xi32>
      %sub3A_253 = arith.subi %sub3A_252, %shift_right_arithmetic3A_251 : vector<16xi32>
      %bitcast3A_254 = vector.bitcast %sub3A_253 : vector<16xi32> to vector<16xf32>
      %mul3A_255 = arith.mulf %mul3A_249, %bitcast3A_254 : vector<16xf32>
      %mul3A_256 = arith.mulf %mul3A_255, %bitcast3A_254 : vector<16xf32>
      %sub3A_257 = arith.constant 1.500000e+00 : f32
      %sub3A_258 = vector.broadcast %sub3A_257 : f32 to vector<16xf32>
      %sub3A_259 = arith.subf %sub3A_258, %mul3A_256 : vector<16xf32>
      %mul3A_260 = arith.mulf %bitcast3A_254, %sub3A_259 : vector<16xf32>
      %mul3A_261 = arith.mulf %mul3A_249, %mul3A_260 : vector<16xf32>
      %mul3A_262 = arith.mulf %mul3A_261, %mul3A_260 : vector<16xf32>
      %sub3A_263 = arith.constant 1.500000e+00 : f32
      %sub3A_264 = vector.broadcast %sub3A_263 : f32 to vector<16xf32>
      %sub3A_265 = arith.subf %sub3A_264, %mul3A_262 : vector<16xf32>
      %mul3A_266 = arith.mulf %mul3A_260, %sub3A_265 : vector<16xf32>
      %mul3A_267 = arith.mulf %mul3A_249, %mul3A_266 : vector<16xf32>
      %mul3A_268 = arith.mulf %mul3A_267, %mul3A_266 : vector<16xf32>
      %sub3A_269 = arith.constant 1.500000e+00 : f32
      %sub3A_270 = vector.broadcast %sub3A_269 : f32 to vector<16xf32>
      %sub3A_271 = arith.subf %sub3A_270, %mul3A_268 : vector<16xf32>
      %mul3A_272 = arith.mulf %mul3A_266, %sub3A_271 : vector<16xf32>
      %mul3A_273 = arith.constant 16 : i32
      %mul3A_274 = arith.muli %scan3A_21, %mul3A_273 : i32
      %swap3A = arith.index_cast %mul3A_274 : i32 to index
      %swap3A_275 = tpu.vector_load %arg11[%swap3A] {strides = array<i32>} : memref<640xf32, #tpu.memory_space<vmem>>, vector<16xf32>,
      tpu.vector_store %arg11[%swap3A], %mul3A_272 {strides = array<i32>} : memref<640xf32, #tpu.memory_space<vmem>>, vector<16xf32>,
    }
    %scan3A_7 = arith.constant 40 : i32
    "tpu.region"() ({
      %run_scoped3A = tpu.sem_alloc : memref<!tpu.dma_semaphore, #tpu.memory_space<semaphore_mem>>
      %dma_start3A = tpu.memref_slice %arg12[%mul3A_2] : memref<10240xf32, #tpu.memory_space<vmem_shared>> -> memref<640xf32, #tpu.memory_space<vmem_shared>>
      %dma_start3A_21 = tpu.memref_slice %arg12[%mul3A_2] : memref<10240xf32, #tpu.memory_space<vmem_shared>> -> memref<640xf32, #tpu.memory_space<vmem_shared>>
      tpu.enqueue_dma source(%arg11 : memref<640xf32, #tpu.memory_space<vmem>>) target(%dma_start3A_21 : memref<640xf32, #tpu.memory_space<vmem_shared>>) target_semaphore(%run_scoped3A : memref<!tpu.dma_semaphore, #tpu.memory_space<semaphore_mem>>)
      %dma_wait3A = tpu.memref_slice %arg12[%mul3A_2] : memref<10240xf32, #tpu.memory_space<vmem_shared>> -> memref<640xf32, #tpu.memory_space<vmem_shared>>
      %dma_wait3A_22 = tpu.memref_slice %arg12[%mul3A_2] : memref<10240xf32, #tpu.memory_space<vmem_shared>> -> memref<640xf32, #tpu.memory_space<vmem_shared>>
      tpu.wait_dma2 semaphore(%run_scoped3A : memref<!tpu.dma_semaphore, #tpu.memory_space<semaphore_mem>>) src(%arg11 : memref<640xf32, #tpu.memory_space<vmem>>) dst(%dma_wait3A_22 : memref<640xf32, #tpu.memory_space<vmem_shared>>)
      tpu.yield
    }) : () -> ()
    %broadcast_in_dim3A = arith.constant 0.000000e+00 : f32
    %broadcast_in_dim3A_8 = vector.broadcast %broadcast_in_dim3A : f32 to vector<16xf32>
    %scan3A_9 = arith.constant 0 : i32
    %scan3A_10 = arith.constant 0 : i32
    %scan3A_11 = arith.constant 640 : i32
    %scan3A_12 = arith.addi %scan3A_10, %scan3A_11 : i32
    %scan3A_13 = arith.constant 1 : i32
    scf.for %scan3A_21 = %scan3A_10 to %scan3A_12 step %scan3A_13  : i32 {
      %mul3A_22 = arith.constant 16 : i32
      %mul3A_23 = arith.muli %scan3A_21, %mul3A_22 : i32
      %swap3A = arith.index_cast %mul3A_23 : i32 to index
      %swap3A_24 = tpu.vector_load %arg9[%swap3A] {strides = array<i32>} : memref<10240xf32, #tpu.memory_space<vmem>>, vector<16xf32>,
      tpu.vector_store %arg9[%swap3A], %broadcast_in_dim3A_8 {strides = array<i32>} : memref<10240xf32, #tpu.memory_space<vmem>>, vector<16xf32>,
    }
    %scan3A_14 = arith.constant 640 : i32
    %barrier3A = arith.constant 0 : index
    tpu.barrier barrier_id(%barrier3A)
    "tpu.region"() ({
      %run_scoped3A = tpu.sem_alloc : memref<!tpu.dma_semaphore, #tpu.memory_space<semaphore_mem>>
      tpu.enqueue_dma source(%arg12 : memref<10240xf32, #tpu.memory_space<vmem_shared>>) target(%arg8 : memref<10240xf32, #tpu.memory_space<vmem>>) target_semaphore(%run_scoped3A : memref<!tpu.dma_semaphore, #tpu.memory_space<semaphore_mem>>)
      tpu.wait_dma2 semaphore(%run_scoped3A : memref<!tpu.dma_semaphore, #tpu.memory_space<semaphore_mem>>) src(%arg12 : memref<10240xf32, #tpu.memory_space<vmem_shared>>) dst(%arg8 : memref<10240xf32, #tpu.memory_space<vmem>>)
      tpu.yield
    }) : () -> ()
    %scan3A_15 = arith.constant 0 : i32
    %scan3A_16 = arith.constant 0 : i32
    %scan3A_17 = arith.constant 313 : i32
    %scan3A_18 = arith.addi %scan3A_16, %scan3A_17 : i32
    %scan3A_19 = arith.constant 1 : i32
    scf.for %scan3A_21 = %scan3A_16 to %scan3A_18 step %scan3A_19  : i32 {
      %mul3A_22 = arith.constant 16 : i32
      %mul3A_23 = arith.muli %scan3A_21, %mul3A_22 : i32
      %get3A = arith.index_cast %mul3A_23 : i32 to index
      %get3A_24 = tpu.vector_load %arg6[%get3A] {strides = array<i32>} : memref<5008xi32, #tpu.memory_space<vmem>>, vector<16xi32>,
      %mul3A_25 = arith.constant 16 : i32
      %mul3A_26 = arith.muli %scan3A_21, %mul3A_25 : i32
      %get3A_27 = arith.index_cast %mul3A_26 : i32 to index
      %get3A_28 = tpu.vector_load %arg7[%get3A_27] {strides = array<i32>} : memref<5008xi32, #tpu.memory_space<vmem>>, vector<16xi32>,
      %gather3A = tpu.vector_load_idx %arg8[%get3A_24] : memref<10240xf32, #tpu.memory_space<vmem>>[vector<16xi32>], vector<16xf32>,
      %ne3A = arith.cmpi ne, %get3A_24, %get3A_28 : vector<16xi32>
      tpu.vector_store_idx %arg9[%get3A_28], %gather3A masked %ne3A {add = true} : memref<10240xf32, #tpu.memory_space<vmem>>[vector<16xi32>], vector<16xf32>, vector<16xi1>
    }
    %scan3A_20 = arith.constant 313 : i32
    "tpu.region"() ({
      %run_scoped3A = tpu.sem_alloc : memref<!tpu.dma_semaphore, #tpu.memory_space<semaphore_mem>>
      %dma_start3A = arith.constant 0 : i32
      %dma_start3A_21 = tpu.memref_slice %arg5[%add3A, %dma_start3A] : memref<32x10240xf32, #tpu.memory_space<hbm>> -> memref<1x10240xf32, #tpu.memory_space<hbm>>
      %dma_start3A_22 = tpu.memref_squeeze %dma_start3A_21 : memref<1x10240xf32, #tpu.memory_space<hbm>> -> memref<10240xf32, #tpu.memory_space<hbm>>
      %dma_start3A_23 = arith.constant 0 : i32
      %dma_start3A_24 = tpu.memref_slice %arg5[%add3A, %dma_start3A_23] : memref<32x10240xf32, #tpu.memory_space<hbm>> -> memref<1x10240xf32, #tpu.memory_space<hbm>>
      %dma_start3A_25 = tpu.memref_squeeze %dma_start3A_24 : memref<1x10240xf32, #tpu.memory_space<hbm>> -> memref<10240xf32, #tpu.memory_space<hbm>>
      tpu.enqueue_dma source(%arg9 : memref<10240xf32, #tpu.memory_space<vmem>>) target(%dma_start3A_25 : memref<10240xf32, #tpu.memory_space<hbm>>) target_semaphore(%run_scoped3A : memref<!tpu.dma_semaphore, #tpu.memory_space<semaphore_mem>>)
      %dma_wait3A = arith.constant 0 : i32
      %dma_wait3A_26 = tpu.memref_slice %arg5[%add3A, %dma_wait3A] : memref<32x10240xf32, #tpu.memory_space<hbm>> -> memref<1x10240xf32, #tpu.memory_space<hbm>>
      %dma_wait3A_27 = tpu.memref_squeeze %dma_wait3A_26 : memref<1x10240xf32, #tpu.memory_space<hbm>> -> memref<10240xf32, #tpu.memory_space<hbm>>
      %dma_wait3A_28 = arith.constant 0 : i32
      %dma_wait3A_29 = tpu.memref_slice %arg5[%add3A, %dma_wait3A_28] : memref<32x10240xf32, #tpu.memory_space<hbm>> -> memref<1x10240xf32, #tpu.memory_space<hbm>>
      %dma_wait3A_30 = tpu.memref_squeeze %dma_wait3A_29 : memref<1x10240xf32, #tpu.memory_space<hbm>> -> memref<10240xf32, #tpu.memory_space<hbm>>
      tpu.wait_dma2 semaphore(%run_scoped3A : memref<!tpu.dma_semaphore, #tpu.memory_space<semaphore_mem>>) src(%arg9 : memref<10240xf32, #tpu.memory_space<vmem>>) dst(%dma_wait3A_30 : memref<10240xf32, #tpu.memory_space<hbm>>)
      tpu.yield
    }) : () -> ()
    return
  }
}

#map = affine_map<(d0, d1) -> (0, 0, 0)>
#map1 = affine_map<(d0, d1) -> (0, 0)>
module attributes {stable_mosaic.version = 14 : i64} {
  func.func @_prop_body(%arg0: i32, %arg1: i32, %arg2: memref<16x313x32xi32, #tpu.memory_space<hbm>>, %arg3: memref<16x313x32xi32, #tpu.memory_space<hbm>>, %arg4: memref<10240x128xf32, #tpu.memory_space<hbm>>, %arg5: memref<10240x128xf32, #tpu.memory_space<hbm>>, %arg6: memref<10240x128xf32, #tpu.memory_space<hbm>>, %arg7: memref<10240x128xf32, #tpu.memory_space<hbm>>, %arg8: memref<313x32xi32, #tpu.memory_space<vmem>>, %arg9: memref<313x32xi32, #tpu.memory_space<vmem>>, %arg10: memref<7x32x128xf32, #tpu.memory_space<vmem>>, %arg11: memref<!tpu.dma_semaphore, #tpu.memory_space<semaphore_mem>>, %arg12: memref<!tpu.dma_semaphore, #tpu.memory_space<semaphore_mem>>, %arg13: memref<!tpu.dma_semaphore, #tpu.memory_space<semaphore_mem>>, %arg14: memref<!tpu.dma_semaphore, #tpu.memory_space<semaphore_mem>>, %arg15: memref<!tpu.dma_semaphore, #tpu.memory_space<semaphore_mem>>, %arg16: memref<!tpu.dma_semaphore, #tpu.memory_space<semaphore_mem>>, %arg17: memref<!tpu.dma_semaphore, #tpu.memory_space<semaphore_mem>>, %arg18: memref<10240x128xf32, #tpu.memory_space<vmem_shared>>) attributes {dimension_semantics = [#tpu.dimension_semantics<core_parallel>, #tpu.dimension_semantics<subcore_parallel>], iteration_bounds = array<i64: 2, 16>, scalar_prefetch = 0 : i64, scratch_operands = 11 : i64, tpu.core_type = #tpu.core_type<sc_vector_subcore>, window_params = [{transform_indices = #map}, {transform_indices = #map}, {transform_indices = #map1}, {transform_indices = #map1}, {transform_indices = #map1}, {transform_indices = #map1}]} {
    %eq3A = arith.constant 0 : i32
    %eq3A_0 = arith.cmpi eq, %arg0, %eq3A : i32
    %convert_element_type3A = arith.extui %eq3A_0 : i1 to i32
    %cond3A = arith.constant 0 : i32
    %cond3A_1 = arith.cmpi ne, %convert_element_type3A, %cond3A : i32
    scf.if %cond3A_1 {
      "tpu.region"() ({
        %run_scoped3A = tpu.sem_alloc : memref<!tpu.dma_semaphore, #tpu.memory_space<semaphore_mem>>
        %dma_start3A_335 = arith.constant 0 : i32
        %dma_start3A_336 = arith.constant 0 : i32
        %dma_start3A_337 = tpu.memref_slice %arg2[%arg1, %dma_start3A_335, %dma_start3A_336] : memref<16x313x32xi32, #tpu.memory_space<hbm>> -> memref<1x313x32xi32, #tpu.memory_space<hbm>>
        %dma_start3A_338 = tpu.memref_squeeze %dma_start3A_337 : memref<1x313x32xi32, #tpu.memory_space<hbm>> -> memref<313x32xi32, #tpu.memory_space<hbm>>
        %dma_start3A_339 = arith.constant 0 : i32
        %dma_start3A_340 = arith.constant 0 : i32
        %dma_start3A_341 = tpu.memref_slice %arg2[%arg1, %dma_start3A_339, %dma_start3A_340] : memref<16x313x32xi32, #tpu.memory_space<hbm>> -> memref<1x313x32xi32, #tpu.memory_space<hbm>>
        %dma_start3A_342 = tpu.memref_squeeze %dma_start3A_341 : memref<1x313x32xi32, #tpu.memory_space<hbm>> -> memref<313x32xi32, #tpu.memory_space<hbm>>
        tpu.enqueue_dma source(%dma_start3A_342 : memref<313x32xi32, #tpu.memory_space<hbm>>) target(%arg8 : memref<313x32xi32, #tpu.memory_space<vmem>>) target_semaphore(%run_scoped3A : memref<!tpu.dma_semaphore, #tpu.memory_space<semaphore_mem>>)
        %dma_wait3A = arith.constant 0 : i32
        %dma_wait3A_343 = arith.constant 0 : i32
        %dma_wait3A_344 = tpu.memref_slice %arg2[%arg1, %dma_wait3A, %dma_wait3A_343] : memref<16x313x32xi32, #tpu.memory_space<hbm>> -> memref<1x313x32xi32, #tpu.memory_space<hbm>>
        %dma_wait3A_345 = tpu.memref_squeeze %dma_wait3A_344 : memref<1x313x32xi32, #tpu.memory_space<hbm>> -> memref<313x32xi32, #tpu.memory_space<hbm>>
        %dma_wait3A_346 = arith.constant 0 : i32
        %dma_wait3A_347 = arith.constant 0 : i32
        %dma_wait3A_348 = tpu.memref_slice %arg2[%arg1, %dma_wait3A_346, %dma_wait3A_347] : memref<16x313x32xi32, #tpu.memory_space<hbm>> -> memref<1x313x32xi32, #tpu.memory_space<hbm>>
        %dma_wait3A_349 = tpu.memref_squeeze %dma_wait3A_348 : memref<1x313x32xi32, #tpu.memory_space<hbm>> -> memref<313x32xi32, #tpu.memory_space<hbm>>
        tpu.wait_dma2 semaphore(%run_scoped3A : memref<!tpu.dma_semaphore, #tpu.memory_space<semaphore_mem>>) src(%dma_wait3A_349 : memref<313x32xi32, #tpu.memory_space<hbm>>) dst(%arg8 : memref<313x32xi32, #tpu.memory_space<vmem>>)
        tpu.yield
      }) : () -> ()
      "tpu.region"() ({
        %run_scoped3A = tpu.sem_alloc : memref<!tpu.dma_semaphore, #tpu.memory_space<semaphore_mem>>
        %dma_start3A_335 = arith.constant 0 : i32
        %dma_start3A_336 = arith.constant 0 : i32
        %dma_start3A_337 = tpu.memref_slice %arg3[%arg1, %dma_start3A_335, %dma_start3A_336] : memref<16x313x32xi32, #tpu.memory_space<hbm>> -> memref<1x313x32xi32, #tpu.memory_space<hbm>>
        %dma_start3A_338 = tpu.memref_squeeze %dma_start3A_337 : memref<1x313x32xi32, #tpu.memory_space<hbm>> -> memref<313x32xi32, #tpu.memory_space<hbm>>
        %dma_start3A_339 = arith.constant 0 : i32
        %dma_start3A_340 = arith.constant 0 : i32
        %dma_start3A_341 = tpu.memref_slice %arg3[%arg1, %dma_start3A_339, %dma_start3A_340] : memref<16x313x32xi32, #tpu.memory_space<hbm>> -> memref<1x313x32xi32, #tpu.memory_space<hbm>>
        %dma_start3A_342 = tpu.memref_squeeze %dma_start3A_341 : memref<1x313x32xi32, #tpu.memory_space<hbm>> -> memref<313x32xi32, #tpu.memory_space<hbm>>
        tpu.enqueue_dma source(%dma_start3A_342 : memref<313x32xi32, #tpu.memory_space<hbm>>) target(%arg9 : memref<313x32xi32, #tpu.memory_space<vmem>>) target_semaphore(%run_scoped3A : memref<!tpu.dma_semaphore, #tpu.memory_space<semaphore_mem>>)
        %dma_wait3A = arith.constant 0 : i32
        %dma_wait3A_343 = arith.constant 0 : i32
        %dma_wait3A_344 = tpu.memref_slice %arg3[%arg1, %dma_wait3A, %dma_wait3A_343] : memref<16x313x32xi32, #tpu.memory_space<hbm>> -> memref<1x313x32xi32, #tpu.memory_space<hbm>>
        %dma_wait3A_345 = tpu.memref_squeeze %dma_wait3A_344 : memref<1x313x32xi32, #tpu.memory_space<hbm>> -> memref<313x32xi32, #tpu.memory_space<hbm>>
        %dma_wait3A_346 = arith.constant 0 : i32
        %dma_wait3A_347 = arith.constant 0 : i32
        %dma_wait3A_348 = tpu.memref_slice %arg3[%arg1, %dma_wait3A_346, %dma_wait3A_347] : memref<16x313x32xi32, #tpu.memory_space<hbm>> -> memref<1x313x32xi32, #tpu.memory_space<hbm>>
        %dma_wait3A_349 = tpu.memref_squeeze %dma_wait3A_348 : memref<1x313x32xi32, #tpu.memory_space<hbm>> -> memref<313x32xi32, #tpu.memory_space<hbm>>
        tpu.wait_dma2 semaphore(%run_scoped3A : memref<!tpu.dma_semaphore, #tpu.memory_space<semaphore_mem>>) src(%dma_wait3A_349 : memref<313x32xi32, #tpu.memory_space<hbm>>) dst(%arg9 : memref<313x32xi32, #tpu.memory_space<vmem>>)
        tpu.yield
      }) : () -> ()
      %broadcast_in_dim3A = arith.constant 0.000000e+00 : f32
      %broadcast_in_dim3A_7 = vector.broadcast %broadcast_in_dim3A : f32 to vector<16xf32>
      %scan3A = arith.constant 0 : i32
      %scan3A_8 = arith.constant 0 : i32
      %scan3A_9 = arith.constant 256 : i32
      %scan3A_10 = arith.addi %scan3A_8, %scan3A_9 : i32
      %scan3A_11 = arith.constant 1 : i32
      scf.for %scan3A_335 = %scan3A_8 to %scan3A_10 step %scan3A_11  : i32 {
        %jit3A_336 = arith.constant 8 : i32
        %div3A = arith.divsi %scan3A_335, %jit3A_336 : i32
        %sign3A = arith.constant 0 : i32
        %sign3A_337 = arith.cmpi sgt, %scan3A_335, %sign3A : i32
        %sign3A_338 = arith.extui %sign3A_337 : i1 to i32
        %sign3A_339 = arith.constant 0 : i32
        %sign3A_340 = arith.cmpi slt, %scan3A_335, %sign3A_339 : i32
        %sign3A_341 = arith.extui %sign3A_340 : i1 to i32
        %sign3A_342 = arith.subi %sign3A_338, %sign3A_341 : i32
        %sign3A_343 = arith.constant 0 : i32
        %sign3A_344 = arith.cmpi sgt, %jit3A_336, %sign3A_343 : i32
        %sign3A_345 = arith.extui %sign3A_344 : i1 to i32
        %sign3A_346 = arith.constant 0 : i32
        %sign3A_347 = arith.cmpi slt, %jit3A_336, %sign3A_346 : i32
        %sign3A_348 = arith.extui %sign3A_347 : i1 to i32
        %sign3A_349 = arith.subi %sign3A_345, %sign3A_348 : i32
        %ne3A = arith.cmpi ne, %sign3A_342, %sign3A_349 : i32
        %rem3A = arith.remsi %scan3A_335, %jit3A_336 : i32
        %ne3A_350 = arith.constant 0 : i32
        %ne3A_351 = arith.cmpi ne, %rem3A, %ne3A_350 : i32
        %and3A = arith.andi %ne3A, %ne3A_351 : i1
        %sub3A = arith.constant 1 : i32
        %sub3A_352 = arith.subi %div3A, %sub3A : i32
        %select_n3A_353 = arith.select %and3A, %sub3A_352, %div3A : i32
        %rem3A_354 = arith.constant 8 : i32
        %rem3A_355 = arith.remsi %scan3A_335, %rem3A_354 : i32
        %mul3A = arith.constant 16 : i32
        %mul3A_356 = arith.muli %rem3A_355, %mul3A : i32
        %swap3A_357 = arith.constant 0 : i32
        %swap3A_358 = arith.index_cast %swap3A_357 : i32 to index
        %swap3A_359 = arith.index_cast %select_n3A_353 : i32 to index
        %swap3A_360 = arith.index_cast %mul3A_356 : i32 to index
        %swap3A_361 = tpu.vector_load %arg10[%swap3A_358, %swap3A_359, %swap3A_360] {strides = array<i32>} : memref<7x32x128xf32, #tpu.memory_space<vmem>>, vector<16xf32>,
        tpu.vector_store %arg10[%swap3A_358, %swap3A_359, %swap3A_360], %broadcast_in_dim3A_7 {strides = array<i32>} : memref<7x32x128xf32, #tpu.memory_space<vmem>>, vector<16xf32>,
      }
      %scan3A_12 = arith.constant 256 : i32
      %scan3A_13 = arith.constant 0 : i32
      %scan3A_14 = arith.constant 0 : i32
      %scan3A_15 = arith.constant 20 : i32
      %scan3A_16 = arith.addi %scan3A_14, %scan3A_15 : i32
      %scan3A_17 = arith.constant 1 : i32
      scf.for %scan3A_335 = %scan3A_14 to %scan3A_16 step %scan3A_17  : i32 {
        %mul3A = arith.constant 640 : i32
        %mul3A_336 = arith.muli %arg1, %mul3A : i32
        %mul3A_337 = arith.constant 32 : i32
        %mul3A_338 = arith.muli %scan3A_335, %mul3A_337 : i32
        %add3A = arith.addi %mul3A_336, %mul3A_338 : i32
        %run_scoped3A = arith.constant 0 : i32
        "tpu.region"() ({
          %run_scoped3A_339 = tpu.sem_alloc : memref<!tpu.dma_semaphore, #tpu.memory_space<semaphore_mem>>
          %dma_start3A_340 = arith.constant 0 : i32
          %dma_start3A_341 = arith.constant 0 : i32
          %dma_start3A_342 = tpu.memref_slice %arg10[%run_scoped3A, %dma_start3A_340, %dma_start3A_341] : memref<7x32x128xf32, #tpu.memory_space<vmem>> -> memref<1x32x128xf32, #tpu.memory_space<vmem>>
          %dma_start3A_343 = tpu.memref_squeeze %dma_start3A_342 : memref<1x32x128xf32, #tpu.memory_space<vmem>> -> memref<32x128xf32, #tpu.memory_space<vmem>>
          %dma_start3A_344 = arith.constant 0 : i32
          %dma_start3A_345 = tpu.memref_slice %arg18[%add3A, %dma_start3A_344] : memref<10240x128xf32, #tpu.memory_space<vmem_shared>> -> memref<32x128xf32, #tpu.memory_space<vmem_shared>>
          %dma_start3A_346 = arith.constant 0 : i32
          %dma_start3A_347 = tpu.memref_slice %arg18[%add3A, %dma_start3A_346] : memref<10240x128xf32, #tpu.memory_space<vmem_shared>> -> memref<32x128xf32, #tpu.memory_space<vmem_shared>>
          %dma_start3A_348 = arith.constant 0 : i32
          %dma_start3A_349 = arith.constant 0 : i32
          %dma_start3A_350 = tpu.memref_slice %arg10[%run_scoped3A, %dma_start3A_348, %dma_start3A_349] : memref<7x32x128xf32, #tpu.memory_space<vmem>> -> memref<1x32x128xf32, #tpu.memory_space<vmem>>
          %dma_start3A_351 = tpu.memref_squeeze %dma_start3A_350 : memref<1x32x128xf32, #tpu.memory_space<vmem>> -> memref<32x128xf32, #tpu.memory_space<vmem>>
          tpu.enqueue_dma source(%dma_start3A_351 : memref<32x128xf32, #tpu.memory_space<vmem>>) target(%dma_start3A_347 : memref<32x128xf32, #tpu.memory_space<vmem_shared>>) target_semaphore(%run_scoped3A_339 : memref<!tpu.dma_semaphore, #tpu.memory_space<semaphore_mem>>)
          %dma_wait3A = arith.constant 0 : i32
          %dma_wait3A_352 = arith.constant 0 : i32
          %dma_wait3A_353 = tpu.memref_slice %arg10[%run_scoped3A, %dma_wait3A, %dma_wait3A_352] : memref<7x32x128xf32, #tpu.memory_space<vmem>> -> memref<1x32x128xf32, #tpu.memory_space<vmem>>
          %dma_wait3A_354 = tpu.memref_squeeze %dma_wait3A_353 : memref<1x32x128xf32, #tpu.memory_space<vmem>> -> memref<32x128xf32, #tpu.memory_space<vmem>>
          %dma_wait3A_355 = arith.constant 0 : i32
          %dma_wait3A_356 = tpu.memref_slice %arg18[%add3A, %dma_wait3A_355] : memref<10240x128xf32, #tpu.memory_space<vmem_shared>> -> memref<32x128xf32, #tpu.memory_space<vmem_shared>>
          %dma_wait3A_357 = arith.constant 0 : i32
          %dma_wait3A_358 = tpu.memref_slice %arg18[%add3A, %dma_wait3A_357] : memref<10240x128xf32, #tpu.memory_space<vmem_shared>> -> memref<32x128xf32, #tpu.memory_space<vmem_shared>>
          %dma_wait3A_359 = arith.constant 0 : i32
          %dma_wait3A_360 = arith.constant 0 : i32
          %dma_wait3A_361 = tpu.memref_slice %arg10[%run_scoped3A, %dma_wait3A_359, %dma_wait3A_360] : memref<7x32x128xf32, #tpu.memory_space<vmem>> -> memref<1x32x128xf32, #tpu.memory_space<vmem>>
          %dma_wait3A_362 = tpu.memref_squeeze %dma_wait3A_361 : memref<1x32x128xf32, #tpu.memory_space<vmem>> -> memref<32x128xf32, #tpu.memory_space<vmem>>
          tpu.wait_dma2 semaphore(%run_scoped3A_339 : memref<!tpu.dma_semaphore, #tpu.memory_space<semaphore_mem>>) src(%dma_wait3A_362 : memref<32x128xf32, #tpu.memory_space<vmem>>) dst(%dma_wait3A_358 : memref<32x128xf32, #tpu.memory_space<vmem_shared>>)
          tpu.yield
        }) : () -> ()
      }
      %scan3A_18 = arith.constant 20 : i32
      %barrier3A = arith.constant 0 : index
      tpu.barrier barrier_id(%barrier3A)
      %get3A = arith.constant 0 : i32
      %get3A_19 = arith.index_cast %get3A : i32 to index
      %get3A_20 = arith.constant 0 : index
      %get3A_21 = tpu.vector_load %arg8[%get3A_19, %get3A_20] {strides = array<i32>} : memref<313x32xi32, #tpu.memory_space<vmem>>, vector<16xi32>,
      %get3A_22 = arith.constant 0 : i32
      %get3A_23 = arith.index_cast %get3A_22 : i32 to index
      %get3A_24 = arith.constant 0 : index
      %get3A_25 = tpu.vector_load %arg9[%get3A_23, %get3A_24] {strides = array<i32>} : memref<313x32xi32, #tpu.memory_space<vmem>>, vector<16xi32>,
      %eq3A_26 = arith.cmpi eq, %get3A_21, %get3A_25 : vector<16xi32>
      %jit3A = arith.constant 10000 : i32
      %broadcast_in_dim3A_27 = vector.broadcast %jit3A : i32 to vector<16xi32>
      %select_n3A = arith.select %eq3A_26, %broadcast_in_dim3A_27, %get3A_21 : vector<16xi1>, vector<16xi32>
      %swap3A = arith.constant 0 : i32
      %swap3A_28 = arith.index_cast %swap3A : i32 to index
      %swap3A_29 = arith.constant 0 : index
      %swap3A_30 = tpu.vector_load %arg8[%swap3A_28, %swap3A_29] {strides = array<i32>} : memref<313x32xi32, #tpu.memory_space<vmem>>, vector<16xi32>,
      tpu.vector_store %arg8[%swap3A_28, %swap3A_29], %select_n3A {strides = array<i32>} : memref<313x32xi32, #tpu.memory_space<vmem>>, vector<16xi32>,
      %get3A_31 = arith.constant 0 : i32
      %get3A_32 = arith.index_cast %get3A_31 : i32 to index
      %get3A_33 = arith.constant 16 : index
      %get3A_34 = tpu.vector_load %arg8[%get3A_32, %get3A_33] {strides = array<i32>} : memref<313x32xi32, #tpu.memory_space<vmem>>, vector<16xi32>,
      %get3A_35 = arith.constant 0 : i32
      %get3A_36 = arith.index_cast %get3A_35 : i32 to index
      %get3A_37 = arith.constant 16 : index
      %get3A_38 = tpu.vector_load %arg9[%get3A_36, %get3A_37] {strides = array<i32>} : memref<313x32xi32, #tpu.memory_space<vmem>>, vector<16xi32>,
      %eq3A_39 = arith.cmpi eq, %get3A_34, %get3A_38 : vector<16xi32>
      %jit3A_40 = arith.constant 10000 : i32
      %broadcast_in_dim3A_41 = vector.broadcast %jit3A_40 : i32 to vector<16xi32>
      %select_n3A_42 = arith.select %eq3A_39, %broadcast_in_dim3A_41, %get3A_34 : vector<16xi1>, vector<16xi32>
      %swap3A_43 = arith.constant 0 : i32
      %swap3A_44 = arith.index_cast %swap3A_43 : i32 to index
      %swap3A_45 = arith.constant 16 : index
      %swap3A_46 = tpu.vector_load %arg8[%swap3A_44, %swap3A_45] {strides = array<i32>} : memref<313x32xi32, #tpu.memory_space<vmem>>, vector<16xi32>,
      tpu.vector_store %arg8[%swap3A_44, %swap3A_45], %select_n3A_42 {strides = array<i32>} : memref<313x32xi32, #tpu.memory_space<vmem>>, vector<16xi32>,
      %dma_start3A = arith.constant 0 : i32
      %dma_start3A_47 = arith.constant 0 : i32
      %dma_start3A_48 = arith.constant 0 : i32
      %dma_start3A_49 = arith.constant 0 : i32
      %dma_start3A_50 = tpu.memref_slice %arg10[%dma_start3A_47, %dma_start3A_48, %dma_start3A_49] : memref<7x32x128xf32, #tpu.memory_space<vmem>> -> memref<1x32x128xf32, #tpu.memory_space<vmem>>
      %dma_start3A_51 = tpu.memref_squeeze %dma_start3A_50 : memref<1x32x128xf32, #tpu.memory_space<vmem>> -> memref<32x128xf32, #tpu.memory_space<vmem>>
      %dma_start3A_52 = arith.constant 0 : i32
      %dma_start3A_53 = tpu.memref_slice %arg8[%dma_start3A, %dma_start3A_52] : memref<313x32xi32, #tpu.memory_space<vmem>> -> memref<1x32xi32, #tpu.memory_space<vmem>>
      %dma_start3A_54 = tpu.memref_squeeze %dma_start3A_53 : memref<1x32xi32, #tpu.memory_space<vmem>> -> memref<32xi32, #tpu.memory_space<vmem>>
      %dma_start3A_55 = arith.constant 0 : i32
      %dma_start3A_56 = arith.constant 0 : i32
      %dma_start3A_57 = tpu.memref_slice %arg4[%dma_start3A_55, %dma_start3A_56] : memref<10240x128xf32, #tpu.memory_space<hbm>> -> memref<10240x128xf32, #tpu.memory_space<hbm>>
      tpu.enqueue_indirect_dma source(%dma_start3A_57 : memref<10240x128xf32, #tpu.memory_space<hbm>>) target(%dma_start3A_51 : memref<32x128xf32, #tpu.memory_space<vmem>>) offsets(%dma_start3A_54 : memref<32xi32, #tpu.memory_space<vmem>>) semaphore(%arg11 : memref<!tpu.dma_semaphore, #tpu.memory_space<semaphore_mem>>)
      %get3A_58 = arith.constant 1 : i32
      %get3A_59 = arith.index_cast %get3A_58 : i32 to index
      %get3A_60 = arith.constant 0 : index
      %get3A_61 = tpu.vector_load %arg8[%get3A_59, %get3A_60] {strides = array<i32>} : memref<313x32xi32, #tpu.memory_space<vmem>>, vector<16xi32>,
      %get3A_62 = arith.constant 1 : i32
      %get3A_63 = arith.index_cast %get3A_62 : i32 to index
      %get3A_64 = arith.constant 0 : index
      %get3A_65 = tpu.vector_load %arg9[%get3A_63, %get3A_64] {strides = array<i32>} : memref<313x32xi32, #tpu.memory_space<vmem>>, vector<16xi32>,
      %eq3A_66 = arith.cmpi eq, %get3A_61, %get3A_65 : vector<16xi32>
      %jit3A_67 = arith.constant 10000 : i32
      %broadcast_in_dim3A_68 = vector.broadcast %jit3A_67 : i32 to vector<16xi32>
      %select_n3A_69 = arith.select %eq3A_66, %broadcast_in_dim3A_68, %get3A_61 : vector<16xi1>, vector<16xi32>
      %swap3A_70 = arith.constant 1 : i32
      %swap3A_71 = arith.index_cast %swap3A_70 : i32 to index
      %swap3A_72 = arith.constant 0 : index
      %swap3A_73 = tpu.vector_load %arg8[%swap3A_71, %swap3A_72] {strides = array<i32>} : memref<313x32xi32, #tpu.memory_space<vmem>>, vector<16xi32>,
      tpu.vector_store %arg8[%swap3A_71, %swap3A_72], %select_n3A_69 {strides = array<i32>} : memref<313x32xi32, #tpu.memory_space<vmem>>, vector<16xi32>,
      %get3A_74 = arith.constant 1 : i32
      %get3A_75 = arith.index_cast %get3A_74 : i32 to index
      %get3A_76 = arith.constant 16 : index
      %get3A_77 = tpu.vector_load %arg8[%get3A_75, %get3A_76] {strides = array<i32>} : memref<313x32xi32, #tpu.memory_space<vmem>>, vector<16xi32>,
      %get3A_78 = arith.constant 1 : i32
      %get3A_79 = arith.index_cast %get3A_78 : i32 to index
      %get3A_80 = arith.constant 16 : index
      %get3A_81 = tpu.vector_load %arg9[%get3A_79, %get3A_80] {strides = array<i32>} : memref<313x32xi32, #tpu.memory_space<vmem>>, vector<16xi32>,
      %eq3A_82 = arith.cmpi eq, %get3A_77, %get3A_81 : vector<16xi32>
      %jit3A_83 = arith.constant 10000 : i32
      %broadcast_in_dim3A_84 = vector.broadcast %jit3A_83 : i32 to vector<16xi32>
      %select_n3A_85 = arith.select %eq3A_82, %broadcast_in_dim3A_84, %get3A_77 : vector<16xi1>, vector<16xi32>
      %swap3A_86 = arith.constant 1 : i32
      %swap3A_87 = arith.index_cast %swap3A_86 : i32 to index
      %swap3A_88 = arith.constant 16 : index
      %swap3A_89 = tpu.vector_load %arg8[%swap3A_87, %swap3A_88] {strides = array<i32>} : memref<313x32xi32, #tpu.memory_space<vmem>>, vector<16xi32>,
      tpu.vector_store %arg8[%swap3A_87, %swap3A_88], %select_n3A_85 {strides = array<i32>} : memref<313x32xi32, #tpu.memory_space<vmem>>, vector<16xi32>,
      %dma_start3A_90 = arith.constant 1 : i32
      %dma_start3A_91 = arith.constant 1 : i32
      %dma_start3A_92 = arith.constant 0 : i32
      %dma_start3A_93 = arith.constant 0 : i32
      %dma_start3A_94 = tpu.memref_slice %arg10[%dma_start3A_91, %dma_start3A_92, %dma_start3A_93] : memref<7x32x128xf32, #tpu.memory_space<vmem>> -> memref<1x32x128xf32, #tpu.memory_space<vmem>>
      %dma_start3A_95 = tpu.memref_squeeze %dma_start3A_94 : memref<1x32x128xf32, #tpu.memory_space<vmem>> -> memref<32x128xf32, #tpu.memory_space<vmem>>
      %dma_start3A_96 = arith.constant 0 : i32
      %dma_start3A_97 = tpu.memref_slice %arg8[%dma_start3A_90, %dma_start3A_96] : memref<313x32xi32, #tpu.memory_space<vmem>> -> memref<1x32xi32, #tpu.memory_space<vmem>>
      %dma_start3A_98 = tpu.memref_squeeze %dma_start3A_97 : memref<1x32xi32, #tpu.memory_space<vmem>> -> memref<32xi32, #tpu.memory_space<vmem>>
      %dma_start3A_99 = arith.constant 0 : i32
      %dma_start3A_100 = arith.constant 0 : i32
      %dma_start3A_101 = tpu.memref_slice %arg4[%dma_start3A_99, %dma_start3A_100] : memref<10240x128xf32, #tpu.memory_space<hbm>> -> memref<10240x128xf32, #tpu.memory_space<hbm>>
      tpu.enqueue_indirect_dma source(%dma_start3A_101 : memref<10240x128xf32, #tpu.memory_space<hbm>>) target(%dma_start3A_95 : memref<32x128xf32, #tpu.memory_space<vmem>>) offsets(%dma_start3A_98 : memref<32xi32, #tpu.memory_space<vmem>>) semaphore(%arg12 : memref<!tpu.dma_semaphore, #tpu.memory_space<semaphore_mem>>)
      %get3A_102 = arith.constant 2 : i32
      %get3A_103 = arith.index_cast %get3A_102 : i32 to index
      %get3A_104 = arith.constant 0 : index
      %get3A_105 = tpu.vector_load %arg8[%get3A_103, %get3A_104] {strides = array<i32>} : memref<313x32xi32, #tpu.memory_space<vmem>>, vector<16xi32>,
      %get3A_106 = arith.constant 2 : i32
      %get3A_107 = arith.index_cast %get3A_106 : i32 to index
      %get3A_108 = arith.constant 0 : index
      %get3A_109 = tpu.vector_load %arg9[%get3A_107, %get3A_108] {strides = array<i32>} : memref<313x32xi32, #tpu.memory_space<vmem>>, vector<16xi32>,
      %eq3A_110 = arith.cmpi eq, %get3A_105, %get3A_109 : vector<16xi32>
      %jit3A_111 = arith.constant 10000 : i32
      %broadcast_in_dim3A_112 = vector.broadcast %jit3A_111 : i32 to vector<16xi32>
      %select_n3A_113 = arith.select %eq3A_110, %broadcast_in_dim3A_112, %get3A_105 : vector<16xi1>, vector<16xi32>
      %swap3A_114 = arith.constant 2 : i32
      %swap3A_115 = arith.index_cast %swap3A_114 : i32 to index
      %swap3A_116 = arith.constant 0 : index
      %swap3A_117 = tpu.vector_load %arg8[%swap3A_115, %swap3A_116] {strides = array<i32>} : memref<313x32xi32, #tpu.memory_space<vmem>>, vector<16xi32>,
      tpu.vector_store %arg8[%swap3A_115, %swap3A_116], %select_n3A_113 {strides = array<i32>} : memref<313x32xi32, #tpu.memory_space<vmem>>, vector<16xi32>,
      %get3A_118 = arith.constant 2 : i32
      %get3A_119 = arith.index_cast %get3A_118 : i32 to index
      %get3A_120 = arith.constant 16 : index
      %get3A_121 = tpu.vector_load %arg8[%get3A_119, %get3A_120] {strides = array<i32>} : memref<313x32xi32, #tpu.memory_space<vmem>>, vector<16xi32>,
      %get3A_122 = arith.constant 2 : i32
      %get3A_123 = arith.index_cast %get3A_122 : i32 to index
      %get3A_124 = arith.constant 16 : index
      %get3A_125 = tpu.vector_load %arg9[%get3A_123, %get3A_124] {strides = array<i32>} : memref<313x32xi32, #tpu.memory_space<vmem>>, vector<16xi32>,
      %eq3A_126 = arith.cmpi eq, %get3A_121, %get3A_125 : vector<16xi32>
      %jit3A_127 = arith.constant 10000 : i32
      %broadcast_in_dim3A_128 = vector.broadcast %jit3A_127 : i32 to vector<16xi32>
      %select_n3A_129 = arith.select %eq3A_126, %broadcast_in_dim3A_128, %get3A_121 : vector<16xi1>, vector<16xi32>
      %swap3A_130 = arith.constant 2 : i32
      %swap3A_131 = arith.index_cast %swap3A_130 : i32 to index
      %swap3A_132 = arith.constant 16 : index
      %swap3A_133 = tpu.vector_load %arg8[%swap3A_131, %swap3A_132] {strides = array<i32>} : memref<313x32xi32, #tpu.memory_space<vmem>>, vector<16xi32>,
      tpu.vector_store %arg8[%swap3A_131, %swap3A_132], %select_n3A_129 {strides = array<i32>} : memref<313x32xi32, #tpu.memory_space<vmem>>, vector<16xi32>,
      %dma_start3A_134 = arith.constant 2 : i32
      %dma_start3A_135 = arith.constant 2 : i32
      %dma_start3A_136 = arith.constant 0 : i32
      %dma_start3A_137 = arith.constant 0 : i32
      %dma_start3A_138 = tpu.memref_slice %arg10[%dma_start3A_135, %dma_start3A_136, %dma_start3A_137] : memref<7x32x128xf32, #tpu.memory_space<vmem>> -> memref<1x32x128xf32, #tpu.memory_space<vmem>>
      %dma_start3A_139 = tpu.memref_squeeze %dma_start3A_138 : memref<1x32x128xf32, #tpu.memory_space<vmem>> -> memref<32x128xf32, #tpu.memory_space<vmem>>
      %dma_start3A_140 = arith.constant 0 : i32
      %dma_start3A_141 = tpu.memref_slice %arg8[%dma_start3A_134, %dma_start3A_140] : memref<313x32xi32, #tpu.memory_space<vmem>> -> memref<1x32xi32, #tpu.memory_space<vmem>>
      %dma_start3A_142 = tpu.memref_squeeze %dma_start3A_141 : memref<1x32xi32, #tpu.memory_space<vmem>> -> memref<32xi32, #tpu.memory_space<vmem>>
      %dma_start3A_143 = arith.constant 0 : i32
      %dma_start3A_144 = arith.constant 0 : i32
      %dma_start3A_145 = tpu.memref_slice %arg4[%dma_start3A_143, %dma_start3A_144] : memref<10240x128xf32, #tpu.memory_space<hbm>> -> memref<10240x128xf32, #tpu.memory_space<hbm>>
      tpu.enqueue_indirect_dma source(%dma_start3A_145 : memref<10240x128xf32, #tpu.memory_space<hbm>>) target(%dma_start3A_139 : memref<32x128xf32, #tpu.memory_space<vmem>>) offsets(%dma_start3A_142 : memref<32xi32, #tpu.memory_space<vmem>>) semaphore(%arg13 : memref<!tpu.dma_semaphore, #tpu.memory_space<semaphore_mem>>)
      %get3A_146 = arith.constant 3 : i32
      %get3A_147 = arith.index_cast %get3A_146 : i32 to index
      %get3A_148 = arith.constant 0 : index
      %get3A_149 = tpu.vector_load %arg8[%get3A_147, %get3A_148] {strides = array<i32>} : memref<313x32xi32, #tpu.memory_space<vmem>>, vector<16xi32>,
      %get3A_150 = arith.constant 3 : i32
      %get3A_151 = arith.index_cast %get3A_150 : i32 to index
      %get3A_152 = arith.constant 0 : index
      %get3A_153 = tpu.vector_load %arg9[%get3A_151, %get3A_152] {strides = array<i32>} : memref<313x32xi32, #tpu.memory_space<vmem>>, vector<16xi32>,
      %eq3A_154 = arith.cmpi eq, %get3A_149, %get3A_153 : vector<16xi32>
      %jit3A_155 = arith.constant 10000 : i32
      %broadcast_in_dim3A_156 = vector.broadcast %jit3A_155 : i32 to vector<16xi32>
      %select_n3A_157 = arith.select %eq3A_154, %broadcast_in_dim3A_156, %get3A_149 : vector<16xi1>, vector<16xi32>
      %swap3A_158 = arith.constant 3 : i32
      %swap3A_159 = arith.index_cast %swap3A_158 : i32 to index
      %swap3A_160 = arith.constant 0 : index
      %swap3A_161 = tpu.vector_load %arg8[%swap3A_159, %swap3A_160] {strides = array<i32>} : memref<313x32xi32, #tpu.memory_space<vmem>>, vector<16xi32>,
      tpu.vector_store %arg8[%swap3A_159, %swap3A_160], %select_n3A_157 {strides = array<i32>} : memref<313x32xi32, #tpu.memory_space<vmem>>, vector<16xi32>,
      %get3A_162 = arith.constant 3 : i32
      %get3A_163 = arith.index_cast %get3A_162 : i32 to index
      %get3A_164 = arith.constant 16 : index
      %get3A_165 = tpu.vector_load %arg8[%get3A_163, %get3A_164] {strides = array<i32>} : memref<313x32xi32, #tpu.memory_space<vmem>>, vector<16xi32>,
      %get3A_166 = arith.constant 3 : i32
      %get3A_167 = arith.index_cast %get3A_166 : i32 to index
      %get3A_168 = arith.constant 16 : index
      %get3A_169 = tpu.vector_load %arg9[%get3A_167, %get3A_168] {strides = array<i32>} : memref<313x32xi32, #tpu.memory_space<vmem>>, vector<16xi32>,
      %eq3A_170 = arith.cmpi eq, %get3A_165, %get3A_169 : vector<16xi32>
      %jit3A_171 = arith.constant 10000 : i32
      %broadcast_in_dim3A_172 = vector.broadcast %jit3A_171 : i32 to vector<16xi32>
      %select_n3A_173 = arith.select %eq3A_170, %broadcast_in_dim3A_172, %get3A_165 : vector<16xi1>, vector<16xi32>
      %swap3A_174 = arith.constant 3 : i32
      %swap3A_175 = arith.index_cast %swap3A_174 : i32 to index
      %swap3A_176 = arith.constant 16 : index
      %swap3A_177 = tpu.vector_load %arg8[%swap3A_175, %swap3A_176] {strides = array<i32>} : memref<313x32xi32, #tpu.memory_space<vmem>>, vector<16xi32>,
      tpu.vector_store %arg8[%swap3A_175, %swap3A_176], %select_n3A_173 {strides = array<i32>} : memref<313x32xi32, #tpu.memory_space<vmem>>, vector<16xi32>,
      %dma_start3A_178 = arith.constant 3 : i32
      %dma_start3A_179 = arith.constant 3 : i32
      %dma_start3A_180 = arith.constant 0 : i32
      %dma_start3A_181 = arith.constant 0 : i32
      %dma_start3A_182 = tpu.memref_slice %arg10[%dma_start3A_179, %dma_start3A_180, %dma_start3A_181] : memref<7x32x128xf32, #tpu.memory_space<vmem>> -> memref<1x32x128xf32, #tpu.memory_space<vmem>>
      %dma_start3A_183 = tpu.memref_squeeze %dma_start3A_182 : memref<1x32x128xf32, #tpu.memory_space<vmem>> -> memref<32x128xf32, #tpu.memory_space<vmem>>
      %dma_start3A_184 = arith.constant 0 : i32
      %dma_start3A_185 = tpu.memref_slice %arg8[%dma_start3A_178, %dma_start3A_184] : memref<313x32xi32, #tpu.memory_space<vmem>> -> memref<1x32xi32, #tpu.memory_space<vmem>>
      %dma_start3A_186 = tpu.memref_squeeze %dma_start3A_185 : memref<1x32xi32, #tpu.memory_space<vmem>> -> memref<32xi32, #tpu.memory_space<vmem>>
      %dma_start3A_187 = arith.constant 0 : i32
      %dma_start3A_188 = arith.constant 0 : i32
      %dma_start3A_189 = tpu.memref_slice %arg4[%dma_start3A_187, %dma_start3A_188] : memref<10240x128xf32, #tpu.memory_space<hbm>> -> memref<10240x128xf32, #tpu.memory_space<hbm>>
      tpu.enqueue_indirect_dma source(%dma_start3A_189 : memref<10240x128xf32, #tpu.memory_space<hbm>>) target(%dma_start3A_183 : memref<32x128xf32, #tpu.memory_space<vmem>>) offsets(%dma_start3A_186 : memref<32xi32, #tpu.memory_space<vmem>>) semaphore(%arg14 : memref<!tpu.dma_semaphore, #tpu.memory_space<semaphore_mem>>)
      %get3A_190 = arith.constant 4 : i32
      %get3A_191 = arith.index_cast %get3A_190 : i32 to index
      %get3A_192 = arith.constant 0 : index
      %get3A_193 = tpu.vector_load %arg8[%get3A_191, %get3A_192] {strides = array<i32>} : memref<313x32xi32, #tpu.memory_space<vmem>>, vector<16xi32>,
      %get3A_194 = arith.constant 4 : i32
      %get3A_195 = arith.index_cast %get3A_194 : i32 to index
      %get3A_196 = arith.constant 0 : index
      %get3A_197 = tpu.vector_load %arg9[%get3A_195, %get3A_196] {strides = array<i32>} : memref<313x32xi32, #tpu.memory_space<vmem>>, vector<16xi32>,
      %eq3A_198 = arith.cmpi eq, %get3A_193, %get3A_197 : vector<16xi32>
      %jit3A_199 = arith.constant 10000 : i32
      %broadcast_in_dim3A_200 = vector.broadcast %jit3A_199 : i32 to vector<16xi32>
      %select_n3A_201 = arith.select %eq3A_198, %broadcast_in_dim3A_200, %get3A_193 : vector<16xi1>, vector<16xi32>
      %swap3A_202 = arith.constant 4 : i32
      %swap3A_203 = arith.index_cast %swap3A_202 : i32 to index
      %swap3A_204 = arith.constant 0 : index
      %swap3A_205 = tpu.vector_load %arg8[%swap3A_203, %swap3A_204] {strides = array<i32>} : memref<313x32xi32, #tpu.memory_space<vmem>>, vector<16xi32>,
      tpu.vector_store %arg8[%swap3A_203, %swap3A_204], %select_n3A_201 {strides = array<i32>} : memref<313x32xi32, #tpu.memory_space<vmem>>, vector<16xi32>,
      %get3A_206 = arith.constant 4 : i32
      %get3A_207 = arith.index_cast %get3A_206 : i32 to index
      %get3A_208 = arith.constant 16 : index
      %get3A_209 = tpu.vector_load %arg8[%get3A_207, %get3A_208] {strides = array<i32>} : memref<313x32xi32, #tpu.memory_space<vmem>>, vector<16xi32>,
      %get3A_210 = arith.constant 4 : i32
      %get3A_211 = arith.index_cast %get3A_210 : i32 to index
      %get3A_212 = arith.constant 16 : index
      %get3A_213 = tpu.vector_load %arg9[%get3A_211, %get3A_212] {strides = array<i32>} : memref<313x32xi32, #tpu.memory_space<vmem>>, vector<16xi32>,
      %eq3A_214 = arith.cmpi eq, %get3A_209, %get3A_213 : vector<16xi32>
      %jit3A_215 = arith.constant 10000 : i32
      %broadcast_in_dim3A_216 = vector.broadcast %jit3A_215 : i32 to vector<16xi32>
      %select_n3A_217 = arith.select %eq3A_214, %broadcast_in_dim3A_216, %get3A_209 : vector<16xi1>, vector<16xi32>
      %swap3A_218 = arith.constant 4 : i32
      %swap3A_219 = arith.index_cast %swap3A_218 : i32 to index
      %swap3A_220 = arith.constant 16 : index
      %swap3A_221 = tpu.vector_load %arg8[%swap3A_219, %swap3A_220] {strides = array<i32>} : memref<313x32xi32, #tpu.memory_space<vmem>>, vector<16xi32>,
      tpu.vector_store %arg8[%swap3A_219, %swap3A_220], %select_n3A_217 {strides = array<i32>} : memref<313x32xi32, #tpu.memory_space<vmem>>, vector<16xi32>,
      %dma_start3A_222 = arith.constant 4 : i32
      %dma_start3A_223 = arith.constant 4 : i32
      %dma_start3A_224 = arith.constant 0 : i32
      %dma_start3A_225 = arith.constant 0 : i32
      %dma_start3A_226 = tpu.memref_slice %arg10[%dma_start3A_223, %dma_start3A_224, %dma_start3A_225] : memref<7x32x128xf32, #tpu.memory_space<vmem>> -> memref<1x32x128xf32, #tpu.memory_space<vmem>>
      %dma_start3A_227 = tpu.memref_squeeze %dma_start3A_226 : memref<1x32x128xf32, #tpu.memory_space<vmem>> -> memref<32x128xf32, #tpu.memory_space<vmem>>
      %dma_start3A_228 = arith.constant 0 : i32
      %dma_start3A_229 = tpu.memref_slice %arg8[%dma_start3A_222, %dma_start3A_228] : memref<313x32xi32, #tpu.memory_space<vmem>> -> memref<1x32xi32, #tpu.memory_space<vmem>>
      %dma_start3A_230 = tpu.memref_squeeze %dma_start3A_229 : memref<1x32xi32, #tpu.memory_space<vmem>> -> memref<32xi32, #tpu.memory_space<vmem>>
      %dma_start3A_231 = arith.constant 0 : i32
      %dma_start3A_232 = arith.constant 0 : i32
      %dma_start3A_233 = tpu.memref_slice %arg4[%dma_start3A_231, %dma_start3A_232] : memref<10240x128xf32, #tpu.memory_space<hbm>> -> memref<10240x128xf32, #tpu.memory_space<hbm>>
      tpu.enqueue_indirect_dma source(%dma_start3A_233 : memref<10240x128xf32, #tpu.memory_space<hbm>>) target(%dma_start3A_227 : memref<32x128xf32, #tpu.memory_space<vmem>>) offsets(%dma_start3A_230 : memref<32xi32, #tpu.memory_space<vmem>>) semaphore(%arg15 : memref<!tpu.dma_semaphore, #tpu.memory_space<semaphore_mem>>)
      %get3A_234 = arith.constant 5 : i32
      %get3A_235 = arith.index_cast %get3A_234 : i32 to index
      %get3A_236 = arith.constant 0 : index
      %get3A_237 = tpu.vector_load %arg8[%get3A_235, %get3A_236] {strides = array<i32>} : memref<313x32xi32, #tpu.memory_space<vmem>>, vector<16xi32>,
      %get3A_238 = arith.constant 5 : i32
      %get3A_239 = arith.index_cast %get3A_238 : i32 to index
      %get3A_240 = arith.constant 0 : index
      %get3A_241 = tpu.vector_load %arg9[%get3A_239, %get3A_240] {strides = array<i32>} : memref<313x32xi32, #tpu.memory_space<vmem>>, vector<16xi32>,
      %eq3A_242 = arith.cmpi eq, %get3A_237, %get3A_241 : vector<16xi32>
      %jit3A_243 = arith.constant 10000 : i32
      %broadcast_in_dim3A_244 = vector.broadcast %jit3A_243 : i32 to vector<16xi32>
      %select_n3A_245 = arith.select %eq3A_242, %broadcast_in_dim3A_244, %get3A_237 : vector<16xi1>, vector<16xi32>
      %swap3A_246 = arith.constant 5 : i32
      %swap3A_247 = arith.index_cast %swap3A_246 : i32 to index
      %swap3A_248 = arith.constant 0 : index
      %swap3A_249 = tpu.vector_load %arg8[%swap3A_247, %swap3A_248] {strides = array<i32>} : memref<313x32xi32, #tpu.memory_space<vmem>>, vector<16xi32>,
      tpu.vector_store %arg8[%swap3A_247, %swap3A_248], %select_n3A_245 {strides = array<i32>} : memref<313x32xi32, #tpu.memory_space<vmem>>, vector<16xi32>,
      %get3A_250 = arith.constant 5 : i32
      %get3A_251 = arith.index_cast %get3A_250 : i32 to index
      %get3A_252 = arith.constant 16 : index
      %get3A_253 = tpu.vector_load %arg8[%get3A_251, %get3A_252] {strides = array<i32>} : memref<313x32xi32, #tpu.memory_space<vmem>>, vector<16xi32>,
      %get3A_254 = arith.constant 5 : i32
      %get3A_255 = arith.index_cast %get3A_254 : i32 to index
      %get3A_256 = arith.constant 16 : index
      %get3A_257 = tpu.vector_load %arg9[%get3A_255, %get3A_256] {strides = array<i32>} : memref<313x32xi32, #tpu.memory_space<vmem>>, vector<16xi32>,
      %eq3A_258 = arith.cmpi eq, %get3A_253, %get3A_257 : vector<16xi32>
      %jit3A_259 = arith.constant 10000 : i32
      %broadcast_in_dim3A_260 = vector.broadcast %jit3A_259 : i32 to vector<16xi32>
      %select_n3A_261 = arith.select %eq3A_258, %broadcast_in_dim3A_260, %get3A_253 : vector<16xi1>, vector<16xi32>
      %swap3A_262 = arith.constant 5 : i32
      %swap3A_263 = arith.index_cast %swap3A_262 : i32 to index
      %swap3A_264 = arith.constant 16 : index
      %swap3A_265 = tpu.vector_load %arg8[%swap3A_263, %swap3A_264] {strides = array<i32>} : memref<313x32xi32, #tpu.memory_space<vmem>>, vector<16xi32>,
      tpu.vector_store %arg8[%swap3A_263, %swap3A_264], %select_n3A_261 {strides = array<i32>} : memref<313x32xi32, #tpu.memory_space<vmem>>, vector<16xi32>,
      %dma_start3A_266 = arith.constant 5 : i32
      %dma_start3A_267 = arith.constant 5 : i32
      %dma_start3A_268 = arith.constant 0 : i32
      %dma_start3A_269 = arith.constant 0 : i32
      %dma_start3A_270 = tpu.memref_slice %arg10[%dma_start3A_267, %dma_start3A_268, %dma_start3A_269] : memref<7x32x128xf32, #tpu.memory_space<vmem>> -> memref<1x32x128xf32, #tpu.memory_space<vmem>>
      %dma_start3A_271 = tpu.memref_squeeze %dma_start3A_270 : memref<1x32x128xf32, #tpu.memory_space<vmem>> -> memref<32x128xf32, #tpu.memory_space<vmem>>
      %dma_start3A_272 = arith.constant 0 : i32
      %dma_start3A_273 = tpu.memref_slice %arg8[%dma_start3A_266, %dma_start3A_272] : memref<313x32xi32, #tpu.memory_space<vmem>> -> memref<1x32xi32, #tpu.memory_space<vmem>>
      %dma_start3A_274 = tpu.memref_squeeze %dma_start3A_273 : memref<1x32xi32, #tpu.memory_space<vmem>> -> memref<32xi32, #tpu.memory_space<vmem>>
      %dma_start3A_275 = arith.constant 0 : i32
      %dma_start3A_276 = arith.constant 0 : i32
      %dma_start3A_277 = tpu.memref_slice %arg4[%dma_start3A_275, %dma_start3A_276] : memref<10240x128xf32, #tpu.memory_space<hbm>> -> memref<10240x128xf32, #tpu.memory_space<hbm>>
      tpu.enqueue_indirect_dma source(%dma_start3A_277 : memref<10240x128xf32, #tpu.memory_space<hbm>>) target(%dma_start3A_271 : memref<32x128xf32, #tpu.memory_space<vmem>>) offsets(%dma_start3A_274 : memref<32xi32, #tpu.memory_space<vmem>>) semaphore(%arg16 : memref<!tpu.dma_semaphore, #tpu.memory_space<semaphore_mem>>)
      %get3A_278 = arith.constant 6 : i32
      %get3A_279 = arith.index_cast %get3A_278 : i32 to index
      %get3A_280 = arith.constant 0 : index
      %get3A_281 = tpu.vector_load %arg8[%get3A_279, %get3A_280] {strides = array<i32>} : memref<313x32xi32, #tpu.memory_space<vmem>>, vector<16xi32>,
      %get3A_282 = arith.constant 6 : i32
      %get3A_283 = arith.index_cast %get3A_282 : i32 to index
      %get3A_284 = arith.constant 0 : index
      %get3A_285 = tpu.vector_load %arg9[%get3A_283, %get3A_284] {strides = array<i32>} : memref<313x32xi32, #tpu.memory_space<vmem>>, vector<16xi32>,
      %eq3A_286 = arith.cmpi eq, %get3A_281, %get3A_285 : vector<16xi32>
      %jit3A_287 = arith.constant 10000 : i32
      %broadcast_in_dim3A_288 = vector.broadcast %jit3A_287 : i32 to vector<16xi32>
      %select_n3A_289 = arith.select %eq3A_286, %broadcast_in_dim3A_288, %get3A_281 : vector<16xi1>, vector<16xi32>
      %swap3A_290 = arith.constant 6 : i32
      %swap3A_291 = arith.index_cast %swap3A_290 : i32 to index
      %swap3A_292 = arith.constant 0 : index
      %swap3A_293 = tpu.vector_load %arg8[%swap3A_291, %swap3A_292] {strides = array<i32>} : memref<313x32xi32, #tpu.memory_space<vmem>>, vector<16xi32>,
      tpu.vector_store %arg8[%swap3A_291, %swap3A_292], %select_n3A_289 {strides = array<i32>} : memref<313x32xi32, #tpu.memory_space<vmem>>, vector<16xi32>,
      %get3A_294 = arith.constant 6 : i32
      %get3A_295 = arith.index_cast %get3A_294 : i32 to index
      %get3A_296 = arith.constant 16 : index
      %get3A_297 = tpu.vector_load %arg8[%get3A_295, %get3A_296] {strides = array<i32>} : memref<313x32xi32, #tpu.memory_space<vmem>>, vector<16xi32>,
      %get3A_298 = arith.constant 6 : i32
      %get3A_299 = arith.index_cast %get3A_298 : i32 to index
      %get3A_300 = arith.constant 16 : index
      %get3A_301 = tpu.vector_load %arg9[%get3A_299, %get3A_300] {strides = array<i32>} : memref<313x32xi32, #tpu.memory_space<vmem>>, vector<16xi32>,
      %eq3A_302 = arith.cmpi eq, %get3A_297, %get3A_301 : vector<16xi32>
      %jit3A_303 = arith.constant 10000 : i32
      %broadcast_in_dim3A_304 = vector.broadcast %jit3A_303 : i32 to vector<16xi32>
      %select_n3A_305 = arith.select %eq3A_302, %broadcast_in_dim3A_304, %get3A_297 : vector<16xi1>, vector<16xi32>
      %swap3A_306 = arith.constant 6 : i32
      %swap3A_307 = arith.index_cast %swap3A_306 : i32 to index
      %swap3A_308 = arith.constant 16 : index
      %swap3A_309 = tpu.vector_load %arg8[%swap3A_307, %swap3A_308] {strides = array<i32>} : memref<313x32xi32, #tpu.memory_space<vmem>>, vector<16xi32>,
      tpu.vector_store %arg8[%swap3A_307, %swap3A_308], %select_n3A_305 {strides = array<i32>} : memref<313x32xi32, #tpu.memory_space<vmem>>, vector<16xi32>,
      %dma_start3A_310 = arith.constant 6 : i32
      %dma_start3A_311 = arith.constant 6 : i32
      %dma_start3A_312 = arith.constant 0 : i32
      %dma_start3A_313 = arith.constant 0 : i32
      %dma_start3A_314 = tpu.memref_slice %arg10[%dma_start3A_311, %dma_start3A_312, %dma_start3A_313] : memref<7x32x128xf32, #tpu.memory_space<vmem>> -> memref<1x32x128xf32, #tpu.memory_space<vmem>>
      %dma_start3A_315 = tpu.memref_squeeze %dma_start3A_314 : memref<1x32x128xf32, #tpu.memory_space<vmem>> -> memref<32x128xf32, #tpu.memory_space<vmem>>
      %dma_start3A_316 = arith.constant 0 : i32
      %dma_start3A_317 = tpu.memref_slice %arg8[%dma_start3A_310, %dma_start3A_316] : memref<313x32xi32, #tpu.memory_space<vmem>> -> memref<1x32xi32, #tpu.memory_space<vmem>>
      %dma_start3A_318 = tpu.memref_squeeze %dma_start3A_317 : memref<1x32xi32, #tpu.memory_space<vmem>> -> memref<32xi32, #tpu.memory_space<vmem>>
      %dma_start3A_319 = arith.constant 0 : i32
      %dma_start3A_320 = arith.constant 0 : i32
      %dma_start3A_321 = tpu.memref_slice %arg4[%dma_start3A_319, %dma_start3A_320] : memref<10240x128xf32, #tpu.memory_space<hbm>> -> memref<10240x128xf32, #tpu.memory_space<hbm>>
      tpu.enqueue_indirect_dma source(%dma_start3A_321 : memref<10240x128xf32, #tpu.memory_space<hbm>>) target(%dma_start3A_315 : memref<32x128xf32, #tpu.memory_space<vmem>>) offsets(%dma_start3A_318 : memref<32xi32, #tpu.memory_space<vmem>>) semaphore(%arg17 : memref<!tpu.dma_semaphore, #tpu.memory_space<semaphore_mem>>)
      %scan3A_322 = arith.constant 0 : i32
      %scan3A_323 = arith.constant 0 : i32
      %scan3A_324 = arith.constant 45 : i32
      %scan3A_325 = arith.addi %scan3A_323, %scan3A_324 : i32
      %scan3A_326 = arith.constant 1 : i32
      scf.for %scan3A_335 = %scan3A_323 to %scan3A_325 step %scan3A_326  : i32 {
        %mul3A = arith.constant 7 : i32
        %mul3A_336 = arith.muli %scan3A_335, %mul3A : i32
        %add3A = arith.constant 0 : i32
        %add3A_337 = arith.addi %mul3A_336, %add3A : i32
        %lt3A = arith.constant 313 : i32
        %lt3A_338 = arith.cmpi slt, %add3A_337, %lt3A : i32
        %convert_element_type3A_339 = arith.extui %lt3A_338 : i1 to i32
        %cond3A_340 = arith.constant 0 : i32
        %cond3A_341 = arith.cmpi ne, %convert_element_type3A_339, %cond3A_340 : i32
        scf.if %cond3A_341 {
          %dma_wait3A = arith.constant 0 : i32
          %dma_wait3A_477 = arith.constant 0 : i32
          %dma_wait3A_478 = arith.constant 0 : i32
          %dma_wait3A_479 = tpu.memref_slice %arg10[%dma_wait3A, %dma_wait3A_477, %dma_wait3A_478] : memref<7x32x128xf32, #tpu.memory_space<vmem>> -> memref<1x32x128xf32, #tpu.memory_space<vmem>>
          %dma_wait3A_480 = tpu.memref_squeeze %dma_wait3A_479 : memref<1x32x128xf32, #tpu.memory_space<vmem>> -> memref<32x128xf32, #tpu.memory_space<vmem>>
          %dma_wait3A_481 = arith.constant 0 : i32
          %dma_wait3A_482 = tpu.memref_slice %arg8[%add3A_337, %dma_wait3A_481] : memref<313x32xi32, #tpu.memory_space<vmem>> -> memref<1x32xi32, #tpu.memory_space<vmem>>
          %dma_wait3A_483 = tpu.memref_squeeze %dma_wait3A_482 : memref<1x32xi32, #tpu.memory_space<vmem>> -> memref<32xi32, #tpu.memory_space<vmem>>
          %dma_wait3A_484 = arith.constant 0 : i32
          %dma_wait3A_485 = arith.constant 0 : i32
          %dma_wait3A_486 = tpu.memref_slice %arg4[%dma_wait3A_484, %dma_wait3A_485] : memref<10240x128xf32, #tpu.memory_space<hbm>> -> memref<10240x128xf32, #tpu.memory_space<hbm>>
          tpu.wait_indirect_dma semaphore(%arg11 : memref<!tpu.dma_semaphore, #tpu.memory_space<semaphore_mem>>) src(%dma_wait3A_486 : memref<10240x128xf32, #tpu.memory_space<hbm>>) dst(%dma_wait3A_480 : memref<32x128xf32, #tpu.memory_space<vmem>>)
          %run_scoped3A = arith.constant 0 : i32
          "tpu.region"() ({
            %run_scoped3A_487 = tpu.sem_alloc : memref<!tpu.dma_semaphore, #tpu.memory_space<semaphore_mem>>
            %dma_start3A_488 = arith.constant 0 : i32
            %dma_start3A_489 = arith.constant 0 : i32
            %dma_start3A_490 = tpu.memref_slice %arg10[%run_scoped3A, %dma_start3A_488, %dma_start3A_489] : memref<7x32x128xf32, #tpu.memory_space<vmem>> -> memref<1x32x128xf32, #tpu.memory_space<vmem>>
            %dma_start3A_491 = tpu.memref_squeeze %dma_start3A_490 : memref<1x32x128xf32, #tpu.memory_space<vmem>> -> memref<32x128xf32, #tpu.memory_space<vmem>>
            %dma_start3A_492 = arith.constant 0 : i32
            %dma_start3A_493 = tpu.memref_slice %arg9[%add3A_337, %dma_start3A_492] : memref<313x32xi32, #tpu.memory_space<vmem>> -> memref<1x32xi32, #tpu.memory_space<vmem>>
            %dma_start3A_494 = tpu.memref_squeeze %dma_start3A_493 : memref<1x32xi32, #tpu.memory_space<vmem>> -> memref<32xi32, #tpu.memory_space<vmem>>
            %dma_start3A_495 = arith.constant 0 : i32
            %dma_start3A_496 = arith.constant 0 : i32
            %dma_start3A_497 = tpu.memref_slice %arg18[%dma_start3A_495, %dma_start3A_496] : memref<10240x128xf32, #tpu.memory_space<vmem_shared>> -> memref<10240x128xf32, #tpu.memory_space<vmem_shared>>
            tpu.enqueue_indirect_dma source(%dma_start3A_491 : memref<32x128xf32, #tpu.memory_space<vmem>>) target(%dma_start3A_497 : memref<10240x128xf32, #tpu.memory_space<vmem_shared>>) offsets(%dma_start3A_494 : memref<32xi32, #tpu.memory_space<vmem>>) semaphore(%run_scoped3A_487 : memref<!tpu.dma_semaphore, #tpu.memory_space<semaphore_mem>>) {add = true}
            %dma_wait3A_498 = arith.constant 0 : i32
            %dma_wait3A_499 = arith.constant 0 : i32
            %dma_wait3A_500 = tpu.memref_slice %arg10[%run_scoped3A, %dma_wait3A_498, %dma_wait3A_499] : memref<7x32x128xf32, #tpu.memory_space<vmem>> -> memref<1x32x128xf32, #tpu.memory_space<vmem>>
            %dma_wait3A_501 = tpu.memref_squeeze %dma_wait3A_500 : memref<1x32x128xf32, #tpu.memory_space<vmem>> -> memref<32x128xf32, #tpu.memory_space<vmem>>
            %dma_wait3A_502 = arith.constant 0 : i32
            %dma_wait3A_503 = tpu.memref_slice %arg9[%add3A_337, %dma_wait3A_502] : memref<313x32xi32, #tpu.memory_space<vmem>> -> memref<1x32xi32, #tpu.memory_space<vmem>>
            %dma_wait3A_504 = tpu.memref_squeeze %dma_wait3A_503 : memref<1x32xi32, #tpu.memory_space<vmem>> -> memref<32xi32, #tpu.memory_space<vmem>>
            %dma_wait3A_505 = arith.constant 0 : i32
            %dma_wait3A_506 = arith.constant 0 : i32
            %dma_wait3A_507 = tpu.memref_slice %arg18[%dma_wait3A_505, %dma_wait3A_506] : memref<10240x128xf32, #tpu.memory_space<vmem_shared>> -> memref<10240x128xf32, #tpu.memory_space<vmem_shared>>
            tpu.wait_indirect_dma semaphore(%run_scoped3A_487 : memref<!tpu.dma_semaphore, #tpu.memory_space<semaphore_mem>>) src(%dma_wait3A_501 : memref<32x128xf32, #tpu.memory_space<vmem>>) dst(%dma_wait3A_507 : memref<10240x128xf32, #tpu.memory_space<vmem_shared>>)
            tpu.yield
          }) : () -> ()
        } else {
        }
        %add3A_342 = arith.constant 7 : i32
        %add3A_343 = arith.addi %add3A_337, %add3A_342 : i32
        %sub3A = arith.constant 1 : i32
        %sub3A_344 = arith.subi %add3A_343, %sub3A : i32
        %ge3A = arith.constant 1 : i32
        %ge3A_345 = arith.cmpi sge, %add3A_337, %ge3A : i32
        %lt3A_346 = arith.constant 313 : i32
        %lt3A_347 = arith.cmpi slt, %sub3A_344, %lt3A_346 : i32
        %and3A = arith.andi %ge3A_345, %lt3A_347 : i1
        %convert_element_type3A_348 = arith.extui %and3A : i1 to i32
        %cond3A_349 = arith.constant 0 : i32
        %cond3A_350 = arith.cmpi ne, %convert_element_type3A_348, %cond3A_349 : i32
        scf.if %cond3A_350 {
          %get3A_477 = arith.index_cast %sub3A_344 : i32 to index
          %get3A_478 = arith.constant 0 : index
          %get3A_479 = tpu.vector_load %arg8[%get3A_477, %get3A_478] {strides = array<i32>} : memref<313x32xi32, #tpu.memory_space<vmem>>, vector<16xi32>,
          %get3A_480 = arith.index_cast %sub3A_344 : i32 to index
          %get3A_481 = arith.constant 0 : index
          %get3A_482 = tpu.vector_load %arg9[%get3A_480, %get3A_481] {strides = array<i32>} : memref<313x32xi32, #tpu.memory_space<vmem>>, vector<16xi32>,
          %eq3A_483 = arith.cmpi eq, %get3A_479, %get3A_482 : vector<16xi32>
          %jit3A_484 = arith.constant 10000 : i32
          %broadcast_in_dim3A_485 = vector.broadcast %jit3A_484 : i32 to vector<16xi32>
          %select_n3A_486 = arith.select %eq3A_483, %broadcast_in_dim3A_485, %get3A_479 : vector<16xi1>, vector<16xi32>
          %swap3A_487 = arith.index_cast %sub3A_344 : i32 to index
          %swap3A_488 = arith.constant 0 : index
          %swap3A_489 = tpu.vector_load %arg8[%swap3A_487, %swap3A_488] {strides = array<i32>} : memref<313x32xi32, #tpu.memory_space<vmem>>, vector<16xi32>,
          tpu.vector_store %arg8[%swap3A_487, %swap3A_488], %select_n3A_486 {strides = array<i32>} : memref<313x32xi32, #tpu.memory_space<vmem>>, vector<16xi32>,
          %get3A_490 = arith.index_cast %sub3A_344 : i32 to index
          %get3A_491 = arith.constant 16 : index
          %get3A_492 = tpu.vector_load %arg8[%get3A_490, %get3A_491] {strides = array<i32>} : memref<313x32xi32, #tpu.memory_space<vmem>>, vector<16xi32>,
          %get3A_493 = arith.index_cast %sub3A_344 : i32 to index
          %get3A_494 = arith.constant 16 : index
          %get3A_495 = tpu.vector_load %arg9[%get3A_493, %get3A_494] {strides = array<i32>} : memref<313x32xi32, #tpu.memory_space<vmem>>, vector<16xi32>,
          %eq3A_496 = arith.cmpi eq, %get3A_492, %get3A_495 : vector<16xi32>
          %jit3A_497 = arith.constant 10000 : i32
          %broadcast_in_dim3A_498 = vector.broadcast %jit3A_497 : i32 to vector<16xi32>
          %select_n3A_499 = arith.select %eq3A_496, %broadcast_in_dim3A_498, %get3A_492 : vector<16xi1>, vector<16xi32>
          %swap3A_500 = arith.index_cast %sub3A_344 : i32 to index
          %swap3A_501 = arith.constant 16 : index
          %swap3A_502 = tpu.vector_load %arg8[%swap3A_500, %swap3A_501] {strides = array<i32>} : memref<313x32xi32, #tpu.memory_space<vmem>>, vector<16xi32>,
          tpu.vector_store %arg8[%swap3A_500, %swap3A_501], %select_n3A_499 {strides = array<i32>} : memref<313x32xi32, #tpu.memory_space<vmem>>, vector<16xi32>,
          %dma_start3A_503 = arith.constant 6 : i32
          %dma_start3A_504 = arith.constant 0 : i32
          %dma_start3A_505 = arith.constant 0 : i32
          %dma_start3A_506 = tpu.memref_slice %arg10[%dma_start3A_503, %dma_start3A_504, %dma_start3A_505] : memref<7x32x128xf32, #tpu.memory_space<vmem>> -> memref<1x32x128xf32, #tpu.memory_space<vmem>>
          %dma_start3A_507 = tpu.memref_squeeze %dma_start3A_506 : memref<1x32x128xf32, #tpu.memory_space<vmem>> -> memref<32x128xf32, #tpu.memory_space<vmem>>
          %dma_start3A_508 = arith.constant 0 : i32
          %dma_start3A_509 = tpu.memref_slice %arg8[%sub3A_344, %dma_start3A_508] : memref<313x32xi32, #tpu.memory_space<vmem>> -> memref<1x32xi32, #tpu.memory_space<vmem>>
          %dma_start3A_510 = tpu.memref_squeeze %dma_start3A_509 : memref<1x32xi32, #tpu.memory_space<vmem>> -> memref<32xi32, #tpu.memory_space<vmem>>
          %dma_start3A_511 = arith.constant 0 : i32
          %dma_start3A_512 = arith.constant 0 : i32
          %dma_start3A_513 = tpu.memref_slice %arg4[%dma_start3A_511, %dma_start3A_512] : memref<10240x128xf32, #tpu.memory_space<hbm>> -> memref<10240x128xf32, #tpu.memory_space<hbm>>
          tpu.enqueue_indirect_dma source(%dma_start3A_513 : memref<10240x128xf32, #tpu.memory_space<hbm>>) target(%dma_start3A_507 : memref<32x128xf32, #tpu.memory_space<vmem>>) offsets(%dma_start3A_510 : memref<32xi32, #tpu.memory_space<vmem>>) semaphore(%arg17 : memref<!tpu.dma_semaphore, #tpu.memory_space<semaphore_mem>>)
        } else {
        }
        %mul3A_351 = arith.constant 7 : i32
        %mul3A_352 = arith.muli %scan3A_335, %mul3A_351 : i32
        %add3A_353 = arith.constant 1 : i32
        %add3A_354 = arith.addi %mul3A_352, %add3A_353 : i32
        %lt3A_355 = arith.constant 313 : i32
        %lt3A_356 = arith.cmpi slt, %add3A_354, %lt3A_355 : i32
        %convert_element_type3A_357 = arith.extui %lt3A_356 : i1 to i32
        %cond3A_358 = arith.constant 0 : i32
        %cond3A_359 = arith.cmpi ne, %convert_element_type3A_357, %cond3A_358 : i32
        scf.if %cond3A_359 {
          %dma_wait3A = arith.constant 1 : i32
          %dma_wait3A_477 = arith.constant 0 : i32
          %dma_wait3A_478 = arith.constant 0 : i32
          %dma_wait3A_479 = tpu.memref_slice %arg10[%dma_wait3A, %dma_wait3A_477, %dma_wait3A_478] : memref<7x32x128xf32, #tpu.memory_space<vmem>> -> memref<1x32x128xf32, #tpu.memory_space<vmem>>
          %dma_wait3A_480 = tpu.memref_squeeze %dma_wait3A_479 : memref<1x32x128xf32, #tpu.memory_space<vmem>> -> memref<32x128xf32, #tpu.memory_space<vmem>>
          %dma_wait3A_481 = arith.constant 0 : i32
          %dma_wait3A_482 = tpu.memref_slice %arg8[%add3A_354, %dma_wait3A_481] : memref<313x32xi32, #tpu.memory_space<vmem>> -> memref<1x32xi32, #tpu.memory_space<vmem>>
          %dma_wait3A_483 = tpu.memref_squeeze %dma_wait3A_482 : memref<1x32xi32, #tpu.memory_space<vmem>> -> memref<32xi32, #tpu.memory_space<vmem>>
          %dma_wait3A_484 = arith.constant 0 : i32
          %dma_wait3A_485 = arith.constant 0 : i32
          %dma_wait3A_486 = tpu.memref_slice %arg4[%dma_wait3A_484, %dma_wait3A_485] : memref<10240x128xf32, #tpu.memory_space<hbm>> -> memref<10240x128xf32, #tpu.memory_space<hbm>>
          tpu.wait_indirect_dma semaphore(%arg12 : memref<!tpu.dma_semaphore, #tpu.memory_space<semaphore_mem>>) src(%dma_wait3A_486 : memref<10240x128xf32, #tpu.memory_space<hbm>>) dst(%dma_wait3A_480 : memref<32x128xf32, #tpu.memory_space<vmem>>)
          %run_scoped3A = arith.constant 1 : i32
          "tpu.region"() ({
            %run_scoped3A_487 = tpu.sem_alloc : memref<!tpu.dma_semaphore, #tpu.memory_space<semaphore_mem>>
            %dma_start3A_488 = arith.constant 0 : i32
            %dma_start3A_489 = arith.constant 0 : i32
            %dma_start3A_490 = tpu.memref_slice %arg10[%run_scoped3A, %dma_start3A_488, %dma_start3A_489] : memref<7x32x128xf32, #tpu.memory_space<vmem>> -> memref<1x32x128xf32, #tpu.memory_space<vmem>>
            %dma_start3A_491 = tpu.memref_squeeze %dma_start3A_490 : memref<1x32x128xf32, #tpu.memory_space<vmem>> -> memref<32x128xf32, #tpu.memory_space<vmem>>
            %dma_start3A_492 = arith.constant 0 : i32
            %dma_start3A_493 = tpu.memref_slice %arg9[%add3A_354, %dma_start3A_492] : memref<313x32xi32, #tpu.memory_space<vmem>> -> memref<1x32xi32, #tpu.memory_space<vmem>>
            %dma_start3A_494 = tpu.memref_squeeze %dma_start3A_493 : memref<1x32xi32, #tpu.memory_space<vmem>> -> memref<32xi32, #tpu.memory_space<vmem>>
            %dma_start3A_495 = arith.constant 0 : i32
            %dma_start3A_496 = arith.constant 0 : i32
            %dma_start3A_497 = tpu.memref_slice %arg18[%dma_start3A_495, %dma_start3A_496] : memref<10240x128xf32, #tpu.memory_space<vmem_shared>> -> memref<10240x128xf32, #tpu.memory_space<vmem_shared>>
            tpu.enqueue_indirect_dma source(%dma_start3A_491 : memref<32x128xf32, #tpu.memory_space<vmem>>) target(%dma_start3A_497 : memref<10240x128xf32, #tpu.memory_space<vmem_shared>>) offsets(%dma_start3A_494 : memref<32xi32, #tpu.memory_space<vmem>>) semaphore(%run_scoped3A_487 : memref<!tpu.dma_semaphore, #tpu.memory_space<semaphore_mem>>) {add = true}
            %dma_wait3A_498 = arith.constant 0 : i32
            %dma_wait3A_499 = arith.constant 0 : i32
            %dma_wait3A_500 = tpu.memref_slice %arg10[%run_scoped3A, %dma_wait3A_498, %dma_wait3A_499] : memref<7x32x128xf32, #tpu.memory_space<vmem>> -> memref<1x32x128xf32, #tpu.memory_space<vmem>>
            %dma_wait3A_501 = tpu.memref_squeeze %dma_wait3A_500 : memref<1x32x128xf32, #tpu.memory_space<vmem>> -> memref<32x128xf32, #tpu.memory_space<vmem>>
            %dma_wait3A_502 = arith.constant 0 : i32
            %dma_wait3A_503 = tpu.memref_slice %arg9[%add3A_354, %dma_wait3A_502] : memref<313x32xi32, #tpu.memory_space<vmem>> -> memref<1x32xi32, #tpu.memory_space<vmem>>
            %dma_wait3A_504 = tpu.memref_squeeze %dma_wait3A_503 : memref<1x32xi32, #tpu.memory_space<vmem>> -> memref<32xi32, #tpu.memory_space<vmem>>
            %dma_wait3A_505 = arith.constant 0 : i32
            %dma_wait3A_506 = arith.constant 0 : i32
            %dma_wait3A_507 = tpu.memref_slice %arg18[%dma_wait3A_505, %dma_wait3A_506] : memref<10240x128xf32, #tpu.memory_space<vmem_shared>> -> memref<10240x128xf32, #tpu.memory_space<vmem_shared>>
            tpu.wait_indirect_dma semaphore(%run_scoped3A_487 : memref<!tpu.dma_semaphore, #tpu.memory_space<semaphore_mem>>) src(%dma_wait3A_501 : memref<32x128xf32, #tpu.memory_space<vmem>>) dst(%dma_wait3A_507 : memref<10240x128xf32, #tpu.memory_space<vmem_shared>>)
            tpu.yield
          }) : () -> ()
        } else {
        }
        %add3A_360 = arith.constant 7 : i32
        %add3A_361 = arith.addi %add3A_354, %add3A_360 : i32
        %sub3A_362 = arith.constant 1 : i32
        %sub3A_363 = arith.subi %add3A_361, %sub3A_362 : i32
        %ge3A_364 = arith.constant 1 : i32
        %ge3A_365 = arith.cmpi sge, %add3A_354, %ge3A_364 : i32
        %lt3A_366 = arith.constant 313 : i32
        %lt3A_367 = arith.cmpi slt, %sub3A_363, %lt3A_366 : i32
        %and3A_368 = arith.andi %ge3A_365, %lt3A_367 : i1
        %convert_element_type3A_369 = arith.extui %and3A_368 : i1 to i32
        %cond3A_370 = arith.constant 0 : i32
        %cond3A_371 = arith.cmpi ne, %convert_element_type3A_369, %cond3A_370 : i32
        scf.if %cond3A_371 {
          %get3A_477 = arith.index_cast %sub3A_363 : i32 to index
          %get3A_478 = arith.constant 0 : index
          %get3A_479 = tpu.vector_load %arg8[%get3A_477, %get3A_478] {strides = array<i32>} : memref<313x32xi32, #tpu.memory_space<vmem>>, vector<16xi32>,
          %get3A_480 = arith.index_cast %sub3A_363 : i32 to index
          %get3A_481 = arith.constant 0 : index
          %get3A_482 = tpu.vector_load %arg9[%get3A_480, %get3A_481] {strides = array<i32>} : memref<313x32xi32, #tpu.memory_space<vmem>>, vector<16xi32>,
          %eq3A_483 = arith.cmpi eq, %get3A_479, %get3A_482 : vector<16xi32>
          %jit3A_484 = arith.constant 10000 : i32
          %broadcast_in_dim3A_485 = vector.broadcast %jit3A_484 : i32 to vector<16xi32>
          %select_n3A_486 = arith.select %eq3A_483, %broadcast_in_dim3A_485, %get3A_479 : vector<16xi1>, vector<16xi32>
          %swap3A_487 = arith.index_cast %sub3A_363 : i32 to index
          %swap3A_488 = arith.constant 0 : index
          %swap3A_489 = tpu.vector_load %arg8[%swap3A_487, %swap3A_488] {strides = array<i32>} : memref<313x32xi32, #tpu.memory_space<vmem>>, vector<16xi32>,
          tpu.vector_store %arg8[%swap3A_487, %swap3A_488], %select_n3A_486 {strides = array<i32>} : memref<313x32xi32, #tpu.memory_space<vmem>>, vector<16xi32>,
          %get3A_490 = arith.index_cast %sub3A_363 : i32 to index
          %get3A_491 = arith.constant 16 : index
          %get3A_492 = tpu.vector_load %arg8[%get3A_490, %get3A_491] {strides = array<i32>} : memref<313x32xi32, #tpu.memory_space<vmem>>, vector<16xi32>,
          %get3A_493 = arith.index_cast %sub3A_363 : i32 to index
          %get3A_494 = arith.constant 16 : index
          %get3A_495 = tpu.vector_load %arg9[%get3A_493, %get3A_494] {strides = array<i32>} : memref<313x32xi32, #tpu.memory_space<vmem>>, vector<16xi32>,
          %eq3A_496 = arith.cmpi eq, %get3A_492, %get3A_495 : vector<16xi32>
          %jit3A_497 = arith.constant 10000 : i32
          %broadcast_in_dim3A_498 = vector.broadcast %jit3A_497 : i32 to vector<16xi32>
          %select_n3A_499 = arith.select %eq3A_496, %broadcast_in_dim3A_498, %get3A_492 : vector<16xi1>, vector<16xi32>
          %swap3A_500 = arith.index_cast %sub3A_363 : i32 to index
          %swap3A_501 = arith.constant 16 : index
          %swap3A_502 = tpu.vector_load %arg8[%swap3A_500, %swap3A_501] {strides = array<i32>} : memref<313x32xi32, #tpu.memory_space<vmem>>, vector<16xi32>,
          tpu.vector_store %arg8[%swap3A_500, %swap3A_501], %select_n3A_499 {strides = array<i32>} : memref<313x32xi32, #tpu.memory_space<vmem>>, vector<16xi32>,
          %dma_start3A_503 = arith.constant 0 : i32
          %dma_start3A_504 = arith.constant 0 : i32
          %dma_start3A_505 = arith.constant 0 : i32
          %dma_start3A_506 = tpu.memref_slice %arg10[%dma_start3A_503, %dma_start3A_504, %dma_start3A_505] : memref<7x32x128xf32, #tpu.memory_space<vmem>> -> memref<1x32x128xf32, #tpu.memory_space<vmem>>
          %dma_start3A_507 = tpu.memref_squeeze %dma_start3A_506 : memref<1x32x128xf32, #tpu.memory_space<vmem>> -> memref<32x128xf32, #tpu.memory_space<vmem>>
          %dma_start3A_508 = arith.constant 0 : i32
          %dma_start3A_509 = tpu.memref_slice %arg8[%sub3A_363, %dma_start3A_508] : memref<313x32xi32, #tpu.memory_space<vmem>> -> memref<1x32xi32, #tpu.memory_space<vmem>>
          %dma_start3A_510 = tpu.memref_squeeze %dma_start3A_509 : memref<1x32xi32, #tpu.memory_space<vmem>> -> memref<32xi32, #tpu.memory_space<vmem>>
          %dma_start3A_511 = arith.constant 0 : i32
          %dma_start3A_512 = arith.constant 0 : i32
          %dma_start3A_513 = tpu.memref_slice %arg4[%dma_start3A_511, %dma_start3A_512] : memref<10240x128xf32, #tpu.memory_space<hbm>> -> memref<10240x128xf32, #tpu.memory_space<hbm>>
          tpu.enqueue_indirect_dma source(%dma_start3A_513 : memref<10240x128xf32, #tpu.memory_space<hbm>>) target(%dma_start3A_507 : memref<32x128xf32, #tpu.memory_space<vmem>>) offsets(%dma_start3A_510 : memref<32xi32, #tpu.memory_space<vmem>>) semaphore(%arg11 : memref<!tpu.dma_semaphore, #tpu.memory_space<semaphore_mem>>)
        } else {
        }
        %mul3A_372 = arith.constant 7 : i32
        %mul3A_373 = arith.muli %scan3A_335, %mul3A_372 : i32
        %add3A_374 = arith.constant 2 : i32
        %add3A_375 = arith.addi %mul3A_373, %add3A_374 : i32
        %lt3A_376 = arith.constant 313 : i32
        %lt3A_377 = arith.cmpi slt, %add3A_375, %lt3A_376 : i32
        %convert_element_type3A_378 = arith.extui %lt3A_377 : i1 to i32
        %cond3A_379 = arith.constant 0 : i32
        %cond3A_380 = arith.cmpi ne, %convert_element_type3A_378, %cond3A_379 : i32
        scf.if %cond3A_380 {
          %dma_wait3A = arith.constant 2 : i32
          %dma_wait3A_477 = arith.constant 0 : i32
          %dma_wait3A_478 = arith.constant 0 : i32
          %dma_wait3A_479 = tpu.memref_slice %arg10[%dma_wait3A, %dma_wait3A_477, %dma_wait3A_478] : memref<7x32x128xf32, #tpu.memory_space<vmem>> -> memref<1x32x128xf32, #tpu.memory_space<vmem>>
          %dma_wait3A_480 = tpu.memref_squeeze %dma_wait3A_479 : memref<1x32x128xf32, #tpu.memory_space<vmem>> -> memref<32x128xf32, #tpu.memory_space<vmem>>
          %dma_wait3A_481 = arith.constant 0 : i32
          %dma_wait3A_482 = tpu.memref_slice %arg8[%add3A_375, %dma_wait3A_481] : memref<313x32xi32, #tpu.memory_space<vmem>> -> memref<1x32xi32, #tpu.memory_space<vmem>>
          %dma_wait3A_483 = tpu.memref_squeeze %dma_wait3A_482 : memref<1x32xi32, #tpu.memory_space<vmem>> -> memref<32xi32, #tpu.memory_space<vmem>>
          %dma_wait3A_484 = arith.constant 0 : i32
          %dma_wait3A_485 = arith.constant 0 : i32
          %dma_wait3A_486 = tpu.memref_slice %arg4[%dma_wait3A_484, %dma_wait3A_485] : memref<10240x128xf32, #tpu.memory_space<hbm>> -> memref<10240x128xf32, #tpu.memory_space<hbm>>
          tpu.wait_indirect_dma semaphore(%arg13 : memref<!tpu.dma_semaphore, #tpu.memory_space<semaphore_mem>>) src(%dma_wait3A_486 : memref<10240x128xf32, #tpu.memory_space<hbm>>) dst(%dma_wait3A_480 : memref<32x128xf32, #tpu.memory_space<vmem>>)
          %run_scoped3A = arith.constant 2 : i32
          "tpu.region"() ({
            %run_scoped3A_487 = tpu.sem_alloc : memref<!tpu.dma_semaphore, #tpu.memory_space<semaphore_mem>>
            %dma_start3A_488 = arith.constant 0 : i32
            %dma_start3A_489 = arith.constant 0 : i32
            %dma_start3A_490 = tpu.memref_slice %arg10[%run_scoped3A, %dma_start3A_488, %dma_start3A_489] : memref<7x32x128xf32, #tpu.memory_space<vmem>> -> memref<1x32x128xf32, #tpu.memory_space<vmem>>
            %dma_start3A_491 = tpu.memref_squeeze %dma_start3A_490 : memref<1x32x128xf32, #tpu.memory_space<vmem>> -> memref<32x128xf32, #tpu.memory_space<vmem>>
            %dma_start3A_492 = arith.constant 0 : i32
            %dma_start3A_493 = tpu.memref_slice %arg9[%add3A_375, %dma_start3A_492] : memref<313x32xi32, #tpu.memory_space<vmem>> -> memref<1x32xi32, #tpu.memory_space<vmem>>
            %dma_start3A_494 = tpu.memref_squeeze %dma_start3A_493 : memref<1x32xi32, #tpu.memory_space<vmem>> -> memref<32xi32, #tpu.memory_space<vmem>>
            %dma_start3A_495 = arith.constant 0 : i32
            %dma_start3A_496 = arith.constant 0 : i32
            %dma_start3A_497 = tpu.memref_slice %arg18[%dma_start3A_495, %dma_start3A_496] : memref<10240x128xf32, #tpu.memory_space<vmem_shared>> -> memref<10240x128xf32, #tpu.memory_space<vmem_shared>>
            tpu.enqueue_indirect_dma source(%dma_start3A_491 : memref<32x128xf32, #tpu.memory_space<vmem>>) target(%dma_start3A_497 : memref<10240x128xf32, #tpu.memory_space<vmem_shared>>) offsets(%dma_start3A_494 : memref<32xi32, #tpu.memory_space<vmem>>) semaphore(%run_scoped3A_487 : memref<!tpu.dma_semaphore, #tpu.memory_space<semaphore_mem>>) {add = true}
            %dma_wait3A_498 = arith.constant 0 : i32
            %dma_wait3A_499 = arith.constant 0 : i32
            %dma_wait3A_500 = tpu.memref_slice %arg10[%run_scoped3A, %dma_wait3A_498, %dma_wait3A_499] : memref<7x32x128xf32, #tpu.memory_space<vmem>> -> memref<1x32x128xf32, #tpu.memory_space<vmem>>
            %dma_wait3A_501 = tpu.memref_squeeze %dma_wait3A_500 : memref<1x32x128xf32, #tpu.memory_space<vmem>> -> memref<32x128xf32, #tpu.memory_space<vmem>>
            %dma_wait3A_502 = arith.constant 0 : i32
            %dma_wait3A_503 = tpu.memref_slice %arg9[%add3A_375, %dma_wait3A_502] : memref<313x32xi32, #tpu.memory_space<vmem>> -> memref<1x32xi32, #tpu.memory_space<vmem>>
            %dma_wait3A_504 = tpu.memref_squeeze %dma_wait3A_503 : memref<1x32xi32, #tpu.memory_space<vmem>> -> memref<32xi32, #tpu.memory_space<vmem>>
            %dma_wait3A_505 = arith.constant 0 : i32
            %dma_wait3A_506 = arith.constant 0 : i32
            %dma_wait3A_507 = tpu.memref_slice %arg18[%dma_wait3A_505, %dma_wait3A_506] : memref<10240x128xf32, #tpu.memory_space<vmem_shared>> -> memref<10240x128xf32, #tpu.memory_space<vmem_shared>>
            tpu.wait_indirect_dma semaphore(%run_scoped3A_487 : memref<!tpu.dma_semaphore, #tpu.memory_space<semaphore_mem>>) src(%dma_wait3A_501 : memref<32x128xf32, #tpu.memory_space<vmem>>) dst(%dma_wait3A_507 : memref<10240x128xf32, #tpu.memory_space<vmem_shared>>)
            tpu.yield
          }) : () -> ()
        } else {
        }
        %add3A_381 = arith.constant 7 : i32
        %add3A_382 = arith.addi %add3A_375, %add3A_381 : i32
        %sub3A_383 = arith.constant 1 : i32
        %sub3A_384 = arith.subi %add3A_382, %sub3A_383 : i32
        %ge3A_385 = arith.constant 1 : i32
        %ge3A_386 = arith.cmpi sge, %add3A_375, %ge3A_385 : i32
        %lt3A_387 = arith.constant 313 : i32
        %lt3A_388 = arith.cmpi slt, %sub3A_384, %lt3A_387 : i32
        %and3A_389 = arith.andi %ge3A_386, %lt3A_388 : i1
        %convert_element_type3A_390 = arith.extui %and3A_389 : i1 to i32
        %cond3A_391 = arith.constant 0 : i32
        %cond3A_392 = arith.cmpi ne, %convert_element_type3A_390, %cond3A_391 : i32
        scf.if %cond3A_392 {
          %get3A_477 = arith.index_cast %sub3A_384 : i32 to index
          %get3A_478 = arith.constant 0 : index
          %get3A_479 = tpu.vector_load %arg8[%get3A_477, %get3A_478] {strides = array<i32>} : memref<313x32xi32, #tpu.memory_space<vmem>>, vector<16xi32>,
          %get3A_480 = arith.index_cast %sub3A_384 : i32 to index
          %get3A_481 = arith.constant 0 : index
          %get3A_482 = tpu.vector_load %arg9[%get3A_480, %get3A_481] {strides = array<i32>} : memref<313x32xi32, #tpu.memory_space<vmem>>, vector<16xi32>,
          %eq3A_483 = arith.cmpi eq, %get3A_479, %get3A_482 : vector<16xi32>
          %jit3A_484 = arith.constant 10000 : i32
          %broadcast_in_dim3A_485 = vector.broadcast %jit3A_484 : i32 to vector<16xi32>
          %select_n3A_486 = arith.select %eq3A_483, %broadcast_in_dim3A_485, %get3A_479 : vector<16xi1>, vector<16xi32>
          %swap3A_487 = arith.index_cast %sub3A_384 : i32 to index
          %swap3A_488 = arith.constant 0 : index
          %swap3A_489 = tpu.vector_load %arg8[%swap3A_487, %swap3A_488] {strides = array<i32>} : memref<313x32xi32, #tpu.memory_space<vmem>>, vector<16xi32>,
          tpu.vector_store %arg8[%swap3A_487, %swap3A_488], %select_n3A_486 {strides = array<i32>} : memref<313x32xi32, #tpu.memory_space<vmem>>, vector<16xi32>,
          %get3A_490 = arith.index_cast %sub3A_384 : i32 to index
          %get3A_491 = arith.constant 16 : index
          %get3A_492 = tpu.vector_load %arg8[%get3A_490, %get3A_491] {strides = array<i32>} : memref<313x32xi32, #tpu.memory_space<vmem>>, vector<16xi32>,
          %get3A_493 = arith.index_cast %sub3A_384 : i32 to index
          %get3A_494 = arith.constant 16 : index
          %get3A_495 = tpu.vector_load %arg9[%get3A_493, %get3A_494] {strides = array<i32>} : memref<313x32xi32, #tpu.memory_space<vmem>>, vector<16xi32>,
          %eq3A_496 = arith.cmpi eq, %get3A_492, %get3A_495 : vector<16xi32>
          %jit3A_497 = arith.constant 10000 : i32
          %broadcast_in_dim3A_498 = vector.broadcast %jit3A_497 : i32 to vector<16xi32>
          %select_n3A_499 = arith.select %eq3A_496, %broadcast_in_dim3A_498, %get3A_492 : vector<16xi1>, vector<16xi32>
          %swap3A_500 = arith.index_cast %sub3A_384 : i32 to index
          %swap3A_501 = arith.constant 16 : index
          %swap3A_502 = tpu.vector_load %arg8[%swap3A_500, %swap3A_501] {strides = array<i32>} : memref<313x32xi32, #tpu.memory_space<vmem>>, vector<16xi32>,
          tpu.vector_store %arg8[%swap3A_500, %swap3A_501], %select_n3A_499 {strides = array<i32>} : memref<313x32xi32, #tpu.memory_space<vmem>>, vector<16xi32>,
          %dma_start3A_503 = arith.constant 1 : i32
          %dma_start3A_504 = arith.constant 0 : i32
          %dma_start3A_505 = arith.constant 0 : i32
          %dma_start3A_506 = tpu.memref_slice %arg10[%dma_start3A_503, %dma_start3A_504, %dma_start3A_505] : memref<7x32x128xf32, #tpu.memory_space<vmem>> -> memref<1x32x128xf32, #tpu.memory_space<vmem>>
          %dma_start3A_507 = tpu.memref_squeeze %dma_start3A_506 : memref<1x32x128xf32, #tpu.memory_space<vmem>> -> memref<32x128xf32, #tpu.memory_space<vmem>>
          %dma_start3A_508 = arith.constant 0 : i32
          %dma_start3A_509 = tpu.memref_slice %arg8[%sub3A_384, %dma_start3A_508] : memref<313x32xi32, #tpu.memory_space<vmem>> -> memref<1x32xi32, #tpu.memory_space<vmem>>
          %dma_start3A_510 = tpu.memref_squeeze %dma_start3A_509 : memref<1x32xi32, #tpu.memory_space<vmem>> -> memref<32xi32, #tpu.memory_space<vmem>>
          %dma_start3A_511 = arith.constant 0 : i32
          %dma_start3A_512 = arith.constant 0 : i32
          %dma_start3A_513 = tpu.memref_slice %arg4[%dma_start3A_511, %dma_start3A_512] : memref<10240x128xf32, #tpu.memory_space<hbm>> -> memref<10240x128xf32, #tpu.memory_space<hbm>>
          tpu.enqueue_indirect_dma source(%dma_start3A_513 : memref<10240x128xf32, #tpu.memory_space<hbm>>) target(%dma_start3A_507 : memref<32x128xf32, #tpu.memory_space<vmem>>) offsets(%dma_start3A_510 : memref<32xi32, #tpu.memory_space<vmem>>) semaphore(%arg12 : memref<!tpu.dma_semaphore, #tpu.memory_space<semaphore_mem>>)
        } else {
        }
        %mul3A_393 = arith.constant 7 : i32
        %mul3A_394 = arith.muli %scan3A_335, %mul3A_393 : i32
        %add3A_395 = arith.constant 3 : i32
        %add3A_396 = arith.addi %mul3A_394, %add3A_395 : i32
        %lt3A_397 = arith.constant 313 : i32
        %lt3A_398 = arith.cmpi slt, %add3A_396, %lt3A_397 : i32
        %convert_element_type3A_399 = arith.extui %lt3A_398 : i1 to i32
        %cond3A_400 = arith.constant 0 : i32
        %cond3A_401 = arith.cmpi ne, %convert_element_type3A_399, %cond3A_400 : i32
        scf.if %cond3A_401 {
          %dma_wait3A = arith.constant 3 : i32
          %dma_wait3A_477 = arith.constant 0 : i32
          %dma_wait3A_478 = arith.constant 0 : i32
          %dma_wait3A_479 = tpu.memref_slice %arg10[%dma_wait3A, %dma_wait3A_477, %dma_wait3A_478] : memref<7x32x128xf32, #tpu.memory_space<vmem>> -> memref<1x32x128xf32, #tpu.memory_space<vmem>>
          %dma_wait3A_480 = tpu.memref_squeeze %dma_wait3A_479 : memref<1x32x128xf32, #tpu.memory_space<vmem>> -> memref<32x128xf32, #tpu.memory_space<vmem>>
          %dma_wait3A_481 = arith.constant 0 : i32
          %dma_wait3A_482 = tpu.memref_slice %arg8[%add3A_396, %dma_wait3A_481] : memref<313x32xi32, #tpu.memory_space<vmem>> -> memref<1x32xi32, #tpu.memory_space<vmem>>
          %dma_wait3A_483 = tpu.memref_squeeze %dma_wait3A_482 : memref<1x32xi32, #tpu.memory_space<vmem>> -> memref<32xi32, #tpu.memory_space<vmem>>
          %dma_wait3A_484 = arith.constant 0 : i32
          %dma_wait3A_485 = arith.constant 0 : i32
          %dma_wait3A_486 = tpu.memref_slice %arg4[%dma_wait3A_484, %dma_wait3A_485] : memref<10240x128xf32, #tpu.memory_space<hbm>> -> memref<10240x128xf32, #tpu.memory_space<hbm>>
          tpu.wait_indirect_dma semaphore(%arg14 : memref<!tpu.dma_semaphore, #tpu.memory_space<semaphore_mem>>) src(%dma_wait3A_486 : memref<10240x128xf32, #tpu.memory_space<hbm>>) dst(%dma_wait3A_480 : memref<32x128xf32, #tpu.memory_space<vmem>>)
          %run_scoped3A = arith.constant 3 : i32
          "tpu.region"() ({
            %run_scoped3A_487 = tpu.sem_alloc : memref<!tpu.dma_semaphore, #tpu.memory_space<semaphore_mem>>
            %dma_start3A_488 = arith.constant 0 : i32
            %dma_start3A_489 = arith.constant 0 : i32
            %dma_start3A_490 = tpu.memref_slice %arg10[%run_scoped3A, %dma_start3A_488, %dma_start3A_489] : memref<7x32x128xf32, #tpu.memory_space<vmem>> -> memref<1x32x128xf32, #tpu.memory_space<vmem>>
            %dma_start3A_491 = tpu.memref_squeeze %dma_start3A_490 : memref<1x32x128xf32, #tpu.memory_space<vmem>> -> memref<32x128xf32, #tpu.memory_space<vmem>>
            %dma_start3A_492 = arith.constant 0 : i32
            %dma_start3A_493 = tpu.memref_slice %arg9[%add3A_396, %dma_start3A_492] : memref<313x32xi32, #tpu.memory_space<vmem>> -> memref<1x32xi32, #tpu.memory_space<vmem>>
            %dma_start3A_494 = tpu.memref_squeeze %dma_start3A_493 : memref<1x32xi32, #tpu.memory_space<vmem>> -> memref<32xi32, #tpu.memory_space<vmem>>
            %dma_start3A_495 = arith.constant 0 : i32
            %dma_start3A_496 = arith.constant 0 : i32
            %dma_start3A_497 = tpu.memref_slice %arg18[%dma_start3A_495, %dma_start3A_496] : memref<10240x128xf32, #tpu.memory_space<vmem_shared>> -> memref<10240x128xf32, #tpu.memory_space<vmem_shared>>
            tpu.enqueue_indirect_dma source(%dma_start3A_491 : memref<32x128xf32, #tpu.memory_space<vmem>>) target(%dma_start3A_497 : memref<10240x128xf32, #tpu.memory_space<vmem_shared>>) offsets(%dma_start3A_494 : memref<32xi32, #tpu.memory_space<vmem>>) semaphore(%run_scoped3A_487 : memref<!tpu.dma_semaphore, #tpu.memory_space<semaphore_mem>>) {add = true}
            %dma_wait3A_498 = arith.constant 0 : i32
            %dma_wait3A_499 = arith.constant 0 : i32
            %dma_wait3A_500 = tpu.memref_slice %arg10[%run_scoped3A, %dma_wait3A_498, %dma_wait3A_499] : memref<7x32x128xf32, #tpu.memory_space<vmem>> -> memref<1x32x128xf32, #tpu.memory_space<vmem>>
            %dma_wait3A_501 = tpu.memref_squeeze %dma_wait3A_500 : memref<1x32x128xf32, #tpu.memory_space<vmem>> -> memref<32x128xf32, #tpu.memory_space<vmem>>
            %dma_wait3A_502 = arith.constant 0 : i32
            %dma_wait3A_503 = tpu.memref_slice %arg9[%add3A_396, %dma_wait3A_502] : memref<313x32xi32, #tpu.memory_space<vmem>> -> memref<1x32xi32, #tpu.memory_space<vmem>>
            %dma_wait3A_504 = tpu.memref_squeeze %dma_wait3A_503 : memref<1x32xi32, #tpu.memory_space<vmem>> -> memref<32xi32, #tpu.memory_space<vmem>>
            %dma_wait3A_505 = arith.constant 0 : i32
            %dma_wait3A_506 = arith.constant 0 : i32
            %dma_wait3A_507 = tpu.memref_slice %arg18[%dma_wait3A_505, %dma_wait3A_506] : memref<10240x128xf32, #tpu.memory_space<vmem_shared>> -> memref<10240x128xf32, #tpu.memory_space<vmem_shared>>
            tpu.wait_indirect_dma semaphore(%run_scoped3A_487 : memref<!tpu.dma_semaphore, #tpu.memory_space<semaphore_mem>>) src(%dma_wait3A_501 : memref<32x128xf32, #tpu.memory_space<vmem>>) dst(%dma_wait3A_507 : memref<10240x128xf32, #tpu.memory_space<vmem_shared>>)
            tpu.yield
          }) : () -> ()
        } else {
        }
        %add3A_402 = arith.constant 7 : i32
        %add3A_403 = arith.addi %add3A_396, %add3A_402 : i32
        %sub3A_404 = arith.constant 1 : i32
        %sub3A_405 = arith.subi %add3A_403, %sub3A_404 : i32
        %ge3A_406 = arith.constant 1 : i32
        %ge3A_407 = arith.cmpi sge, %add3A_396, %ge3A_406 : i32
        %lt3A_408 = arith.constant 313 : i32
        %lt3A_409 = arith.cmpi slt, %sub3A_405, %lt3A_408 : i32
        %and3A_410 = arith.andi %ge3A_407, %lt3A_409 : i1
        %convert_element_type3A_411 = arith.extui %and3A_410 : i1 to i32
        %cond3A_412 = arith.constant 0 : i32
        %cond3A_413 = arith.cmpi ne, %convert_element_type3A_411, %cond3A_412 : i32
        scf.if %cond3A_413 {
          %get3A_477 = arith.index_cast %sub3A_405 : i32 to index
          %get3A_478 = arith.constant 0 : index
          %get3A_479 = tpu.vector_load %arg8[%get3A_477, %get3A_478] {strides = array<i32>} : memref<313x32xi32, #tpu.memory_space<vmem>>, vector<16xi32>,
          %get3A_480 = arith.index_cast %sub3A_405 : i32 to index
          %get3A_481 = arith.constant 0 : index
          %get3A_482 = tpu.vector_load %arg9[%get3A_480, %get3A_481] {strides = array<i32>} : memref<313x32xi32, #tpu.memory_space<vmem>>, vector<16xi32>,
          %eq3A_483 = arith.cmpi eq, %get3A_479, %get3A_482 : vector<16xi32>
          %jit3A_484 = arith.constant 10000 : i32
          %broadcast_in_dim3A_485 = vector.broadcast %jit3A_484 : i32 to vector<16xi32>
          %select_n3A_486 = arith.select %eq3A_483, %broadcast_in_dim3A_485, %get3A_479 : vector<16xi1>, vector<16xi32>
          %swap3A_487 = arith.index_cast %sub3A_405 : i32 to index
          %swap3A_488 = arith.constant 0 : index
          %swap3A_489 = tpu.vector_load %arg8[%swap3A_487, %swap3A_488] {strides = array<i32>} : memref<313x32xi32, #tpu.memory_space<vmem>>, vector<16xi32>,
          tpu.vector_store %arg8[%swap3A_487, %swap3A_488], %select_n3A_486 {strides = array<i32>} : memref<313x32xi32, #tpu.memory_space<vmem>>, vector<16xi32>,
          %get3A_490 = arith.index_cast %sub3A_405 : i32 to index
          %get3A_491 = arith.constant 16 : index
          %get3A_492 = tpu.vector_load %arg8[%get3A_490, %get3A_491] {strides = array<i32>} : memref<313x32xi32, #tpu.memory_space<vmem>>, vector<16xi32>,
          %get3A_493 = arith.index_cast %sub3A_405 : i32 to index
          %get3A_494 = arith.constant 16 : index
          %get3A_495 = tpu.vector_load %arg9[%get3A_493, %get3A_494] {strides = array<i32>} : memref<313x32xi32, #tpu.memory_space<vmem>>, vector<16xi32>,
          %eq3A_496 = arith.cmpi eq, %get3A_492, %get3A_495 : vector<16xi32>
          %jit3A_497 = arith.constant 10000 : i32
          %broadcast_in_dim3A_498 = vector.broadcast %jit3A_497 : i32 to vector<16xi32>
          %select_n3A_499 = arith.select %eq3A_496, %broadcast_in_dim3A_498, %get3A_492 : vector<16xi1>, vector<16xi32>
          %swap3A_500 = arith.index_cast %sub3A_405 : i32 to index
          %swap3A_501 = arith.constant 16 : index
          %swap3A_502 = tpu.vector_load %arg8[%swap3A_500, %swap3A_501] {strides = array<i32>} : memref<313x32xi32, #tpu.memory_space<vmem>>, vector<16xi32>,
          tpu.vector_store %arg8[%swap3A_500, %swap3A_501], %select_n3A_499 {strides = array<i32>} : memref<313x32xi32, #tpu.memory_space<vmem>>, vector<16xi32>,
          %dma_start3A_503 = arith.constant 2 : i32
          %dma_start3A_504 = arith.constant 0 : i32
          %dma_start3A_505 = arith.constant 0 : i32
          %dma_start3A_506 = tpu.memref_slice %arg10[%dma_start3A_503, %dma_start3A_504, %dma_start3A_505] : memref<7x32x128xf32, #tpu.memory_space<vmem>> -> memref<1x32x128xf32, #tpu.memory_space<vmem>>
          %dma_start3A_507 = tpu.memref_squeeze %dma_start3A_506 : memref<1x32x128xf32, #tpu.memory_space<vmem>> -> memref<32x128xf32, #tpu.memory_space<vmem>>
          %dma_start3A_508 = arith.constant 0 : i32
          %dma_start3A_509 = tpu.memref_slice %arg8[%sub3A_405, %dma_start3A_508] : memref<313x32xi32, #tpu.memory_space<vmem>> -> memref<1x32xi32, #tpu.memory_space<vmem>>
          %dma_start3A_510 = tpu.memref_squeeze %dma_start3A_509 : memref<1x32xi32, #tpu.memory_space<vmem>> -> memref<32xi32, #tpu.memory_space<vmem>>
          %dma_start3A_511 = arith.constant 0 : i32
          %dma_start3A_512 = arith.constant 0 : i32
          %dma_start3A_513 = tpu.memref_slice %arg4[%dma_start3A_511, %dma_start3A_512] : memref<10240x128xf32, #tpu.memory_space<hbm>> -> memref<10240x128xf32, #tpu.memory_space<hbm>>
          tpu.enqueue_indirect_dma source(%dma_start3A_513 : memref<10240x128xf32, #tpu.memory_space<hbm>>) target(%dma_start3A_507 : memref<32x128xf32, #tpu.memory_space<vmem>>) offsets(%dma_start3A_510 : memref<32xi32, #tpu.memory_space<vmem>>) semaphore(%arg13 : memref<!tpu.dma_semaphore, #tpu.memory_space<semaphore_mem>>)
        } else {
        }
        %mul3A_414 = arith.constant 7 : i32
        %mul3A_415 = arith.muli %scan3A_335, %mul3A_414 : i32
        %add3A_416 = arith.constant 4 : i32
        %add3A_417 = arith.addi %mul3A_415, %add3A_416 : i32
        %lt3A_418 = arith.constant 313 : i32
        %lt3A_419 = arith.cmpi slt, %add3A_417, %lt3A_418 : i32
        %convert_element_type3A_420 = arith.extui %lt3A_419 : i1 to i32
        %cond3A_421 = arith.constant 0 : i32
        %cond3A_422 = arith.cmpi ne, %convert_element_type3A_420, %cond3A_421 : i32
        scf.if %cond3A_422 {
          %dma_wait3A = arith.constant 4 : i32
          %dma_wait3A_477 = arith.constant 0 : i32
          %dma_wait3A_478 = arith.constant 0 : i32
          %dma_wait3A_479 = tpu.memref_slice %arg10[%dma_wait3A, %dma_wait3A_477, %dma_wait3A_478] : memref<7x32x128xf32, #tpu.memory_space<vmem>> -> memref<1x32x128xf32, #tpu.memory_space<vmem>>
          %dma_wait3A_480 = tpu.memref_squeeze %dma_wait3A_479 : memref<1x32x128xf32, #tpu.memory_space<vmem>> -> memref<32x128xf32, #tpu.memory_space<vmem>>
          %dma_wait3A_481 = arith.constant 0 : i32
          %dma_wait3A_482 = tpu.memref_slice %arg8[%add3A_417, %dma_wait3A_481] : memref<313x32xi32, #tpu.memory_space<vmem>> -> memref<1x32xi32, #tpu.memory_space<vmem>>
          %dma_wait3A_483 = tpu.memref_squeeze %dma_wait3A_482 : memref<1x32xi32, #tpu.memory_space<vmem>> -> memref<32xi32, #tpu.memory_space<vmem>>
          %dma_wait3A_484 = arith.constant 0 : i32
          %dma_wait3A_485 = arith.constant 0 : i32
          %dma_wait3A_486 = tpu.memref_slice %arg4[%dma_wait3A_484, %dma_wait3A_485] : memref<10240x128xf32, #tpu.memory_space<hbm>> -> memref<10240x128xf32, #tpu.memory_space<hbm>>
          tpu.wait_indirect_dma semaphore(%arg15 : memref<!tpu.dma_semaphore, #tpu.memory_space<semaphore_mem>>) src(%dma_wait3A_486 : memref<10240x128xf32, #tpu.memory_space<hbm>>) dst(%dma_wait3A_480 : memref<32x128xf32, #tpu.memory_space<vmem>>)
          %run_scoped3A = arith.constant 4 : i32
          "tpu.region"() ({
            %run_scoped3A_487 = tpu.sem_alloc : memref<!tpu.dma_semaphore, #tpu.memory_space<semaphore_mem>>
            %dma_start3A_488 = arith.constant 0 : i32
            %dma_start3A_489 = arith.constant 0 : i32
            %dma_start3A_490 = tpu.memref_slice %arg10[%run_scoped3A, %dma_start3A_488, %dma_start3A_489] : memref<7x32x128xf32, #tpu.memory_space<vmem>> -> memref<1x32x128xf32, #tpu.memory_space<vmem>>
            %dma_start3A_491 = tpu.memref_squeeze %dma_start3A_490 : memref<1x32x128xf32, #tpu.memory_space<vmem>> -> memref<32x128xf32, #tpu.memory_space<vmem>>
            %dma_start3A_492 = arith.constant 0 : i32
            %dma_start3A_493 = tpu.memref_slice %arg9[%add3A_417, %dma_start3A_492] : memref<313x32xi32, #tpu.memory_space<vmem>> -> memref<1x32xi32, #tpu.memory_space<vmem>>
            %dma_start3A_494 = tpu.memref_squeeze %dma_start3A_493 : memref<1x32xi32, #tpu.memory_space<vmem>> -> memref<32xi32, #tpu.memory_space<vmem>>
            %dma_start3A_495 = arith.constant 0 : i32
            %dma_start3A_496 = arith.constant 0 : i32
            %dma_start3A_497 = tpu.memref_slice %arg18[%dma_start3A_495, %dma_start3A_496] : memref<10240x128xf32, #tpu.memory_space<vmem_shared>> -> memref<10240x128xf32, #tpu.memory_space<vmem_shared>>
            tpu.enqueue_indirect_dma source(%dma_start3A_491 : memref<32x128xf32, #tpu.memory_space<vmem>>) target(%dma_start3A_497 : memref<10240x128xf32, #tpu.memory_space<vmem_shared>>) offsets(%dma_start3A_494 : memref<32xi32, #tpu.memory_space<vmem>>) semaphore(%run_scoped3A_487 : memref<!tpu.dma_semaphore, #tpu.memory_space<semaphore_mem>>) {add = true}
            %dma_wait3A_498 = arith.constant 0 : i32
            %dma_wait3A_499 = arith.constant 0 : i32
            %dma_wait3A_500 = tpu.memref_slice %arg10[%run_scoped3A, %dma_wait3A_498, %dma_wait3A_499] : memref<7x32x128xf32, #tpu.memory_space<vmem>> -> memref<1x32x128xf32, #tpu.memory_space<vmem>>
            %dma_wait3A_501 = tpu.memref_squeeze %dma_wait3A_500 : memref<1x32x128xf32, #tpu.memory_space<vmem>> -> memref<32x128xf32, #tpu.memory_space<vmem>>
            %dma_wait3A_502 = arith.constant 0 : i32
            %dma_wait3A_503 = tpu.memref_slice %arg9[%add3A_417, %dma_wait3A_502] : memref<313x32xi32, #tpu.memory_space<vmem>> -> memref<1x32xi32, #tpu.memory_space<vmem>>
            %dma_wait3A_504 = tpu.memref_squeeze %dma_wait3A_503 : memref<1x32xi32, #tpu.memory_space<vmem>> -> memref<32xi32, #tpu.memory_space<vmem>>
            %dma_wait3A_505 = arith.constant 0 : i32
            %dma_wait3A_506 = arith.constant 0 : i32
            %dma_wait3A_507 = tpu.memref_slice %arg18[%dma_wait3A_505, %dma_wait3A_506] : memref<10240x128xf32, #tpu.memory_space<vmem_shared>> -> memref<10240x128xf32, #tpu.memory_space<vmem_shared>>
            tpu.wait_indirect_dma semaphore(%run_scoped3A_487 : memref<!tpu.dma_semaphore, #tpu.memory_space<semaphore_mem>>) src(%dma_wait3A_501 : memref<32x128xf32, #tpu.memory_space<vmem>>) dst(%dma_wait3A_507 : memref<10240x128xf32, #tpu.memory_space<vmem_shared>>)
            tpu.yield
          }) : () -> ()
        } else {
        }
        %add3A_423 = arith.constant 7 : i32
        %add3A_424 = arith.addi %add3A_417, %add3A_423 : i32
        %sub3A_425 = arith.constant 1 : i32
        %sub3A_426 = arith.subi %add3A_424, %sub3A_425 : i32
        %ge3A_427 = arith.constant 1 : i32
        %ge3A_428 = arith.cmpi sge, %add3A_417, %ge3A_427 : i32
        %lt3A_429 = arith.constant 313 : i32
        %lt3A_430 = arith.cmpi slt, %sub3A_426, %lt3A_429 : i32
        %and3A_431 = arith.andi %ge3A_428, %lt3A_430 : i1
        %convert_element_type3A_432 = arith.extui %and3A_431 : i1 to i32
        %cond3A_433 = arith.constant 0 : i32
        %cond3A_434 = arith.cmpi ne, %convert_element_type3A_432, %cond3A_433 : i32
        scf.if %cond3A_434 {
          %get3A_477 = arith.index_cast %sub3A_426 : i32 to index
          %get3A_478 = arith.constant 0 : index
          %get3A_479 = tpu.vector_load %arg8[%get3A_477, %get3A_478] {strides = array<i32>} : memref<313x32xi32, #tpu.memory_space<vmem>>, vector<16xi32>,
          %get3A_480 = arith.index_cast %sub3A_426 : i32 to index
          %get3A_481 = arith.constant 0 : index
          %get3A_482 = tpu.vector_load %arg9[%get3A_480, %get3A_481] {strides = array<i32>} : memref<313x32xi32, #tpu.memory_space<vmem>>, vector<16xi32>,
          %eq3A_483 = arith.cmpi eq, %get3A_479, %get3A_482 : vector<16xi32>
          %jit3A_484 = arith.constant 10000 : i32
          %broadcast_in_dim3A_485 = vector.broadcast %jit3A_484 : i32 to vector<16xi32>
          %select_n3A_486 = arith.select %eq3A_483, %broadcast_in_dim3A_485, %get3A_479 : vector<16xi1>, vector<16xi32>
          %swap3A_487 = arith.index_cast %sub3A_426 : i32 to index
          %swap3A_488 = arith.constant 0 : index
          %swap3A_489 = tpu.vector_load %arg8[%swap3A_487, %swap3A_488] {strides = array<i32>} : memref<313x32xi32, #tpu.memory_space<vmem>>, vector<16xi32>,
          tpu.vector_store %arg8[%swap3A_487, %swap3A_488], %select_n3A_486 {strides = array<i32>} : memref<313x32xi32, #tpu.memory_space<vmem>>, vector<16xi32>,
          %get3A_490 = arith.index_cast %sub3A_426 : i32 to index
          %get3A_491 = arith.constant 16 : index
          %get3A_492 = tpu.vector_load %arg8[%get3A_490, %get3A_491] {strides = array<i32>} : memref<313x32xi32, #tpu.memory_space<vmem>>, vector<16xi32>,
          %get3A_493 = arith.index_cast %sub3A_426 : i32 to index
          %get3A_494 = arith.constant 16 : index
          %get3A_495 = tpu.vector_load %arg9[%get3A_493, %get3A_494] {strides = array<i32>} : memref<313x32xi32, #tpu.memory_space<vmem>>, vector<16xi32>,
          %eq3A_496 = arith.cmpi eq, %get3A_492, %get3A_495 : vector<16xi32>
          %jit3A_497 = arith.constant 10000 : i32
          %broadcast_in_dim3A_498 = vector.broadcast %jit3A_497 : i32 to vector<16xi32>
          %select_n3A_499 = arith.select %eq3A_496, %broadcast_in_dim3A_498, %get3A_492 : vector<16xi1>, vector<16xi32>
          %swap3A_500 = arith.index_cast %sub3A_426 : i32 to index
          %swap3A_501 = arith.constant 16 : index
          %swap3A_502 = tpu.vector_load %arg8[%swap3A_500, %swap3A_501] {strides = array<i32>} : memref<313x32xi32, #tpu.memory_space<vmem>>, vector<16xi32>,
          tpu.vector_store %arg8[%swap3A_500, %swap3A_501], %select_n3A_499 {strides = array<i32>} : memref<313x32xi32, #tpu.memory_space<vmem>>, vector<16xi32>,
          %dma_start3A_503 = arith.constant 3 : i32
          %dma_start3A_504 = arith.constant 0 : i32
          %dma_start3A_505 = arith.constant 0 : i32
          %dma_start3A_506 = tpu.memref_slice %arg10[%dma_start3A_503, %dma_start3A_504, %dma_start3A_505] : memref<7x32x128xf32, #tpu.memory_space<vmem>> -> memref<1x32x128xf32, #tpu.memory_space<vmem>>
          %dma_start3A_507 = tpu.memref_squeeze %dma_start3A_506 : memref<1x32x128xf32, #tpu.memory_space<vmem>> -> memref<32x128xf32, #tpu.memory_space<vmem>>
          %dma_start3A_508 = arith.constant 0 : i32
          %dma_start3A_509 = tpu.memref_slice %arg8[%sub3A_426, %dma_start3A_508] : memref<313x32xi32, #tpu.memory_space<vmem>> -> memref<1x32xi32, #tpu.memory_space<vmem>>
          %dma_start3A_510 = tpu.memref_squeeze %dma_start3A_509 : memref<1x32xi32, #tpu.memory_space<vmem>> -> memref<32xi32, #tpu.memory_space<vmem>>
          %dma_start3A_511 = arith.constant 0 : i32
          %dma_start3A_512 = arith.constant 0 : i32
          %dma_start3A_513 = tpu.memref_slice %arg4[%dma_start3A_511, %dma_start3A_512] : memref<10240x128xf32, #tpu.memory_space<hbm>> -> memref<10240x128xf32, #tpu.memory_space<hbm>>
          tpu.enqueue_indirect_dma source(%dma_start3A_513 : memref<10240x128xf32, #tpu.memory_space<hbm>>) target(%dma_start3A_507 : memref<32x128xf32, #tpu.memory_space<vmem>>) offsets(%dma_start3A_510 : memref<32xi32, #tpu.memory_space<vmem>>) semaphore(%arg14 : memref<!tpu.dma_semaphore, #tpu.memory_space<semaphore_mem>>)
        } else {
        }
        %mul3A_435 = arith.constant 7 : i32
        %mul3A_436 = arith.muli %scan3A_335, %mul3A_435 : i32
        %add3A_437 = arith.constant 5 : i32
        %add3A_438 = arith.addi %mul3A_436, %add3A_437 : i32
        %lt3A_439 = arith.constant 313 : i32
        %lt3A_440 = arith.cmpi slt, %add3A_438, %lt3A_439 : i32
        %convert_element_type3A_441 = arith.extui %lt3A_440 : i1 to i32
        %cond3A_442 = arith.constant 0 : i32
        %cond3A_443 = arith.cmpi ne, %convert_element_type3A_441, %cond3A_442 : i32
        scf.if %cond3A_443 {
          %dma_wait3A = arith.constant 5 : i32
          %dma_wait3A_477 = arith.constant 0 : i32
          %dma_wait3A_478 = arith.constant 0 : i32
          %dma_wait3A_479 = tpu.memref_slice %arg10[%dma_wait3A, %dma_wait3A_477, %dma_wait3A_478] : memref<7x32x128xf32, #tpu.memory_space<vmem>> -> memref<1x32x128xf32, #tpu.memory_space<vmem>>
          %dma_wait3A_480 = tpu.memref_squeeze %dma_wait3A_479 : memref<1x32x128xf32, #tpu.memory_space<vmem>> -> memref<32x128xf32, #tpu.memory_space<vmem>>
          %dma_wait3A_481 = arith.constant 0 : i32
          %dma_wait3A_482 = tpu.memref_slice %arg8[%add3A_438, %dma_wait3A_481] : memref<313x32xi32, #tpu.memory_space<vmem>> -> memref<1x32xi32, #tpu.memory_space<vmem>>
          %dma_wait3A_483 = tpu.memref_squeeze %dma_wait3A_482 : memref<1x32xi32, #tpu.memory_space<vmem>> -> memref<32xi32, #tpu.memory_space<vmem>>
          %dma_wait3A_484 = arith.constant 0 : i32
          %dma_wait3A_485 = arith.constant 0 : i32
          %dma_wait3A_486 = tpu.memref_slice %arg4[%dma_wait3A_484, %dma_wait3A_485] : memref<10240x128xf32, #tpu.memory_space<hbm>> -> memref<10240x128xf32, #tpu.memory_space<hbm>>
          tpu.wait_indirect_dma semaphore(%arg16 : memref<!tpu.dma_semaphore, #tpu.memory_space<semaphore_mem>>) src(%dma_wait3A_486 : memref<10240x128xf32, #tpu.memory_space<hbm>>) dst(%dma_wait3A_480 : memref<32x128xf32, #tpu.memory_space<vmem>>)
          %run_scoped3A = arith.constant 5 : i32
          "tpu.region"() ({
            %run_scoped3A_487 = tpu.sem_alloc : memref<!tpu.dma_semaphore, #tpu.memory_space<semaphore_mem>>
            %dma_start3A_488 = arith.constant 0 : i32
            %dma_start3A_489 = arith.constant 0 : i32
            %dma_start3A_490 = tpu.memref_slice %arg10[%run_scoped3A, %dma_start3A_488, %dma_start3A_489] : memref<7x32x128xf32, #tpu.memory_space<vmem>> -> memref<1x32x128xf32, #tpu.memory_space<vmem>>
            %dma_start3A_491 = tpu.memref_squeeze %dma_start3A_490 : memref<1x32x128xf32, #tpu.memory_space<vmem>> -> memref<32x128xf32, #tpu.memory_space<vmem>>
            %dma_start3A_492 = arith.constant 0 : i32
            %dma_start3A_493 = tpu.memref_slice %arg9[%add3A_438, %dma_start3A_492] : memref<313x32xi32, #tpu.memory_space<vmem>> -> memref<1x32xi32, #tpu.memory_space<vmem>>
            %dma_start3A_494 = tpu.memref_squeeze %dma_start3A_493 : memref<1x32xi32, #tpu.memory_space<vmem>> -> memref<32xi32, #tpu.memory_space<vmem>>
            %dma_start3A_495 = arith.constant 0 : i32
            %dma_start3A_496 = arith.constant 0 : i32
            %dma_start3A_497 = tpu.memref_slice %arg18[%dma_start3A_495, %dma_start3A_496] : memref<10240x128xf32, #tpu.memory_space<vmem_shared>> -> memref<10240x128xf32, #tpu.memory_space<vmem_shared>>
            tpu.enqueue_indirect_dma source(%dma_start3A_491 : memref<32x128xf32, #tpu.memory_space<vmem>>) target(%dma_start3A_497 : memref<10240x128xf32, #tpu.memory_space<vmem_shared>>) offsets(%dma_start3A_494 : memref<32xi32, #tpu.memory_space<vmem>>) semaphore(%run_scoped3A_487 : memref<!tpu.dma_semaphore, #tpu.memory_space<semaphore_mem>>) {add = true}
            %dma_wait3A_498 = arith.constant 0 : i32
            %dma_wait3A_499 = arith.constant 0 : i32
            %dma_wait3A_500 = tpu.memref_slice %arg10[%run_scoped3A, %dma_wait3A_498, %dma_wait3A_499] : memref<7x32x128xf32, #tpu.memory_space<vmem>> -> memref<1x32x128xf32, #tpu.memory_space<vmem>>
            %dma_wait3A_501 = tpu.memref_squeeze %dma_wait3A_500 : memref<1x32x128xf32, #tpu.memory_space<vmem>> -> memref<32x128xf32, #tpu.memory_space<vmem>>
            %dma_wait3A_502 = arith.constant 0 : i32
            %dma_wait3A_503 = tpu.memref_slice %arg9[%add3A_438, %dma_wait3A_502] : memref<313x32xi32, #tpu.memory_space<vmem>> -> memref<1x32xi32, #tpu.memory_space<vmem>>
            %dma_wait3A_504 = tpu.memref_squeeze %dma_wait3A_503 : memref<1x32xi32, #tpu.memory_space<vmem>> -> memref<32xi32, #tpu.memory_space<vmem>>
            %dma_wait3A_505 = arith.constant 0 : i32
            %dma_wait3A_506 = arith.constant 0 : i32
            %dma_wait3A_507 = tpu.memref_slice %arg18[%dma_wait3A_505, %dma_wait3A_506] : memref<10240x128xf32, #tpu.memory_space<vmem_shared>> -> memref<10240x128xf32, #tpu.memory_space<vmem_shared>>
            tpu.wait_indirect_dma semaphore(%run_scoped3A_487 : memref<!tpu.dma_semaphore, #tpu.memory_space<semaphore_mem>>) src(%dma_wait3A_501 : memref<32x128xf32, #tpu.memory_space<vmem>>) dst(%dma_wait3A_507 : memref<10240x128xf32, #tpu.memory_space<vmem_shared>>)
            tpu.yield
          }) : () -> ()
        } else {
        }
        %add3A_444 = arith.constant 7 : i32
        %add3A_445 = arith.addi %add3A_438, %add3A_444 : i32
        %sub3A_446 = arith.constant 1 : i32
        %sub3A_447 = arith.subi %add3A_445, %sub3A_446 : i32
        %ge3A_448 = arith.constant 1 : i32
        %ge3A_449 = arith.cmpi sge, %add3A_438, %ge3A_448 : i32
        %lt3A_450 = arith.constant 313 : i32
        %lt3A_451 = arith.cmpi slt, %sub3A_447, %lt3A_450 : i32
        %and3A_452 = arith.andi %ge3A_449, %lt3A_451 : i1
        %convert_element_type3A_453 = arith.extui %and3A_452 : i1 to i32
        %cond3A_454 = arith.constant 0 : i32
        %cond3A_455 = arith.cmpi ne, %convert_element_type3A_453, %cond3A_454 : i32
        scf.if %cond3A_455 {
          %get3A_477 = arith.index_cast %sub3A_447 : i32 to index
          %get3A_478 = arith.constant 0 : index
          %get3A_479 = tpu.vector_load %arg8[%get3A_477, %get3A_478] {strides = array<i32>} : memref<313x32xi32, #tpu.memory_space<vmem>>, vector<16xi32>,
          %get3A_480 = arith.index_cast %sub3A_447 : i32 to index
          %get3A_481 = arith.constant 0 : index
          %get3A_482 = tpu.vector_load %arg9[%get3A_480, %get3A_481] {strides = array<i32>} : memref<313x32xi32, #tpu.memory_space<vmem>>, vector<16xi32>,
          %eq3A_483 = arith.cmpi eq, %get3A_479, %get3A_482 : vector<16xi32>
          %jit3A_484 = arith.constant 10000 : i32
          %broadcast_in_dim3A_485 = vector.broadcast %jit3A_484 : i32 to vector<16xi32>
          %select_n3A_486 = arith.select %eq3A_483, %broadcast_in_dim3A_485, %get3A_479 : vector<16xi1>, vector<16xi32>
          %swap3A_487 = arith.index_cast %sub3A_447 : i32 to index
          %swap3A_488 = arith.constant 0 : index
          %swap3A_489 = tpu.vector_load %arg8[%swap3A_487, %swap3A_488] {strides = array<i32>} : memref<313x32xi32, #tpu.memory_space<vmem>>, vector<16xi32>,
          tpu.vector_store %arg8[%swap3A_487, %swap3A_488], %select_n3A_486 {strides = array<i32>} : memref<313x32xi32, #tpu.memory_space<vmem>>, vector<16xi32>,
          %get3A_490 = arith.index_cast %sub3A_447 : i32 to index
          %get3A_491 = arith.constant 16 : index
          %get3A_492 = tpu.vector_load %arg8[%get3A_490, %get3A_491] {strides = array<i32>} : memref<313x32xi32, #tpu.memory_space<vmem>>, vector<16xi32>,
          %get3A_493 = arith.index_cast %sub3A_447 : i32 to index
          %get3A_494 = arith.constant 16 : index
          %get3A_495 = tpu.vector_load %arg9[%get3A_493, %get3A_494] {strides = array<i32>} : memref<313x32xi32, #tpu.memory_space<vmem>>, vector<16xi32>,
          %eq3A_496 = arith.cmpi eq, %get3A_492, %get3A_495 : vector<16xi32>
          %jit3A_497 = arith.constant 10000 : i32
          %broadcast_in_dim3A_498 = vector.broadcast %jit3A_497 : i32 to vector<16xi32>
          %select_n3A_499 = arith.select %eq3A_496, %broadcast_in_dim3A_498, %get3A_492 : vector<16xi1>, vector<16xi32>
          %swap3A_500 = arith.index_cast %sub3A_447 : i32 to index
          %swap3A_501 = arith.constant 16 : index
          %swap3A_502 = tpu.vector_load %arg8[%swap3A_500, %swap3A_501] {strides = array<i32>} : memref<313x32xi32, #tpu.memory_space<vmem>>, vector<16xi32>,
          tpu.vector_store %arg8[%swap3A_500, %swap3A_501], %select_n3A_499 {strides = array<i32>} : memref<313x32xi32, #tpu.memory_space<vmem>>, vector<16xi32>,
          %dma_start3A_503 = arith.constant 4 : i32
          %dma_start3A_504 = arith.constant 0 : i32
          %dma_start3A_505 = arith.constant 0 : i32
          %dma_start3A_506 = tpu.memref_slice %arg10[%dma_start3A_503, %dma_start3A_504, %dma_start3A_505] : memref<7x32x128xf32, #tpu.memory_space<vmem>> -> memref<1x32x128xf32, #tpu.memory_space<vmem>>
          %dma_start3A_507 = tpu.memref_squeeze %dma_start3A_506 : memref<1x32x128xf32, #tpu.memory_space<vmem>> -> memref<32x128xf32, #tpu.memory_space<vmem>>
          %dma_start3A_508 = arith.constant 0 : i32
          %dma_start3A_509 = tpu.memref_slice %arg8[%sub3A_447, %dma_start3A_508] : memref<313x32xi32, #tpu.memory_space<vmem>> -> memref<1x32xi32, #tpu.memory_space<vmem>>
          %dma_start3A_510 = tpu.memref_squeeze %dma_start3A_509 : memref<1x32xi32, #tpu.memory_space<vmem>> -> memref<32xi32, #tpu.memory_space<vmem>>
          %dma_start3A_511 = arith.constant 0 : i32
          %dma_start3A_512 = arith.constant 0 : i32
          %dma_start3A_513 = tpu.memref_slice %arg4[%dma_start3A_511, %dma_start3A_512] : memref<10240x128xf32, #tpu.memory_space<hbm>> -> memref<10240x128xf32, #tpu.memory_space<hbm>>
          tpu.enqueue_indirect_dma source(%dma_start3A_513 : memref<10240x128xf32, #tpu.memory_space<hbm>>) target(%dma_start3A_507 : memref<32x128xf32, #tpu.memory_space<vmem>>) offsets(%dma_start3A_510 : memref<32xi32, #tpu.memory_space<vmem>>) semaphore(%arg15 : memref<!tpu.dma_semaphore, #tpu.memory_space<semaphore_mem>>)
        } else {
        }
        %mul3A_456 = arith.constant 7 : i32
        %mul3A_457 = arith.muli %scan3A_335, %mul3A_456 : i32
        %add3A_458 = arith.constant 6 : i32
        %add3A_459 = arith.addi %mul3A_457, %add3A_458 : i32
        %lt3A_460 = arith.constant 313 : i32
        %lt3A_461 = arith.cmpi slt, %add3A_459, %lt3A_460 : i32
        %convert_element_type3A_462 = arith.extui %lt3A_461 : i1 to i32
        %cond3A_463 = arith.constant 0 : i32
        %cond3A_464 = arith.cmpi ne, %convert_element_type3A_462, %cond3A_463 : i32
        scf.if %cond3A_464 {
          %dma_wait3A = arith.constant 6 : i32
          %dma_wait3A_477 = arith.constant 0 : i32
          %dma_wait3A_478 = arith.constant 0 : i32
          %dma_wait3A_479 = tpu.memref_slice %arg10[%dma_wait3A, %dma_wait3A_477, %dma_wait3A_478] : memref<7x32x128xf32, #tpu.memory_space<vmem>> -> memref<1x32x128xf32, #tpu.memory_space<vmem>>
          %dma_wait3A_480 = tpu.memref_squeeze %dma_wait3A_479 : memref<1x32x128xf32, #tpu.memory_space<vmem>> -> memref<32x128xf32, #tpu.memory_space<vmem>>
          %dma_wait3A_481 = arith.constant 0 : i32
          %dma_wait3A_482 = tpu.memref_slice %arg8[%add3A_459, %dma_wait3A_481] : memref<313x32xi32, #tpu.memory_space<vmem>> -> memref<1x32xi32, #tpu.memory_space<vmem>>
          %dma_wait3A_483 = tpu.memref_squeeze %dma_wait3A_482 : memref<1x32xi32, #tpu.memory_space<vmem>> -> memref<32xi32, #tpu.memory_space<vmem>>
          %dma_wait3A_484 = arith.constant 0 : i32
          %dma_wait3A_485 = arith.constant 0 : i32
          %dma_wait3A_486 = tpu.memref_slice %arg4[%dma_wait3A_484, %dma_wait3A_485] : memref<10240x128xf32, #tpu.memory_space<hbm>> -> memref<10240x128xf32, #tpu.memory_space<hbm>>
          tpu.wait_indirect_dma semaphore(%arg17 : memref<!tpu.dma_semaphore, #tpu.memory_space<semaphore_mem>>) src(%dma_wait3A_486 : memref<10240x128xf32, #tpu.memory_space<hbm>>) dst(%dma_wait3A_480 : memref<32x128xf32, #tpu.memory_space<vmem>>)
          %run_scoped3A = arith.constant 6 : i32
          "tpu.region"() ({
            %run_scoped3A_487 = tpu.sem_alloc : memref<!tpu.dma_semaphore, #tpu.memory_space<semaphore_mem>>
            %dma_start3A_488 = arith.constant 0 : i32
            %dma_start3A_489 = arith.constant 0 : i32
            %dma_start3A_490 = tpu.memref_slice %arg10[%run_scoped3A, %dma_start3A_488, %dma_start3A_489] : memref<7x32x128xf32, #tpu.memory_space<vmem>> -> memref<1x32x128xf32, #tpu.memory_space<vmem>>
            %dma_start3A_491 = tpu.memref_squeeze %dma_start3A_490 : memref<1x32x128xf32, #tpu.memory_space<vmem>> -> memref<32x128xf32, #tpu.memory_space<vmem>>
            %dma_start3A_492 = arith.constant 0 : i32
            %dma_start3A_493 = tpu.memref_slice %arg9[%add3A_459, %dma_start3A_492] : memref<313x32xi32, #tpu.memory_space<vmem>> -> memref<1x32xi32, #tpu.memory_space<vmem>>
            %dma_start3A_494 = tpu.memref_squeeze %dma_start3A_493 : memref<1x32xi32, #tpu.memory_space<vmem>> -> memref<32xi32, #tpu.memory_space<vmem>>
            %dma_start3A_495 = arith.constant 0 : i32
            %dma_start3A_496 = arith.constant 0 : i32
            %dma_start3A_497 = tpu.memref_slice %arg18[%dma_start3A_495, %dma_start3A_496] : memref<10240x128xf32, #tpu.memory_space<vmem_shared>> -> memref<10240x128xf32, #tpu.memory_space<vmem_shared>>
            tpu.enqueue_indirect_dma source(%dma_start3A_491 : memref<32x128xf32, #tpu.memory_space<vmem>>) target(%dma_start3A_497 : memref<10240x128xf32, #tpu.memory_space<vmem_shared>>) offsets(%dma_start3A_494 : memref<32xi32, #tpu.memory_space<vmem>>) semaphore(%run_scoped3A_487 : memref<!tpu.dma_semaphore, #tpu.memory_space<semaphore_mem>>) {add = true}
            %dma_wait3A_498 = arith.constant 0 : i32
            %dma_wait3A_499 = arith.constant 0 : i32
            %dma_wait3A_500 = tpu.memref_slice %arg10[%run_scoped3A, %dma_wait3A_498, %dma_wait3A_499] : memref<7x32x128xf32, #tpu.memory_space<vmem>> -> memref<1x32x128xf32, #tpu.memory_space<vmem>>
            %dma_wait3A_501 = tpu.memref_squeeze %dma_wait3A_500 : memref<1x32x128xf32, #tpu.memory_space<vmem>> -> memref<32x128xf32, #tpu.memory_space<vmem>>
            %dma_wait3A_502 = arith.constant 0 : i32
            %dma_wait3A_503 = tpu.memref_slice %arg9[%add3A_459, %dma_wait3A_502] : memref<313x32xi32, #tpu.memory_space<vmem>> -> memref<1x32xi32, #tpu.memory_space<vmem>>
            %dma_wait3A_504 = tpu.memref_squeeze %dma_wait3A_503 : memref<1x32xi32, #tpu.memory_space<vmem>> -> memref<32xi32, #tpu.memory_space<vmem>>
            %dma_wait3A_505 = arith.constant 0 : i32
            %dma_wait3A_506 = arith.constant 0 : i32
            %dma_wait3A_507 = tpu.memref_slice %arg18[%dma_wait3A_505, %dma_wait3A_506] : memref<10240x128xf32, #tpu.memory_space<vmem_shared>> -> memref<10240x128xf32, #tpu.memory_space<vmem_shared>>
            tpu.wait_indirect_dma semaphore(%run_scoped3A_487 : memref<!tpu.dma_semaphore, #tpu.memory_space<semaphore_mem>>) src(%dma_wait3A_501 : memref<32x128xf32, #tpu.memory_space<vmem>>) dst(%dma_wait3A_507 : memref<10240x128xf32, #tpu.memory_space<vmem_shared>>)
            tpu.yield
          }) : () -> ()
        } else {
        }
        %add3A_465 = arith.constant 7 : i32
        %add3A_466 = arith.addi %add3A_459, %add3A_465 : i32
        %sub3A_467 = arith.constant 1 : i32
        %sub3A_468 = arith.subi %add3A_466, %sub3A_467 : i32
        %ge3A_469 = arith.constant 1 : i32
        %ge3A_470 = arith.cmpi sge, %add3A_459, %ge3A_469 : i32
        %lt3A_471 = arith.constant 313 : i32
        %lt3A_472 = arith.cmpi slt, %sub3A_468, %lt3A_471 : i32
        %and3A_473 = arith.andi %ge3A_470, %lt3A_472 : i1
        %convert_element_type3A_474 = arith.extui %and3A_473 : i1 to i32
        %cond3A_475 = arith.constant 0 : i32
        %cond3A_476 = arith.cmpi ne, %convert_element_type3A_474, %cond3A_475 : i32
        scf.if %cond3A_476 {
          %get3A_477 = arith.index_cast %sub3A_468 : i32 to index
          %get3A_478 = arith.constant 0 : index
          %get3A_479 = tpu.vector_load %arg8[%get3A_477, %get3A_478] {strides = array<i32>} : memref<313x32xi32, #tpu.memory_space<vmem>>, vector<16xi32>,
          %get3A_480 = arith.index_cast %sub3A_468 : i32 to index
          %get3A_481 = arith.constant 0 : index
          %get3A_482 = tpu.vector_load %arg9[%get3A_480, %get3A_481] {strides = array<i32>} : memref<313x32xi32, #tpu.memory_space<vmem>>, vector<16xi32>,
          %eq3A_483 = arith.cmpi eq, %get3A_479, %get3A_482 : vector<16xi32>
          %jit3A_484 = arith.constant 10000 : i32
          %broadcast_in_dim3A_485 = vector.broadcast %jit3A_484 : i32 to vector<16xi32>
          %select_n3A_486 = arith.select %eq3A_483, %broadcast_in_dim3A_485, %get3A_479 : vector<16xi1>, vector<16xi32>
          %swap3A_487 = arith.index_cast %sub3A_468 : i32 to index
          %swap3A_488 = arith.constant 0 : index
          %swap3A_489 = tpu.vector_load %arg8[%swap3A_487, %swap3A_488] {strides = array<i32>} : memref<313x32xi32, #tpu.memory_space<vmem>>, vector<16xi32>,
          tpu.vector_store %arg8[%swap3A_487, %swap3A_488], %select_n3A_486 {strides = array<i32>} : memref<313x32xi32, #tpu.memory_space<vmem>>, vector<16xi32>,
          %get3A_490 = arith.index_cast %sub3A_468 : i32 to index
          %get3A_491 = arith.constant 16 : index
          %get3A_492 = tpu.vector_load %arg8[%get3A_490, %get3A_491] {strides = array<i32>} : memref<313x32xi32, #tpu.memory_space<vmem>>, vector<16xi32>,
          %get3A_493 = arith.index_cast %sub3A_468 : i32 to index
          %get3A_494 = arith.constant 16 : index
          %get3A_495 = tpu.vector_load %arg9[%get3A_493, %get3A_494] {strides = array<i32>} : memref<313x32xi32, #tpu.memory_space<vmem>>, vector<16xi32>,
          %eq3A_496 = arith.cmpi eq, %get3A_492, %get3A_495 : vector<16xi32>
          %jit3A_497 = arith.constant 10000 : i32
          %broadcast_in_dim3A_498 = vector.broadcast %jit3A_497 : i32 to vector<16xi32>
          %select_n3A_499 = arith.select %eq3A_496, %broadcast_in_dim3A_498, %get3A_492 : vector<16xi1>, vector<16xi32>
          %swap3A_500 = arith.index_cast %sub3A_468 : i32 to index
          %swap3A_501 = arith.constant 16 : index
          %swap3A_502 = tpu.vector_load %arg8[%swap3A_500, %swap3A_501] {strides = array<i32>} : memref<313x32xi32, #tpu.memory_space<vmem>>, vector<16xi32>,
          tpu.vector_store %arg8[%swap3A_500, %swap3A_501], %select_n3A_499 {strides = array<i32>} : memref<313x32xi32, #tpu.memory_space<vmem>>, vector<16xi32>,
          %dma_start3A_503 = arith.constant 5 : i32
          %dma_start3A_504 = arith.constant 0 : i32
          %dma_start3A_505 = arith.constant 0 : i32
          %dma_start3A_506 = tpu.memref_slice %arg10[%dma_start3A_503, %dma_start3A_504, %dma_start3A_505] : memref<7x32x128xf32, #tpu.memory_space<vmem>> -> memref<1x32x128xf32, #tpu.memory_space<vmem>>
          %dma_start3A_507 = tpu.memref_squeeze %dma_start3A_506 : memref<1x32x128xf32, #tpu.memory_space<vmem>> -> memref<32x128xf32, #tpu.memory_space<vmem>>
          %dma_start3A_508 = arith.constant 0 : i32
          %dma_start3A_509 = tpu.memref_slice %arg8[%sub3A_468, %dma_start3A_508] : memref<313x32xi32, #tpu.memory_space<vmem>> -> memref<1x32xi32, #tpu.memory_space<vmem>>
          %dma_start3A_510 = tpu.memref_squeeze %dma_start3A_509 : memref<1x32xi32, #tpu.memory_space<vmem>> -> memref<32xi32, #tpu.memory_space<vmem>>
          %dma_start3A_511 = arith.constant 0 : i32
          %dma_start3A_512 = arith.constant 0 : i32
          %dma_start3A_513 = tpu.memref_slice %arg4[%dma_start3A_511, %dma_start3A_512] : memref<10240x128xf32, #tpu.memory_space<hbm>> -> memref<10240x128xf32, #tpu.memory_space<hbm>>
          tpu.enqueue_indirect_dma source(%dma_start3A_513 : memref<10240x128xf32, #tpu.memory_space<hbm>>) target(%dma_start3A_507 : memref<32x128xf32, #tpu.memory_space<vmem>>) offsets(%dma_start3A_510 : memref<32xi32, #tpu.memory_space<vmem>>) semaphore(%arg16 : memref<!tpu.dma_semaphore, #tpu.memory_space<semaphore_mem>>)
        } else {
        }
      }
      %scan3A_327 = arith.constant 45 : i32
      %barrier3A_328 = arith.constant 0 : index
      tpu.barrier barrier_id(%barrier3A_328)
      %scan3A_329 = arith.constant 0 : i32
      %scan3A_330 = arith.constant 0 : i32
      %scan3A_331 = arith.constant 20 : i32
      %scan3A_332 = arith.addi %scan3A_330, %scan3A_331 : i32
      %scan3A_333 = arith.constant 1 : i32
      scf.for %scan3A_335 = %scan3A_330 to %scan3A_332 step %scan3A_333  : i32 {
        %mul3A = arith.constant 640 : i32
        %mul3A_336 = arith.muli %arg1, %mul3A : i32
        %mul3A_337 = arith.constant 32 : i32
        %mul3A_338 = arith.muli %scan3A_335, %mul3A_337 : i32
        %add3A = arith.addi %mul3A_336, %mul3A_338 : i32
        "tpu.region"() ({
          %run_scoped3A = tpu.sem_alloc : memref<!tpu.dma_semaphore, #tpu.memory_space<semaphore_mem>>
          %dma_start3A_339 = arith.constant 0 : i32
          %dma_start3A_340 = tpu.memref_slice %arg6[%add3A, %dma_start3A_339] : memref<10240x128xf32, #tpu.memory_space<hbm>> -> memref<32x128xf32, #tpu.memory_space<hbm>>
          %dma_start3A_341 = arith.constant 0 : i32
          %dma_start3A_342 = tpu.memref_slice %arg18[%add3A, %dma_start3A_341] : memref<10240x128xf32, #tpu.memory_space<vmem_shared>> -> memref<32x128xf32, #tpu.memory_space<vmem_shared>>
          tpu.enqueue_dma source(%dma_start3A_342 : memref<32x128xf32, #tpu.memory_space<vmem_shared>>) target(%dma_start3A_340 : memref<32x128xf32, #tpu.memory_space<hbm>>) target_semaphore(%run_scoped3A : memref<!tpu.dma_semaphore, #tpu.memory_space<semaphore_mem>>)
          %dma_wait3A = arith.constant 0 : i32
          %dma_wait3A_343 = tpu.memref_slice %arg6[%add3A, %dma_wait3A] : memref<10240x128xf32, #tpu.memory_space<hbm>> -> memref<32x128xf32, #tpu.memory_space<hbm>>
          %dma_wait3A_344 = arith.constant 0 : i32
          %dma_wait3A_345 = tpu.memref_slice %arg18[%add3A, %dma_wait3A_344] : memref<10240x128xf32, #tpu.memory_space<vmem_shared>> -> memref<32x128xf32, #tpu.memory_space<vmem_shared>>
          tpu.wait_dma2 semaphore(%run_scoped3A : memref<!tpu.dma_semaphore, #tpu.memory_space<semaphore_mem>>) src(%dma_wait3A_345 : memref<32x128xf32, #tpu.memory_space<vmem_shared>>) dst(%dma_wait3A_343 : memref<32x128xf32, #tpu.memory_space<hbm>>)
          tpu.yield
        }) : () -> ()
      }
      %scan3A_334 = arith.constant 20 : i32
    } else {
    }
    %eq3A_2 = arith.constant 1 : i32
    %eq3A_3 = arith.cmpi eq, %arg0, %eq3A_2 : i32
    %convert_element_type3A_4 = arith.extui %eq3A_3 : i1 to i32
    %cond3A_5 = arith.constant 0 : i32
    %cond3A_6 = arith.cmpi ne, %convert_element_type3A_4, %cond3A_5 : i32
    scf.if %cond3A_6 {
      "tpu.region"() ({
        %run_scoped3A = tpu.sem_alloc : memref<!tpu.dma_semaphore, #tpu.memory_space<semaphore_mem>>
        %dma_start3A_335 = arith.constant 0 : i32
        %dma_start3A_336 = arith.constant 0 : i32
        %dma_start3A_337 = tpu.memref_slice %arg2[%arg1, %dma_start3A_335, %dma_start3A_336] : memref<16x313x32xi32, #tpu.memory_space<hbm>> -> memref<1x313x32xi32, #tpu.memory_space<hbm>>
        %dma_start3A_338 = tpu.memref_squeeze %dma_start3A_337 : memref<1x313x32xi32, #tpu.memory_space<hbm>> -> memref<313x32xi32, #tpu.memory_space<hbm>>
        %dma_start3A_339 = arith.constant 0 : i32
        %dma_start3A_340 = arith.constant 0 : i32
        %dma_start3A_341 = tpu.memref_slice %arg2[%arg1, %dma_start3A_339, %dma_start3A_340] : memref<16x313x32xi32, #tpu.memory_space<hbm>> -> memref<1x313x32xi32, #tpu.memory_space<hbm>>
        %dma_start3A_342 = tpu.memref_squeeze %dma_start3A_341 : memref<1x313x32xi32, #tpu.memory_space<hbm>> -> memref<313x32xi32, #tpu.memory_space<hbm>>
        tpu.enqueue_dma source(%dma_start3A_342 : memref<313x32xi32, #tpu.memory_space<hbm>>) target(%arg8 : memref<313x32xi32, #tpu.memory_space<vmem>>) target_semaphore(%run_scoped3A : memref<!tpu.dma_semaphore, #tpu.memory_space<semaphore_mem>>)
        %dma_wait3A = arith.constant 0 : i32
        %dma_wait3A_343 = arith.constant 0 : i32
        %dma_wait3A_344 = tpu.memref_slice %arg2[%arg1, %dma_wait3A, %dma_wait3A_343] : memref<16x313x32xi32, #tpu.memory_space<hbm>> -> memref<1x313x32xi32, #tpu.memory_space<hbm>>
        %dma_wait3A_345 = tpu.memref_squeeze %dma_wait3A_344 : memref<1x313x32xi32, #tpu.memory_space<hbm>> -> memref<313x32xi32, #tpu.memory_space<hbm>>
        %dma_wait3A_346 = arith.constant 0 : i32
        %dma_wait3A_347 = arith.constant 0 : i32
        %dma_wait3A_348 = tpu.memref_slice %arg2[%arg1, %dma_wait3A_346, %dma_wait3A_347] : memref<16x313x32xi32, #tpu.memory_space<hbm>> -> memref<1x313x32xi32, #tpu.memory_space<hbm>>
        %dma_wait3A_349 = tpu.memref_squeeze %dma_wait3A_348 : memref<1x313x32xi32, #tpu.memory_space<hbm>> -> memref<313x32xi32, #tpu.memory_space<hbm>>
        tpu.wait_dma2 semaphore(%run_scoped3A : memref<!tpu.dma_semaphore, #tpu.memory_space<semaphore_mem>>) src(%dma_wait3A_349 : memref<313x32xi32, #tpu.memory_space<hbm>>) dst(%arg8 : memref<313x32xi32, #tpu.memory_space<vmem>>)
        tpu.yield
      }) : () -> ()
      "tpu.region"() ({
        %run_scoped3A = tpu.sem_alloc : memref<!tpu.dma_semaphore, #tpu.memory_space<semaphore_mem>>
        %dma_start3A_335 = arith.constant 0 : i32
        %dma_start3A_336 = arith.constant 0 : i32
        %dma_start3A_337 = tpu.memref_slice %arg3[%arg1, %dma_start3A_335, %dma_start3A_336] : memref<16x313x32xi32, #tpu.memory_space<hbm>> -> memref<1x313x32xi32, #tpu.memory_space<hbm>>
        %dma_start3A_338 = tpu.memref_squeeze %dma_start3A_337 : memref<1x313x32xi32, #tpu.memory_space<hbm>> -> memref<313x32xi32, #tpu.memory_space<hbm>>
        %dma_start3A_339 = arith.constant 0 : i32
        %dma_start3A_340 = arith.constant 0 : i32
        %dma_start3A_341 = tpu.memref_slice %arg3[%arg1, %dma_start3A_339, %dma_start3A_340] : memref<16x313x32xi32, #tpu.memory_space<hbm>> -> memref<1x313x32xi32, #tpu.memory_space<hbm>>
        %dma_start3A_342 = tpu.memref_squeeze %dma_start3A_341 : memref<1x313x32xi32, #tpu.memory_space<hbm>> -> memref<313x32xi32, #tpu.memory_space<hbm>>
        tpu.enqueue_dma source(%dma_start3A_342 : memref<313x32xi32, #tpu.memory_space<hbm>>) target(%arg9 : memref<313x32xi32, #tpu.memory_space<vmem>>) target_semaphore(%run_scoped3A : memref<!tpu.dma_semaphore, #tpu.memory_space<semaphore_mem>>)
        %dma_wait3A = arith.constant 0 : i32
        %dma_wait3A_343 = arith.constant 0 : i32
        %dma_wait3A_344 = tpu.memref_slice %arg3[%arg1, %dma_wait3A, %dma_wait3A_343] : memref<16x313x32xi32, #tpu.memory_space<hbm>> -> memref<1x313x32xi32, #tpu.memory_space<hbm>>
        %dma_wait3A_345 = tpu.memref_squeeze %dma_wait3A_344 : memref<1x313x32xi32, #tpu.memory_space<hbm>> -> memref<313x32xi32, #tpu.memory_space<hbm>>
        %dma_wait3A_346 = arith.constant 0 : i32
        %dma_wait3A_347 = arith.constant 0 : i32
        %dma_wait3A_348 = tpu.memref_slice %arg3[%arg1, %dma_wait3A_346, %dma_wait3A_347] : memref<16x313x32xi32, #tpu.memory_space<hbm>> -> memref<1x313x32xi32, #tpu.memory_space<hbm>>
        %dma_wait3A_349 = tpu.memref_squeeze %dma_wait3A_348 : memref<1x313x32xi32, #tpu.memory_space<hbm>> -> memref<313x32xi32, #tpu.memory_space<hbm>>
        tpu.wait_dma2 semaphore(%run_scoped3A : memref<!tpu.dma_semaphore, #tpu.memory_space<semaphore_mem>>) src(%dma_wait3A_349 : memref<313x32xi32, #tpu.memory_space<hbm>>) dst(%arg9 : memref<313x32xi32, #tpu.memory_space<vmem>>)
        tpu.yield
      }) : () -> ()
      %broadcast_in_dim3A = arith.constant 0.000000e+00 : f32
      %broadcast_in_dim3A_7 = vector.broadcast %broadcast_in_dim3A : f32 to vector<16xf32>
      %scan3A = arith.constant 0 : i32
      %scan3A_8 = arith.constant 0 : i32
      %scan3A_9 = arith.constant 256 : i32
      %scan3A_10 = arith.addi %scan3A_8, %scan3A_9 : i32
      %scan3A_11 = arith.constant 1 : i32
      scf.for %scan3A_335 = %scan3A_8 to %scan3A_10 step %scan3A_11  : i32 {
        %jit3A_336 = arith.constant 8 : i32
        %div3A = arith.divsi %scan3A_335, %jit3A_336 : i32
        %sign3A = arith.constant 0 : i32
        %sign3A_337 = arith.cmpi sgt, %scan3A_335, %sign3A : i32
        %sign3A_338 = arith.extui %sign3A_337 : i1 to i32
        %sign3A_339 = arith.constant 0 : i32
        %sign3A_340 = arith.cmpi slt, %scan3A_335, %sign3A_339 : i32
        %sign3A_341 = arith.extui %sign3A_340 : i1 to i32
        %sign3A_342 = arith.subi %sign3A_338, %sign3A_341 : i32
        %sign3A_343 = arith.constant 0 : i32
        %sign3A_344 = arith.cmpi sgt, %jit3A_336, %sign3A_343 : i32
        %sign3A_345 = arith.extui %sign3A_344 : i1 to i32
        %sign3A_346 = arith.constant 0 : i32
        %sign3A_347 = arith.cmpi slt, %jit3A_336, %sign3A_346 : i32
        %sign3A_348 = arith.extui %sign3A_347 : i1 to i32
        %sign3A_349 = arith.subi %sign3A_345, %sign3A_348 : i32
        %ne3A = arith.cmpi ne, %sign3A_342, %sign3A_349 : i32
        %rem3A = arith.remsi %scan3A_335, %jit3A_336 : i32
        %ne3A_350 = arith.constant 0 : i32
        %ne3A_351 = arith.cmpi ne, %rem3A, %ne3A_350 : i32
        %and3A = arith.andi %ne3A, %ne3A_351 : i1
        %sub3A = arith.constant 1 : i32
        %sub3A_352 = arith.subi %div3A, %sub3A : i32
        %select_n3A_353 = arith.select %and3A, %sub3A_352, %div3A : i32
        %rem3A_354 = arith.constant 8 : i32
        %rem3A_355 = arith.remsi %scan3A_335, %rem3A_354 : i32
        %mul3A = arith.constant 16 : i32
        %mul3A_356 = arith.muli %rem3A_355, %mul3A : i32
        %swap3A_357 = arith.constant 0 : i32
        %swap3A_358 = arith.index_cast %swap3A_357 : i32 to index
        %swap3A_359 = arith.index_cast %select_n3A_353 : i32 to index
        %swap3A_360 = arith.index_cast %mul3A_356 : i32 to index
        %swap3A_361 = tpu.vector_load %arg10[%swap3A_358, %swap3A_359, %swap3A_360] {strides = array<i32>} : memref<7x32x128xf32, #tpu.memory_space<vmem>>, vector<16xf32>,
        tpu.vector_store %arg10[%swap3A_358, %swap3A_359, %swap3A_360], %broadcast_in_dim3A_7 {strides = array<i32>} : memref<7x32x128xf32, #tpu.memory_space<vmem>>, vector<16xf32>,
      }
      %scan3A_12 = arith.constant 256 : i32
      %scan3A_13 = arith.constant 0 : i32
      %scan3A_14 = arith.constant 0 : i32
      %scan3A_15 = arith.constant 20 : i32
      %scan3A_16 = arith.addi %scan3A_14, %scan3A_15 : i32
      %scan3A_17 = arith.constant 1 : i32
      scf.for %scan3A_335 = %scan3A_14 to %scan3A_16 step %scan3A_17  : i32 {
        %mul3A = arith.constant 640 : i32
        %mul3A_336 = arith.muli %arg1, %mul3A : i32
        %mul3A_337 = arith.constant 32 : i32
        %mul3A_338 = arith.muli %scan3A_335, %mul3A_337 : i32
        %add3A = arith.addi %mul3A_336, %mul3A_338 : i32
        %run_scoped3A = arith.constant 0 : i32
        "tpu.region"() ({
          %run_scoped3A_339 = tpu.sem_alloc : memref<!tpu.dma_semaphore, #tpu.memory_space<semaphore_mem>>
          %dma_start3A_340 = arith.constant 0 : i32
          %dma_start3A_341 = arith.constant 0 : i32
          %dma_start3A_342 = tpu.memref_slice %arg10[%run_scoped3A, %dma_start3A_340, %dma_start3A_341] : memref<7x32x128xf32, #tpu.memory_space<vmem>> -> memref<1x32x128xf32, #tpu.memory_space<vmem>>
          %dma_start3A_343 = tpu.memref_squeeze %dma_start3A_342 : memref<1x32x128xf32, #tpu.memory_space<vmem>> -> memref<32x128xf32, #tpu.memory_space<vmem>>
          %dma_start3A_344 = arith.constant 0 : i32
          %dma_start3A_345 = tpu.memref_slice %arg18[%add3A, %dma_start3A_344] : memref<10240x128xf32, #tpu.memory_space<vmem_shared>> -> memref<32x128xf32, #tpu.memory_space<vmem_shared>>
          %dma_start3A_346 = arith.constant 0 : i32
          %dma_start3A_347 = tpu.memref_slice %arg18[%add3A, %dma_start3A_346] : memref<10240x128xf32, #tpu.memory_space<vmem_shared>> -> memref<32x128xf32, #tpu.memory_space<vmem_shared>>
          %dma_start3A_348 = arith.constant 0 : i32
          %dma_start3A_349 = arith.constant 0 : i32
          %dma_start3A_350 = tpu.memref_slice %arg10[%run_scoped3A, %dma_start3A_348, %dma_start3A_349] : memref<7x32x128xf32, #tpu.memory_space<vmem>> -> memref<1x32x128xf32, #tpu.memory_space<vmem>>
          %dma_start3A_351 = tpu.memref_squeeze %dma_start3A_350 : memref<1x32x128xf32, #tpu.memory_space<vmem>> -> memref<32x128xf32, #tpu.memory_space<vmem>>
          tpu.enqueue_dma source(%dma_start3A_351 : memref<32x128xf32, #tpu.memory_space<vmem>>) target(%dma_start3A_347 : memref<32x128xf32, #tpu.memory_space<vmem_shared>>) target_semaphore(%run_scoped3A_339 : memref<!tpu.dma_semaphore, #tpu.memory_space<semaphore_mem>>)
          %dma_wait3A = arith.constant 0 : i32
          %dma_wait3A_352 = arith.constant 0 : i32
          %dma_wait3A_353 = tpu.memref_slice %arg10[%run_scoped3A, %dma_wait3A, %dma_wait3A_352] : memref<7x32x128xf32, #tpu.memory_space<vmem>> -> memref<1x32x128xf32, #tpu.memory_space<vmem>>
          %dma_wait3A_354 = tpu.memref_squeeze %dma_wait3A_353 : memref<1x32x128xf32, #tpu.memory_space<vmem>> -> memref<32x128xf32, #tpu.memory_space<vmem>>
          %dma_wait3A_355 = arith.constant 0 : i32
          %dma_wait3A_356 = tpu.memref_slice %arg18[%add3A, %dma_wait3A_355] : memref<10240x128xf32, #tpu.memory_space<vmem_shared>> -> memref<32x128xf32, #tpu.memory_space<vmem_shared>>
          %dma_wait3A_357 = arith.constant 0 : i32
          %dma_wait3A_358 = tpu.memref_slice %arg18[%add3A, %dma_wait3A_357] : memref<10240x128xf32, #tpu.memory_space<vmem_shared>> -> memref<32x128xf32, #tpu.memory_space<vmem_shared>>
          %dma_wait3A_359 = arith.constant 0 : i32
          %dma_wait3A_360 = arith.constant 0 : i32
          %dma_wait3A_361 = tpu.memref_slice %arg10[%run_scoped3A, %dma_wait3A_359, %dma_wait3A_360] : memref<7x32x128xf32, #tpu.memory_space<vmem>> -> memref<1x32x128xf32, #tpu.memory_space<vmem>>
          %dma_wait3A_362 = tpu.memref_squeeze %dma_wait3A_361 : memref<1x32x128xf32, #tpu.memory_space<vmem>> -> memref<32x128xf32, #tpu.memory_space<vmem>>
          tpu.wait_dma2 semaphore(%run_scoped3A_339 : memref<!tpu.dma_semaphore, #tpu.memory_space<semaphore_mem>>) src(%dma_wait3A_362 : memref<32x128xf32, #tpu.memory_space<vmem>>) dst(%dma_wait3A_358 : memref<32x128xf32, #tpu.memory_space<vmem_shared>>)
          tpu.yield
        }) : () -> ()
      }
      %scan3A_18 = arith.constant 20 : i32
      %barrier3A = arith.constant 0 : index
      tpu.barrier barrier_id(%barrier3A)
      %get3A = arith.constant 0 : i32
      %get3A_19 = arith.index_cast %get3A : i32 to index
      %get3A_20 = arith.constant 0 : index
      %get3A_21 = tpu.vector_load %arg8[%get3A_19, %get3A_20] {strides = array<i32>} : memref<313x32xi32, #tpu.memory_space<vmem>>, vector<16xi32>,
      %get3A_22 = arith.constant 0 : i32
      %get3A_23 = arith.index_cast %get3A_22 : i32 to index
      %get3A_24 = arith.constant 0 : index
      %get3A_25 = tpu.vector_load %arg9[%get3A_23, %get3A_24] {strides = array<i32>} : memref<313x32xi32, #tpu.memory_space<vmem>>, vector<16xi32>,
      %eq3A_26 = arith.cmpi eq, %get3A_21, %get3A_25 : vector<16xi32>
      %jit3A = arith.constant 10000 : i32
      %broadcast_in_dim3A_27 = vector.broadcast %jit3A : i32 to vector<16xi32>
      %select_n3A = arith.select %eq3A_26, %broadcast_in_dim3A_27, %get3A_21 : vector<16xi1>, vector<16xi32>
      %swap3A = arith.constant 0 : i32
      %swap3A_28 = arith.index_cast %swap3A : i32 to index
      %swap3A_29 = arith.constant 0 : index
      %swap3A_30 = tpu.vector_load %arg8[%swap3A_28, %swap3A_29] {strides = array<i32>} : memref<313x32xi32, #tpu.memory_space<vmem>>, vector<16xi32>,
      tpu.vector_store %arg8[%swap3A_28, %swap3A_29], %select_n3A {strides = array<i32>} : memref<313x32xi32, #tpu.memory_space<vmem>>, vector<16xi32>,
      %get3A_31 = arith.constant 0 : i32
      %get3A_32 = arith.index_cast %get3A_31 : i32 to index
      %get3A_33 = arith.constant 16 : index
      %get3A_34 = tpu.vector_load %arg8[%get3A_32, %get3A_33] {strides = array<i32>} : memref<313x32xi32, #tpu.memory_space<vmem>>, vector<16xi32>,
      %get3A_35 = arith.constant 0 : i32
      %get3A_36 = arith.index_cast %get3A_35 : i32 to index
      %get3A_37 = arith.constant 16 : index
      %get3A_38 = tpu.vector_load %arg9[%get3A_36, %get3A_37] {strides = array<i32>} : memref<313x32xi32, #tpu.memory_space<vmem>>, vector<16xi32>,
      %eq3A_39 = arith.cmpi eq, %get3A_34, %get3A_38 : vector<16xi32>
      %jit3A_40 = arith.constant 10000 : i32
      %broadcast_in_dim3A_41 = vector.broadcast %jit3A_40 : i32 to vector<16xi32>
      %select_n3A_42 = arith.select %eq3A_39, %broadcast_in_dim3A_41, %get3A_34 : vector<16xi1>, vector<16xi32>
      %swap3A_43 = arith.constant 0 : i32
      %swap3A_44 = arith.index_cast %swap3A_43 : i32 to index
      %swap3A_45 = arith.constant 16 : index
      %swap3A_46 = tpu.vector_load %arg8[%swap3A_44, %swap3A_45] {strides = array<i32>} : memref<313x32xi32, #tpu.memory_space<vmem>>, vector<16xi32>,
      tpu.vector_store %arg8[%swap3A_44, %swap3A_45], %select_n3A_42 {strides = array<i32>} : memref<313x32xi32, #tpu.memory_space<vmem>>, vector<16xi32>,
      %dma_start3A = arith.constant 0 : i32
      %dma_start3A_47 = arith.constant 0 : i32
      %dma_start3A_48 = arith.constant 0 : i32
      %dma_start3A_49 = arith.constant 0 : i32
      %dma_start3A_50 = tpu.memref_slice %arg10[%dma_start3A_47, %dma_start3A_48, %dma_start3A_49] : memref<7x32x128xf32, #tpu.memory_space<vmem>> -> memref<1x32x128xf32, #tpu.memory_space<vmem>>
      %dma_start3A_51 = tpu.memref_squeeze %dma_start3A_50 : memref<1x32x128xf32, #tpu.memory_space<vmem>> -> memref<32x128xf32, #tpu.memory_space<vmem>>
      %dma_start3A_52 = arith.constant 0 : i32
      %dma_start3A_53 = tpu.memref_slice %arg8[%dma_start3A, %dma_start3A_52] : memref<313x32xi32, #tpu.memory_space<vmem>> -> memref<1x32xi32, #tpu.memory_space<vmem>>
      %dma_start3A_54 = tpu.memref_squeeze %dma_start3A_53 : memref<1x32xi32, #tpu.memory_space<vmem>> -> memref<32xi32, #tpu.memory_space<vmem>>
      %dma_start3A_55 = arith.constant 0 : i32
      %dma_start3A_56 = arith.constant 0 : i32
      %dma_start3A_57 = tpu.memref_slice %arg5[%dma_start3A_55, %dma_start3A_56] : memref<10240x128xf32, #tpu.memory_space<hbm>> -> memref<10240x128xf32, #tpu.memory_space<hbm>>
      tpu.enqueue_indirect_dma source(%dma_start3A_57 : memref<10240x128xf32, #tpu.memory_space<hbm>>) target(%dma_start3A_51 : memref<32x128xf32, #tpu.memory_space<vmem>>) offsets(%dma_start3A_54 : memref<32xi32, #tpu.memory_space<vmem>>) semaphore(%arg11 : memref<!tpu.dma_semaphore, #tpu.memory_space<semaphore_mem>>)
      %get3A_58 = arith.constant 1 : i32
      %get3A_59 = arith.index_cast %get3A_58 : i32 to index
      %get3A_60 = arith.constant 0 : index
      %get3A_61 = tpu.vector_load %arg8[%get3A_59, %get3A_60] {strides = array<i32>} : memref<313x32xi32, #tpu.memory_space<vmem>>, vector<16xi32>,
      %get3A_62 = arith.constant 1 : i32
      %get3A_63 = arith.index_cast %get3A_62 : i32 to index
      %get3A_64 = arith.constant 0 : index
      %get3A_65 = tpu.vector_load %arg9[%get3A_63, %get3A_64] {strides = array<i32>} : memref<313x32xi32, #tpu.memory_space<vmem>>, vector<16xi32>,
      %eq3A_66 = arith.cmpi eq, %get3A_61, %get3A_65 : vector<16xi32>
      %jit3A_67 = arith.constant 10000 : i32
      %broadcast_in_dim3A_68 = vector.broadcast %jit3A_67 : i32 to vector<16xi32>
      %select_n3A_69 = arith.select %eq3A_66, %broadcast_in_dim3A_68, %get3A_61 : vector<16xi1>, vector<16xi32>
      %swap3A_70 = arith.constant 1 : i32
      %swap3A_71 = arith.index_cast %swap3A_70 : i32 to index
      %swap3A_72 = arith.constant 0 : index
      %swap3A_73 = tpu.vector_load %arg8[%swap3A_71, %swap3A_72] {strides = array<i32>} : memref<313x32xi32, #tpu.memory_space<vmem>>, vector<16xi32>,
      tpu.vector_store %arg8[%swap3A_71, %swap3A_72], %select_n3A_69 {strides = array<i32>} : memref<313x32xi32, #tpu.memory_space<vmem>>, vector<16xi32>,
      %get3A_74 = arith.constant 1 : i32
      %get3A_75 = arith.index_cast %get3A_74 : i32 to index
      %get3A_76 = arith.constant 16 : index
      %get3A_77 = tpu.vector_load %arg8[%get3A_75, %get3A_76] {strides = array<i32>} : memref<313x32xi32, #tpu.memory_space<vmem>>, vector<16xi32>,
      %get3A_78 = arith.constant 1 : i32
      %get3A_79 = arith.index_cast %get3A_78 : i32 to index
      %get3A_80 = arith.constant 16 : index
      %get3A_81 = tpu.vector_load %arg9[%get3A_79, %get3A_80] {strides = array<i32>} : memref<313x32xi32, #tpu.memory_space<vmem>>, vector<16xi32>,
      %eq3A_82 = arith.cmpi eq, %get3A_77, %get3A_81 : vector<16xi32>
      %jit3A_83 = arith.constant 10000 : i32
      %broadcast_in_dim3A_84 = vector.broadcast %jit3A_83 : i32 to vector<16xi32>
      %select_n3A_85 = arith.select %eq3A_82, %broadcast_in_dim3A_84, %get3A_77 : vector<16xi1>, vector<16xi32>
      %swap3A_86 = arith.constant 1 : i32
      %swap3A_87 = arith.index_cast %swap3A_86 : i32 to index
      %swap3A_88 = arith.constant 16 : index
      %swap3A_89 = tpu.vector_load %arg8[%swap3A_87, %swap3A_88] {strides = array<i32>} : memref<313x32xi32, #tpu.memory_space<vmem>>, vector<16xi32>,
      tpu.vector_store %arg8[%swap3A_87, %swap3A_88], %select_n3A_85 {strides = array<i32>} : memref<313x32xi32, #tpu.memory_space<vmem>>, vector<16xi32>,
      %dma_start3A_90 = arith.constant 1 : i32
      %dma_start3A_91 = arith.constant 1 : i32
      %dma_start3A_92 = arith.constant 0 : i32
      %dma_start3A_93 = arith.constant 0 : i32
      %dma_start3A_94 = tpu.memref_slice %arg10[%dma_start3A_91, %dma_start3A_92, %dma_start3A_93] : memref<7x32x128xf32, #tpu.memory_space<vmem>> -> memref<1x32x128xf32, #tpu.memory_space<vmem>>
      %dma_start3A_95 = tpu.memref_squeeze %dma_start3A_94 : memref<1x32x128xf32, #tpu.memory_space<vmem>> -> memref<32x128xf32, #tpu.memory_space<vmem>>
      %dma_start3A_96 = arith.constant 0 : i32
      %dma_start3A_97 = tpu.memref_slice %arg8[%dma_start3A_90, %dma_start3A_96] : memref<313x32xi32, #tpu.memory_space<vmem>> -> memref<1x32xi32, #tpu.memory_space<vmem>>
      %dma_start3A_98 = tpu.memref_squeeze %dma_start3A_97 : memref<1x32xi32, #tpu.memory_space<vmem>> -> memref<32xi32, #tpu.memory_space<vmem>>
      %dma_start3A_99 = arith.constant 0 : i32
      %dma_start3A_100 = arith.constant 0 : i32
      %dma_start3A_101 = tpu.memref_slice %arg5[%dma_start3A_99, %dma_start3A_100] : memref<10240x128xf32, #tpu.memory_space<hbm>> -> memref<10240x128xf32, #tpu.memory_space<hbm>>
      tpu.enqueue_indirect_dma source(%dma_start3A_101 : memref<10240x128xf32, #tpu.memory_space<hbm>>) target(%dma_start3A_95 : memref<32x128xf32, #tpu.memory_space<vmem>>) offsets(%dma_start3A_98 : memref<32xi32, #tpu.memory_space<vmem>>) semaphore(%arg12 : memref<!tpu.dma_semaphore, #tpu.memory_space<semaphore_mem>>)
      %get3A_102 = arith.constant 2 : i32
      %get3A_103 = arith.index_cast %get3A_102 : i32 to index
      %get3A_104 = arith.constant 0 : index
      %get3A_105 = tpu.vector_load %arg8[%get3A_103, %get3A_104] {strides = array<i32>} : memref<313x32xi32, #tpu.memory_space<vmem>>, vector<16xi32>,
      %get3A_106 = arith.constant 2 : i32
      %get3A_107 = arith.index_cast %get3A_106 : i32 to index
      %get3A_108 = arith.constant 0 : index
      %get3A_109 = tpu.vector_load %arg9[%get3A_107, %get3A_108] {strides = array<i32>} : memref<313x32xi32, #tpu.memory_space<vmem>>, vector<16xi32>,
      %eq3A_110 = arith.cmpi eq, %get3A_105, %get3A_109 : vector<16xi32>
      %jit3A_111 = arith.constant 10000 : i32
      %broadcast_in_dim3A_112 = vector.broadcast %jit3A_111 : i32 to vector<16xi32>
      %select_n3A_113 = arith.select %eq3A_110, %broadcast_in_dim3A_112, %get3A_105 : vector<16xi1>, vector<16xi32>
      %swap3A_114 = arith.constant 2 : i32
      %swap3A_115 = arith.index_cast %swap3A_114 : i32 to index
      %swap3A_116 = arith.constant 0 : index
      %swap3A_117 = tpu.vector_load %arg8[%swap3A_115, %swap3A_116] {strides = array<i32>} : memref<313x32xi32, #tpu.memory_space<vmem>>, vector<16xi32>,
      tpu.vector_store %arg8[%swap3A_115, %swap3A_116], %select_n3A_113 {strides = array<i32>} : memref<313x32xi32, #tpu.memory_space<vmem>>, vector<16xi32>,
      %get3A_118 = arith.constant 2 : i32
      %get3A_119 = arith.index_cast %get3A_118 : i32 to index
      %get3A_120 = arith.constant 16 : index
      %get3A_121 = tpu.vector_load %arg8[%get3A_119, %get3A_120] {strides = array<i32>} : memref<313x32xi32, #tpu.memory_space<vmem>>, vector<16xi32>,
      %get3A_122 = arith.constant 2 : i32
      %get3A_123 = arith.index_cast %get3A_122 : i32 to index
      %get3A_124 = arith.constant 16 : index
      %get3A_125 = tpu.vector_load %arg9[%get3A_123, %get3A_124] {strides = array<i32>} : memref<313x32xi32, #tpu.memory_space<vmem>>, vector<16xi32>,
      %eq3A_126 = arith.cmpi eq, %get3A_121, %get3A_125 : vector<16xi32>
      %jit3A_127 = arith.constant 10000 : i32
      %broadcast_in_dim3A_128 = vector.broadcast %jit3A_127 : i32 to vector<16xi32>
      %select_n3A_129 = arith.select %eq3A_126, %broadcast_in_dim3A_128, %get3A_121 : vector<16xi1>, vector<16xi32>
      %swap3A_130 = arith.constant 2 : i32
      %swap3A_131 = arith.index_cast %swap3A_130 : i32 to index
      %swap3A_132 = arith.constant 16 : index
      %swap3A_133 = tpu.vector_load %arg8[%swap3A_131, %swap3A_132] {strides = array<i32>} : memref<313x32xi32, #tpu.memory_space<vmem>>, vector<16xi32>,
      tpu.vector_store %arg8[%swap3A_131, %swap3A_132], %select_n3A_129 {strides = array<i32>} : memref<313x32xi32, #tpu.memory_space<vmem>>, vector<16xi32>,
      %dma_start3A_134 = arith.constant 2 : i32
      %dma_start3A_135 = arith.constant 2 : i32
      %dma_start3A_136 = arith.constant 0 : i32
      %dma_start3A_137 = arith.constant 0 : i32
      %dma_start3A_138 = tpu.memref_slice %arg10[%dma_start3A_135, %dma_start3A_136, %dma_start3A_137] : memref<7x32x128xf32, #tpu.memory_space<vmem>> -> memref<1x32x128xf32, #tpu.memory_space<vmem>>
      %dma_start3A_139 = tpu.memref_squeeze %dma_start3A_138 : memref<1x32x128xf32, #tpu.memory_space<vmem>> -> memref<32x128xf32, #tpu.memory_space<vmem>>
      %dma_start3A_140 = arith.constant 0 : i32
      %dma_start3A_141 = tpu.memref_slice %arg8[%dma_start3A_134, %dma_start3A_140] : memref<313x32xi32, #tpu.memory_space<vmem>> -> memref<1x32xi32, #tpu.memory_space<vmem>>
      %dma_start3A_142 = tpu.memref_squeeze %dma_start3A_141 : memref<1x32xi32, #tpu.memory_space<vmem>> -> memref<32xi32, #tpu.memory_space<vmem>>
      %dma_start3A_143 = arith.constant 0 : i32
      %dma_start3A_144 = arith.constant 0 : i32
      %dma_start3A_145 = tpu.memref_slice %arg5[%dma_start3A_143, %dma_start3A_144] : memref<10240x128xf32, #tpu.memory_space<hbm>> -> memref<10240x128xf32, #tpu.memory_space<hbm>>
      tpu.enqueue_indirect_dma source(%dma_start3A_145 : memref<10240x128xf32, #tpu.memory_space<hbm>>) target(%dma_start3A_139 : memref<32x128xf32, #tpu.memory_space<vmem>>) offsets(%dma_start3A_142 : memref<32xi32, #tpu.memory_space<vmem>>) semaphore(%arg13 : memref<!tpu.dma_semaphore, #tpu.memory_space<semaphore_mem>>)
      %get3A_146 = arith.constant 3 : i32
      %get3A_147 = arith.index_cast %get3A_146 : i32 to index
      %get3A_148 = arith.constant 0 : index
      %get3A_149 = tpu.vector_load %arg8[%get3A_147, %get3A_148] {strides = array<i32>} : memref<313x32xi32, #tpu.memory_space<vmem>>, vector<16xi32>,
      %get3A_150 = arith.constant 3 : i32
      %get3A_151 = arith.index_cast %get3A_150 : i32 to index
      %get3A_152 = arith.constant 0 : index
      %get3A_153 = tpu.vector_load %arg9[%get3A_151, %get3A_152] {strides = array<i32>} : memref<313x32xi32, #tpu.memory_space<vmem>>, vector<16xi32>,
      %eq3A_154 = arith.cmpi eq, %get3A_149, %get3A_153 : vector<16xi32>
      %jit3A_155 = arith.constant 10000 : i32
      %broadcast_in_dim3A_156 = vector.broadcast %jit3A_155 : i32 to vector<16xi32>
      %select_n3A_157 = arith.select %eq3A_154, %broadcast_in_dim3A_156, %get3A_149 : vector<16xi1>, vector<16xi32>
      %swap3A_158 = arith.constant 3 : i32
      %swap3A_159 = arith.index_cast %swap3A_158 : i32 to index
      %swap3A_160 = arith.constant 0 : index
      %swap3A_161 = tpu.vector_load %arg8[%swap3A_159, %swap3A_160] {strides = array<i32>} : memref<313x32xi32, #tpu.memory_space<vmem>>, vector<16xi32>,
      tpu.vector_store %arg8[%swap3A_159, %swap3A_160], %select_n3A_157 {strides = array<i32>} : memref<313x32xi32, #tpu.memory_space<vmem>>, vector<16xi32>,
      %get3A_162 = arith.constant 3 : i32
      %get3A_163 = arith.index_cast %get3A_162 : i32 to index
      %get3A_164 = arith.constant 16 : index
      %get3A_165 = tpu.vector_load %arg8[%get3A_163, %get3A_164] {strides = array<i32>} : memref<313x32xi32, #tpu.memory_space<vmem>>, vector<16xi32>,
      %get3A_166 = arith.constant 3 : i32
      %get3A_167 = arith.index_cast %get3A_166 : i32 to index
      %get3A_168 = arith.constant 16 : index
      %get3A_169 = tpu.vector_load %arg9[%get3A_167, %get3A_168] {strides = array<i32>} : memref<313x32xi32, #tpu.memory_space<vmem>>, vector<16xi32>,
      %eq3A_170 = arith.cmpi eq, %get3A_165, %get3A_169 : vector<16xi32>
      %jit3A_171 = arith.constant 10000 : i32
      %broadcast_in_dim3A_172 = vector.broadcast %jit3A_171 : i32 to vector<16xi32>
      %select_n3A_173 = arith.select %eq3A_170, %broadcast_in_dim3A_172, %get3A_165 : vector<16xi1>, vector<16xi32>
      %swap3A_174 = arith.constant 3 : i32
      %swap3A_175 = arith.index_cast %swap3A_174 : i32 to index
      %swap3A_176 = arith.constant 16 : index
      %swap3A_177 = tpu.vector_load %arg8[%swap3A_175, %swap3A_176] {strides = array<i32>} : memref<313x32xi32, #tpu.memory_space<vmem>>, vector<16xi32>,
      tpu.vector_store %arg8[%swap3A_175, %swap3A_176], %select_n3A_173 {strides = array<i32>} : memref<313x32xi32, #tpu.memory_space<vmem>>, vector<16xi32>,
      %dma_start3A_178 = arith.constant 3 : i32
      %dma_start3A_179 = arith.constant 3 : i32
      %dma_start3A_180 = arith.constant 0 : i32
      %dma_start3A_181 = arith.constant 0 : i32
      %dma_start3A_182 = tpu.memref_slice %arg10[%dma_start3A_179, %dma_start3A_180, %dma_start3A_181] : memref<7x32x128xf32, #tpu.memory_space<vmem>> -> memref<1x32x128xf32, #tpu.memory_space<vmem>>
      %dma_start3A_183 = tpu.memref_squeeze %dma_start3A_182 : memref<1x32x128xf32, #tpu.memory_space<vmem>> -> memref<32x128xf32, #tpu.memory_space<vmem>>
      %dma_start3A_184 = arith.constant 0 : i32
      %dma_start3A_185 = tpu.memref_slice %arg8[%dma_start3A_178, %dma_start3A_184] : memref<313x32xi32, #tpu.memory_space<vmem>> -> memref<1x32xi32, #tpu.memory_space<vmem>>
      %dma_start3A_186 = tpu.memref_squeeze %dma_start3A_185 : memref<1x32xi32, #tpu.memory_space<vmem>> -> memref<32xi32, #tpu.memory_space<vmem>>
      %dma_start3A_187 = arith.constant 0 : i32
      %dma_start3A_188 = arith.constant 0 : i32
      %dma_start3A_189 = tpu.memref_slice %arg5[%dma_start3A_187, %dma_start3A_188] : memref<10240x128xf32, #tpu.memory_space<hbm>> -> memref<10240x128xf32, #tpu.memory_space<hbm>>
      tpu.enqueue_indirect_dma source(%dma_start3A_189 : memref<10240x128xf32, #tpu.memory_space<hbm>>) target(%dma_start3A_183 : memref<32x128xf32, #tpu.memory_space<vmem>>) offsets(%dma_start3A_186 : memref<32xi32, #tpu.memory_space<vmem>>) semaphore(%arg14 : memref<!tpu.dma_semaphore, #tpu.memory_space<semaphore_mem>>)
      %get3A_190 = arith.constant 4 : i32
      %get3A_191 = arith.index_cast %get3A_190 : i32 to index
      %get3A_192 = arith.constant 0 : index
      %get3A_193 = tpu.vector_load %arg8[%get3A_191, %get3A_192] {strides = array<i32>} : memref<313x32xi32, #tpu.memory_space<vmem>>, vector<16xi32>,
      %get3A_194 = arith.constant 4 : i32
      %get3A_195 = arith.index_cast %get3A_194 : i32 to index
      %get3A_196 = arith.constant 0 : index
      %get3A_197 = tpu.vector_load %arg9[%get3A_195, %get3A_196] {strides = array<i32>} : memref<313x32xi32, #tpu.memory_space<vmem>>, vector<16xi32>,
      %eq3A_198 = arith.cmpi eq, %get3A_193, %get3A_197 : vector<16xi32>
      %jit3A_199 = arith.constant 10000 : i32
      %broadcast_in_dim3A_200 = vector.broadcast %jit3A_199 : i32 to vector<16xi32>
      %select_n3A_201 = arith.select %eq3A_198, %broadcast_in_dim3A_200, %get3A_193 : vector<16xi1>, vector<16xi32>
      %swap3A_202 = arith.constant 4 : i32
      %swap3A_203 = arith.index_cast %swap3A_202 : i32 to index
      %swap3A_204 = arith.constant 0 : index
      %swap3A_205 = tpu.vector_load %arg8[%swap3A_203, %swap3A_204] {strides = array<i32>} : memref<313x32xi32, #tpu.memory_space<vmem>>, vector<16xi32>,
      tpu.vector_store %arg8[%swap3A_203, %swap3A_204], %select_n3A_201 {strides = array<i32>} : memref<313x32xi32, #tpu.memory_space<vmem>>, vector<16xi32>,
      %get3A_206 = arith.constant 4 : i32
      %get3A_207 = arith.index_cast %get3A_206 : i32 to index
      %get3A_208 = arith.constant 16 : index
      %get3A_209 = tpu.vector_load %arg8[%get3A_207, %get3A_208] {strides = array<i32>} : memref<313x32xi32, #tpu.memory_space<vmem>>, vector<16xi32>,
      %get3A_210 = arith.constant 4 : i32
      %get3A_211 = arith.index_cast %get3A_210 : i32 to index
      %get3A_212 = arith.constant 16 : index
      %get3A_213 = tpu.vector_load %arg9[%get3A_211, %get3A_212] {strides = array<i32>} : memref<313x32xi32, #tpu.memory_space<vmem>>, vector<16xi32>,
      %eq3A_214 = arith.cmpi eq, %get3A_209, %get3A_213 : vector<16xi32>
      %jit3A_215 = arith.constant 10000 : i32
      %broadcast_in_dim3A_216 = vector.broadcast %jit3A_215 : i32 to vector<16xi32>
      %select_n3A_217 = arith.select %eq3A_214, %broadcast_in_dim3A_216, %get3A_209 : vector<16xi1>, vector<16xi32>
      %swap3A_218 = arith.constant 4 : i32
      %swap3A_219 = arith.index_cast %swap3A_218 : i32 to index
      %swap3A_220 = arith.constant 16 : index
      %swap3A_221 = tpu.vector_load %arg8[%swap3A_219, %swap3A_220] {strides = array<i32>} : memref<313x32xi32, #tpu.memory_space<vmem>>, vector<16xi32>,
      tpu.vector_store %arg8[%swap3A_219, %swap3A_220], %select_n3A_217 {strides = array<i32>} : memref<313x32xi32, #tpu.memory_space<vmem>>, vector<16xi32>,
      %dma_start3A_222 = arith.constant 4 : i32
      %dma_start3A_223 = arith.constant 4 : i32
      %dma_start3A_224 = arith.constant 0 : i32
      %dma_start3A_225 = arith.constant 0 : i32
      %dma_start3A_226 = tpu.memref_slice %arg10[%dma_start3A_223, %dma_start3A_224, %dma_start3A_225] : memref<7x32x128xf32, #tpu.memory_space<vmem>> -> memref<1x32x128xf32, #tpu.memory_space<vmem>>
      %dma_start3A_227 = tpu.memref_squeeze %dma_start3A_226 : memref<1x32x128xf32, #tpu.memory_space<vmem>> -> memref<32x128xf32, #tpu.memory_space<vmem>>
      %dma_start3A_228 = arith.constant 0 : i32
      %dma_start3A_229 = tpu.memref_slice %arg8[%dma_start3A_222, %dma_start3A_228] : memref<313x32xi32, #tpu.memory_space<vmem>> -> memref<1x32xi32, #tpu.memory_space<vmem>>
      %dma_start3A_230 = tpu.memref_squeeze %dma_start3A_229 : memref<1x32xi32, #tpu.memory_space<vmem>> -> memref<32xi32, #tpu.memory_space<vmem>>
      %dma_start3A_231 = arith.constant 0 : i32
      %dma_start3A_232 = arith.constant 0 : i32
      %dma_start3A_233 = tpu.memref_slice %arg5[%dma_start3A_231, %dma_start3A_232] : memref<10240x128xf32, #tpu.memory_space<hbm>> -> memref<10240x128xf32, #tpu.memory_space<hbm>>
      tpu.enqueue_indirect_dma source(%dma_start3A_233 : memref<10240x128xf32, #tpu.memory_space<hbm>>) target(%dma_start3A_227 : memref<32x128xf32, #tpu.memory_space<vmem>>) offsets(%dma_start3A_230 : memref<32xi32, #tpu.memory_space<vmem>>) semaphore(%arg15 : memref<!tpu.dma_semaphore, #tpu.memory_space<semaphore_mem>>)
      %get3A_234 = arith.constant 5 : i32
      %get3A_235 = arith.index_cast %get3A_234 : i32 to index
      %get3A_236 = arith.constant 0 : index
      %get3A_237 = tpu.vector_load %arg8[%get3A_235, %get3A_236] {strides = array<i32>} : memref<313x32xi32, #tpu.memory_space<vmem>>, vector<16xi32>,
      %get3A_238 = arith.constant 5 : i32
      %get3A_239 = arith.index_cast %get3A_238 : i32 to index
      %get3A_240 = arith.constant 0 : index
      %get3A_241 = tpu.vector_load %arg9[%get3A_239, %get3A_240] {strides = array<i32>} : memref<313x32xi32, #tpu.memory_space<vmem>>, vector<16xi32>,
      %eq3A_242 = arith.cmpi eq, %get3A_237, %get3A_241 : vector<16xi32>
      %jit3A_243 = arith.constant 10000 : i32
      %broadcast_in_dim3A_244 = vector.broadcast %jit3A_243 : i32 to vector<16xi32>
      %select_n3A_245 = arith.select %eq3A_242, %broadcast_in_dim3A_244, %get3A_237 : vector<16xi1>, vector<16xi32>
      %swap3A_246 = arith.constant 5 : i32
      %swap3A_247 = arith.index_cast %swap3A_246 : i32 to index
      %swap3A_248 = arith.constant 0 : index
      %swap3A_249 = tpu.vector_load %arg8[%swap3A_247, %swap3A_248] {strides = array<i32>} : memref<313x32xi32, #tpu.memory_space<vmem>>, vector<16xi32>,
      tpu.vector_store %arg8[%swap3A_247, %swap3A_248], %select_n3A_245 {strides = array<i32>} : memref<313x32xi32, #tpu.memory_space<vmem>>, vector<16xi32>,
      %get3A_250 = arith.constant 5 : i32
      %get3A_251 = arith.index_cast %get3A_250 : i32 to index
      %get3A_252 = arith.constant 16 : index
      %get3A_253 = tpu.vector_load %arg8[%get3A_251, %get3A_252] {strides = array<i32>} : memref<313x32xi32, #tpu.memory_space<vmem>>, vector<16xi32>,
      %get3A_254 = arith.constant 5 : i32
      %get3A_255 = arith.index_cast %get3A_254 : i32 to index
      %get3A_256 = arith.constant 16 : index
      %get3A_257 = tpu.vector_load %arg9[%get3A_255, %get3A_256] {strides = array<i32>} : memref<313x32xi32, #tpu.memory_space<vmem>>, vector<16xi32>,
      %eq3A_258 = arith.cmpi eq, %get3A_253, %get3A_257 : vector<16xi32>
      %jit3A_259 = arith.constant 10000 : i32
      %broadcast_in_dim3A_260 = vector.broadcast %jit3A_259 : i32 to vector<16xi32>
      %select_n3A_261 = arith.select %eq3A_258, %broadcast_in_dim3A_260, %get3A_253 : vector<16xi1>, vector<16xi32>
      %swap3A_262 = arith.constant 5 : i32
      %swap3A_263 = arith.index_cast %swap3A_262 : i32 to index
      %swap3A_264 = arith.constant 16 : index
      %swap3A_265 = tpu.vector_load %arg8[%swap3A_263, %swap3A_264] {strides = array<i32>} : memref<313x32xi32, #tpu.memory_space<vmem>>, vector<16xi32>,
      tpu.vector_store %arg8[%swap3A_263, %swap3A_264], %select_n3A_261 {strides = array<i32>} : memref<313x32xi32, #tpu.memory_space<vmem>>, vector<16xi32>,
      %dma_start3A_266 = arith.constant 5 : i32
      %dma_start3A_267 = arith.constant 5 : i32
      %dma_start3A_268 = arith.constant 0 : i32
      %dma_start3A_269 = arith.constant 0 : i32
      %dma_start3A_270 = tpu.memref_slice %arg10[%dma_start3A_267, %dma_start3A_268, %dma_start3A_269] : memref<7x32x128xf32, #tpu.memory_space<vmem>> -> memref<1x32x128xf32, #tpu.memory_space<vmem>>
      %dma_start3A_271 = tpu.memref_squeeze %dma_start3A_270 : memref<1x32x128xf32, #tpu.memory_space<vmem>> -> memref<32x128xf32, #tpu.memory_space<vmem>>
      %dma_start3A_272 = arith.constant 0 : i32
      %dma_start3A_273 = tpu.memref_slice %arg8[%dma_start3A_266, %dma_start3A_272] : memref<313x32xi32, #tpu.memory_space<vmem>> -> memref<1x32xi32, #tpu.memory_space<vmem>>
      %dma_start3A_274 = tpu.memref_squeeze %dma_start3A_273 : memref<1x32xi32, #tpu.memory_space<vmem>> -> memref<32xi32, #tpu.memory_space<vmem>>
      %dma_start3A_275 = arith.constant 0 : i32
      %dma_start3A_276 = arith.constant 0 : i32
      %dma_start3A_277 = tpu.memref_slice %arg5[%dma_start3A_275, %dma_start3A_276] : memref<10240x128xf32, #tpu.memory_space<hbm>> -> memref<10240x128xf32, #tpu.memory_space<hbm>>
      tpu.enqueue_indirect_dma source(%dma_start3A_277 : memref<10240x128xf32, #tpu.memory_space<hbm>>) target(%dma_start3A_271 : memref<32x128xf32, #tpu.memory_space<vmem>>) offsets(%dma_start3A_274 : memref<32xi32, #tpu.memory_space<vmem>>) semaphore(%arg16 : memref<!tpu.dma_semaphore, #tpu.memory_space<semaphore_mem>>)
      %get3A_278 = arith.constant 6 : i32
      %get3A_279 = arith.index_cast %get3A_278 : i32 to index
      %get3A_280 = arith.constant 0 : index
      %get3A_281 = tpu.vector_load %arg8[%get3A_279, %get3A_280] {strides = array<i32>} : memref<313x32xi32, #tpu.memory_space<vmem>>, vector<16xi32>,
      %get3A_282 = arith.constant 6 : i32
      %get3A_283 = arith.index_cast %get3A_282 : i32 to index
      %get3A_284 = arith.constant 0 : index
      %get3A_285 = tpu.vector_load %arg9[%get3A_283, %get3A_284] {strides = array<i32>} : memref<313x32xi32, #tpu.memory_space<vmem>>, vector<16xi32>,
      %eq3A_286 = arith.cmpi eq, %get3A_281, %get3A_285 : vector<16xi32>
      %jit3A_287 = arith.constant 10000 : i32
      %broadcast_in_dim3A_288 = vector.broadcast %jit3A_287 : i32 to vector<16xi32>
      %select_n3A_289 = arith.select %eq3A_286, %broadcast_in_dim3A_288, %get3A_281 : vector<16xi1>, vector<16xi32>
      %swap3A_290 = arith.constant 6 : i32
      %swap3A_291 = arith.index_cast %swap3A_290 : i32 to index
      %swap3A_292 = arith.constant 0 : index
      %swap3A_293 = tpu.vector_load %arg8[%swap3A_291, %swap3A_292] {strides = array<i32>} : memref<313x32xi32, #tpu.memory_space<vmem>>, vector<16xi32>,
      tpu.vector_store %arg8[%swap3A_291, %swap3A_292], %select_n3A_289 {strides = array<i32>} : memref<313x32xi32, #tpu.memory_space<vmem>>, vector<16xi32>,
      %get3A_294 = arith.constant 6 : i32
      %get3A_295 = arith.index_cast %get3A_294 : i32 to index
      %get3A_296 = arith.constant 16 : index
      %get3A_297 = tpu.vector_load %arg8[%get3A_295, %get3A_296] {strides = array<i32>} : memref<313x32xi32, #tpu.memory_space<vmem>>, vector<16xi32>,
      %get3A_298 = arith.constant 6 : i32
      %get3A_299 = arith.index_cast %get3A_298 : i32 to index
      %get3A_300 = arith.constant 16 : index
      %get3A_301 = tpu.vector_load %arg9[%get3A_299, %get3A_300] {strides = array<i32>} : memref<313x32xi32, #tpu.memory_space<vmem>>, vector<16xi32>,
      %eq3A_302 = arith.cmpi eq, %get3A_297, %get3A_301 : vector<16xi32>
      %jit3A_303 = arith.constant 10000 : i32
      %broadcast_in_dim3A_304 = vector.broadcast %jit3A_303 : i32 to vector<16xi32>
      %select_n3A_305 = arith.select %eq3A_302, %broadcast_in_dim3A_304, %get3A_297 : vector<16xi1>, vector<16xi32>
      %swap3A_306 = arith.constant 6 : i32
      %swap3A_307 = arith.index_cast %swap3A_306 : i32 to index
      %swap3A_308 = arith.constant 16 : index
      %swap3A_309 = tpu.vector_load %arg8[%swap3A_307, %swap3A_308] {strides = array<i32>} : memref<313x32xi32, #tpu.memory_space<vmem>>, vector<16xi32>,
      tpu.vector_store %arg8[%swap3A_307, %swap3A_308], %select_n3A_305 {strides = array<i32>} : memref<313x32xi32, #tpu.memory_space<vmem>>, vector<16xi32>,
      %dma_start3A_310 = arith.constant 6 : i32
      %dma_start3A_311 = arith.constant 6 : i32
      %dma_start3A_312 = arith.constant 0 : i32
      %dma_start3A_313 = arith.constant 0 : i32
      %dma_start3A_314 = tpu.memref_slice %arg10[%dma_start3A_311, %dma_start3A_312, %dma_start3A_313] : memref<7x32x128xf32, #tpu.memory_space<vmem>> -> memref<1x32x128xf32, #tpu.memory_space<vmem>>
      %dma_start3A_315 = tpu.memref_squeeze %dma_start3A_314 : memref<1x32x128xf32, #tpu.memory_space<vmem>> -> memref<32x128xf32, #tpu.memory_space<vmem>>
      %dma_start3A_316 = arith.constant 0 : i32
      %dma_start3A_317 = tpu.memref_slice %arg8[%dma_start3A_310, %dma_start3A_316] : memref<313x32xi32, #tpu.memory_space<vmem>> -> memref<1x32xi32, #tpu.memory_space<vmem>>
      %dma_start3A_318 = tpu.memref_squeeze %dma_start3A_317 : memref<1x32xi32, #tpu.memory_space<vmem>> -> memref<32xi32, #tpu.memory_space<vmem>>
      %dma_start3A_319 = arith.constant 0 : i32
      %dma_start3A_320 = arith.constant 0 : i32
      %dma_start3A_321 = tpu.memref_slice %arg5[%dma_start3A_319, %dma_start3A_320] : memref<10240x128xf32, #tpu.memory_space<hbm>> -> memref<10240x128xf32, #tpu.memory_space<hbm>>
      tpu.enqueue_indirect_dma source(%dma_start3A_321 : memref<10240x128xf32, #tpu.memory_space<hbm>>) target(%dma_start3A_315 : memref<32x128xf32, #tpu.memory_space<vmem>>) offsets(%dma_start3A_318 : memref<32xi32, #tpu.memory_space<vmem>>) semaphore(%arg17 : memref<!tpu.dma_semaphore, #tpu.memory_space<semaphore_mem>>)
      %scan3A_322 = arith.constant 0 : i32
      %scan3A_323 = arith.constant 0 : i32
      %scan3A_324 = arith.constant 45 : i32
      %scan3A_325 = arith.addi %scan3A_323, %scan3A_324 : i32
      %scan3A_326 = arith.constant 1 : i32
      scf.for %scan3A_335 = %scan3A_323 to %scan3A_325 step %scan3A_326  : i32 {
        %mul3A = arith.constant 7 : i32
        %mul3A_336 = arith.muli %scan3A_335, %mul3A : i32
        %add3A = arith.constant 0 : i32
        %add3A_337 = arith.addi %mul3A_336, %add3A : i32
        %lt3A = arith.constant 313 : i32
        %lt3A_338 = arith.cmpi slt, %add3A_337, %lt3A : i32
        %convert_element_type3A_339 = arith.extui %lt3A_338 : i1 to i32
        %cond3A_340 = arith.constant 0 : i32
        %cond3A_341 = arith.cmpi ne, %convert_element_type3A_339, %cond3A_340 : i32
        scf.if %cond3A_341 {
          %dma_wait3A = arith.constant 0 : i32
          %dma_wait3A_477 = arith.constant 0 : i32
          %dma_wait3A_478 = arith.constant 0 : i32
          %dma_wait3A_479 = tpu.memref_slice %arg10[%dma_wait3A, %dma_wait3A_477, %dma_wait3A_478] : memref<7x32x128xf32, #tpu.memory_space<vmem>> -> memref<1x32x128xf32, #tpu.memory_space<vmem>>
          %dma_wait3A_480 = tpu.memref_squeeze %dma_wait3A_479 : memref<1x32x128xf32, #tpu.memory_space<vmem>> -> memref<32x128xf32, #tpu.memory_space<vmem>>
          %dma_wait3A_481 = arith.constant 0 : i32
          %dma_wait3A_482 = tpu.memref_slice %arg8[%add3A_337, %dma_wait3A_481] : memref<313x32xi32, #tpu.memory_space<vmem>> -> memref<1x32xi32, #tpu.memory_space<vmem>>
          %dma_wait3A_483 = tpu.memref_squeeze %dma_wait3A_482 : memref<1x32xi32, #tpu.memory_space<vmem>> -> memref<32xi32, #tpu.memory_space<vmem>>
          %dma_wait3A_484 = arith.constant 0 : i32
          %dma_wait3A_485 = arith.constant 0 : i32
          %dma_wait3A_486 = tpu.memref_slice %arg5[%dma_wait3A_484, %dma_wait3A_485] : memref<10240x128xf32, #tpu.memory_space<hbm>> -> memref<10240x128xf32, #tpu.memory_space<hbm>>
          tpu.wait_indirect_dma semaphore(%arg11 : memref<!tpu.dma_semaphore, #tpu.memory_space<semaphore_mem>>) src(%dma_wait3A_486 : memref<10240x128xf32, #tpu.memory_space<hbm>>) dst(%dma_wait3A_480 : memref<32x128xf32, #tpu.memory_space<vmem>>)
          %run_scoped3A = arith.constant 0 : i32
          "tpu.region"() ({
            %run_scoped3A_487 = tpu.sem_alloc : memref<!tpu.dma_semaphore, #tpu.memory_space<semaphore_mem>>
            %dma_start3A_488 = arith.constant 0 : i32
            %dma_start3A_489 = arith.constant 0 : i32
            %dma_start3A_490 = tpu.memref_slice %arg10[%run_scoped3A, %dma_start3A_488, %dma_start3A_489] : memref<7x32x128xf32, #tpu.memory_space<vmem>> -> memref<1x32x128xf32, #tpu.memory_space<vmem>>
            %dma_start3A_491 = tpu.memref_squeeze %dma_start3A_490 : memref<1x32x128xf32, #tpu.memory_space<vmem>> -> memref<32x128xf32, #tpu.memory_space<vmem>>
            %dma_start3A_492 = arith.constant 0 : i32
            %dma_start3A_493 = tpu.memref_slice %arg9[%add3A_337, %dma_start3A_492] : memref<313x32xi32, #tpu.memory_space<vmem>> -> memref<1x32xi32, #tpu.memory_space<vmem>>
            %dma_start3A_494 = tpu.memref_squeeze %dma_start3A_493 : memref<1x32xi32, #tpu.memory_space<vmem>> -> memref<32xi32, #tpu.memory_space<vmem>>
            %dma_start3A_495 = arith.constant 0 : i32
            %dma_start3A_496 = arith.constant 0 : i32
            %dma_start3A_497 = tpu.memref_slice %arg18[%dma_start3A_495, %dma_start3A_496] : memref<10240x128xf32, #tpu.memory_space<vmem_shared>> -> memref<10240x128xf32, #tpu.memory_space<vmem_shared>>
            tpu.enqueue_indirect_dma source(%dma_start3A_491 : memref<32x128xf32, #tpu.memory_space<vmem>>) target(%dma_start3A_497 : memref<10240x128xf32, #tpu.memory_space<vmem_shared>>) offsets(%dma_start3A_494 : memref<32xi32, #tpu.memory_space<vmem>>) semaphore(%run_scoped3A_487 : memref<!tpu.dma_semaphore, #tpu.memory_space<semaphore_mem>>) {add = true}
            %dma_wait3A_498 = arith.constant 0 : i32
            %dma_wait3A_499 = arith.constant 0 : i32
            %dma_wait3A_500 = tpu.memref_slice %arg10[%run_scoped3A, %dma_wait3A_498, %dma_wait3A_499] : memref<7x32x128xf32, #tpu.memory_space<vmem>> -> memref<1x32x128xf32, #tpu.memory_space<vmem>>
            %dma_wait3A_501 = tpu.memref_squeeze %dma_wait3A_500 : memref<1x32x128xf32, #tpu.memory_space<vmem>> -> memref<32x128xf32, #tpu.memory_space<vmem>>
            %dma_wait3A_502 = arith.constant 0 : i32
            %dma_wait3A_503 = tpu.memref_slice %arg9[%add3A_337, %dma_wait3A_502] : memref<313x32xi32, #tpu.memory_space<vmem>> -> memref<1x32xi32, #tpu.memory_space<vmem>>
            %dma_wait3A_504 = tpu.memref_squeeze %dma_wait3A_503 : memref<1x32xi32, #tpu.memory_space<vmem>> -> memref<32xi32, #tpu.memory_space<vmem>>
            %dma_wait3A_505 = arith.constant 0 : i32
            %dma_wait3A_506 = arith.constant 0 : i32
            %dma_wait3A_507 = tpu.memref_slice %arg18[%dma_wait3A_505, %dma_wait3A_506] : memref<10240x128xf32, #tpu.memory_space<vmem_shared>> -> memref<10240x128xf32, #tpu.memory_space<vmem_shared>>
            tpu.wait_indirect_dma semaphore(%run_scoped3A_487 : memref<!tpu.dma_semaphore, #tpu.memory_space<semaphore_mem>>) src(%dma_wait3A_501 : memref<32x128xf32, #tpu.memory_space<vmem>>) dst(%dma_wait3A_507 : memref<10240x128xf32, #tpu.memory_space<vmem_shared>>)
            tpu.yield
          }) : () -> ()
        } else {
        }
        %add3A_342 = arith.constant 7 : i32
        %add3A_343 = arith.addi %add3A_337, %add3A_342 : i32
        %sub3A = arith.constant 1 : i32
        %sub3A_344 = arith.subi %add3A_343, %sub3A : i32
        %ge3A = arith.constant 1 : i32
        %ge3A_345 = arith.cmpi sge, %add3A_337, %ge3A : i32
        %lt3A_346 = arith.constant 313 : i32
        %lt3A_347 = arith.cmpi slt, %sub3A_344, %lt3A_346 : i32
        %and3A = arith.andi %ge3A_345, %lt3A_347 : i1
        %convert_element_type3A_348 = arith.extui %and3A : i1 to i32
        %cond3A_349 = arith.constant 0 : i32
        %cond3A_350 = arith.cmpi ne, %convert_element_type3A_348, %cond3A_349 : i32
        scf.if %cond3A_350 {
          %get3A_477 = arith.index_cast %sub3A_344 : i32 to index
          %get3A_478 = arith.constant 0 : index
          %get3A_479 = tpu.vector_load %arg8[%get3A_477, %get3A_478] {strides = array<i32>} : memref<313x32xi32, #tpu.memory_space<vmem>>, vector<16xi32>,
          %get3A_480 = arith.index_cast %sub3A_344 : i32 to index
          %get3A_481 = arith.constant 0 : index
          %get3A_482 = tpu.vector_load %arg9[%get3A_480, %get3A_481] {strides = array<i32>} : memref<313x32xi32, #tpu.memory_space<vmem>>, vector<16xi32>,
          %eq3A_483 = arith.cmpi eq, %get3A_479, %get3A_482 : vector<16xi32>
          %jit3A_484 = arith.constant 10000 : i32
          %broadcast_in_dim3A_485 = vector.broadcast %jit3A_484 : i32 to vector<16xi32>
          %select_n3A_486 = arith.select %eq3A_483, %broadcast_in_dim3A_485, %get3A_479 : vector<16xi1>, vector<16xi32>
          %swap3A_487 = arith.index_cast %sub3A_344 : i32 to index
          %swap3A_488 = arith.constant 0 : index
          %swap3A_489 = tpu.vector_load %arg8[%swap3A_487, %swap3A_488] {strides = array<i32>} : memref<313x32xi32, #tpu.memory_space<vmem>>, vector<16xi32>,
          tpu.vector_store %arg8[%swap3A_487, %swap3A_488], %select_n3A_486 {strides = array<i32>} : memref<313x32xi32, #tpu.memory_space<vmem>>, vector<16xi32>,
          %get3A_490 = arith.index_cast %sub3A_344 : i32 to index
          %get3A_491 = arith.constant 16 : index
          %get3A_492 = tpu.vector_load %arg8[%get3A_490, %get3A_491] {strides = array<i32>} : memref<313x32xi32, #tpu.memory_space<vmem>>, vector<16xi32>,
          %get3A_493 = arith.index_cast %sub3A_344 : i32 to index
          %get3A_494 = arith.constant 16 : index
          %get3A_495 = tpu.vector_load %arg9[%get3A_493, %get3A_494] {strides = array<i32>} : memref<313x32xi32, #tpu.memory_space<vmem>>, vector<16xi32>,
          %eq3A_496 = arith.cmpi eq, %get3A_492, %get3A_495 : vector<16xi32>
          %jit3A_497 = arith.constant 10000 : i32
          %broadcast_in_dim3A_498 = vector.broadcast %jit3A_497 : i32 to vector<16xi32>
          %select_n3A_499 = arith.select %eq3A_496, %broadcast_in_dim3A_498, %get3A_492 : vector<16xi1>, vector<16xi32>
          %swap3A_500 = arith.index_cast %sub3A_344 : i32 to index
          %swap3A_501 = arith.constant 16 : index
          %swap3A_502 = tpu.vector_load %arg8[%swap3A_500, %swap3A_501] {strides = array<i32>} : memref<313x32xi32, #tpu.memory_space<vmem>>, vector<16xi32>,
          tpu.vector_store %arg8[%swap3A_500, %swap3A_501], %select_n3A_499 {strides = array<i32>} : memref<313x32xi32, #tpu.memory_space<vmem>>, vector<16xi32>,
          %dma_start3A_503 = arith.constant 6 : i32
          %dma_start3A_504 = arith.constant 0 : i32
          %dma_start3A_505 = arith.constant 0 : i32
          %dma_start3A_506 = tpu.memref_slice %arg10[%dma_start3A_503, %dma_start3A_504, %dma_start3A_505] : memref<7x32x128xf32, #tpu.memory_space<vmem>> -> memref<1x32x128xf32, #tpu.memory_space<vmem>>
          %dma_start3A_507 = tpu.memref_squeeze %dma_start3A_506 : memref<1x32x128xf32, #tpu.memory_space<vmem>> -> memref<32x128xf32, #tpu.memory_space<vmem>>
          %dma_start3A_508 = arith.constant 0 : i32
          %dma_start3A_509 = tpu.memref_slice %arg8[%sub3A_344, %dma_start3A_508] : memref<313x32xi32, #tpu.memory_space<vmem>> -> memref<1x32xi32, #tpu.memory_space<vmem>>
          %dma_start3A_510 = tpu.memref_squeeze %dma_start3A_509 : memref<1x32xi32, #tpu.memory_space<vmem>> -> memref<32xi32, #tpu.memory_space<vmem>>
          %dma_start3A_511 = arith.constant 0 : i32
          %dma_start3A_512 = arith.constant 0 : i32
          %dma_start3A_513 = tpu.memref_slice %arg5[%dma_start3A_511, %dma_start3A_512] : memref<10240x128xf32, #tpu.memory_space<hbm>> -> memref<10240x128xf32, #tpu.memory_space<hbm>>
          tpu.enqueue_indirect_dma source(%dma_start3A_513 : memref<10240x128xf32, #tpu.memory_space<hbm>>) target(%dma_start3A_507 : memref<32x128xf32, #tpu.memory_space<vmem>>) offsets(%dma_start3A_510 : memref<32xi32, #tpu.memory_space<vmem>>) semaphore(%arg17 : memref<!tpu.dma_semaphore, #tpu.memory_space<semaphore_mem>>)
        } else {
        }
        %mul3A_351 = arith.constant 7 : i32
        %mul3A_352 = arith.muli %scan3A_335, %mul3A_351 : i32
        %add3A_353 = arith.constant 1 : i32
        %add3A_354 = arith.addi %mul3A_352, %add3A_353 : i32
        %lt3A_355 = arith.constant 313 : i32
        %lt3A_356 = arith.cmpi slt, %add3A_354, %lt3A_355 : i32
        %convert_element_type3A_357 = arith.extui %lt3A_356 : i1 to i32
        %cond3A_358 = arith.constant 0 : i32
        %cond3A_359 = arith.cmpi ne, %convert_element_type3A_357, %cond3A_358 : i32
        scf.if %cond3A_359 {
          %dma_wait3A = arith.constant 1 : i32
          %dma_wait3A_477 = arith.constant 0 : i32
          %dma_wait3A_478 = arith.constant 0 : i32
          %dma_wait3A_479 = tpu.memref_slice %arg10[%dma_wait3A, %dma_wait3A_477, %dma_wait3A_478] : memref<7x32x128xf32, #tpu.memory_space<vmem>> -> memref<1x32x128xf32, #tpu.memory_space<vmem>>
          %dma_wait3A_480 = tpu.memref_squeeze %dma_wait3A_479 : memref<1x32x128xf32, #tpu.memory_space<vmem>> -> memref<32x128xf32, #tpu.memory_space<vmem>>
          %dma_wait3A_481 = arith.constant 0 : i32
          %dma_wait3A_482 = tpu.memref_slice %arg8[%add3A_354, %dma_wait3A_481] : memref<313x32xi32, #tpu.memory_space<vmem>> -> memref<1x32xi32, #tpu.memory_space<vmem>>
          %dma_wait3A_483 = tpu.memref_squeeze %dma_wait3A_482 : memref<1x32xi32, #tpu.memory_space<vmem>> -> memref<32xi32, #tpu.memory_space<vmem>>
          %dma_wait3A_484 = arith.constant 0 : i32
          %dma_wait3A_485 = arith.constant 0 : i32
          %dma_wait3A_486 = tpu.memref_slice %arg5[%dma_wait3A_484, %dma_wait3A_485] : memref<10240x128xf32, #tpu.memory_space<hbm>> -> memref<10240x128xf32, #tpu.memory_space<hbm>>
          tpu.wait_indirect_dma semaphore(%arg12 : memref<!tpu.dma_semaphore, #tpu.memory_space<semaphore_mem>>) src(%dma_wait3A_486 : memref<10240x128xf32, #tpu.memory_space<hbm>>) dst(%dma_wait3A_480 : memref<32x128xf32, #tpu.memory_space<vmem>>)
          %run_scoped3A = arith.constant 1 : i32
          "tpu.region"() ({
            %run_scoped3A_487 = tpu.sem_alloc : memref<!tpu.dma_semaphore, #tpu.memory_space<semaphore_mem>>
            %dma_start3A_488 = arith.constant 0 : i32
            %dma_start3A_489 = arith.constant 0 : i32
            %dma_start3A_490 = tpu.memref_slice %arg10[%run_scoped3A, %dma_start3A_488, %dma_start3A_489] : memref<7x32x128xf32, #tpu.memory_space<vmem>> -> memref<1x32x128xf32, #tpu.memory_space<vmem>>
            %dma_start3A_491 = tpu.memref_squeeze %dma_start3A_490 : memref<1x32x128xf32, #tpu.memory_space<vmem>> -> memref<32x128xf32, #tpu.memory_space<vmem>>
            %dma_start3A_492 = arith.constant 0 : i32
            %dma_start3A_493 = tpu.memref_slice %arg9[%add3A_354, %dma_start3A_492] : memref<313x32xi32, #tpu.memory_space<vmem>> -> memref<1x32xi32, #tpu.memory_space<vmem>>
            %dma_start3A_494 = tpu.memref_squeeze %dma_start3A_493 : memref<1x32xi32, #tpu.memory_space<vmem>> -> memref<32xi32, #tpu.memory_space<vmem>>
            %dma_start3A_495 = arith.constant 0 : i32
            %dma_start3A_496 = arith.constant 0 : i32
            %dma_start3A_497 = tpu.memref_slice %arg18[%dma_start3A_495, %dma_start3A_496] : memref<10240x128xf32, #tpu.memory_space<vmem_shared>> -> memref<10240x128xf32, #tpu.memory_space<vmem_shared>>
            tpu.enqueue_indirect_dma source(%dma_start3A_491 : memref<32x128xf32, #tpu.memory_space<vmem>>) target(%dma_start3A_497 : memref<10240x128xf32, #tpu.memory_space<vmem_shared>>) offsets(%dma_start3A_494 : memref<32xi32, #tpu.memory_space<vmem>>) semaphore(%run_scoped3A_487 : memref<!tpu.dma_semaphore, #tpu.memory_space<semaphore_mem>>) {add = true}
            %dma_wait3A_498 = arith.constant 0 : i32
            %dma_wait3A_499 = arith.constant 0 : i32
            %dma_wait3A_500 = tpu.memref_slice %arg10[%run_scoped3A, %dma_wait3A_498, %dma_wait3A_499] : memref<7x32x128xf32, #tpu.memory_space<vmem>> -> memref<1x32x128xf32, #tpu.memory_space<vmem>>
            %dma_wait3A_501 = tpu.memref_squeeze %dma_wait3A_500 : memref<1x32x128xf32, #tpu.memory_space<vmem>> -> memref<32x128xf32, #tpu.memory_space<vmem>>
            %dma_wait3A_502 = arith.constant 0 : i32
            %dma_wait3A_503 = tpu.memref_slice %arg9[%add3A_354, %dma_wait3A_502] : memref<313x32xi32, #tpu.memory_space<vmem>> -> memref<1x32xi32, #tpu.memory_space<vmem>>
            %dma_wait3A_504 = tpu.memref_squeeze %dma_wait3A_503 : memref<1x32xi32, #tpu.memory_space<vmem>> -> memref<32xi32, #tpu.memory_space<vmem>>
            %dma_wait3A_505 = arith.constant 0 : i32
            %dma_wait3A_506 = arith.constant 0 : i32
            %dma_wait3A_507 = tpu.memref_slice %arg18[%dma_wait3A_505, %dma_wait3A_506] : memref<10240x128xf32, #tpu.memory_space<vmem_shared>> -> memref<10240x128xf32, #tpu.memory_space<vmem_shared>>
            tpu.wait_indirect_dma semaphore(%run_scoped3A_487 : memref<!tpu.dma_semaphore, #tpu.memory_space<semaphore_mem>>) src(%dma_wait3A_501 : memref<32x128xf32, #tpu.memory_space<vmem>>) dst(%dma_wait3A_507 : memref<10240x128xf32, #tpu.memory_space<vmem_shared>>)
            tpu.yield
          }) : () -> ()
        } else {
        }
        %add3A_360 = arith.constant 7 : i32
        %add3A_361 = arith.addi %add3A_354, %add3A_360 : i32
        %sub3A_362 = arith.constant 1 : i32
        %sub3A_363 = arith.subi %add3A_361, %sub3A_362 : i32
        %ge3A_364 = arith.constant 1 : i32
        %ge3A_365 = arith.cmpi sge, %add3A_354, %ge3A_364 : i32
        %lt3A_366 = arith.constant 313 : i32
        %lt3A_367 = arith.cmpi slt, %sub3A_363, %lt3A_366 : i32
        %and3A_368 = arith.andi %ge3A_365, %lt3A_367 : i1
        %convert_element_type3A_369 = arith.extui %and3A_368 : i1 to i32
        %cond3A_370 = arith.constant 0 : i32
        %cond3A_371 = arith.cmpi ne, %convert_element_type3A_369, %cond3A_370 : i32
        scf.if %cond3A_371 {
          %get3A_477 = arith.index_cast %sub3A_363 : i32 to index
          %get3A_478 = arith.constant 0 : index
          %get3A_479 = tpu.vector_load %arg8[%get3A_477, %get3A_478] {strides = array<i32>} : memref<313x32xi32, #tpu.memory_space<vmem>>, vector<16xi32>,
          %get3A_480 = arith.index_cast %sub3A_363 : i32 to index
          %get3A_481 = arith.constant 0 : index
          %get3A_482 = tpu.vector_load %arg9[%get3A_480, %get3A_481] {strides = array<i32>} : memref<313x32xi32, #tpu.memory_space<vmem>>, vector<16xi32>,
          %eq3A_483 = arith.cmpi eq, %get3A_479, %get3A_482 : vector<16xi32>
          %jit3A_484 = arith.constant 10000 : i32
          %broadcast_in_dim3A_485 = vector.broadcast %jit3A_484 : i32 to vector<16xi32>
          %select_n3A_486 = arith.select %eq3A_483, %broadcast_in_dim3A_485, %get3A_479 : vector<16xi1>, vector<16xi32>
          %swap3A_487 = arith.index_cast %sub3A_363 : i32 to index
          %swap3A_488 = arith.constant 0 : index
          %swap3A_489 = tpu.vector_load %arg8[%swap3A_487, %swap3A_488] {strides = array<i32>} : memref<313x32xi32, #tpu.memory_space<vmem>>, vector<16xi32>,
          tpu.vector_store %arg8[%swap3A_487, %swap3A_488], %select_n3A_486 {strides = array<i32>} : memref<313x32xi32, #tpu.memory_space<vmem>>, vector<16xi32>,
          %get3A_490 = arith.index_cast %sub3A_363 : i32 to index
          %get3A_491 = arith.constant 16 : index
          %get3A_492 = tpu.vector_load %arg8[%get3A_490, %get3A_491] {strides = array<i32>} : memref<313x32xi32, #tpu.memory_space<vmem>>, vector<16xi32>,
          %get3A_493 = arith.index_cast %sub3A_363 : i32 to index
          %get3A_494 = arith.constant 16 : index
          %get3A_495 = tpu.vector_load %arg9[%get3A_493, %get3A_494] {strides = array<i32>} : memref<313x32xi32, #tpu.memory_space<vmem>>, vector<16xi32>,
          %eq3A_496 = arith.cmpi eq, %get3A_492, %get3A_495 : vector<16xi32>
          %jit3A_497 = arith.constant 10000 : i32
          %broadcast_in_dim3A_498 = vector.broadcast %jit3A_497 : i32 to vector<16xi32>
          %select_n3A_499 = arith.select %eq3A_496, %broadcast_in_dim3A_498, %get3A_492 : vector<16xi1>, vector<16xi32>
          %swap3A_500 = arith.index_cast %sub3A_363 : i32 to index
          %swap3A_501 = arith.constant 16 : index
          %swap3A_502 = tpu.vector_load %arg8[%swap3A_500, %swap3A_501] {strides = array<i32>} : memref<313x32xi32, #tpu.memory_space<vmem>>, vector<16xi32>,
          tpu.vector_store %arg8[%swap3A_500, %swap3A_501], %select_n3A_499 {strides = array<i32>} : memref<313x32xi32, #tpu.memory_space<vmem>>, vector<16xi32>,
          %dma_start3A_503 = arith.constant 0 : i32
          %dma_start3A_504 = arith.constant 0 : i32
          %dma_start3A_505 = arith.constant 0 : i32
          %dma_start3A_506 = tpu.memref_slice %arg10[%dma_start3A_503, %dma_start3A_504, %dma_start3A_505] : memref<7x32x128xf32, #tpu.memory_space<vmem>> -> memref<1x32x128xf32, #tpu.memory_space<vmem>>
          %dma_start3A_507 = tpu.memref_squeeze %dma_start3A_506 : memref<1x32x128xf32, #tpu.memory_space<vmem>> -> memref<32x128xf32, #tpu.memory_space<vmem>>
          %dma_start3A_508 = arith.constant 0 : i32
          %dma_start3A_509 = tpu.memref_slice %arg8[%sub3A_363, %dma_start3A_508] : memref<313x32xi32, #tpu.memory_space<vmem>> -> memref<1x32xi32, #tpu.memory_space<vmem>>
          %dma_start3A_510 = tpu.memref_squeeze %dma_start3A_509 : memref<1x32xi32, #tpu.memory_space<vmem>> -> memref<32xi32, #tpu.memory_space<vmem>>
          %dma_start3A_511 = arith.constant 0 : i32
          %dma_start3A_512 = arith.constant 0 : i32
          %dma_start3A_513 = tpu.memref_slice %arg5[%dma_start3A_511, %dma_start3A_512] : memref<10240x128xf32, #tpu.memory_space<hbm>> -> memref<10240x128xf32, #tpu.memory_space<hbm>>
          tpu.enqueue_indirect_dma source(%dma_start3A_513 : memref<10240x128xf32, #tpu.memory_space<hbm>>) target(%dma_start3A_507 : memref<32x128xf32, #tpu.memory_space<vmem>>) offsets(%dma_start3A_510 : memref<32xi32, #tpu.memory_space<vmem>>) semaphore(%arg11 : memref<!tpu.dma_semaphore, #tpu.memory_space<semaphore_mem>>)
        } else {
        }
        %mul3A_372 = arith.constant 7 : i32
        %mul3A_373 = arith.muli %scan3A_335, %mul3A_372 : i32
        %add3A_374 = arith.constant 2 : i32
        %add3A_375 = arith.addi %mul3A_373, %add3A_374 : i32
        %lt3A_376 = arith.constant 313 : i32
        %lt3A_377 = arith.cmpi slt, %add3A_375, %lt3A_376 : i32
        %convert_element_type3A_378 = arith.extui %lt3A_377 : i1 to i32
        %cond3A_379 = arith.constant 0 : i32
        %cond3A_380 = arith.cmpi ne, %convert_element_type3A_378, %cond3A_379 : i32
        scf.if %cond3A_380 {
          %dma_wait3A = arith.constant 2 : i32
          %dma_wait3A_477 = arith.constant 0 : i32
          %dma_wait3A_478 = arith.constant 0 : i32
          %dma_wait3A_479 = tpu.memref_slice %arg10[%dma_wait3A, %dma_wait3A_477, %dma_wait3A_478] : memref<7x32x128xf32, #tpu.memory_space<vmem>> -> memref<1x32x128xf32, #tpu.memory_space<vmem>>
          %dma_wait3A_480 = tpu.memref_squeeze %dma_wait3A_479 : memref<1x32x128xf32, #tpu.memory_space<vmem>> -> memref<32x128xf32, #tpu.memory_space<vmem>>
          %dma_wait3A_481 = arith.constant 0 : i32
          %dma_wait3A_482 = tpu.memref_slice %arg8[%add3A_375, %dma_wait3A_481] : memref<313x32xi32, #tpu.memory_space<vmem>> -> memref<1x32xi32, #tpu.memory_space<vmem>>
          %dma_wait3A_483 = tpu.memref_squeeze %dma_wait3A_482 : memref<1x32xi32, #tpu.memory_space<vmem>> -> memref<32xi32, #tpu.memory_space<vmem>>
          %dma_wait3A_484 = arith.constant 0 : i32
          %dma_wait3A_485 = arith.constant 0 : i32
          %dma_wait3A_486 = tpu.memref_slice %arg5[%dma_wait3A_484, %dma_wait3A_485] : memref<10240x128xf32, #tpu.memory_space<hbm>> -> memref<10240x128xf32, #tpu.memory_space<hbm>>
          tpu.wait_indirect_dma semaphore(%arg13 : memref<!tpu.dma_semaphore, #tpu.memory_space<semaphore_mem>>) src(%dma_wait3A_486 : memref<10240x128xf32, #tpu.memory_space<hbm>>) dst(%dma_wait3A_480 : memref<32x128xf32, #tpu.memory_space<vmem>>)
          %run_scoped3A = arith.constant 2 : i32
          "tpu.region"() ({
            %run_scoped3A_487 = tpu.sem_alloc : memref<!tpu.dma_semaphore, #tpu.memory_space<semaphore_mem>>
            %dma_start3A_488 = arith.constant 0 : i32
            %dma_start3A_489 = arith.constant 0 : i32
            %dma_start3A_490 = tpu.memref_slice %arg10[%run_scoped3A, %dma_start3A_488, %dma_start3A_489] : memref<7x32x128xf32, #tpu.memory_space<vmem>> -> memref<1x32x128xf32, #tpu.memory_space<vmem>>
            %dma_start3A_491 = tpu.memref_squeeze %dma_start3A_490 : memref<1x32x128xf32, #tpu.memory_space<vmem>> -> memref<32x128xf32, #tpu.memory_space<vmem>>
            %dma_start3A_492 = arith.constant 0 : i32
            %dma_start3A_493 = tpu.memref_slice %arg9[%add3A_375, %dma_start3A_492] : memref<313x32xi32, #tpu.memory_space<vmem>> -> memref<1x32xi32, #tpu.memory_space<vmem>>
            %dma_start3A_494 = tpu.memref_squeeze %dma_start3A_493 : memref<1x32xi32, #tpu.memory_space<vmem>> -> memref<32xi32, #tpu.memory_space<vmem>>
            %dma_start3A_495 = arith.constant 0 : i32
            %dma_start3A_496 = arith.constant 0 : i32
            %dma_start3A_497 = tpu.memref_slice %arg18[%dma_start3A_495, %dma_start3A_496] : memref<10240x128xf32, #tpu.memory_space<vmem_shared>> -> memref<10240x128xf32, #tpu.memory_space<vmem_shared>>
            tpu.enqueue_indirect_dma source(%dma_start3A_491 : memref<32x128xf32, #tpu.memory_space<vmem>>) target(%dma_start3A_497 : memref<10240x128xf32, #tpu.memory_space<vmem_shared>>) offsets(%dma_start3A_494 : memref<32xi32, #tpu.memory_space<vmem>>) semaphore(%run_scoped3A_487 : memref<!tpu.dma_semaphore, #tpu.memory_space<semaphore_mem>>) {add = true}
            %dma_wait3A_498 = arith.constant 0 : i32
            %dma_wait3A_499 = arith.constant 0 : i32
            %dma_wait3A_500 = tpu.memref_slice %arg10[%run_scoped3A, %dma_wait3A_498, %dma_wait3A_499] : memref<7x32x128xf32, #tpu.memory_space<vmem>> -> memref<1x32x128xf32, #tpu.memory_space<vmem>>
            %dma_wait3A_501 = tpu.memref_squeeze %dma_wait3A_500 : memref<1x32x128xf32, #tpu.memory_space<vmem>> -> memref<32x128xf32, #tpu.memory_space<vmem>>
            %dma_wait3A_502 = arith.constant 0 : i32
            %dma_wait3A_503 = tpu.memref_slice %arg9[%add3A_375, %dma_wait3A_502] : memref<313x32xi32, #tpu.memory_space<vmem>> -> memref<1x32xi32, #tpu.memory_space<vmem>>
            %dma_wait3A_504 = tpu.memref_squeeze %dma_wait3A_503 : memref<1x32xi32, #tpu.memory_space<vmem>> -> memref<32xi32, #tpu.memory_space<vmem>>
            %dma_wait3A_505 = arith.constant 0 : i32
            %dma_wait3A_506 = arith.constant 0 : i32
            %dma_wait3A_507 = tpu.memref_slice %arg18[%dma_wait3A_505, %dma_wait3A_506] : memref<10240x128xf32, #tpu.memory_space<vmem_shared>> -> memref<10240x128xf32, #tpu.memory_space<vmem_shared>>
            tpu.wait_indirect_dma semaphore(%run_scoped3A_487 : memref<!tpu.dma_semaphore, #tpu.memory_space<semaphore_mem>>) src(%dma_wait3A_501 : memref<32x128xf32, #tpu.memory_space<vmem>>) dst(%dma_wait3A_507 : memref<10240x128xf32, #tpu.memory_space<vmem_shared>>)
            tpu.yield
          }) : () -> ()
        } else {
        }
        %add3A_381 = arith.constant 7 : i32
        %add3A_382 = arith.addi %add3A_375, %add3A_381 : i32
        %sub3A_383 = arith.constant 1 : i32
        %sub3A_384 = arith.subi %add3A_382, %sub3A_383 : i32
        %ge3A_385 = arith.constant 1 : i32
        %ge3A_386 = arith.cmpi sge, %add3A_375, %ge3A_385 : i32
        %lt3A_387 = arith.constant 313 : i32
        %lt3A_388 = arith.cmpi slt, %sub3A_384, %lt3A_387 : i32
        %and3A_389 = arith.andi %ge3A_386, %lt3A_388 : i1
        %convert_element_type3A_390 = arith.extui %and3A_389 : i1 to i32
        %cond3A_391 = arith.constant 0 : i32
        %cond3A_392 = arith.cmpi ne, %convert_element_type3A_390, %cond3A_391 : i32
        scf.if %cond3A_392 {
          %get3A_477 = arith.index_cast %sub3A_384 : i32 to index
          %get3A_478 = arith.constant 0 : index
          %get3A_479 = tpu.vector_load %arg8[%get3A_477, %get3A_478] {strides = array<i32>} : memref<313x32xi32, #tpu.memory_space<vmem>>, vector<16xi32>,
          %get3A_480 = arith.index_cast %sub3A_384 : i32 to index
          %get3A_481 = arith.constant 0 : index
          %get3A_482 = tpu.vector_load %arg9[%get3A_480, %get3A_481] {strides = array<i32>} : memref<313x32xi32, #tpu.memory_space<vmem>>, vector<16xi32>,
          %eq3A_483 = arith.cmpi eq, %get3A_479, %get3A_482 : vector<16xi32>
          %jit3A_484 = arith.constant 10000 : i32
          %broadcast_in_dim3A_485 = vector.broadcast %jit3A_484 : i32 to vector<16xi32>
          %select_n3A_486 = arith.select %eq3A_483, %broadcast_in_dim3A_485, %get3A_479 : vector<16xi1>, vector<16xi32>
          %swap3A_487 = arith.index_cast %sub3A_384 : i32 to index
          %swap3A_488 = arith.constant 0 : index
          %swap3A_489 = tpu.vector_load %arg8[%swap3A_487, %swap3A_488] {strides = array<i32>} : memref<313x32xi32, #tpu.memory_space<vmem>>, vector<16xi32>,
          tpu.vector_store %arg8[%swap3A_487, %swap3A_488], %select_n3A_486 {strides = array<i32>} : memref<313x32xi32, #tpu.memory_space<vmem>>, vector<16xi32>,
          %get3A_490 = arith.index_cast %sub3A_384 : i32 to index
          %get3A_491 = arith.constant 16 : index
          %get3A_492 = tpu.vector_load %arg8[%get3A_490, %get3A_491] {strides = array<i32>} : memref<313x32xi32, #tpu.memory_space<vmem>>, vector<16xi32>,
          %get3A_493 = arith.index_cast %sub3A_384 : i32 to index
          %get3A_494 = arith.constant 16 : index
          %get3A_495 = tpu.vector_load %arg9[%get3A_493, %get3A_494] {strides = array<i32>} : memref<313x32xi32, #tpu.memory_space<vmem>>, vector<16xi32>,
          %eq3A_496 = arith.cmpi eq, %get3A_492, %get3A_495 : vector<16xi32>
          %jit3A_497 = arith.constant 10000 : i32
          %broadcast_in_dim3A_498 = vector.broadcast %jit3A_497 : i32 to vector<16xi32>
          %select_n3A_499 = arith.select %eq3A_496, %broadcast_in_dim3A_498, %get3A_492 : vector<16xi1>, vector<16xi32>
          %swap3A_500 = arith.index_cast %sub3A_384 : i32 to index
          %swap3A_501 = arith.constant 16 : index
          %swap3A_502 = tpu.vector_load %arg8[%swap3A_500, %swap3A_501] {strides = array<i32>} : memref<313x32xi32, #tpu.memory_space<vmem>>, vector<16xi32>,
          tpu.vector_store %arg8[%swap3A_500, %swap3A_501], %select_n3A_499 {strides = array<i32>} : memref<313x32xi32, #tpu.memory_space<vmem>>, vector<16xi32>,
          %dma_start3A_503 = arith.constant 1 : i32
          %dma_start3A_504 = arith.constant 0 : i32
          %dma_start3A_505 = arith.constant 0 : i32
          %dma_start3A_506 = tpu.memref_slice %arg10[%dma_start3A_503, %dma_start3A_504, %dma_start3A_505] : memref<7x32x128xf32, #tpu.memory_space<vmem>> -> memref<1x32x128xf32, #tpu.memory_space<vmem>>
          %dma_start3A_507 = tpu.memref_squeeze %dma_start3A_506 : memref<1x32x128xf32, #tpu.memory_space<vmem>> -> memref<32x128xf32, #tpu.memory_space<vmem>>
          %dma_start3A_508 = arith.constant 0 : i32
          %dma_start3A_509 = tpu.memref_slice %arg8[%sub3A_384, %dma_start3A_508] : memref<313x32xi32, #tpu.memory_space<vmem>> -> memref<1x32xi32, #tpu.memory_space<vmem>>
          %dma_start3A_510 = tpu.memref_squeeze %dma_start3A_509 : memref<1x32xi32, #tpu.memory_space<vmem>> -> memref<32xi32, #tpu.memory_space<vmem>>
          %dma_start3A_511 = arith.constant 0 : i32
          %dma_start3A_512 = arith.constant 0 : i32
          %dma_start3A_513 = tpu.memref_slice %arg5[%dma_start3A_511, %dma_start3A_512] : memref<10240x128xf32, #tpu.memory_space<hbm>> -> memref<10240x128xf32, #tpu.memory_space<hbm>>
          tpu.enqueue_indirect_dma source(%dma_start3A_513 : memref<10240x128xf32, #tpu.memory_space<hbm>>) target(%dma_start3A_507 : memref<32x128xf32, #tpu.memory_space<vmem>>) offsets(%dma_start3A_510 : memref<32xi32, #tpu.memory_space<vmem>>) semaphore(%arg12 : memref<!tpu.dma_semaphore, #tpu.memory_space<semaphore_mem>>)
        } else {
        }
        %mul3A_393 = arith.constant 7 : i32
        %mul3A_394 = arith.muli %scan3A_335, %mul3A_393 : i32
        %add3A_395 = arith.constant 3 : i32
        %add3A_396 = arith.addi %mul3A_394, %add3A_395 : i32
        %lt3A_397 = arith.constant 313 : i32
        %lt3A_398 = arith.cmpi slt, %add3A_396, %lt3A_397 : i32
        %convert_element_type3A_399 = arith.extui %lt3A_398 : i1 to i32
        %cond3A_400 = arith.constant 0 : i32
        %cond3A_401 = arith.cmpi ne, %convert_element_type3A_399, %cond3A_400 : i32
        scf.if %cond3A_401 {
          %dma_wait3A = arith.constant 3 : i32
          %dma_wait3A_477 = arith.constant 0 : i32
          %dma_wait3A_478 = arith.constant 0 : i32
          %dma_wait3A_479 = tpu.memref_slice %arg10[%dma_wait3A, %dma_wait3A_477, %dma_wait3A_478] : memref<7x32x128xf32, #tpu.memory_space<vmem>> -> memref<1x32x128xf32, #tpu.memory_space<vmem>>
          %dma_wait3A_480 = tpu.memref_squeeze %dma_wait3A_479 : memref<1x32x128xf32, #tpu.memory_space<vmem>> -> memref<32x128xf32, #tpu.memory_space<vmem>>
          %dma_wait3A_481 = arith.constant 0 : i32
          %dma_wait3A_482 = tpu.memref_slice %arg8[%add3A_396, %dma_wait3A_481] : memref<313x32xi32, #tpu.memory_space<vmem>> -> memref<1x32xi32, #tpu.memory_space<vmem>>
          %dma_wait3A_483 = tpu.memref_squeeze %dma_wait3A_482 : memref<1x32xi32, #tpu.memory_space<vmem>> -> memref<32xi32, #tpu.memory_space<vmem>>
          %dma_wait3A_484 = arith.constant 0 : i32
          %dma_wait3A_485 = arith.constant 0 : i32
          %dma_wait3A_486 = tpu.memref_slice %arg5[%dma_wait3A_484, %dma_wait3A_485] : memref<10240x128xf32, #tpu.memory_space<hbm>> -> memref<10240x128xf32, #tpu.memory_space<hbm>>
          tpu.wait_indirect_dma semaphore(%arg14 : memref<!tpu.dma_semaphore, #tpu.memory_space<semaphore_mem>>) src(%dma_wait3A_486 : memref<10240x128xf32, #tpu.memory_space<hbm>>) dst(%dma_wait3A_480 : memref<32x128xf32, #tpu.memory_space<vmem>>)
          %run_scoped3A = arith.constant 3 : i32
          "tpu.region"() ({
            %run_scoped3A_487 = tpu.sem_alloc : memref<!tpu.dma_semaphore, #tpu.memory_space<semaphore_mem>>
            %dma_start3A_488 = arith.constant 0 : i32
            %dma_start3A_489 = arith.constant 0 : i32
            %dma_start3A_490 = tpu.memref_slice %arg10[%run_scoped3A, %dma_start3A_488, %dma_start3A_489] : memref<7x32x128xf32, #tpu.memory_space<vmem>> -> memref<1x32x128xf32, #tpu.memory_space<vmem>>
            %dma_start3A_491 = tpu.memref_squeeze %dma_start3A_490 : memref<1x32x128xf32, #tpu.memory_space<vmem>> -> memref<32x128xf32, #tpu.memory_space<vmem>>
            %dma_start3A_492 = arith.constant 0 : i32
            %dma_start3A_493 = tpu.memref_slice %arg9[%add3A_396, %dma_start3A_492] : memref<313x32xi32, #tpu.memory_space<vmem>> -> memref<1x32xi32, #tpu.memory_space<vmem>>
            %dma_start3A_494 = tpu.memref_squeeze %dma_start3A_493 : memref<1x32xi32, #tpu.memory_space<vmem>> -> memref<32xi32, #tpu.memory_space<vmem>>
            %dma_start3A_495 = arith.constant 0 : i32
            %dma_start3A_496 = arith.constant 0 : i32
            %dma_start3A_497 = tpu.memref_slice %arg18[%dma_start3A_495, %dma_start3A_496] : memref<10240x128xf32, #tpu.memory_space<vmem_shared>> -> memref<10240x128xf32, #tpu.memory_space<vmem_shared>>
            tpu.enqueue_indirect_dma source(%dma_start3A_491 : memref<32x128xf32, #tpu.memory_space<vmem>>) target(%dma_start3A_497 : memref<10240x128xf32, #tpu.memory_space<vmem_shared>>) offsets(%dma_start3A_494 : memref<32xi32, #tpu.memory_space<vmem>>) semaphore(%run_scoped3A_487 : memref<!tpu.dma_semaphore, #tpu.memory_space<semaphore_mem>>) {add = true}
            %dma_wait3A_498 = arith.constant 0 : i32
            %dma_wait3A_499 = arith.constant 0 : i32
            %dma_wait3A_500 = tpu.memref_slice %arg10[%run_scoped3A, %dma_wait3A_498, %dma_wait3A_499] : memref<7x32x128xf32, #tpu.memory_space<vmem>> -> memref<1x32x128xf32, #tpu.memory_space<vmem>>
            %dma_wait3A_501 = tpu.memref_squeeze %dma_wait3A_500 : memref<1x32x128xf32, #tpu.memory_space<vmem>> -> memref<32x128xf32, #tpu.memory_space<vmem>>
            %dma_wait3A_502 = arith.constant 0 : i32
            %dma_wait3A_503 = tpu.memref_slice %arg9[%add3A_396, %dma_wait3A_502] : memref<313x32xi32, #tpu.memory_space<vmem>> -> memref<1x32xi32, #tpu.memory_space<vmem>>
            %dma_wait3A_504 = tpu.memref_squeeze %dma_wait3A_503 : memref<1x32xi32, #tpu.memory_space<vmem>> -> memref<32xi32, #tpu.memory_space<vmem>>
            %dma_wait3A_505 = arith.constant 0 : i32
            %dma_wait3A_506 = arith.constant 0 : i32
            %dma_wait3A_507 = tpu.memref_slice %arg18[%dma_wait3A_505, %dma_wait3A_506] : memref<10240x128xf32, #tpu.memory_space<vmem_shared>> -> memref<10240x128xf32, #tpu.memory_space<vmem_shared>>
            tpu.wait_indirect_dma semaphore(%run_scoped3A_487 : memref<!tpu.dma_semaphore, #tpu.memory_space<semaphore_mem>>) src(%dma_wait3A_501 : memref<32x128xf32, #tpu.memory_space<vmem>>) dst(%dma_wait3A_507 : memref<10240x128xf32, #tpu.memory_space<vmem_shared>>)
            tpu.yield
          }) : () -> ()
        } else {
        }
        %add3A_402 = arith.constant 7 : i32
        %add3A_403 = arith.addi %add3A_396, %add3A_402 : i32
        %sub3A_404 = arith.constant 1 : i32
        %sub3A_405 = arith.subi %add3A_403, %sub3A_404 : i32
        %ge3A_406 = arith.constant 1 : i32
        %ge3A_407 = arith.cmpi sge, %add3A_396, %ge3A_406 : i32
        %lt3A_408 = arith.constant 313 : i32
        %lt3A_409 = arith.cmpi slt, %sub3A_405, %lt3A_408 : i32
        %and3A_410 = arith.andi %ge3A_407, %lt3A_409 : i1
        %convert_element_type3A_411 = arith.extui %and3A_410 : i1 to i32
        %cond3A_412 = arith.constant 0 : i32
        %cond3A_413 = arith.cmpi ne, %convert_element_type3A_411, %cond3A_412 : i32
        scf.if %cond3A_413 {
          %get3A_477 = arith.index_cast %sub3A_405 : i32 to index
          %get3A_478 = arith.constant 0 : index
          %get3A_479 = tpu.vector_load %arg8[%get3A_477, %get3A_478] {strides = array<i32>} : memref<313x32xi32, #tpu.memory_space<vmem>>, vector<16xi32>,
          %get3A_480 = arith.index_cast %sub3A_405 : i32 to index
          %get3A_481 = arith.constant 0 : index
          %get3A_482 = tpu.vector_load %arg9[%get3A_480, %get3A_481] {strides = array<i32>} : memref<313x32xi32, #tpu.memory_space<vmem>>, vector<16xi32>,
          %eq3A_483 = arith.cmpi eq, %get3A_479, %get3A_482 : vector<16xi32>
          %jit3A_484 = arith.constant 10000 : i32
          %broadcast_in_dim3A_485 = vector.broadcast %jit3A_484 : i32 to vector<16xi32>
          %select_n3A_486 = arith.select %eq3A_483, %broadcast_in_dim3A_485, %get3A_479 : vector<16xi1>, vector<16xi32>
          %swap3A_487 = arith.index_cast %sub3A_405 : i32 to index
          %swap3A_488 = arith.constant 0 : index
          %swap3A_489 = tpu.vector_load %arg8[%swap3A_487, %swap3A_488] {strides = array<i32>} : memref<313x32xi32, #tpu.memory_space<vmem>>, vector<16xi32>,
          tpu.vector_store %arg8[%swap3A_487, %swap3A_488], %select_n3A_486 {strides = array<i32>} : memref<313x32xi32, #tpu.memory_space<vmem>>, vector<16xi32>,
          %get3A_490 = arith.index_cast %sub3A_405 : i32 to index
          %get3A_491 = arith.constant 16 : index
          %get3A_492 = tpu.vector_load %arg8[%get3A_490, %get3A_491] {strides = array<i32>} : memref<313x32xi32, #tpu.memory_space<vmem>>, vector<16xi32>,
          %get3A_493 = arith.index_cast %sub3A_405 : i32 to index
          %get3A_494 = arith.constant 16 : index
          %get3A_495 = tpu.vector_load %arg9[%get3A_493, %get3A_494] {strides = array<i32>} : memref<313x32xi32, #tpu.memory_space<vmem>>, vector<16xi32>,
          %eq3A_496 = arith.cmpi eq, %get3A_492, %get3A_495 : vector<16xi32>
          %jit3A_497 = arith.constant 10000 : i32
          %broadcast_in_dim3A_498 = vector.broadcast %jit3A_497 : i32 to vector<16xi32>
          %select_n3A_499 = arith.select %eq3A_496, %broadcast_in_dim3A_498, %get3A_492 : vector<16xi1>, vector<16xi32>
          %swap3A_500 = arith.index_cast %sub3A_405 : i32 to index
          %swap3A_501 = arith.constant 16 : index
          %swap3A_502 = tpu.vector_load %arg8[%swap3A_500, %swap3A_501] {strides = array<i32>} : memref<313x32xi32, #tpu.memory_space<vmem>>, vector<16xi32>,
          tpu.vector_store %arg8[%swap3A_500, %swap3A_501], %select_n3A_499 {strides = array<i32>} : memref<313x32xi32, #tpu.memory_space<vmem>>, vector<16xi32>,
          %dma_start3A_503 = arith.constant 2 : i32
          %dma_start3A_504 = arith.constant 0 : i32
          %dma_start3A_505 = arith.constant 0 : i32
          %dma_start3A_506 = tpu.memref_slice %arg10[%dma_start3A_503, %dma_start3A_504, %dma_start3A_505] : memref<7x32x128xf32, #tpu.memory_space<vmem>> -> memref<1x32x128xf32, #tpu.memory_space<vmem>>
          %dma_start3A_507 = tpu.memref_squeeze %dma_start3A_506 : memref<1x32x128xf32, #tpu.memory_space<vmem>> -> memref<32x128xf32, #tpu.memory_space<vmem>>
          %dma_start3A_508 = arith.constant 0 : i32
          %dma_start3A_509 = tpu.memref_slice %arg8[%sub3A_405, %dma_start3A_508] : memref<313x32xi32, #tpu.memory_space<vmem>> -> memref<1x32xi32, #tpu.memory_space<vmem>>
          %dma_start3A_510 = tpu.memref_squeeze %dma_start3A_509 : memref<1x32xi32, #tpu.memory_space<vmem>> -> memref<32xi32, #tpu.memory_space<vmem>>
          %dma_start3A_511 = arith.constant 0 : i32
          %dma_start3A_512 = arith.constant 0 : i32
          %dma_start3A_513 = tpu.memref_slice %arg5[%dma_start3A_511, %dma_start3A_512] : memref<10240x128xf32, #tpu.memory_space<hbm>> -> memref<10240x128xf32, #tpu.memory_space<hbm>>
          tpu.enqueue_indirect_dma source(%dma_start3A_513 : memref<10240x128xf32, #tpu.memory_space<hbm>>) target(%dma_start3A_507 : memref<32x128xf32, #tpu.memory_space<vmem>>) offsets(%dma_start3A_510 : memref<32xi32, #tpu.memory_space<vmem>>) semaphore(%arg13 : memref<!tpu.dma_semaphore, #tpu.memory_space<semaphore_mem>>)
        } else {
        }
        %mul3A_414 = arith.constant 7 : i32
        %mul3A_415 = arith.muli %scan3A_335, %mul3A_414 : i32
        %add3A_416 = arith.constant 4 : i32
        %add3A_417 = arith.addi %mul3A_415, %add3A_416 : i32
        %lt3A_418 = arith.constant 313 : i32
        %lt3A_419 = arith.cmpi slt, %add3A_417, %lt3A_418 : i32
        %convert_element_type3A_420 = arith.extui %lt3A_419 : i1 to i32
        %cond3A_421 = arith.constant 0 : i32
        %cond3A_422 = arith.cmpi ne, %convert_element_type3A_420, %cond3A_421 : i32
        scf.if %cond3A_422 {
          %dma_wait3A = arith.constant 4 : i32
          %dma_wait3A_477 = arith.constant 0 : i32
          %dma_wait3A_478 = arith.constant 0 : i32
          %dma_wait3A_479 = tpu.memref_slice %arg10[%dma_wait3A, %dma_wait3A_477, %dma_wait3A_478] : memref<7x32x128xf32, #tpu.memory_space<vmem>> -> memref<1x32x128xf32, #tpu.memory_space<vmem>>
          %dma_wait3A_480 = tpu.memref_squeeze %dma_wait3A_479 : memref<1x32x128xf32, #tpu.memory_space<vmem>> -> memref<32x128xf32, #tpu.memory_space<vmem>>
          %dma_wait3A_481 = arith.constant 0 : i32
          %dma_wait3A_482 = tpu.memref_slice %arg8[%add3A_417, %dma_wait3A_481] : memref<313x32xi32, #tpu.memory_space<vmem>> -> memref<1x32xi32, #tpu.memory_space<vmem>>
          %dma_wait3A_483 = tpu.memref_squeeze %dma_wait3A_482 : memref<1x32xi32, #tpu.memory_space<vmem>> -> memref<32xi32, #tpu.memory_space<vmem>>
          %dma_wait3A_484 = arith.constant 0 : i32
          %dma_wait3A_485 = arith.constant 0 : i32
          %dma_wait3A_486 = tpu.memref_slice %arg5[%dma_wait3A_484, %dma_wait3A_485] : memref<10240x128xf32, #tpu.memory_space<hbm>> -> memref<10240x128xf32, #tpu.memory_space<hbm>>
          tpu.wait_indirect_dma semaphore(%arg15 : memref<!tpu.dma_semaphore, #tpu.memory_space<semaphore_mem>>) src(%dma_wait3A_486 : memref<10240x128xf32, #tpu.memory_space<hbm>>) dst(%dma_wait3A_480 : memref<32x128xf32, #tpu.memory_space<vmem>>)
          %run_scoped3A = arith.constant 4 : i32
          "tpu.region"() ({
            %run_scoped3A_487 = tpu.sem_alloc : memref<!tpu.dma_semaphore, #tpu.memory_space<semaphore_mem>>
            %dma_start3A_488 = arith.constant 0 : i32
            %dma_start3A_489 = arith.constant 0 : i32
            %dma_start3A_490 = tpu.memref_slice %arg10[%run_scoped3A, %dma_start3A_488, %dma_start3A_489] : memref<7x32x128xf32, #tpu.memory_space<vmem>> -> memref<1x32x128xf32, #tpu.memory_space<vmem>>
            %dma_start3A_491 = tpu.memref_squeeze %dma_start3A_490 : memref<1x32x128xf32, #tpu.memory_space<vmem>> -> memref<32x128xf32, #tpu.memory_space<vmem>>
            %dma_start3A_492 = arith.constant 0 : i32
            %dma_start3A_493 = tpu.memref_slice %arg9[%add3A_417, %dma_start3A_492] : memref<313x32xi32, #tpu.memory_space<vmem>> -> memref<1x32xi32, #tpu.memory_space<vmem>>
            %dma_start3A_494 = tpu.memref_squeeze %dma_start3A_493 : memref<1x32xi32, #tpu.memory_space<vmem>> -> memref<32xi32, #tpu.memory_space<vmem>>
            %dma_start3A_495 = arith.constant 0 : i32
            %dma_start3A_496 = arith.constant 0 : i32
            %dma_start3A_497 = tpu.memref_slice %arg18[%dma_start3A_495, %dma_start3A_496] : memref<10240x128xf32, #tpu.memory_space<vmem_shared>> -> memref<10240x128xf32, #tpu.memory_space<vmem_shared>>
            tpu.enqueue_indirect_dma source(%dma_start3A_491 : memref<32x128xf32, #tpu.memory_space<vmem>>) target(%dma_start3A_497 : memref<10240x128xf32, #tpu.memory_space<vmem_shared>>) offsets(%dma_start3A_494 : memref<32xi32, #tpu.memory_space<vmem>>) semaphore(%run_scoped3A_487 : memref<!tpu.dma_semaphore, #tpu.memory_space<semaphore_mem>>) {add = true}
            %dma_wait3A_498 = arith.constant 0 : i32
            %dma_wait3A_499 = arith.constant 0 : i32
            %dma_wait3A_500 = tpu.memref_slice %arg10[%run_scoped3A, %dma_wait3A_498, %dma_wait3A_499] : memref<7x32x128xf32, #tpu.memory_space<vmem>> -> memref<1x32x128xf32, #tpu.memory_space<vmem>>
            %dma_wait3A_501 = tpu.memref_squeeze %dma_wait3A_500 : memref<1x32x128xf32, #tpu.memory_space<vmem>> -> memref<32x128xf32, #tpu.memory_space<vmem>>
            %dma_wait3A_502 = arith.constant 0 : i32
            %dma_wait3A_503 = tpu.memref_slice %arg9[%add3A_417, %dma_wait3A_502] : memref<313x32xi32, #tpu.memory_space<vmem>> -> memref<1x32xi32, #tpu.memory_space<vmem>>
            %dma_wait3A_504 = tpu.memref_squeeze %dma_wait3A_503 : memref<1x32xi32, #tpu.memory_space<vmem>> -> memref<32xi32, #tpu.memory_space<vmem>>
            %dma_wait3A_505 = arith.constant 0 : i32
            %dma_wait3A_506 = arith.constant 0 : i32
            %dma_wait3A_507 = tpu.memref_slice %arg18[%dma_wait3A_505, %dma_wait3A_506] : memref<10240x128xf32, #tpu.memory_space<vmem_shared>> -> memref<10240x128xf32, #tpu.memory_space<vmem_shared>>
            tpu.wait_indirect_dma semaphore(%run_scoped3A_487 : memref<!tpu.dma_semaphore, #tpu.memory_space<semaphore_mem>>) src(%dma_wait3A_501 : memref<32x128xf32, #tpu.memory_space<vmem>>) dst(%dma_wait3A_507 : memref<10240x128xf32, #tpu.memory_space<vmem_shared>>)
            tpu.yield
          }) : () -> ()
        } else {
        }
        %add3A_423 = arith.constant 7 : i32
        %add3A_424 = arith.addi %add3A_417, %add3A_423 : i32
        %sub3A_425 = arith.constant 1 : i32
        %sub3A_426 = arith.subi %add3A_424, %sub3A_425 : i32
        %ge3A_427 = arith.constant 1 : i32
        %ge3A_428 = arith.cmpi sge, %add3A_417, %ge3A_427 : i32
        %lt3A_429 = arith.constant 313 : i32
        %lt3A_430 = arith.cmpi slt, %sub3A_426, %lt3A_429 : i32
        %and3A_431 = arith.andi %ge3A_428, %lt3A_430 : i1
        %convert_element_type3A_432 = arith.extui %and3A_431 : i1 to i32
        %cond3A_433 = arith.constant 0 : i32
        %cond3A_434 = arith.cmpi ne, %convert_element_type3A_432, %cond3A_433 : i32
        scf.if %cond3A_434 {
          %get3A_477 = arith.index_cast %sub3A_426 : i32 to index
          %get3A_478 = arith.constant 0 : index
          %get3A_479 = tpu.vector_load %arg8[%get3A_477, %get3A_478] {strides = array<i32>} : memref<313x32xi32, #tpu.memory_space<vmem>>, vector<16xi32>,
          %get3A_480 = arith.index_cast %sub3A_426 : i32 to index
          %get3A_481 = arith.constant 0 : index
          %get3A_482 = tpu.vector_load %arg9[%get3A_480, %get3A_481] {strides = array<i32>} : memref<313x32xi32, #tpu.memory_space<vmem>>, vector<16xi32>,
          %eq3A_483 = arith.cmpi eq, %get3A_479, %get3A_482 : vector<16xi32>
          %jit3A_484 = arith.constant 10000 : i32
          %broadcast_in_dim3A_485 = vector.broadcast %jit3A_484 : i32 to vector<16xi32>
          %select_n3A_486 = arith.select %eq3A_483, %broadcast_in_dim3A_485, %get3A_479 : vector<16xi1>, vector<16xi32>
          %swap3A_487 = arith.index_cast %sub3A_426 : i32 to index
          %swap3A_488 = arith.constant 0 : index
          %swap3A_489 = tpu.vector_load %arg8[%swap3A_487, %swap3A_488] {strides = array<i32>} : memref<313x32xi32, #tpu.memory_space<vmem>>, vector<16xi32>,
          tpu.vector_store %arg8[%swap3A_487, %swap3A_488], %select_n3A_486 {strides = array<i32>} : memref<313x32xi32, #tpu.memory_space<vmem>>, vector<16xi32>,
          %get3A_490 = arith.index_cast %sub3A_426 : i32 to index
          %get3A_491 = arith.constant 16 : index
          %get3A_492 = tpu.vector_load %arg8[%get3A_490, %get3A_491] {strides = array<i32>} : memref<313x32xi32, #tpu.memory_space<vmem>>, vector<16xi32>,
          %get3A_493 = arith.index_cast %sub3A_426 : i32 to index
          %get3A_494 = arith.constant 16 : index
          %get3A_495 = tpu.vector_load %arg9[%get3A_493, %get3A_494] {strides = array<i32>} : memref<313x32xi32, #tpu.memory_space<vmem>>, vector<16xi32>,
          %eq3A_496 = arith.cmpi eq, %get3A_492, %get3A_495 : vector<16xi32>
          %jit3A_497 = arith.constant 10000 : i32
          %broadcast_in_dim3A_498 = vector.broadcast %jit3A_497 : i32 to vector<16xi32>
          %select_n3A_499 = arith.select %eq3A_496, %broadcast_in_dim3A_498, %get3A_492 : vector<16xi1>, vector<16xi32>
          %swap3A_500 = arith.index_cast %sub3A_426 : i32 to index
          %swap3A_501 = arith.constant 16 : index
          %swap3A_502 = tpu.vector_load %arg8[%swap3A_500, %swap3A_501] {strides = array<i32>} : memref<313x32xi32, #tpu.memory_space<vmem>>, vector<16xi32>,
          tpu.vector_store %arg8[%swap3A_500, %swap3A_501], %select_n3A_499 {strides = array<i32>} : memref<313x32xi32, #tpu.memory_space<vmem>>, vector<16xi32>,
          %dma_start3A_503 = arith.constant 3 : i32
          %dma_start3A_504 = arith.constant 0 : i32
          %dma_start3A_505 = arith.constant 0 : i32
          %dma_start3A_506 = tpu.memref_slice %arg10[%dma_start3A_503, %dma_start3A_504, %dma_start3A_505] : memref<7x32x128xf32, #tpu.memory_space<vmem>> -> memref<1x32x128xf32, #tpu.memory_space<vmem>>
          %dma_start3A_507 = tpu.memref_squeeze %dma_start3A_506 : memref<1x32x128xf32, #tpu.memory_space<vmem>> -> memref<32x128xf32, #tpu.memory_space<vmem>>
          %dma_start3A_508 = arith.constant 0 : i32
          %dma_start3A_509 = tpu.memref_slice %arg8[%sub3A_426, %dma_start3A_508] : memref<313x32xi32, #tpu.memory_space<vmem>> -> memref<1x32xi32, #tpu.memory_space<vmem>>
          %dma_start3A_510 = tpu.memref_squeeze %dma_start3A_509 : memref<1x32xi32, #tpu.memory_space<vmem>> -> memref<32xi32, #tpu.memory_space<vmem>>
          %dma_start3A_511 = arith.constant 0 : i32
          %dma_start3A_512 = arith.constant 0 : i32
          %dma_start3A_513 = tpu.memref_slice %arg5[%dma_start3A_511, %dma_start3A_512] : memref<10240x128xf32, #tpu.memory_space<hbm>> -> memref<10240x128xf32, #tpu.memory_space<hbm>>
          tpu.enqueue_indirect_dma source(%dma_start3A_513 : memref<10240x128xf32, #tpu.memory_space<hbm>>) target(%dma_start3A_507 : memref<32x128xf32, #tpu.memory_space<vmem>>) offsets(%dma_start3A_510 : memref<32xi32, #tpu.memory_space<vmem>>) semaphore(%arg14 : memref<!tpu.dma_semaphore, #tpu.memory_space<semaphore_mem>>)
        } else {
        }
        %mul3A_435 = arith.constant 7 : i32
        %mul3A_436 = arith.muli %scan3A_335, %mul3A_435 : i32
        %add3A_437 = arith.constant 5 : i32
        %add3A_438 = arith.addi %mul3A_436, %add3A_437 : i32
        %lt3A_439 = arith.constant 313 : i32
        %lt3A_440 = arith.cmpi slt, %add3A_438, %lt3A_439 : i32
        %convert_element_type3A_441 = arith.extui %lt3A_440 : i1 to i32
        %cond3A_442 = arith.constant 0 : i32
        %cond3A_443 = arith.cmpi ne, %convert_element_type3A_441, %cond3A_442 : i32
        scf.if %cond3A_443 {
          %dma_wait3A = arith.constant 5 : i32
          %dma_wait3A_477 = arith.constant 0 : i32
          %dma_wait3A_478 = arith.constant 0 : i32
          %dma_wait3A_479 = tpu.memref_slice %arg10[%dma_wait3A, %dma_wait3A_477, %dma_wait3A_478] : memref<7x32x128xf32, #tpu.memory_space<vmem>> -> memref<1x32x128xf32, #tpu.memory_space<vmem>>
          %dma_wait3A_480 = tpu.memref_squeeze %dma_wait3A_479 : memref<1x32x128xf32, #tpu.memory_space<vmem>> -> memref<32x128xf32, #tpu.memory_space<vmem>>
          %dma_wait3A_481 = arith.constant 0 : i32
          %dma_wait3A_482 = tpu.memref_slice %arg8[%add3A_438, %dma_wait3A_481] : memref<313x32xi32, #tpu.memory_space<vmem>> -> memref<1x32xi32, #tpu.memory_space<vmem>>
          %dma_wait3A_483 = tpu.memref_squeeze %dma_wait3A_482 : memref<1x32xi32, #tpu.memory_space<vmem>> -> memref<32xi32, #tpu.memory_space<vmem>>
          %dma_wait3A_484 = arith.constant 0 : i32
          %dma_wait3A_485 = arith.constant 0 : i32
          %dma_wait3A_486 = tpu.memref_slice %arg5[%dma_wait3A_484, %dma_wait3A_485] : memref<10240x128xf32, #tpu.memory_space<hbm>> -> memref<10240x128xf32, #tpu.memory_space<hbm>>
          tpu.wait_indirect_dma semaphore(%arg16 : memref<!tpu.dma_semaphore, #tpu.memory_space<semaphore_mem>>) src(%dma_wait3A_486 : memref<10240x128xf32, #tpu.memory_space<hbm>>) dst(%dma_wait3A_480 : memref<32x128xf32, #tpu.memory_space<vmem>>)
          %run_scoped3A = arith.constant 5 : i32
          "tpu.region"() ({
            %run_scoped3A_487 = tpu.sem_alloc : memref<!tpu.dma_semaphore, #tpu.memory_space<semaphore_mem>>
            %dma_start3A_488 = arith.constant 0 : i32
            %dma_start3A_489 = arith.constant 0 : i32
            %dma_start3A_490 = tpu.memref_slice %arg10[%run_scoped3A, %dma_start3A_488, %dma_start3A_489] : memref<7x32x128xf32, #tpu.memory_space<vmem>> -> memref<1x32x128xf32, #tpu.memory_space<vmem>>
            %dma_start3A_491 = tpu.memref_squeeze %dma_start3A_490 : memref<1x32x128xf32, #tpu.memory_space<vmem>> -> memref<32x128xf32, #tpu.memory_space<vmem>>
            %dma_start3A_492 = arith.constant 0 : i32
            %dma_start3A_493 = tpu.memref_slice %arg9[%add3A_438, %dma_start3A_492] : memref<313x32xi32, #tpu.memory_space<vmem>> -> memref<1x32xi32, #tpu.memory_space<vmem>>
            %dma_start3A_494 = tpu.memref_squeeze %dma_start3A_493 : memref<1x32xi32, #tpu.memory_space<vmem>> -> memref<32xi32, #tpu.memory_space<vmem>>
            %dma_start3A_495 = arith.constant 0 : i32
            %dma_start3A_496 = arith.constant 0 : i32
            %dma_start3A_497 = tpu.memref_slice %arg18[%dma_start3A_495, %dma_start3A_496] : memref<10240x128xf32, #tpu.memory_space<vmem_shared>> -> memref<10240x128xf32, #tpu.memory_space<vmem_shared>>
            tpu.enqueue_indirect_dma source(%dma_start3A_491 : memref<32x128xf32, #tpu.memory_space<vmem>>) target(%dma_start3A_497 : memref<10240x128xf32, #tpu.memory_space<vmem_shared>>) offsets(%dma_start3A_494 : memref<32xi32, #tpu.memory_space<vmem>>) semaphore(%run_scoped3A_487 : memref<!tpu.dma_semaphore, #tpu.memory_space<semaphore_mem>>) {add = true}
            %dma_wait3A_498 = arith.constant 0 : i32
            %dma_wait3A_499 = arith.constant 0 : i32
            %dma_wait3A_500 = tpu.memref_slice %arg10[%run_scoped3A, %dma_wait3A_498, %dma_wait3A_499] : memref<7x32x128xf32, #tpu.memory_space<vmem>> -> memref<1x32x128xf32, #tpu.memory_space<vmem>>
            %dma_wait3A_501 = tpu.memref_squeeze %dma_wait3A_500 : memref<1x32x128xf32, #tpu.memory_space<vmem>> -> memref<32x128xf32, #tpu.memory_space<vmem>>
            %dma_wait3A_502 = arith.constant 0 : i32
            %dma_wait3A_503 = tpu.memref_slice %arg9[%add3A_438, %dma_wait3A_502] : memref<313x32xi32, #tpu.memory_space<vmem>> -> memref<1x32xi32, #tpu.memory_space<vmem>>
            %dma_wait3A_504 = tpu.memref_squeeze %dma_wait3A_503 : memref<1x32xi32, #tpu.memory_space<vmem>> -> memref<32xi32, #tpu.memory_space<vmem>>
            %dma_wait3A_505 = arith.constant 0 : i32
            %dma_wait3A_506 = arith.constant 0 : i32
            %dma_wait3A_507 = tpu.memref_slice %arg18[%dma_wait3A_505, %dma_wait3A_506] : memref<10240x128xf32, #tpu.memory_space<vmem_shared>> -> memref<10240x128xf32, #tpu.memory_space<vmem_shared>>
            tpu.wait_indirect_dma semaphore(%run_scoped3A_487 : memref<!tpu.dma_semaphore, #tpu.memory_space<semaphore_mem>>) src(%dma_wait3A_501 : memref<32x128xf32, #tpu.memory_space<vmem>>) dst(%dma_wait3A_507 : memref<10240x128xf32, #tpu.memory_space<vmem_shared>>)
            tpu.yield
          }) : () -> ()
        } else {
        }
        %add3A_444 = arith.constant 7 : i32
        %add3A_445 = arith.addi %add3A_438, %add3A_444 : i32
        %sub3A_446 = arith.constant 1 : i32
        %sub3A_447 = arith.subi %add3A_445, %sub3A_446 : i32
        %ge3A_448 = arith.constant 1 : i32
        %ge3A_449 = arith.cmpi sge, %add3A_438, %ge3A_448 : i32
        %lt3A_450 = arith.constant 313 : i32
        %lt3A_451 = arith.cmpi slt, %sub3A_447, %lt3A_450 : i32
        %and3A_452 = arith.andi %ge3A_449, %lt3A_451 : i1
        %convert_element_type3A_453 = arith.extui %and3A_452 : i1 to i32
        %cond3A_454 = arith.constant 0 : i32
        %cond3A_455 = arith.cmpi ne, %convert_element_type3A_453, %cond3A_454 : i32
        scf.if %cond3A_455 {
          %get3A_477 = arith.index_cast %sub3A_447 : i32 to index
          %get3A_478 = arith.constant 0 : index
          %get3A_479 = tpu.vector_load %arg8[%get3A_477, %get3A_478] {strides = array<i32>} : memref<313x32xi32, #tpu.memory_space<vmem>>, vector<16xi32>,
          %get3A_480 = arith.index_cast %sub3A_447 : i32 to index
          %get3A_481 = arith.constant 0 : index
          %get3A_482 = tpu.vector_load %arg9[%get3A_480, %get3A_481] {strides = array<i32>} : memref<313x32xi32, #tpu.memory_space<vmem>>, vector<16xi32>,
          %eq3A_483 = arith.cmpi eq, %get3A_479, %get3A_482 : vector<16xi32>
          %jit3A_484 = arith.constant 10000 : i32
          %broadcast_in_dim3A_485 = vector.broadcast %jit3A_484 : i32 to vector<16xi32>
          %select_n3A_486 = arith.select %eq3A_483, %broadcast_in_dim3A_485, %get3A_479 : vector<16xi1>, vector<16xi32>
          %swap3A_487 = arith.index_cast %sub3A_447 : i32 to index
          %swap3A_488 = arith.constant 0 : index
          %swap3A_489 = tpu.vector_load %arg8[%swap3A_487, %swap3A_488] {strides = array<i32>} : memref<313x32xi32, #tpu.memory_space<vmem>>, vector<16xi32>,
          tpu.vector_store %arg8[%swap3A_487, %swap3A_488], %select_n3A_486 {strides = array<i32>} : memref<313x32xi32, #tpu.memory_space<vmem>>, vector<16xi32>,
          %get3A_490 = arith.index_cast %sub3A_447 : i32 to index
          %get3A_491 = arith.constant 16 : index
          %get3A_492 = tpu.vector_load %arg8[%get3A_490, %get3A_491] {strides = array<i32>} : memref<313x32xi32, #tpu.memory_space<vmem>>, vector<16xi32>,
          %get3A_493 = arith.index_cast %sub3A_447 : i32 to index
          %get3A_494 = arith.constant 16 : index
          %get3A_495 = tpu.vector_load %arg9[%get3A_493, %get3A_494] {strides = array<i32>} : memref<313x32xi32, #tpu.memory_space<vmem>>, vector<16xi32>,
          %eq3A_496 = arith.cmpi eq, %get3A_492, %get3A_495 : vector<16xi32>
          %jit3A_497 = arith.constant 10000 : i32
          %broadcast_in_dim3A_498 = vector.broadcast %jit3A_497 : i32 to vector<16xi32>
          %select_n3A_499 = arith.select %eq3A_496, %broadcast_in_dim3A_498, %get3A_492 : vector<16xi1>, vector<16xi32>
          %swap3A_500 = arith.index_cast %sub3A_447 : i32 to index
          %swap3A_501 = arith.constant 16 : index
          %swap3A_502 = tpu.vector_load %arg8[%swap3A_500, %swap3A_501] {strides = array<i32>} : memref<313x32xi32, #tpu.memory_space<vmem>>, vector<16xi32>,
          tpu.vector_store %arg8[%swap3A_500, %swap3A_501], %select_n3A_499 {strides = array<i32>} : memref<313x32xi32, #tpu.memory_space<vmem>>, vector<16xi32>,
          %dma_start3A_503 = arith.constant 4 : i32
          %dma_start3A_504 = arith.constant 0 : i32
          %dma_start3A_505 = arith.constant 0 : i32
          %dma_start3A_506 = tpu.memref_slice %arg10[%dma_start3A_503, %dma_start3A_504, %dma_start3A_505] : memref<7x32x128xf32, #tpu.memory_space<vmem>> -> memref<1x32x128xf32, #tpu.memory_space<vmem>>
          %dma_start3A_507 = tpu.memref_squeeze %dma_start3A_506 : memref<1x32x128xf32, #tpu.memory_space<vmem>> -> memref<32x128xf32, #tpu.memory_space<vmem>>
          %dma_start3A_508 = arith.constant 0 : i32
          %dma_start3A_509 = tpu.memref_slice %arg8[%sub3A_447, %dma_start3A_508] : memref<313x32xi32, #tpu.memory_space<vmem>> -> memref<1x32xi32, #tpu.memory_space<vmem>>
          %dma_start3A_510 = tpu.memref_squeeze %dma_start3A_509 : memref<1x32xi32, #tpu.memory_space<vmem>> -> memref<32xi32, #tpu.memory_space<vmem>>
          %dma_start3A_511 = arith.constant 0 : i32
          %dma_start3A_512 = arith.constant 0 : i32
          %dma_start3A_513 = tpu.memref_slice %arg5[%dma_start3A_511, %dma_start3A_512] : memref<10240x128xf32, #tpu.memory_space<hbm>> -> memref<10240x128xf32, #tpu.memory_space<hbm>>
          tpu.enqueue_indirect_dma source(%dma_start3A_513 : memref<10240x128xf32, #tpu.memory_space<hbm>>) target(%dma_start3A_507 : memref<32x128xf32, #tpu.memory_space<vmem>>) offsets(%dma_start3A_510 : memref<32xi32, #tpu.memory_space<vmem>>) semaphore(%arg15 : memref<!tpu.dma_semaphore, #tpu.memory_space<semaphore_mem>>)
        } else {
        }
        %mul3A_456 = arith.constant 7 : i32
        %mul3A_457 = arith.muli %scan3A_335, %mul3A_456 : i32
        %add3A_458 = arith.constant 6 : i32
        %add3A_459 = arith.addi %mul3A_457, %add3A_458 : i32
        %lt3A_460 = arith.constant 313 : i32
        %lt3A_461 = arith.cmpi slt, %add3A_459, %lt3A_460 : i32
        %convert_element_type3A_462 = arith.extui %lt3A_461 : i1 to i32
        %cond3A_463 = arith.constant 0 : i32
        %cond3A_464 = arith.cmpi ne, %convert_element_type3A_462, %cond3A_463 : i32
        scf.if %cond3A_464 {
          %dma_wait3A = arith.constant 6 : i32
          %dma_wait3A_477 = arith.constant 0 : i32
          %dma_wait3A_478 = arith.constant 0 : i32
          %dma_wait3A_479 = tpu.memref_slice %arg10[%dma_wait3A, %dma_wait3A_477, %dma_wait3A_478] : memref<7x32x128xf32, #tpu.memory_space<vmem>> -> memref<1x32x128xf32, #tpu.memory_space<vmem>>
          %dma_wait3A_480 = tpu.memref_squeeze %dma_wait3A_479 : memref<1x32x128xf32, #tpu.memory_space<vmem>> -> memref<32x128xf32, #tpu.memory_space<vmem>>
          %dma_wait3A_481 = arith.constant 0 : i32
          %dma_wait3A_482 = tpu.memref_slice %arg8[%add3A_459, %dma_wait3A_481] : memref<313x32xi32, #tpu.memory_space<vmem>> -> memref<1x32xi32, #tpu.memory_space<vmem>>
          %dma_wait3A_483 = tpu.memref_squeeze %dma_wait3A_482 : memref<1x32xi32, #tpu.memory_space<vmem>> -> memref<32xi32, #tpu.memory_space<vmem>>
          %dma_wait3A_484 = arith.constant 0 : i32
          %dma_wait3A_485 = arith.constant 0 : i32
          %dma_wait3A_486 = tpu.memref_slice %arg5[%dma_wait3A_484, %dma_wait3A_485] : memref<10240x128xf32, #tpu.memory_space<hbm>> -> memref<10240x128xf32, #tpu.memory_space<hbm>>
          tpu.wait_indirect_dma semaphore(%arg17 : memref<!tpu.dma_semaphore, #tpu.memory_space<semaphore_mem>>) src(%dma_wait3A_486 : memref<10240x128xf32, #tpu.memory_space<hbm>>) dst(%dma_wait3A_480 : memref<32x128xf32, #tpu.memory_space<vmem>>)
          %run_scoped3A = arith.constant 6 : i32
          "tpu.region"() ({
            %run_scoped3A_487 = tpu.sem_alloc : memref<!tpu.dma_semaphore, #tpu.memory_space<semaphore_mem>>
            %dma_start3A_488 = arith.constant 0 : i32
            %dma_start3A_489 = arith.constant 0 : i32
            %dma_start3A_490 = tpu.memref_slice %arg10[%run_scoped3A, %dma_start3A_488, %dma_start3A_489] : memref<7x32x128xf32, #tpu.memory_space<vmem>> -> memref<1x32x128xf32, #tpu.memory_space<vmem>>
            %dma_start3A_491 = tpu.memref_squeeze %dma_start3A_490 : memref<1x32x128xf32, #tpu.memory_space<vmem>> -> memref<32x128xf32, #tpu.memory_space<vmem>>
            %dma_start3A_492 = arith.constant 0 : i32
            %dma_start3A_493 = tpu.memref_slice %arg9[%add3A_459, %dma_start3A_492] : memref<313x32xi32, #tpu.memory_space<vmem>> -> memref<1x32xi32, #tpu.memory_space<vmem>>
            %dma_start3A_494 = tpu.memref_squeeze %dma_start3A_493 : memref<1x32xi32, #tpu.memory_space<vmem>> -> memref<32xi32, #tpu.memory_space<vmem>>
            %dma_start3A_495 = arith.constant 0 : i32
            %dma_start3A_496 = arith.constant 0 : i32
            %dma_start3A_497 = tpu.memref_slice %arg18[%dma_start3A_495, %dma_start3A_496] : memref<10240x128xf32, #tpu.memory_space<vmem_shared>> -> memref<10240x128xf32, #tpu.memory_space<vmem_shared>>
            tpu.enqueue_indirect_dma source(%dma_start3A_491 : memref<32x128xf32, #tpu.memory_space<vmem>>) target(%dma_start3A_497 : memref<10240x128xf32, #tpu.memory_space<vmem_shared>>) offsets(%dma_start3A_494 : memref<32xi32, #tpu.memory_space<vmem>>) semaphore(%run_scoped3A_487 : memref<!tpu.dma_semaphore, #tpu.memory_space<semaphore_mem>>) {add = true}
            %dma_wait3A_498 = arith.constant 0 : i32
            %dma_wait3A_499 = arith.constant 0 : i32
            %dma_wait3A_500 = tpu.memref_slice %arg10[%run_scoped3A, %dma_wait3A_498, %dma_wait3A_499] : memref<7x32x128xf32, #tpu.memory_space<vmem>> -> memref<1x32x128xf32, #tpu.memory_space<vmem>>
            %dma_wait3A_501 = tpu.memref_squeeze %dma_wait3A_500 : memref<1x32x128xf32, #tpu.memory_space<vmem>> -> memref<32x128xf32, #tpu.memory_space<vmem>>
            %dma_wait3A_502 = arith.constant 0 : i32
            %dma_wait3A_503 = tpu.memref_slice %arg9[%add3A_459, %dma_wait3A_502] : memref<313x32xi32, #tpu.memory_space<vmem>> -> memref<1x32xi32, #tpu.memory_space<vmem>>
            %dma_wait3A_504 = tpu.memref_squeeze %dma_wait3A_503 : memref<1x32xi32, #tpu.memory_space<vmem>> -> memref<32xi32, #tpu.memory_space<vmem>>
            %dma_wait3A_505 = arith.constant 0 : i32
            %dma_wait3A_506 = arith.constant 0 : i32
            %dma_wait3A_507 = tpu.memref_slice %arg18[%dma_wait3A_505, %dma_wait3A_506] : memref<10240x128xf32, #tpu.memory_space<vmem_shared>> -> memref<10240x128xf32, #tpu.memory_space<vmem_shared>>
            tpu.wait_indirect_dma semaphore(%run_scoped3A_487 : memref<!tpu.dma_semaphore, #tpu.memory_space<semaphore_mem>>) src(%dma_wait3A_501 : memref<32x128xf32, #tpu.memory_space<vmem>>) dst(%dma_wait3A_507 : memref<10240x128xf32, #tpu.memory_space<vmem_shared>>)
            tpu.yield
          }) : () -> ()
        } else {
        }
        %add3A_465 = arith.constant 7 : i32
        %add3A_466 = arith.addi %add3A_459, %add3A_465 : i32
        %sub3A_467 = arith.constant 1 : i32
        %sub3A_468 = arith.subi %add3A_466, %sub3A_467 : i32
        %ge3A_469 = arith.constant 1 : i32
        %ge3A_470 = arith.cmpi sge, %add3A_459, %ge3A_469 : i32
        %lt3A_471 = arith.constant 313 : i32
        %lt3A_472 = arith.cmpi slt, %sub3A_468, %lt3A_471 : i32
        %and3A_473 = arith.andi %ge3A_470, %lt3A_472 : i1
        %convert_element_type3A_474 = arith.extui %and3A_473 : i1 to i32
        %cond3A_475 = arith.constant 0 : i32
        %cond3A_476 = arith.cmpi ne, %convert_element_type3A_474, %cond3A_475 : i32
        scf.if %cond3A_476 {
          %get3A_477 = arith.index_cast %sub3A_468 : i32 to index
          %get3A_478 = arith.constant 0 : index
          %get3A_479 = tpu.vector_load %arg8[%get3A_477, %get3A_478] {strides = array<i32>} : memref<313x32xi32, #tpu.memory_space<vmem>>, vector<16xi32>,
          %get3A_480 = arith.index_cast %sub3A_468 : i32 to index
          %get3A_481 = arith.constant 0 : index
          %get3A_482 = tpu.vector_load %arg9[%get3A_480, %get3A_481] {strides = array<i32>} : memref<313x32xi32, #tpu.memory_space<vmem>>, vector<16xi32>,
          %eq3A_483 = arith.cmpi eq, %get3A_479, %get3A_482 : vector<16xi32>
          %jit3A_484 = arith.constant 10000 : i32
          %broadcast_in_dim3A_485 = vector.broadcast %jit3A_484 : i32 to vector<16xi32>
          %select_n3A_486 = arith.select %eq3A_483, %broadcast_in_dim3A_485, %get3A_479 : vector<16xi1>, vector<16xi32>
          %swap3A_487 = arith.index_cast %sub3A_468 : i32 to index
          %swap3A_488 = arith.constant 0 : index
          %swap3A_489 = tpu.vector_load %arg8[%swap3A_487, %swap3A_488] {strides = array<i32>} : memref<313x32xi32, #tpu.memory_space<vmem>>, vector<16xi32>,
          tpu.vector_store %arg8[%swap3A_487, %swap3A_488], %select_n3A_486 {strides = array<i32>} : memref<313x32xi32, #tpu.memory_space<vmem>>, vector<16xi32>,
          %get3A_490 = arith.index_cast %sub3A_468 : i32 to index
          %get3A_491 = arith.constant 16 : index
          %get3A_492 = tpu.vector_load %arg8[%get3A_490, %get3A_491] {strides = array<i32>} : memref<313x32xi32, #tpu.memory_space<vmem>>, vector<16xi32>,
          %get3A_493 = arith.index_cast %sub3A_468 : i32 to index
          %get3A_494 = arith.constant 16 : index
          %get3A_495 = tpu.vector_load %arg9[%get3A_493, %get3A_494] {strides = array<i32>} : memref<313x32xi32, #tpu.memory_space<vmem>>, vector<16xi32>,
          %eq3A_496 = arith.cmpi eq, %get3A_492, %get3A_495 : vector<16xi32>
          %jit3A_497 = arith.constant 10000 : i32
          %broadcast_in_dim3A_498 = vector.broadcast %jit3A_497 : i32 to vector<16xi32>
          %select_n3A_499 = arith.select %eq3A_496, %broadcast_in_dim3A_498, %get3A_492 : vector<16xi1>, vector<16xi32>
          %swap3A_500 = arith.index_cast %sub3A_468 : i32 to index
          %swap3A_501 = arith.constant 16 : index
          %swap3A_502 = tpu.vector_load %arg8[%swap3A_500, %swap3A_501] {strides = array<i32>} : memref<313x32xi32, #tpu.memory_space<vmem>>, vector<16xi32>,
          tpu.vector_store %arg8[%swap3A_500, %swap3A_501], %select_n3A_499 {strides = array<i32>} : memref<313x32xi32, #tpu.memory_space<vmem>>, vector<16xi32>,
          %dma_start3A_503 = arith.constant 5 : i32
          %dma_start3A_504 = arith.constant 0 : i32
          %dma_start3A_505 = arith.constant 0 : i32
          %dma_start3A_506 = tpu.memref_slice %arg10[%dma_start3A_503, %dma_start3A_504, %dma_start3A_505] : memref<7x32x128xf32, #tpu.memory_space<vmem>> -> memref<1x32x128xf32, #tpu.memory_space<vmem>>
          %dma_start3A_507 = tpu.memref_squeeze %dma_start3A_506 : memref<1x32x128xf32, #tpu.memory_space<vmem>> -> memref<32x128xf32, #tpu.memory_space<vmem>>
          %dma_start3A_508 = arith.constant 0 : i32
          %dma_start3A_509 = tpu.memref_slice %arg8[%sub3A_468, %dma_start3A_508] : memref<313x32xi32, #tpu.memory_space<vmem>> -> memref<1x32xi32, #tpu.memory_space<vmem>>
          %dma_start3A_510 = tpu.memref_squeeze %dma_start3A_509 : memref<1x32xi32, #tpu.memory_space<vmem>> -> memref<32xi32, #tpu.memory_space<vmem>>
          %dma_start3A_511 = arith.constant 0 : i32
          %dma_start3A_512 = arith.constant 0 : i32
          %dma_start3A_513 = tpu.memref_slice %arg5[%dma_start3A_511, %dma_start3A_512] : memref<10240x128xf32, #tpu.memory_space<hbm>> -> memref<10240x128xf32, #tpu.memory_space<hbm>>
          tpu.enqueue_indirect_dma source(%dma_start3A_513 : memref<10240x128xf32, #tpu.memory_space<hbm>>) target(%dma_start3A_507 : memref<32x128xf32, #tpu.memory_space<vmem>>) offsets(%dma_start3A_510 : memref<32xi32, #tpu.memory_space<vmem>>) semaphore(%arg16 : memref<!tpu.dma_semaphore, #tpu.memory_space<semaphore_mem>>)
        } else {
        }
      }
      %scan3A_327 = arith.constant 45 : i32
      %barrier3A_328 = arith.constant 0 : index
      tpu.barrier barrier_id(%barrier3A_328)
      %scan3A_329 = arith.constant 0 : i32
      %scan3A_330 = arith.constant 0 : i32
      %scan3A_331 = arith.constant 20 : i32
      %scan3A_332 = arith.addi %scan3A_330, %scan3A_331 : i32
      %scan3A_333 = arith.constant 1 : i32
      scf.for %scan3A_335 = %scan3A_330 to %scan3A_332 step %scan3A_333  : i32 {
        %mul3A = arith.constant 640 : i32
        %mul3A_336 = arith.muli %arg1, %mul3A : i32
        %mul3A_337 = arith.constant 32 : i32
        %mul3A_338 = arith.muli %scan3A_335, %mul3A_337 : i32
        %add3A = arith.addi %mul3A_336, %mul3A_338 : i32
        "tpu.region"() ({
          %run_scoped3A = tpu.sem_alloc : memref<!tpu.dma_semaphore, #tpu.memory_space<semaphore_mem>>
          %dma_start3A_339 = arith.constant 0 : i32
          %dma_start3A_340 = tpu.memref_slice %arg7[%add3A, %dma_start3A_339] : memref<10240x128xf32, #tpu.memory_space<hbm>> -> memref<32x128xf32, #tpu.memory_space<hbm>>
          %dma_start3A_341 = arith.constant 0 : i32
          %dma_start3A_342 = tpu.memref_slice %arg18[%add3A, %dma_start3A_341] : memref<10240x128xf32, #tpu.memory_space<vmem_shared>> -> memref<32x128xf32, #tpu.memory_space<vmem_shared>>
          tpu.enqueue_dma source(%dma_start3A_342 : memref<32x128xf32, #tpu.memory_space<vmem_shared>>) target(%dma_start3A_340 : memref<32x128xf32, #tpu.memory_space<hbm>>) target_semaphore(%run_scoped3A : memref<!tpu.dma_semaphore, #tpu.memory_space<semaphore_mem>>)
          %dma_wait3A = arith.constant 0 : i32
          %dma_wait3A_343 = tpu.memref_slice %arg7[%add3A, %dma_wait3A] : memref<10240x128xf32, #tpu.memory_space<hbm>> -> memref<32x128xf32, #tpu.memory_space<hbm>>
          %dma_wait3A_344 = arith.constant 0 : i32
          %dma_wait3A_345 = tpu.memref_slice %arg18[%add3A, %dma_wait3A_344] : memref<10240x128xf32, #tpu.memory_space<vmem_shared>> -> memref<32x128xf32, #tpu.memory_space<vmem_shared>>
          tpu.wait_dma2 semaphore(%run_scoped3A : memref<!tpu.dma_semaphore, #tpu.memory_space<semaphore_mem>>) src(%dma_wait3A_345 : memref<32x128xf32, #tpu.memory_space<vmem_shared>>) dst(%dma_wait3A_343 : memref<32x128xf32, #tpu.memory_space<hbm>>)
          tpu.yield
        }) : () -> ()
      }
      %scan3A_334 = arith.constant 20 : i32
    } else {
    }
    return
  }
}

module attributes {stable_mosaic.version = 14 : i64} {
  func.func @_build_z_body(%arg0: i32, %arg1: memref<1024x32xf32, #tpu.memory_space<vmem>>, %arg2: memref<1024x256xf32, #tpu.memory_space<vmem>>, %arg3: memref<1024x128xf32, #tpu.memory_space<vmem>>, %arg4: memref<1024x128xf32, #tpu.memory_space<vmem>>) attributes {dimension_semantics = [#tpu.dimension_semantics<arbitrary>], iteration_bounds = array<i64: 10>, scalar_prefetch = 0 : i64, scratch_operands = 0 : i64, tpu.core_type = #tpu.core_type<tc>, window_params = [{transform_indices = @transform_0, window_bounds = array<i64: 1024, 32>}, {transform_indices = @transform_1, window_bounds = array<i64: 1024, 256>}, {transform_indices = @transform_2, window_bounds = array<i64: 1024, 128>}, {transform_indices = @transform_3, window_bounds = array<i64: 1024, 128>}]} {
    %get3A = arith.constant 0 : index
    %get3A_0 = arith.constant 0 : index
    %get3A_1 = vector.load %arg1[%get3A, %get3A_0] : memref<1024x32xf32, #tpu.memory_space<vmem>>, vector<1024x32xf32>
    %reduce_sum3A = arith.constant dense<0.000000e+00> : vector<1024xf32>
    %reduce_sum3A_2 = vector.multi_reduction <add>, %get3A_1, %reduce_sum3A [1] : vector<1024x32xf32> to vector<1024xf32>
    %broadcast_in_dim3A = vector.shape_cast %reduce_sum3A_2 : vector<1024xf32> to vector<1024x1xf32>
    %add3A = arith.constant 1.000000e+00 : f32
    %add3A_3 = vector.broadcast %add3A : f32 to vector<1024x1xf32>
    %add3A_4 = arith.addf %broadcast_in_dim3A, %add3A_3 : vector<1024x1xf32>
    %rsqrt3A = math.rsqrt %add3A_4 : vector<1024x1xf32>
    %mul3A = arith.constant 1024 : i32
    %mul3A_5 = arith.muli %arg0, %mul3A : i32
    %iota3A = tpu.iota {dimensions = array<i32: 0>} : vector<1024x1xi32>
    %add3A_6 = vector.broadcast %mul3A_5 : i32 to vector<1024x1xi32>
    %add3A_7 = arith.addi %add3A_6, %iota3A : vector<1024x1xi32>
    %lt3A = arith.constant 10000 : i32
    %lt3A_8 = vector.broadcast %lt3A : i32 to vector<1024x1xi32>
    %lt3A_9 = arith.cmpi slt, %add3A_7, %lt3A_8 : vector<1024x1xi32>
    %get3A_10 = arith.constant 0 : index
    %get3A_11 = arith.constant 0 : index
    %get3A_12 = vector.load %arg2[%get3A_10, %get3A_11] : memref<1024x256xf32, #tpu.memory_space<vmem>>, vector<1024x128xf32>
    %mul3A_13 = vector.broadcast %rsqrt3A : vector<1024x1xf32> to vector<1024x128xf32>
    %mul3A_14 = arith.mulf %mul3A_13, %get3A_12 : vector<1024x128xf32>
    %jit3A = arith.constant 0.000000e+00 : f32
    %broadcast_in_dim3A_15 = vector.shape_cast %lt3A_9 : vector<1024x1xi1> to vector<1024x1xi1>
    %broadcast_in_dim3A_16 = vector.broadcast %broadcast_in_dim3A_15 : vector<1024x1xi1> to vector<1024x128xi1>
    %broadcast_in_dim3A_17 = vector.broadcast %jit3A : f32 to vector<1024x128xf32>
    %select_n3A = arith.select %broadcast_in_dim3A_16, %mul3A_14, %broadcast_in_dim3A_17 : vector<1024x128xi1>, vector<1024x128xf32>
    %swap3A = arith.constant 0 : index
    %swap3A_18 = arith.constant 0 : index
    %swap3A_19 = vector.load %arg3[%swap3A, %swap3A_18] : memref<1024x128xf32, #tpu.memory_space<vmem>>, vector<1024x128xf32>
    tpu.vector_store %arg3[%swap3A, %swap3A_18], %select_n3A {strides = array<i32>} : memref<1024x128xf32, #tpu.memory_space<vmem>>, vector<1024x128xf32>,
    %get3A_20 = arith.constant 0 : index
    %get3A_21 = arith.constant 128 : index
    %get3A_22 = vector.load %arg2[%get3A_20, %get3A_21] : memref<1024x256xf32, #tpu.memory_space<vmem>>, vector<1024x128xf32>
    %mul3A_23 = vector.broadcast %rsqrt3A : vector<1024x1xf32> to vector<1024x128xf32>
    %mul3A_24 = arith.mulf %mul3A_23, %get3A_22 : vector<1024x128xf32>
    %jit3A_25 = arith.constant 0.000000e+00 : f32
    %broadcast_in_dim3A_26 = vector.shape_cast %lt3A_9 : vector<1024x1xi1> to vector<1024x1xi1>
    %broadcast_in_dim3A_27 = vector.broadcast %broadcast_in_dim3A_26 : vector<1024x1xi1> to vector<1024x128xi1>
    %broadcast_in_dim3A_28 = vector.broadcast %jit3A_25 : f32 to vector<1024x128xf32>
    %select_n3A_29 = arith.select %broadcast_in_dim3A_27, %mul3A_24, %broadcast_in_dim3A_28 : vector<1024x128xi1>, vector<1024x128xf32>
    %swap3A_30 = arith.constant 0 : index
    %swap3A_31 = arith.constant 0 : index
    %swap3A_32 = vector.load %arg4[%swap3A_30, %swap3A_31] : memref<1024x128xf32, #tpu.memory_space<vmem>>, vector<1024x128xf32>
    tpu.vector_store %arg4[%swap3A_30, %swap3A_31], %select_n3A_29 {strides = array<i32>} : memref<1024x128xf32, #tpu.memory_space<vmem>>, vector<1024x128xf32>,
    return
  }
  func.func @transform_0(%arg0: i32) -> (i32, i32) {
    %c0_i32 = arith.constant 0 : i32
    %c0_i32_0 = arith.constant 0 : i32
    return %arg0, %c0_i32 : i32, i32
  }
  func.func @transform_1(%arg0: i32) -> (i32, i32) {
    %c0_i32 = arith.constant 0 : i32
    %c0_i32_0 = arith.constant 0 : i32
    return %arg0, %c0_i32 : i32, i32
  }
  func.func @transform_2(%arg0: i32) -> (i32, i32) {
    %c0_i32 = arith.constant 0 : i32
    %c0_i32_0 = arith.constant 0 : i32
    return %arg0, %c0_i32 : i32, i32
  }
  func.func @transform_3(%arg0: i32) -> (i32, i32) {
    %c0_i32 = arith.constant 0 : i32
    %c0_i32_0 = arith.constant 0 : i32
    return %arg0, %c0_i32 : i32, i32
  }
}

module attributes {stable_mosaic.version = 14 : i64} {
  func.func @_dense_body(%arg0: i32, %arg1: memref<1024x32xf32, #tpu.memory_space<vmem>>, %arg2: memref<1024x32xf32, #tpu.memory_space<vmem>>, %arg3: memref<1024x256xf32, #tpu.memory_space<vmem>>, %arg4: memref<1024x128xf32, #tpu.memory_space<vmem>>, %arg5: memref<1024x128xf32, #tpu.memory_space<vmem>>, %arg6: memref<256x256xf32, #tpu.memory_space<vmem>>, %arg7: memref<256x256xf32, #tpu.memory_space<vmem>>, %arg8: memref<256x256xf32, #tpu.memory_space<vmem>>, %arg9: memref<1x256xf32, #tpu.memory_space<vmem>>, %arg10: memref<1x256xf32, #tpu.memory_space<vmem>>, %arg11: memref<1x256xf32, #tpu.memory_space<vmem>>, %arg12: memref<256x1xf32, #tpu.memory_space<vmem>>, %arg13: memref<256x1xf32, #tpu.memory_space<vmem>>, %arg14: memref<256x1xf32, #tpu.memory_space<vmem>>, %arg15: memref<1x1xf32, #tpu.memory_space<vmem>>, %arg16: memref<1x1xf32, #tpu.memory_space<vmem>>, %arg17: memref<1x1xf32, #tpu.memory_space<vmem>>, %arg18: memref<1024x256xf32, #tpu.memory_space<vmem>>) attributes {dimension_semantics = [#tpu.dimension_semantics<arbitrary>], iteration_bounds = array<i64: 10>, scalar_prefetch = 0 : i64, scratch_operands = 0 : i64, tpu.core_type = #tpu.core_type<tc>, window_params = [{transform_indices = @transform_0, window_bounds = array<i64: 1024, 32>}, {transform_indices = @transform_1, window_bounds = array<i64: 1024, 32>}, {transform_indices = @transform_2, window_bounds = array<i64: 1024, 256>}, {transform_indices = @transform_3, window_bounds = array<i64: 1024, 128>}, {transform_indices = @transform_4, window_bounds = array<i64: 1024, 128>}, {pipeline_mode = #tpu.pipeline_mode<synchronous>, transform_indices = @transform_5, window_bounds = array<i64: 256, 256>}, {pipeline_mode = #tpu.pipeline_mode<synchronous>, transform_indices = @transform_6, window_bounds = array<i64: 256, 256>}, {pipeline_mode = #tpu.pipeline_mode<synchronous>, transform_indices = @transform_7, window_bounds = array<i64: 256, 256>}, {pipeline_mode = #tpu.pipeline_mode<synchronous>, transform_indices = @transform_8, window_bounds = array<i64: 1, 256>}, {pipeline_mode = #tpu.pipeline_mode<synchronous>, transform_indices = @transform_9, window_bounds = array<i64: 1, 256>}, {pipeline_mode = #tpu.pipeline_mode<synchronous>, transform_indices = @transform_10, window_bounds = array<i64: 1, 256>}, {pipeline_mode = #tpu.pipeline_mode<synchronous>, transform_indices = @transform_11, window_bounds = array<i64: 256, 1>}, {pipeline_mode = #tpu.pipeline_mode<synchronous>, transform_indices = @transform_12, window_bounds = array<i64: 256, 1>}, {pipeline_mode = #tpu.pipeline_mode<synchronous>, transform_indices = @transform_13, window_bounds = array<i64: 256, 1>}, {pipeline_mode = #tpu.pipeline_mode<synchronous>, transform_indices = @transform_14, window_bounds = array<i64: 1, 1>}, {pipeline_mode = #tpu.pipeline_mode<synchronous>, transform_indices = @transform_15, window_bounds = array<i64: 1, 1>}, {pipeline_mode = #tpu.pipeline_mode<synchronous>, transform_indices = @transform_16, window_bounds = array<i64: 1, 1>}, {transform_indices = @transform_17, window_bounds = array<i64: 1024, 256>}]} {
    %get3A = arith.constant 0 : index
    %get3A_0 = arith.constant 0 : index
    %get3A_1 = vector.load %arg1[%get3A, %get3A_0] : memref<1024x32xf32, #tpu.memory_space<vmem>>, vector<1024x32xf32>
    %reduce_sum3A = arith.constant dense<0.000000e+00> : vector<1024xf32>
    %reduce_sum3A_2 = vector.multi_reduction <add>, %get3A_1, %reduce_sum3A [1] : vector<1024x32xf32> to vector<1024xf32>
    %broadcast_in_dim3A = vector.shape_cast %reduce_sum3A_2 : vector<1024xf32> to vector<1024x1xf32>
    %add3A = arith.constant 1.000000e+00 : f32
    %add3A_3 = vector.broadcast %add3A : f32 to vector<1024x1xf32>
    %add3A_4 = arith.addf %broadcast_in_dim3A, %add3A_3 : vector<1024x1xf32>
    %rsqrt3A = math.rsqrt %add3A_4 : vector<1024x1xf32>
    %div3A = arith.constant 1.000000e+00 : f32
    %div3A_5 = vector.broadcast %div3A : f32 to vector<1024x1xf32>
    %div3A_6 = arith.divf %div3A_5, %add3A_4 : vector<1024x1xf32>
    %get3A_7 = arith.constant 0 : index
    %get3A_8 = arith.constant 0 : index
    %get3A_9 = vector.load %arg3[%get3A_7, %get3A_8] : memref<1024x256xf32, #tpu.memory_space<vmem>>, vector<1024x256xf32>
    %get3A_10 = arith.constant 0 : index
    %get3A_11 = arith.constant 0 : index
    %get3A_12 = vector.load %arg4[%get3A_10, %get3A_11] : memref<1024x128xf32, #tpu.memory_space<vmem>>, vector<1024x128xf32>
    %get3A_13 = arith.constant 0 : index
    %get3A_14 = arith.constant 0 : index
    %get3A_15 = vector.load %arg5[%get3A_13, %get3A_14] : memref<1024x128xf32, #tpu.memory_space<vmem>>, vector<1024x128xf32>
    %concatenate3A = tpu.concatenate %get3A_12, %get3A_15 in 1 : vector<1024x128xf32>, vector<1024x128xf32> -> vector<1024x256xf32>
    %mul3A = vector.broadcast %rsqrt3A : vector<1024x1xf32> to vector<1024x256xf32>
    %mul3A_16 = arith.mulf %mul3A, %concatenate3A : vector<1024x256xf32>
    %mul3A_17 = vector.broadcast %div3A_6 : vector<1024x1xf32> to vector<1024x256xf32>
    %mul3A_18 = arith.mulf %mul3A_17, %get3A_9 : vector<1024x256xf32>
    %add3A_19 = arith.addf %mul3A_16, %mul3A_18 : vector<1024x256xf32>
    %get3A_20 = arith.constant 0 : index
    %get3A_21 = arith.constant 0 : index
    %get3A_22 = vector.load %arg2[%get3A_20, %get3A_21] : memref<1024x32xf32, #tpu.memory_space<vmem>>, vector<1024x32xf32>
    %reduce_sum3A_23 = arith.constant dense<0.000000e+00> : vector<1024xf32>
    %reduce_sum3A_24 = vector.multi_reduction <add>, %get3A_22, %reduce_sum3A_23 [1] : vector<1024x32xf32> to vector<1024xf32>
    %broadcast_in_dim3A_25 = vector.shape_cast %reduce_sum3A_24 : vector<1024xf32> to vector<1024x1xf32>
    %mul3A_26 = arith.mulf %rsqrt3A, %broadcast_in_dim3A_25 : vector<1024x1xf32>
    %add3A_27 = arith.addf %mul3A_26, %div3A_6 : vector<1024x1xf32>
    %sub3A = arith.subf %get3A_9, %add3A_19 : vector<1024x256xf32>
    %get3A_28 = arith.constant 0 : index
    %get3A_29 = arith.constant 0 : index
    %get3A_30 = vector.load %arg6[%get3A_28, %get3A_29] : memref<256x256xf32, #tpu.memory_space<vmem>>, vector<256x256xf32>
    %dot_general3A = arith.constant dense<0.000000e+00> : vector<1024x256xf32>
    %dot_general3A_31 = tpu.matmul %sub3A, %get3A_30, %dot_general3A {dimension_numbers = #tpu.dot_dimension_numbers<[1], [0], [0], [1], [0, 0, 1, 1], [], []>, transpose_lhs_hint = false} : vector<1024x256xf32>, vector<256x256xf32>, vector<1024x256xf32> -> vector<1024x256xf32>
    %sub3A_32 = arith.constant 1.000000e+00 : f32
    %sub3A_33 = vector.broadcast %sub3A_32 : f32 to vector<1024x1xf32>
    %sub3A_34 = arith.subf %sub3A_33, %add3A_27 : vector<1024x1xf32>
    %get3A_35 = arith.constant 0 : index
    %get3A_36 = arith.constant 0 : index
    %get3A_37 = vector.load %arg9[%get3A_35, %get3A_36] : memref<1x256xf32, #tpu.memory_space<vmem>>, vector<1x256xf32>
    %mul3A_38 = vector.broadcast %sub3A_34 : vector<1024x1xf32> to vector<1024x256xf32>
    %mul3A_39 = vector.broadcast %get3A_37 : vector<1x256xf32> to vector<1024x256xf32>
    %mul3A_40 = arith.mulf %mul3A_38, %mul3A_39 : vector<1024x256xf32>
    %add3A_41 = arith.addf %dot_general3A_31, %mul3A_40 : vector<1024x256xf32>
    %max3A = arith.constant 0.000000e+00 : f32
    %max3A_42 = vector.broadcast %max3A : f32 to vector<1024x256xf32>
    %max3A_43 = arith.maximumf %add3A_41, %max3A_42 : vector<1024x256xf32>
    %get3A_44 = arith.constant 0 : index
    %get3A_45 = arith.constant 0 : index
    %get3A_46 = vector.load %arg7[%get3A_44, %get3A_45] : memref<256x256xf32, #tpu.memory_space<vmem>>, vector<256x256xf32>
    %dot_general3A_47 = arith.constant dense<0.000000e+00> : vector<1024x256xf32>
    %dot_general3A_48 = tpu.matmul %add3A_19, %get3A_46, %dot_general3A_47 {dimension_numbers = #tpu.dot_dimension_numbers<[1], [0], [0], [1], [0, 0, 1, 1], [], []>, transpose_lhs_hint = false} : vector<1024x256xf32>, vector<256x256xf32>, vector<1024x256xf32> -> vector<1024x256xf32>
    %get3A_49 = arith.constant 0 : index
    %get3A_50 = arith.constant 0 : index
    %get3A_51 = vector.load %arg10[%get3A_49, %get3A_50] : memref<1x256xf32, #tpu.memory_space<vmem>>, vector<1x256xf32>
    %mul3A_52 = vector.broadcast %add3A_27 : vector<1024x1xf32> to vector<1024x256xf32>
    %mul3A_53 = vector.broadcast %get3A_51 : vector<1x256xf32> to vector<1024x256xf32>
    %mul3A_54 = arith.mulf %mul3A_52, %mul3A_53 : vector<1024x256xf32>
    %add3A_55 = arith.addf %dot_general3A_48, %mul3A_54 : vector<1024x256xf32>
    %max3A_56 = arith.constant 0.000000e+00 : f32
    %max3A_57 = vector.broadcast %max3A_56 : f32 to vector<1024x256xf32>
    %max3A_58 = arith.maximumf %add3A_55, %max3A_57 : vector<1024x256xf32>
    %get3A_59 = arith.constant 0 : index
    %get3A_60 = arith.constant 0 : index
    %get3A_61 = vector.load %arg8[%get3A_59, %get3A_60] : memref<256x256xf32, #tpu.memory_space<vmem>>, vector<256x256xf32>
    %dot_general3A_62 = arith.constant dense<0.000000e+00> : vector<1024x256xf32>
    %dot_general3A_63 = tpu.matmul %get3A_9, %get3A_61, %dot_general3A_62 {dimension_numbers = #tpu.dot_dimension_numbers<[1], [0], [0], [1], [0, 0, 1, 1], [], []>, transpose_lhs_hint = false} : vector<1024x256xf32>, vector<256x256xf32>, vector<1024x256xf32> -> vector<1024x256xf32>
    %get3A_64 = arith.constant 0 : index
    %get3A_65 = arith.constant 0 : index
    %get3A_66 = vector.load %arg11[%get3A_64, %get3A_65] : memref<1x256xf32, #tpu.memory_space<vmem>>, vector<1x256xf32>
    %add3A_67 = vector.broadcast %get3A_66 : vector<1x256xf32> to vector<1024x256xf32>
    %add3A_68 = arith.addf %dot_general3A_63, %add3A_67 : vector<1024x256xf32>
    %max3A_69 = arith.constant 0.000000e+00 : f32
    %max3A_70 = vector.broadcast %max3A_69 : f32 to vector<1024x256xf32>
    %max3A_71 = arith.maximumf %add3A_68, %max3A_70 : vector<1024x256xf32>
    %get3A_72 = arith.constant 0 : index
    %get3A_73 = arith.constant 0 : index
    %get3A_74 = vector.load %arg12[%get3A_72, %get3A_73] : memref<256x1xf32, #tpu.memory_space<vmem>>, vector<256x1xf32>
    %dot_general3A_75 = arith.constant dense<0.000000e+00> : vector<1024x1xf32>
    %dot_general3A_76 = tpu.matmul %max3A_43, %get3A_74, %dot_general3A_75 {dimension_numbers = #tpu.dot_dimension_numbers<[1], [0], [0], [1], [0, 0, 1, 1], [], []>, transpose_lhs_hint = false} : vector<1024x256xf32>, vector<256x1xf32>, vector<1024x1xf32> -> vector<1024x1xf32>
    %get3A_77 = arith.constant 0 : index
    %get3A_78 = arith.constant 0 : index
    %get3A_79 = vector.load %arg15[%get3A_77, %get3A_78] : memref<1x1xf32, #tpu.memory_space<vmem>>, vector<1x1xf32>
    %add3A_80 = vector.broadcast %get3A_79 : vector<1x1xf32> to vector<1024x1xf32>
    %add3A_81 = arith.addf %dot_general3A_76, %add3A_80 : vector<1024x1xf32>
    %neg3A = arith.constant 0.000000e+00 : f32
    %neg3A_82 = vector.broadcast %neg3A : f32 to vector<1024x1xf32>
    %neg3A_83 = arith.subf %neg3A_82, %add3A_81 : vector<1024x1xf32>
    %exp3A = math.exp %neg3A_83 : vector<1024x1xf32>
    %add3A_84 = arith.constant 1.000000e+00 : f32
    %add3A_85 = vector.broadcast %add3A_84 : f32 to vector<1024x1xf32>
    %add3A_86 = arith.addf %add3A_85, %exp3A : vector<1024x1xf32>
    %div3A_87 = arith.constant 1.000000e+00 : f32
    %div3A_88 = vector.broadcast %div3A_87 : f32 to vector<1024x1xf32>
    %div3A_89 = arith.divf %div3A_88, %add3A_86 : vector<1024x1xf32>
    %get3A_90 = arith.constant 0 : index
    %get3A_91 = arith.constant 0 : index
    %get3A_92 = vector.load %arg13[%get3A_90, %get3A_91] : memref<256x1xf32, #tpu.memory_space<vmem>>, vector<256x1xf32>
    %dot_general3A_93 = arith.constant dense<0.000000e+00> : vector<1024x1xf32>
    %dot_general3A_94 = tpu.matmul %max3A_58, %get3A_92, %dot_general3A_93 {dimension_numbers = #tpu.dot_dimension_numbers<[1], [0], [0], [1], [0, 0, 1, 1], [], []>, transpose_lhs_hint = false} : vector<1024x256xf32>, vector<256x1xf32>, vector<1024x1xf32> -> vector<1024x1xf32>
    %get3A_95 = arith.constant 0 : index
    %get3A_96 = arith.constant 0 : index
    %get3A_97 = vector.load %arg16[%get3A_95, %get3A_96] : memref<1x1xf32, #tpu.memory_space<vmem>>, vector<1x1xf32>
    %add3A_98 = vector.broadcast %get3A_97 : vector<1x1xf32> to vector<1024x1xf32>
    %add3A_99 = arith.addf %dot_general3A_94, %add3A_98 : vector<1024x1xf32>
    %neg3A_100 = arith.constant 0.000000e+00 : f32
    %neg3A_101 = vector.broadcast %neg3A_100 : f32 to vector<1024x1xf32>
    %neg3A_102 = arith.subf %neg3A_101, %add3A_99 : vector<1024x1xf32>
    %exp3A_103 = math.exp %neg3A_102 : vector<1024x1xf32>
    %add3A_104 = arith.constant 1.000000e+00 : f32
    %add3A_105 = vector.broadcast %add3A_104 : f32 to vector<1024x1xf32>
    %add3A_106 = arith.addf %add3A_105, %exp3A_103 : vector<1024x1xf32>
    %div3A_107 = arith.constant 1.000000e+00 : f32
    %div3A_108 = vector.broadcast %div3A_107 : f32 to vector<1024x1xf32>
    %div3A_109 = arith.divf %div3A_108, %add3A_106 : vector<1024x1xf32>
    %get3A_110 = arith.constant 0 : index
    %get3A_111 = arith.constant 0 : index
    %get3A_112 = vector.load %arg14[%get3A_110, %get3A_111] : memref<256x1xf32, #tpu.memory_space<vmem>>, vector<256x1xf32>
    %dot_general3A_113 = arith.constant dense<0.000000e+00> : vector<1024x1xf32>
    %dot_general3A_114 = tpu.matmul %max3A_71, %get3A_112, %dot_general3A_113 {dimension_numbers = #tpu.dot_dimension_numbers<[1], [0], [0], [1], [0, 0, 1, 1], [], []>, transpose_lhs_hint = false} : vector<1024x256xf32>, vector<256x1xf32>, vector<1024x1xf32> -> vector<1024x1xf32>
    %get3A_115 = arith.constant 0 : index
    %get3A_116 = arith.constant 0 : index
    %get3A_117 = vector.load %arg17[%get3A_115, %get3A_116] : memref<1x1xf32, #tpu.memory_space<vmem>>, vector<1x1xf32>
    %add3A_118 = vector.broadcast %get3A_117 : vector<1x1xf32> to vector<1024x1xf32>
    %add3A_119 = arith.addf %dot_general3A_114, %add3A_118 : vector<1024x1xf32>
    %neg3A_120 = arith.constant 0.000000e+00 : f32
    %neg3A_121 = vector.broadcast %neg3A_120 : f32 to vector<1024x1xf32>
    %neg3A_122 = arith.subf %neg3A_121, %add3A_119 : vector<1024x1xf32>
    %exp3A_123 = math.exp %neg3A_122 : vector<1024x1xf32>
    %add3A_124 = arith.constant 1.000000e+00 : f32
    %add3A_125 = vector.broadcast %add3A_124 : f32 to vector<1024x1xf32>
    %add3A_126 = arith.addf %add3A_125, %exp3A_123 : vector<1024x1xf32>
    %div3A_127 = arith.constant 1.000000e+00 : f32
    %div3A_128 = vector.broadcast %div3A_127 : f32 to vector<1024x1xf32>
    %div3A_129 = arith.divf %div3A_128, %add3A_126 : vector<1024x1xf32>
    %mul3A_130 = vector.broadcast %div3A_89 : vector<1024x1xf32> to vector<1024x256xf32>
    %mul3A_131 = arith.mulf %mul3A_130, %max3A_43 : vector<1024x256xf32>
    %mul3A_132 = vector.broadcast %div3A_109 : vector<1024x1xf32> to vector<1024x256xf32>
    %mul3A_133 = arith.mulf %mul3A_132, %max3A_58 : vector<1024x256xf32>
    %add3A_134 = arith.addf %mul3A_131, %mul3A_133 : vector<1024x256xf32>
    %mul3A_135 = vector.broadcast %div3A_129 : vector<1024x1xf32> to vector<1024x256xf32>
    %mul3A_136 = arith.mulf %mul3A_135, %max3A_71 : vector<1024x256xf32>
    %add3A_137 = arith.addf %add3A_134, %mul3A_136 : vector<1024x256xf32>
    %swap3A = arith.constant 0 : index
    %swap3A_138 = arith.constant 0 : index
    %swap3A_139 = vector.load %arg18[%swap3A, %swap3A_138] : memref<1024x256xf32, #tpu.memory_space<vmem>>, vector<1024x256xf32>
    tpu.vector_store %arg18[%swap3A, %swap3A_138], %add3A_137 {strides = array<i32>} : memref<1024x256xf32, #tpu.memory_space<vmem>>, vector<1024x256xf32>,
    return
  }
  func.func @transform_0(%arg0: i32) -> (i32, i32) {
    %c0_i32 = arith.constant 0 : i32
    %c0_i32_0 = arith.constant 0 : i32
    return %arg0, %c0_i32 : i32, i32
  }
  func.func @transform_1(%arg0: i32) -> (i32, i32) {
    %c0_i32 = arith.constant 0 : i32
    %c0_i32_0 = arith.constant 0 : i32
    return %arg0, %c0_i32 : i32, i32
  }
  func.func @transform_2(%arg0: i32) -> (i32, i32) {
    %c0_i32 = arith.constant 0 : i32
    %c0_i32_0 = arith.constant 0 : i32
    return %arg0, %c0_i32 : i32, i32
  }
  func.func @transform_3(%arg0: i32) -> (i32, i32) {
    %c0_i32 = arith.constant 0 : i32
    %c0_i32_0 = arith.constant 0 : i32
    return %arg0, %c0_i32 : i32, i32
  }
  func.func @transform_4(%arg0: i32) -> (i32, i32) {
    %c0_i32 = arith.constant 0 : i32
    %c0_i32_0 = arith.constant 0 : i32
    return %arg0, %c0_i32 : i32, i32
  }
  func.func @transform_5(%arg0: i32) -> (i32, i32) {
    %c0_i32 = arith.constant 0 : i32
    %c0_i32_0 = arith.constant 0 : i32
    %c0_i32_1 = arith.constant 0 : i32
    return %c0_i32, %c0_i32_0 : i32, i32
  }
  func.func @transform_6(%arg0: i32) -> (i32, i32) {
    %c0_i32 = arith.constant 0 : i32
    %c0_i32_0 = arith.constant 0 : i32
    %c0_i32_1 = arith.constant 0 : i32
    return %c0_i32, %c0_i32_0 : i32, i32
  }
  func.func @transform_7(%arg0: i32) -> (i32, i32) {
    %c0_i32 = arith.constant 0 : i32
    %c0_i32_0 = arith.constant 0 : i32
    %c0_i32_1 = arith.constant 0 : i32
    return %c0_i32, %c0_i32_0 : i32, i32
  }
  func.func @transform_8(%arg0: i32) -> (i32, i32) {
    %c0_i32 = arith.constant 0 : i32
    %c0_i32_0 = arith.constant 0 : i32
    %c0_i32_1 = arith.constant 0 : i32
    return %c0_i32, %c0_i32_0 : i32, i32
  }
  func.func @transform_9(%arg0: i32) -> (i32, i32) {
    %c0_i32 = arith.constant 0 : i32
    %c0_i32_0 = arith.constant 0 : i32
    %c0_i32_1 = arith.constant 0 : i32
    return %c0_i32, %c0_i32_0 : i32, i32
  }
  func.func @transform_10(%arg0: i32) -> (i32, i32) {
    %c0_i32 = arith.constant 0 : i32
    %c0_i32_0 = arith.constant 0 : i32
    %c0_i32_1 = arith.constant 0 : i32
    return %c0_i32, %c0_i32_0 : i32, i32
  }
  func.func @transform_11(%arg0: i32) -> (i32, i32) {
    %c0_i32 = arith.constant 0 : i32
    %c0_i32_0 = arith.constant 0 : i32
    %c0_i32_1 = arith.constant 0 : i32
    return %c0_i32, %c0_i32_0 : i32, i32
  }
  func.func @transform_12(%arg0: i32) -> (i32, i32) {
    %c0_i32 = arith.constant 0 : i32
    %c0_i32_0 = arith.constant 0 : i32
    %c0_i32_1 = arith.constant 0 : i32
    return %c0_i32, %c0_i32_0 : i32, i32
  }
  func.func @transform_13(%arg0: i32) -> (i32, i32) {
    %c0_i32 = arith.constant 0 : i32
    %c0_i32_0 = arith.constant 0 : i32
    %c0_i32_1 = arith.constant 0 : i32
    return %c0_i32, %c0_i32_0 : i32, i32
  }
  func.func @transform_14(%arg0: i32) -> (i32, i32) {
    %c0_i32 = arith.constant 0 : i32
    %c0_i32_0 = arith.constant 0 : i32
    %c0_i32_1 = arith.constant 0 : i32
    return %c0_i32, %c0_i32_0 : i32, i32
  }
  func.func @transform_15(%arg0: i32) -> (i32, i32) {
    %c0_i32 = arith.constant 0 : i32
    %c0_i32_0 = arith.constant 0 : i32
    %c0_i32_1 = arith.constant 0 : i32
    return %c0_i32, %c0_i32_0 : i32, i32
  }
  func.func @transform_16(%arg0: i32) -> (i32, i32) {
    %c0_i32 = arith.constant 0 : i32
    %c0_i32_0 = arith.constant 0 : i32
    %c0_i32_1 = arith.constant 0 : i32
    return %c0_i32, %c0_i32_0 : i32, i32
  }
  func.func @transform_17(%arg0: i32) -> (i32, i32) {
    %c0_i32 = arith.constant 0 : i32
    %c0_i32_0 = arith.constant 0 : i32
    return %arg0, %c0_i32 : i32, i32
  }
}

</mosaic_0001>

<sc_bundles>
// kernel: kernel.10.cloned.1.call-start
scs
__scs_entry_jumppad:
0x0: {  	(pc) =	sbr.rel $0x88, $3  }
0x1: {  	(tag) =	ssettag $0x0;
	lr =	simm.s32 $0x1  }
0x2: {  	[smem:$0x3F93] =	sst lr;
	_ =	strace $0xD0000000  }
0x3: {  	_ = 	snop  }
0x4: {  	_ = 	snop  }
0x5: {  	_ = 	snop  }
0x6: {  	_ = 	snop  }
0x7: {  	_ = 	snop  }
__scs_overlays_trampoline_lowered:
0x8: {  	[smem:$0x3FA2] =	sst s0  }
0x9: {  	[smem:$0x3FA3] =	sst s1  }
0xa: {  	[smem:$0x3FA4] =	sst s2  }
0xb: {  	[smem:$0x3FA5] =	sst s3  }
0xc: {  	[smem:$0x3FA6] =	sst s4  }
0xd: {  	[smem:$0x3FA7] =	sst s5  }
0xe: {  	[smem:$0x3FA8] =	sst s6  }
0xf: {  	[smem:$0x3FA9] =	sst s7  }
0x10: {  	[smem:$0x3FAA] =	sst s8  }
0x11: {  	[smem:$0x3FAB] =	sst s9;
	s0 =	simm.s32 @!p0 $0x0  }
0x12: {  	s1 =	sld [smem:$0x3F91];
	s0 =	simm.s32 @p0 $0x1  }
0x13: {  	[smem:$0x3FAC] =	sst s0;
	s0 =	simm.s32 @!p1 $0x0  }
0x14: {  	s2 =	sld [smem:$0x3F90];
	s0 =	simm.s32 @p1 $0x1  }
0x15: {  	[smem:$0x3FAD] =	sst s0;
	s0 =	simm.s32 @!p2 $0x0  }
0x16: {  	s3 =	sld [smem:$0x3FDB];
	s0 =	simm.s32 @p2 $0x1  }
0x17: {  	s4 =	simm.s32 $0x1BF5;
	[smem:$0x3FAF] =	sst s0  }
0x18: {  	s0 =	sld [smem:$0x3F92];
	_ =	swait.ge [sflag:s4], $0x0  }
0x19: {  	s7 =	sld [smem:$0x3F93]  }
0x1a: {  	s8 =	sadd.s32 $0xFFFFE003, lr  }
0x1b: {  	s9 =	sadd.s32 $0xFFFFFEF7, lr;
	s5 =	simm.s32 $0xFFFFFFFF;
	p2 =	slt.u32 s8, $0xFFFFF086  }
0x1c: {  	p1 =	slt.u32 s9, $0xF7A;
	s5 =	simm.s32 @!p2 $0x0  }
0x1d: {  	s5 =	simm.s32 @p1 $0x1;
	p0 =	seq.s32 s7, s2  }
0x1e: {  	s7 =	smul.u32 @!p0 $0xF7A, s2;
	p2 =	seq.s32 @!p0 s5, $0x0  }
0x1f: {  	s9 =	smul.u32 $0xF7A, s1;
	s8 =	simm.s32 @!p0 $0x1BF5;
	p2 =	por !p2, p0  }
0x20: {  	[sflag:s8] =	ssyncset.s32 @!p0 $0xFFFFF086;
	s6 =	sadd.s32 @!p0 s3, s7;
	s7 =	simm.s32 @!p0 $0x108  }
0x21: {  	s3 =	sadd.s32 s3, s9;
	s6 =	sadd.s32 @!p0 $0x88, s6;
	s7 =	simm.s32 @p2 $0x1082  }
0x22: {  	[simem:s7], [sflag:s8] =	dma.local @!p0 [hbm:s6], $0xF7A  }
0x23: {  	s9 =	sor.u32 $0xD0000000, s2;
	s6 =	simm.s32 $0x108;
	_ =	swait.ge @!p0 [sflag:s8], $0x0  }
0x24: {  	s3 =	sadd.s32 $0x88, s3;
	s6 =	simm.s32 @!p1 $0x1082;
	[sflag:s4] =	ssyncset.s32 $0xFFFFF086  }
0x25: {  	[simem:s6], [sflag:s4] =	dma.local [hbm:s3], $0xF7A  }
0x26: {  	[smem:$0x3F93] =	sst s1;
	(tag) =	ssettag s2;
	_ =	strace s9  }
0x27: {  	s1 =	sld [smem:$0x3FA3]  }
0x28: {  	s2 =	sld [smem:$0x3FA4]  }
0x29: {  	s4 =	sld [smem:$0x3FA6]  }
0x2a: {  	p0 =	seq.s32 s5, $0x0;
	s5 =	sld [smem:$0x3FA7]  }
0x2b: {  	s6 =	sld [smem:$0x3FA8]  }
0x2c: {  	s7 =	sld [smem:$0x3FA9]  }
0x2d: {  	s3 =	simm.s32 $0x108;
	s8 =	sld [smem:$0x3FAA]  }
0x2e: {  	s3 =	simm.s32 @!p0 $0x1082;
	s9 =	sld [smem:$0x3FAB]  }
0x2f: {  	lr =	sadd.s32 s0, s3;
	s0 =	sld [smem:$0x3FA2]  }
0x30: {  	s3 =	sld [smem:$0x3FA5]  }
0x31: {  	[smem:$0x3FAE] =	sst s10  }
0x32: {  	s10 =	sld [smem:$0x3FAC];
	_ =	sdelay $0x3  }
0x33: {  	p0 =	seq.s32 s10, $0x1;
	s10 =	sld [smem:$0x3FAE];
	_ =	sdelay $0x3  }
0x34: {  	[smem:$0x3FAE] =	sst s10  }
0x35: {  	s10 =	sld [smem:$0x3FAD];
	_ =	sdelay $0x3  }
0x36: {  	p1 =	seq.s32 s10, $0x1;
	s10 =	sld [smem:$0x3FAE];
	_ =	sdelay $0x3  }
0x37: {  	[smem:$0x3FAE] =	sst s10  }
0x38: {  	s10 =	sld [smem:$0x3FAF]  }
0x39: {  	_ = 	snop;
	(pc) =	sbr.ind lr, $3  }
0x3a: {  	_ = 	snop  }
0x3b: {  	_ = 	snop  }
0x3c: {  	p2 =	seq.s32 s10, $0x1;
	s10 =	sld [smem:$0x3FAE]  }
0x3d: {  	_ =	shalt  }
0x3e: {  	_ =	shalt  }
0x3f: {  	_ =	shalt  }
0x40: {  	_ =	shalt  }
0x41: {  	_ =	shalt  }
0x42: {  	_ =	shalt  }
0x43: {  	_ =	shalt  }
0x44: {  	_ =	shalt  }
0x45: {  	_ =	shalt  }
0x46: {  	_ =	shalt  }
0x47: {  	_ =	shalt  }
0x48: {  	_ =	shalt  }
0x49: {  	_ =	shalt  }
0x4a: {  	_ =	shalt  }
0x4b: {  	_ =	shalt  }
0x4c: {  	_ =	shalt  }
0x4d: {  	_ =	shalt  }
0x4e: {  	_ =	shalt  }
0x4f: {  	_ =	shalt  }
0x50: {  	_ =	shalt  }
0x51: {  	_ =	shalt  }
0x52: {  	_ =	shalt  }
0x53: {  	_ =	shalt  }
0x54: {  	_ =	shalt  }
0x55: {  	_ =	shalt  }
0x56: {  	_ =	shalt  }
0x57: {  	_ =	shalt  }
0x58: {  	_ =	shalt  }
0x59: {  	_ =	shalt  }
0x5a: {  	_ =	shalt  }
0x5b: {  	_ =	shalt  }
0x5c: {  	_ =	shalt  }
0x5d: {  	_ =	shalt  }
0x5e: {  	_ =	shalt  }
0x5f: {  	_ =	shalt  }
0x60: {  	_ =	shalt  }
0x61: {  	_ =	shalt  }
0x62: {  	_ =	shalt  }
0x63: {  	_ =	shalt  }
0x64: {  	_ =	shalt  }
0x65: {  	_ =	shalt  }
0x66: {  	_ =	shalt  }
0x67: {  	_ =	shalt  }
0x68: {  	_ =	shalt  }
0x69: {  	_ =	shalt  }
0x6a: {  	_ =	shalt  }
0x6b: {  	_ =	shalt  }
0x6c: {  	_ =	shalt  }
0x6d: {  	_ =	shalt  }
0x6e: {  	_ =	shalt  }
0x6f: {  	_ =	shalt  }
0x70: {  	_ =	shalt  }
0x71: {  	_ =	shalt  }
0x72: {  	_ =	shalt  }
0x73: {  	_ =	shalt  }
0x74: {  	_ =	shalt  }
0x75: {  	_ =	shalt  }
0x76: {  	_ =	shalt  }
0x77: {  	_ =	shalt  }
0x78: {  	_ =	shalt  }
0x79: {  	_ =	shalt  }
0x7a: {  	_ =	shalt  }
0x7b: {  	_ =	shalt  }
0x7c: {  	_ =	shalt  }
0x7d: {  	_ =	shalt  }
0x7e: {  	_ =	shalt  }
0x7f: {  	_ =	shalt  }
0x80: {  	_ =	shalt  }
0x81: {  	_ =	shalt  }
0x82: {  	_ =	shalt  }
0x83: {  	_ =	shalt  }
0x84: {  	_ =	shalt  }
0x85: {  	_ =	shalt  }
0x86: {  	_ =	shalt  }
0x87: {  	_ =	shalt  }
.Lfunc_end0:
.L_simem_size_0:
called_computation.1_lowered:
.L_overlay_start_0:
0x88: {  	s2 =	sld [smem:$0x3FD9]  }
0x89: {  	s3 =	sld [smem:$0x3FFE];
	_ =	sdelay $0x1  }
0x8a: {  	s1 =	srdreg.scid  }
0x8b: {  	s0 =	sand.u32 $0x1, s1  }
0x8c: {  	s16 =	sshll.u32 s0, $0xA;
	s2 =	sadd.s32 s3, s2  }
0x8d: {  	s2 =	sadd.s32 s2, s16  }
0x8e: {  	[smem:$0x3FBA] =	sst s2  }
0x8f: {  	_ = 	snop  }
0x90: {  	(tm) =	ssettm $0x1  }
0x91: {  	s17 =	sld [smem:$0x3FFB];
	_ =	sdelay $0x3  }
0x92: {  	_ =	strace s17  }
0x93: {  	s2 =	sld [smem:$0x3FFC];
	_ =	sdelay $0x3  }
0x94: {  	_ =	strace s2  }
0x95: {  	s2 =	sld [smem:$0x3FFD];
	_ =	sdelay $0x3  }
0x96: {  	_ =	strace s2  }
0x97: {  	_ =	strace $0x8FFFFFFF  }
0x98: {  	s18 =	sld [smem:$0x3FDB];
	_ =	sdelay $0x1  }
0x99: {  	s19 =	simm.s32 $_scs_section_size  }
0x9a: {  	s4 =	simm.s32 $_size__tile_overlayer_lowered;
	s5 =	simm.s32 $_tile_overlayer_lowered  }
0x9b: {  	s22 =	simm.s32 $0x1BFF;
	s21 =	sshll.u32 s5, $0x1;
	s2 =	sadd.s32 s19, s18  }
0x9c: {  	s6 =	simm.s32 $0x0;
	s20 =	sshll.u32 s4, $0x1;
	s4 =	sadd.s32 s21, s2  }
0x9d: {  	[timem:s6], [sflag:s22] =	dma.local [hbm:s4], s20  }
0x9e: {  	_ =	swait.ge [sflag:s22], s20  }
0x9f: {  	s3 =	ssub.s32 $0x0, s20;
	[sflag:s22] =	ssyncset.done $0x0  }
0xa0: {  	[sflag:s22] =	ssyncadd.s32 s3;
	_ =	sdelay $0x1  }
0xa1: {  	s23 =	simm.s32 $0x1B8B  }
0xa2: {  	_ =	swait.ge [sflag:s23], $0x1  }
0xa3: {  	[sflag:s23] =	ssyncset.done $0x0  }
0xa4: {  	s25 =	simm.s32 $0x1B8E;
	s24 =	sld [smem:$0x3FFE];
	[sflag:s23] =	ssyncadd.s32 $0xFFFFFFFF  }
0xa5: {  	s26 =	simm.s32 $execute0_lowered;
	[smem:$0x3FD2] =	sst s25  }
0xa6: {  	s4 =	sshll.u32 s26, $0x1;
	_ =	strace $0x80000049;
	[dreg:$0x1] =	wrdreg $0xFFFFFFFF  }
0xa7: {  	s28 =	simm.s32 $_size_execute0_lowered;
	s2 =	sadd.s32 s2, s4;
	[dreg:$0x0] =	wrdreg $0x0  }
0xa8: {  	s4 =	sshll.u32 s28, $0x1;
	[dreg:$0x2] =	wrdreg s2  }
0xa9: {  	[dreg:$0x3] =	wrdreg s4  }
0xaa: {  	[dreg:$0x4] =	wrdreg $0xC0  }
0xab: {  	_ =	task [dreg:s6], $0x5FFFF  }
0xac: {  	[dreg:$0x1] =	wrdreg $0xFFFFFFFF  }
0xad: {  	[dreg:$0x0] =	wrdreg $0x60  }
0xae: {  	[dreg:$0x2] =	wrdreg s24  }
0xaf: {  	[dreg:$0x3] =	wrdreg $0xC9A00  }
0xb0: {  	[dreg:$0x4] =	wrdreg $0x9  }
0xb1: {  	_ =	task.clear_ibuf [dreg:s6], $0x5FFFF;
	_ =	strace $0x90000049  }
0xb2: {  	s29 =	simm.s32 $0x9;
	_ =	strace $0x8000004B  }
0xb3: {  	_ =	swait.ge [sflag:s29], $0x1  }
0xb4: {  	[sflag:s29] =	ssyncadd.s32 $0xFFFFFFFF  }
0xb5: {  	_ =	strace $0x9000004B  }
0xb6: {  	_ =	sfence  }
0xb7: {  	s30 =	sld [smem:$0x0];
	_ =	sdelay $0x2  }
0xb8: {  	s31 =	sshll.u32 s1, $0xD;
	s1 =	sshrl.u32 s1, $0x2  }
0xb9: {  	s3 =	sand.u32 $0x4000, s31;
	s1 =	sadd.s32 s1, s30  }
0xba: {  	s0 =	sor.u32 s3, s0;
	s1 =	sshll.u32 s1, $0x11  }
0xbb: {  	s0 =	sor.u32 s1, s0  }
0xbc: {  	s0 =	sadd.s32 $0x8F2B, s0  }
0xbd: {  	[sflag:s0] =	ssyncadd.remote.s32 $0x1  }
0xbe: {  	_ =	sfence.sel $0xFFFF  }
0xbf: {  	[dreg:$0x0] =	wrdreg $0xFFFFFFFF;
	(pc) =	sbr.abs _section_cstart, $3  }
0xc0: {  	[dreg:$0x1] =	wrdreg $0xFFFFFFFF  }
0xc1: {  	_ =	task.clear_ibuf [dreg:s6], $0x2FFFF;
	_ =	strace $0x9FFFFFFF  }
0xc2: {  	(tm) =	ssettm $0x7FFFFFFF  }
0xc3: {  	_ =	shalt  }
tec
execute0_lowered:
.L_overlay_start_1:
0x0: {  	(tag) =	ssettag $0x1  }
0x1: {  	s1 =	srdreg.scid  }
0x2: {  	s0 =	stileid.u32;
	s4 =	rddreg [dreg:$0x0]  }
0x3: {  	s2 =	rddreg [dreg:$0x1];
	s3 =	simm.s32 $0x0;
	s12 =	simm.s32 $0x280  }
0x4: {  	s13 =	simm.s32 $0x2800;
	s14 =	simm.s32 $0x7720;
	s15 =	simm.s32 $0xC720  }
0x5: {  	s16 =	simm.s32 $0x2720;
	s17 =	simm.s32 $0x4F20;
	s18 =	simm.s32 $0x0  }
0x6: {  	s5 =	sand.u32 $0x1, s1;
	s31 =	sshll.u32 s0, $0x1;
	s1 =	rddreg [dreg:$0x2]  }
0x7: {  	[smem:$0x7FF] =	sst s3;
	s8 =	smul.u32 $0x280, s0;
	s6 =	sor.u32 s5, s31  }
0x8: {  	_ =	strace $0x8000004A;
	s5 =	ssub.s32 $0x2, s5;
	s7 =	smul.u32 $0x272, s6  }
0x9: {  	s6 =	smul.u32 $0x500, s6;
	s9 =	sshrl.u32 s8, $0x3;
	s10 =	sshrl.u32 s5, $0x1  }
0xa: {  	s9 =	sadd.s32 s9, s4;
	s10 =	ssub.s32 s5, s10;
	s7 =	sadd.s32 s7, s4  }
0xb: {  	s11 =	sadd.s32 s6, s4;
	s6 =	sadd.s32 $0xC600, s9;
	s9 =	smax.u32 s10, $0x1  }
0xc: {  	s10 =	simm.s32 $0x1;
	s4 =	sadd.s32 $0x7600, s7;
	s5 =	sadd.s32 $0x2600, s7  }
0xd: {  	v0 =	vimm.f32 $0.0e+00;
	s7 =	sadd.s32 s8, s2;
	s8 =	sadd.s32 $0x16600, s11;
	s11 =	simm.s32 $0x1390  }
.LBB2_1:
0xe: {  	[tilespmem:s3], [sflag:$0x1] =	stream.linear.gather [hbm4b:s4+s3], $0x1390, $0x38;
	[tilespmem:$0xCC20] =	vst v63  }
0xf: {  	_ =	swait.ge [sflag:s10], $0x1390  }
0x10: {  	[sflag:s10] =	ssyncset.done $0x0  }
0x11: {  	[sflag:s10] =	ssyncadd.s32 $0xFFFFEC70  }
0x12: {  	[tilespmem:s11], [sflag:$0x1] =	stream.linear.gather [hbm4b:s5+s3], $0x1390, $0x38;
	[tilespmem:$0xCC20] =	vst v63  }
0x13: {  	_ =	swait.ge [sflag:s10], $0x1390  }
0x14: {  	[sflag:s10] =	ssyncset.done $0x0  }
0x15: {  	[sflag:s10] =	ssyncadd.s32 $0xFFFFEC70  }
0x16: {  	[tilespmem:s14], [sflag:$0x1] =	stream.strided.gather [hbm4b:s6+s12], $0x5000, s13, s12, $0x38;
	[tilespmem:$0xCC20] =	vst v63  }
0x17: {  	_ =	swait.ge [sflag:s10], $0x5000  }
0x18: {  	[sflag:s10] =	ssyncset.done $0x0  }
0x19: {  	s20 =	simm.s32 $0x0;
	[sflag:s10] =	ssyncadd.s32 $0xFFFFB000  }
0x1a: {  	v1 =	vld [tilespmem:s20+$0x7720];
	_ =	sdelay $0x1  }
0x1b: {  	v2 =	vld [tilespmem:s20+$0x79A0];
	_ =	sdelay $0x1  }
0x1c: {  	v3 =	vld [tilespmem:s20+$0x7C20]  }
0x1d: {  	v1 =	vadd.f32 $1.000000000e+00, v1  }
0x1e: {  	v4 =	vld [tilespmem:s20+$0x7EA0]  }
0x1f: {  	v1 =	vadd.f32 v2, v1  }
0x20: {  	v2 =	vld [tilespmem:s20+$0x8120]  }
0x21: {  	v1 =	vadd.f32 v3, v1  }
0x22: {  	v3 =	vld [tilespmem:s20+$0x83A0]  }
0x23: {  	v1 =	vadd.f32 v4, v1  }
0x24: {  	v4 =	vld [tilespmem:s20+$0x8620]  }
0x25: {  	v1 =	vadd.f32 v2, v1  }
0x26: {  	v2 =	vld [tilespmem:s20+$0x88A0]  }
0x27: {  	v1 =	vadd.f32 v3, v1  }
0x28: {  	v3 =	vld [tilespmem:s20+$0x8B20]  }
0x29: {  	v1 =	vadd.f32 v4, v1  }
0x2a: {  	v4 =	vld [tilespmem:s20+$0x8DA0]  }
0x2b: {  	v1 =	vadd.f32 v2, v1  }
0x2c: {  	v2 =	vld [tilespmem:s20+$0x9020]  }
0x2d: {  	v1 =	vadd.f32 v3, v1  }
0x2e: {  	v3 =	vld [tilespmem:s20+$0x92A0]  }
0x2f: {  	v1 =	vadd.f32 v4, v1  }
0x30: {  	v4 =	vld [tilespmem:s20+$0x9520]  }
0x31: {  	v1 =	vadd.f32 v2, v1  }
0x32: {  	v2 =	vld [tilespmem:s20+$0x97A0]  }
0x33: {  	v1 =	vadd.f32 v3, v1  }
0x34: {  	v3 =	vld [tilespmem:s20+$0x9A20]  }
0x35: {  	v1 =	vadd.f32 v4, v1  }
0x36: {  	s19 =	simm.s32 $0x10;
	v4 =	vld [tilespmem:s20+$0x9CA0]  }
0x37: {  	v5 =	vld [tilespmem:s19+$0x7720];
	v1 =	vadd.f32 v2, v1  }
0x38: {  	v2 =	vld [tilespmem:s20+$0x9F20]  }
0x39: {  	v6 =	vld [tilespmem:s19+$0x79A0];
	v1 =	vadd.f32 v3, v1  }
0x3a: {  	v3 =	vld [tilespmem:s20+$0xA1A0]  }
0x3b: {  	v7 =	vld [tilespmem:s19+$0x7C20];
	v1 =	vadd.f32 v4, v1  }
0x3c: {  	v4 =	vld [tilespmem:s20+$0xA420]  }
0x3d: {  	v8 =	vld [tilespmem:s19+$0x7EA0];
	v5 =	vadd.f32 $1.000000000e+00, v5;
	v1 =	vadd.f32 v2, v1  }
0x3e: {  	v2 =	vld [tilespmem:s20+$0xA6A0]  }
0x3f: {  	v5 =	vadd.f32 v6, v5;
	v6 =	vld [tilespmem:s19+$0x8120];
	v1 =	vadd.f32 v3, v1  }
0x40: {  	v3 =	vld [tilespmem:s20+$0xA920]  }
0x41: {  	v5 =	vadd.f32 v7, v5;
	v7 =	vld [tilespmem:s19+$0x83A0];
	v1 =	vadd.f32 v4, v1  }
0x42: {  	v4 =	vld [tilespmem:s20+$0xABA0]  }
0x43: {  	v5 =	vadd.f32 v8, v5;
	v8 =	vld [tilespmem:s19+$0x8620];
	v1 =	vadd.f32 v2, v1  }
0x44: {  	v2 =	vld [tilespmem:s20+$0xAE20]  }
0x45: {  	v5 =	vadd.f32 v6, v5;
	v6 =	vld [tilespmem:s19+$0x88A0];
	v1 =	vadd.f32 v3, v1  }
0x46: {  	v3 =	vld [tilespmem:s20+$0xB0A0]  }
0x47: {  	v5 =	vadd.f32 v7, v5;
	v7 =	vld [tilespmem:s19+$0x8B20];
	v1 =	vadd.f32 v4, v1  }
0x48: {  	v4 =	vld [tilespmem:s20+$0xB320]  }
0x49: {  	v5 =	vadd.f32 v8, v5;
	v8 =	vld [tilespmem:s19+$0x8DA0];
	v1 =	vadd.f32 v2, v1  }
0x4a: {  	v2 =	vld [tilespmem:s20+$0xB5A0]  }
0x4b: {  	v5 =	vadd.f32 v6, v5;
	v6 =	vld [tilespmem:s19+$0x9020];
	v1 =	vadd.f32 v3, v1  }
0x4c: {  	v3 =	vld [tilespmem:s20+$0xB820]  }
0x4d: {  	v5 =	vadd.f32 v7, v5;
	v7 =	vld [tilespmem:s19+$0x92A0];
	v1 =	vadd.f32 v4, v1  }
0x4e: {  	v4 =	vld [tilespmem:s20+$0xBAA0]  }
0x4f: {  	v5 =	vadd.f32 v8, v5;
	v8 =	vld [tilespmem:s19+$0x9520];
	v1 =	vadd.f32 v2, v1  }
0x50: {  	v2 =	vld [tilespmem:s20+$0xBD20]  }
0x51: {  	v9 =	vld [tilespmem:s20+$0xBFA0];
	v5 =	vadd.f32 v6, v5;
	v1 =	vadd.f32 v3, v1  }
0x52: {  	v3 =	vld [tilespmem:s19+$0x97A0]  }
0x53: {  	v5 =	vadd.f32 v7, v5;
	v6 =	vadd.f32 v4, v1;
	v4 =	vld [tilespmem:s20+$0xC220]  }
0x54: {  	v1 =	vld [tilespmem:s19+$0x9A20]  }
0x55: {  	v7 =	vadd.f32 v8, v5;
	v5 =	vld [tilespmem:s20+$0xC4A0];
	v8 =	vadd.f32 v2, v6  }
0x56: {  	s21 =	simm.s32 $0x20;
	v2 =	vld [tilespmem:s19+$0x9CA0]  }
0x57: {  	s22 =	simm.s32 $0xC0;
	v6 =	vld [tilespmem:s21+$0x7720];
	v3 =	vadd.f32 v3, v7;
	v7 =	vadd.f32 v9, v8  }
.LBB2_2:
0x58: {  	p0 =	sne.s32 s22, $0x9C0;
	v8 =	vld [tilespmem:s19+$0x9F20];
	s23 =	smov.u32 s21  }
0x59: {  	v9 =	vld [tilespmem:s23+$0x79A0];
	v1 =	vadd.f32 v1, v3;
	v3 =	vadd.f32 v4, v7  }
0x5a: {  	v4 =	vld [tilespmem:s19+$0xA1A0]  }
0x5b: {  	v7 =	vld [tilespmem:s23+$0x7C20];
	v1 =	vadd.f32 v2, v1;
	v2 =	vadd.f32 v5, v3  }
0x5c: {  	v3 =	vadd.f32 $1.000000000e+00, v6;
	v5 =	vld [tilespmem:s19+$0xA420]  }
0x5d: {  	v6 =	vld [tilespmem:s23+$0x7EA0];
	v1 =	vadd.f32 v8, v1;
	v8 =	vmul.f32 $5.000000000e-01, v2;
	v2 =	vshra.s32 v2, $0x1  }
0x5e: {  	v3 =	vadd.f32 v9, v3;
	v9 =	vld [tilespmem:s19+$0xA6A0];
	v2 =	vsub.s32 $0x5F3759DF, v2  }
0x5f: {  	v10 =	vld [tilespmem:s23+$0x8120];
	v1 =	vadd.f32 v4, v1;
	v4 =	vmul.f32 v2, v8  }
0x60: {  	v3 =	vadd.f32 v7, v3;
	v7 =	vld [tilespmem:s19+$0xA920]  }
0x61: {  	v11 =	vld [tilespmem:s23+$0x83A0];
	v1 =	vadd.f32 v5, v1;
	v4 =	vmul.f32 v2, v4  }
0x62: {  	v3 =	vadd.f32 v6, v3;
	v5 =	vld [tilespmem:s19+$0xABA0]  }
0x63: {  	v6 =	vld [tilespmem:s23+$0x8620];
	v1 =	vadd.f32 v9, v1;
	v4 =	vsub.f32 $1.500000000e+00, v4  }
0x64: {  	v3 =	vadd.f32 v10, v3;
	v9 =	vld [tilespmem:s19+$0xAE20]  }
0x65: {  	v10 =	vld [tilespmem:s23+$0x88A0];
	v1 =	vadd.f32 v7, v1;
	v2 =	vmul.f32 v2, v4  }
0x66: {  	v3 =	vadd.f32 v11, v3;
	v4 =	vld [tilespmem:s19+$0xB0A0]  }
0x67: {  	v7 =	vld [tilespmem:s23+$0x8B20];
	v1 =	vadd.f32 v5, v1;
	v5 =	vmul.f32 v2, v8  }
0x68: {  	v3 =	vadd.f32 v6, v3;
	v6 =	vld [tilespmem:s19+$0xB320]  }
0x69: {  	v11 =	vld [tilespmem:s23+$0x8DA0];
	v1 =	vadd.f32 v9, v1;
	v5 =	vmul.f32 v5, v2  }
0x6a: {  	v3 =	vadd.f32 v10, v3;
	v9 =	vld [tilespmem:s19+$0xB5A0]  }
0x6b: {  	v10 =	vld [tilespmem:s23+$0x9020];
	v1 =	vadd.f32 v4, v1;
	v4 =	vsub.f32 $1.500000000e+00, v5  }
0x6c: {  	v3 =	vadd.f32 v7, v3;
	v5 =	vld [tilespmem:s19+$0xB820]  }
0x6d: {  	v7 =	vld [tilespmem:s23+$0x92A0];
	v1 =	vadd.f32 v6, v1;
	v2 =	vmul.f32 v4, v2  }
0x6e: {  	v3 =	vadd.f32 v11, v3;
	v4 =	vld [tilespmem:s19+$0xBAA0]  }
0x6f: {  	v1 =	vadd.f32 v9, v1;
	v6 =	vld [tilespmem:s19+$0xBD20];
	v8 =	vmul.f32 v2, v8  }
0x70: {  	v3 =	vadd.f32 v10, v3;
	v9 =	vld [tilespmem:s23+$0x9520]  }
0x71: {  	v1 =	vadd.f32 v5, v1;
	v10 =	vld [tilespmem:s19+$0xBFA0];
	v5 =	vmul.f32 v8, v2  }
0x72: {  	v3 =	vadd.f32 v7, v3;
	v7 =	vld [tilespmem:s23+$0x97A0]  }
.Ltmp0:
0x73: {  	v8 =	vadd.f32 v4, v1;
	v4 =	vld [tilespmem:s19+$0xC220];
	v11 =	vsub.f32 $1.500000000e+00, v5;
	(pc) =	sbr.rel @p0 .LBB2_2-.Ltmp0, $4  }
0x74: {  	v1 =	vld [tilespmem:s23+$0x9A20]  }
0x75: {  	v3 =	vadd.f32 v9, v3;
	v8 =	vadd.f32 v6, v8;
	v5 =	vld [tilespmem:s19+$0xC4A0];
	v9 =	vmul.f32 v11, v2  }
0x76: {  	s21 =	sshra.s32 s22, $0x2;
	v2 =	vld [tilespmem:s23+$0x9CA0]  }
0x77: {  	s22 =	sadd.s32 $0x40, s22;
	v6 =	vld [tilespmem:s21+$0x7720];
	v3 =	vadd.f32 v7, v3;
	v7 =	vadd.f32 v10, v8;
	[tilespmem:s20+$0xC720] =	vst v9;
	s20 =	smov.u32 s19;
	s19 =	smov.u32 s23  }
0x78: {  	_ = 	snop  }
0x79: {  	v8 =	vld [tilespmem:s19+$0x9F20];
	v4 =	vadd.f32 v4, v7  }
0x7a: {  	v9 =	vld [tilespmem:s21+$0x79A0]  }
0x7b: {  	v34 =	vld [tilespmem:s19+$0xA1A0];
	v4 =	vadd.f32 v5, v4  }
0x7c: {  	v10 =	vld [tilespmem:s21+$0x7C20]  }
0x7d: {  	v35 =	vld [tilespmem:s19+$0xA420];
	v6 =	vadd.f32 $1.000000000e+00, v6;
	v12 =	vmul.f32 $5.000000000e-01, v4;
	v4 =	vshra.s32 v4, $0x1  }
0x7e: {  	v11 =	vld [tilespmem:s21+$0x7EA0];
	v4 =	vsub.s32 $0x5F3759DF, v4  }
0x7f: {  	v13 =	vld [tilespmem:s19+$0xA6A0];
	v6 =	vadd.f32 v9, v6;
	v14 =	vmul.f32 v4, v12  }
0x80: {  	v36 =	vld [tilespmem:s21+$0x8120]  }
0x81: {  	v15 =	vld [tilespmem:s19+$0xA920];
	v6 =	vadd.f32 v10, v6;
	v14 =	vmul.f32 v4, v14  }
0x82: {  	v37 =	vld [tilespmem:s21+$0x83A0]  }
0x83: {  	v16 =	vld [tilespmem:s19+$0xABA0];
	v6 =	vadd.f32 v11, v6;
	v14 =	vsub.f32 $1.500000000e+00, v14  }
0x84: {  	v38 =	vld [tilespmem:s21+$0x8620]  }
0x85: {  	v17 =	vld [tilespmem:s19+$0xAE20];
	v6 =	vadd.f32 v36, v6;
	v4 =	vmul.f32 v4, v14  }
0x86: {  	v39 =	vld [tilespmem:s21+$0x88A0]  }
0x87: {  	v40 =	vld [tilespmem:s19+$0xB0A0];
	v6 =	vadd.f32 v37, v6;
	v18 =	vmul.f32 v4, v12  }
0x88: {  	v41 =	vld [tilespmem:s21+$0x8B20]  }
0x89: {  	v19 =	vld [tilespmem:s19+$0xB320];
	v6 =	vadd.f32 v38, v6;
	v18 =	vmul.f32 v18, v4  }
0x8a: {  	v42 =	vld [tilespmem:s21+$0x8DA0]  }
0x8b: {  	v20 =	vld [tilespmem:s19+$0xB5A0];
	v6 =	vadd.f32 v39, v6;
	v18 =	vsub.f32 $1.500000000e+00, v18  }
0x8c: {  	v43 =	vld [tilespmem:s21+$0x9020]  }
0x8d: {  	v21 =	vld [tilespmem:s19+$0xB820];
	v6 =	vadd.f32 v41, v6;
	v4 =	vmul.f32 v18, v4  }
0x8e: {  	v44 =	vld [tilespmem:s21+$0x92A0]  }
0x8f: {  	v45 =	vld [tilespmem:s19+$0xBAA0];
	v6 =	vadd.f32 v42, v6;
	v12 =	vmul.f32 v4, v12  }
0x90: {  	v22 =	vld [tilespmem:s21+$0x9520]  }
0x91: {  	v46 =	vld [tilespmem:s19+$0xBD20];
	v6 =	vadd.f32 v43, v6;
	v12 =	vmul.f32 v12, v4  }
0x92: {  	v23 =	vld [tilespmem:s21+$0x97A0]  }
0x93: {  	v47 =	vld [tilespmem:s19+$0xBFA0];
	v6 =	vadd.f32 v44, v6;
	v12 =	vsub.f32 $1.500000000e+00, v12  }
0x94: {  	v24 =	vld [tilespmem:s21+$0x9A20]  }
0x95: {  	v48 =	vld [tilespmem:s19+$0xC220];
	v6 =	vadd.f32 v22, v6;
	v4 =	vmul.f32 v12, v4  }
0x96: {  	v50 =	vld [tilespmem:s21+$0x9CA0]  }
0x97: {  	v49 =	vld [tilespmem:s19+$0xC4A0];
	v6 =	vadd.f32 v23, v6;
	[tilespmem:s20+$0xC720] =	vst v4  }
0x98: {  	v1 =	vadd.f32 v1, v3;
	v3 =	vld [tilespmem:s21+$0x9F20]  }
0x99: {  	v51 =	vadd.f32 v24, v6  }
0x9a: {  	v1 =	vadd.f32 v2, v1;
	v2 =	vld [tilespmem:s21+$0xA1A0]  }
0x9b: {  	v4 =	vadd.f32 v50, v51  }
0x9c: {  	v1 =	vadd.f32 v8, v1;
	v52 =	vld [tilespmem:s21+$0xA420]  }
0x9d: {  	v3 =	vadd.f32 v3, v4  }
0x9e: {  	v1 =	vadd.f32 v34, v1;
	v53 =	vld [tilespmem:s21+$0xA6A0]  }
0x9f: {  	v2 =	vadd.f32 v2, v3  }
0xa0: {  	v1 =	vadd.f32 v35, v1;
	v3 =	vld [tilespmem:s21+$0xA920]  }
0xa1: {  	v2 =	vadd.f32 v52, v2  }
0xa2: {  	v1 =	vadd.f32 v13, v1;
	v54 =	vld [tilespmem:s21+$0xABA0]  }
0xa3: {  	v2 =	vadd.f32 v53, v2  }
0xa4: {  	v1 =	vadd.f32 v15, v1;
	v55 =	vld [tilespmem:s21+$0xAE20]  }
0xa5: {  	v2 =	vadd.f32 v3, v2  }
0xa6: {  	v1 =	vadd.f32 v16, v1;
	v3 =	vld [tilespmem:s21+$0xB0A0]  }
0xa7: {  	v2 =	vadd.f32 v54, v2  }
0xa8: {  	v1 =	vadd.f32 v17, v1;
	v56 =	vld [tilespmem:s21+$0xB320]  }
0xa9: {  	v2 =	vadd.f32 v55, v2  }
0xaa: {  	v1 =	vadd.f32 v40, v1;
	v57 =	vld [tilespmem:s21+$0xB5A0]  }
0xab: {  	v2 =	vadd.f32 v3, v2  }
0xac: {  	v1 =	vadd.f32 v19, v1;
	v3 =	vld [tilespmem:s21+$0xB820]  }
0xad: {  	v2 =	vadd.f32 v56, v2  }
0xae: {  	v1 =	vadd.f32 v20, v1;
	v58 =	vld [tilespmem:s21+$0xBAA0]  }
0xaf: {  	v2 =	vadd.f32 v57, v2  }
0xb0: {  	v1 =	vadd.f32 v21, v1;
	v59 =	vld [tilespmem:s21+$0xBD20]  }
0xb1: {  	v2 =	vadd.f32 v3, v2  }
0xb2: {  	v1 =	vadd.f32 v45, v1;
	v3 =	vld [tilespmem:s21+$0xBFA0]  }
0xb3: {  	v2 =	vadd.f32 v58, v2  }
0xb4: {  	v1 =	vadd.f32 v46, v1;
	v60 =	vld [tilespmem:s21+$0xC220]  }
0xb5: {  	v2 =	vadd.f32 v59, v2  }
0xb6: {  	v1 =	vadd.f32 v47, v1;
	v61 =	vld [tilespmem:s21+$0xC4A0]  }
0xb7: {  	v2 =	vadd.f32 v3, v2  }
0xb8: {  	v1 =	vadd.f32 v48, v1  }
0xb9: {  	v2 =	vadd.f32 v60, v2  }
0xba: {  	v1 =	vadd.f32 v49, v1  }
0xbb: {  	v2 =	vadd.f32 v61, v2  }
0xbc: {  	v3 =	vmul.f32 $5.000000000e-01, v1;
	v1 =	vshra.s32 v1, $0x1  }
0xbd: {  	v1 =	vsub.s32 $0x5F3759DF, v1;
	v4 =	vmul.f32 $5.000000000e-01, v2;
	v2 =	vshra.s32 v2, $0x1  }
0xbe: {  	v62 =	vmul.f32 v1, v3;
	v2 =	vsub.s32 $0x5F3759DF, v2  }
0xbf: {  	v63 =	vmul.f32 v2, v4  }
0xc0: {  	v5 =	vmul.f32 v1, v62  }
0xc1: {  	v6 =	vmul.f32 v2, v63  }
0xc2: {  	v5 =	vsub.f32 $1.500000000e+00, v5  }
0xc3: {  	v6 =	vsub.f32 $1.500000000e+00, v6  }
0xc4: {  	v1 =	vmul.f32 v1, v5  }
0xc5: {  	v2 =	vmul.f32 v2, v6  }
0xc6: {  	v5 =	vmul.f32 v1, v3  }
0xc7: {  	v6 =	vmul.f32 v2, v4  }
0xc8: {  	v5 =	vmul.f32 v5, v1  }
0xc9: {  	v6 =	vmul.f32 v6, v2  }
0xca: {  	v5 =	vsub.f32 $1.500000000e+00, v5  }
0xcb: {  	v6 =	vsub.f32 $1.500000000e+00, v6  }
0xcc: {  	v1 =	vmul.f32 v5, v1  }
0xcd: {  	v2 =	vmul.f32 v6, v2  }
0xce: {  	v3 =	vmul.f32 v1, v3  }
0xcf: {  	v4 =	vmul.f32 v2, v4  }
0xd0: {  	v3 =	vmul.f32 v3, v1  }
0xd1: {  	v4 =	vmul.f32 v4, v2  }
0xd2: {  	v3 =	vsub.f32 $1.500000000e+00, v3  }
0xd3: {  	v4 =	vsub.f32 $1.500000000e+00, v4  }
0xd4: {  	v1 =	vmul.f32 v3, v1  }
0xd5: {  	v2 =	vmul.f32 v4, v2  }
0xd6: {  	[tilespmem:s19+$0xC720] =	vst v1  }
0xd7: {  	[tilespmem:s21+$0xC720] =	vst v2  }
0xd8: {  	[spmem:s7] =	stream.linear.scatter [tilespmem:s15], [sflag:$0x1], $0x280, $0x38;
	[tilespmem:$0xCC20] =	vst v63  }
0xd9: {  	_ =	swait.ge [sflag:s10], $0x280  }
0xda: {  	[sflag:s10] =	ssyncset.done $0x0  }
0xdb: {  	s20 =	simm.s32 $0x0;
	s19 =	simm.s32 $0x40;
	[sflag:s10] =	ssyncadd.s32 $0xFFFFFD80  }
.LBB2_4:
0xdc: {  	p0 =	sne.s32 s19, $0x9FC0;
	[tilespmem:s20+$0x4F20] =	vst v0;
	s20 =	smov.u32 s19;
	s19 =	sadd.s32 $0x40, s19  }
.Ltmp1:
0xdd: {  	(pc) =	sbr.rel @p0 .LBB2_4-.Ltmp1, $2  }
0xde: {  	_ =	sdelay $0x2  }
0xdf: {  	s20 =	sshra.s32 s20, $0x2  }
0xe0: {  	[tilespmem:s20+$0x4F20] =	vst v0  }
0xe1: {  	[bflag:$0x0] =	sbarrier.arrive $0xFFFF  }
0xe2: {  	[tilespmem:s16], [sflag:$0x1] =	stream.linear.gather [spmem:s2], $0x2800, $0x38;
	[tilespmem:$0xCC20] =	vst v63  }
0xe3: {  	_ =	swait.ge [sflag:s10], $0x2800  }
0xe4: {  	[sflag:s10] =	ssyncset.done $0x0  }
0xe5: {  	s20 =	simm.s32 $0x0;
	s19 =	simm.s32 $0x40;
	[sflag:s10] =	ssyncadd.s32 $0xFFFFD800  }
.LBB2_6:
0xe6: {  	p0 =	sne.s32 s19, $0x4E00;
	v1 =	vld [tilespmem:s20+$0x0];
	_ =	sdelay $0x2  }
0xe7: {  	v2 =	vld [tilespmem:s20+$0x1390];
	_ =	sdelay $0x4  }
0xe8: {  	v3 =	vld.idx.msk [tilespmem:v1+s16+$0x0], $0xffff;
	vm0 =	vne.s32 v1, v2;
	_ =	sdelay $0x1  }
.Ltmp2:
0xe9: {  	(pc) =	sbr.rel @p0 .LBB2_6-.Ltmp2, $2  }
0xea: {  	_ =	sdelay $0x2  }
0xeb: {  	s20 =	sshra.s32 s19, $0x2;
	s19 =	sadd.s32 $0x40, s19;
	[tilespmem:v2+s17+$0x0] =	vst.idx.add.f32.msk vm0, v3  }
0xec: {  	v1 =	vld [tilespmem:s20+$0x0];
	_ =	sdelay $0x1  }
0xed: {  	v2 =	vld [tilespmem:s20+$0x1390];
	_ =	sdelay $0x4  }
0xee: {  	vm0 =	vne.s32 v1, v2  }
0xef: {  	v1 =	vld.idx.msk [tilespmem:v1+s16+$0x0], $0xffff;
	_ =	sdelay $0x2  }
0xf0: {  	s18 =	sadd.s32 $0x1, s18  }
0xf1: {  	p0 =	sne.s32 s18, s9  }
.Ltmp3:
0xf2: {  	[tilespmem:v2+s17+$0x0] =	vst.idx.add.f32.msk vm0, v1;
	(pc) =	sbr.rel @p0 .LBB2_1-.Ltmp3, $4  }
0xf3: {  	[hbm4b:s8+s3] =	stream.linear.scatter [tilespmem:s17], [sflag:$0x1], $0x2800, $0x38;
	[tilespmem:$0xCC20] =	vst v63  }
0xf4: {  	_ =	swait.ge [sflag:s10], $0x2800  }
0xf5: {  	[sflag:s10] =	ssyncset.done $0x0  }
0xf6: {  	[sflag:s10] =	ssyncadd.s32 $0xFFFFD800  }
0xf7: {  	_ =	sfence.sel $0x180000  }
0xf8: {  	[bflag:$0x0] =	sbarrier.arrive $0xFFFF  }
0xf9: {  	p0 =	sne.s32 s0, $0x0;
	_ =	strace $0x9000004A  }
0xfa: {  	s0 =	sadd.s32 @!p0 $0x100000, s1;
	[bflag:$0x2] =	sbarrier.arrive $0xFFFF  }
0xfb: {  	[sflag:s0] =	ssyncadd.tile.s32 @!p0 $0x1;
	_ =	shalt  }
.Lfunc_end2:
_tile_overlayer_lowered:
.L_overlay_start_2:
0xfc: {  	(tag) =	ssettag $0x2  }
0xfd: {  	s0 =	rddreg [dreg:$0x0];
	s2 =	stileid.u32  }
0xfe: {  	s1 =	rddreg [dreg:$0x1];
	p0 =	sne.s32 s2, $0x0  }
0xff: {  	s3 =	rddreg [dreg:$0x2];
	[bflag:$0x3] =	sbarrier.arrive $0xFFFF;
	s2 =	simm.s32 @!p0 $0x1C01  }
0x100: {  	[timem:s3], [sflag:s2] =	dma.local @!p0 [hbm:s0], s1  }
0x101: {  	s0 =	simm.s32 @!p0 $0x1  }
0x102: {  	_ =	swait.ge @!p0 [sflag:s0], s1  }
0x103: {  	s1 =	ssub.s32 @!p0 $0x0, s1;
	[sflag:s0] =	ssyncset.done @!p0 $0x0  }
0x104: {  	[sflag:s0] =	ssyncadd.s32 @!p0 s1  }
0x105: {  	[bflag:$0x3] =	sbarrier.arrive $0xFFFF  }
0x106: {  	_ =	shalt  }

// kernel: kernel.13.cloned.1.call-start
scs
__scs_entry_jumppad:
0x0: {  	(pc) =	sbr.rel $0x88, $3  }
0x1: {  	(tag) =	ssettag $0x0;
	lr =	simm.s32 $0x1  }
0x2: {  	[smem:$0x3F93] =	sst lr;
	_ =	strace $0xD0000000  }
0x3: {  	_ = 	snop  }
0x4: {  	_ = 	snop  }
0x5: {  	_ = 	snop  }
0x6: {  	_ = 	snop  }
0x7: {  	_ = 	snop  }
__scs_overlays_trampoline_lowered:
0x8: {  	[smem:$0x3FA2] =	sst s0  }
0x9: {  	[smem:$0x3FA3] =	sst s1  }
0xa: {  	[smem:$0x3FA4] =	sst s2  }
0xb: {  	[smem:$0x3FA5] =	sst s3  }
0xc: {  	[smem:$0x3FA6] =	sst s4  }
0xd: {  	[smem:$0x3FA7] =	sst s5  }
0xe: {  	[smem:$0x3FA8] =	sst s6  }
0xf: {  	[smem:$0x3FA9] =	sst s7  }
0x10: {  	[smem:$0x3FAA] =	sst s8  }
0x11: {  	[smem:$0x3FAB] =	sst s9;
	s0 =	simm.s32 @!p0 $0x0  }
0x12: {  	s1 =	sld [smem:$0x3F91];
	s0 =	simm.s32 @p0 $0x1  }
0x13: {  	[smem:$0x3FAC] =	sst s0;
	s0 =	simm.s32 @!p1 $0x0  }
0x14: {  	s2 =	sld [smem:$0x3F90];
	s0 =	simm.s32 @p1 $0x1  }
0x15: {  	[smem:$0x3FAD] =	sst s0;
	s0 =	simm.s32 @!p2 $0x0  }
0x16: {  	s3 =	sld [smem:$0x3FDB];
	s0 =	simm.s32 @p2 $0x1  }
0x17: {  	s4 =	simm.s32 $0x1BF5;
	[smem:$0x3FAF] =	sst s0  }
0x18: {  	s0 =	sld [smem:$0x3F92];
	_ =	swait.ge [sflag:s4], $0x0  }
0x19: {  	s7 =	sld [smem:$0x3F93]  }
0x1a: {  	s8 =	sadd.s32 $0xFFFFE003, lr  }
0x1b: {  	s9 =	sadd.s32 $0xFFFFFEF7, lr;
	s5 =	simm.s32 $0xFFFFFFFF;
	p2 =	slt.u32 s8, $0xFFFFF086  }
0x1c: {  	p1 =	slt.u32 s9, $0xF7A;
	s5 =	simm.s32 @!p2 $0x0  }
0x1d: {  	s5 =	simm.s32 @p1 $0x1;
	p0 =	seq.s32 s7, s2  }
0x1e: {  	s7 =	smul.u32 @!p0 $0xF7A, s2;
	p2 =	seq.s32 @!p0 s5, $0x0  }
0x1f: {  	s9 =	smul.u32 $0xF7A, s1;
	s8 =	simm.s32 @!p0 $0x1BF5;
	p2 =	por !p2, p0  }
0x20: {  	[sflag:s8] =	ssyncset.s32 @!p0 $0xFFFFF086;
	s6 =	sadd.s32 @!p0 s3, s7;
	s7 =	simm.s32 @!p0 $0x108  }
0x21: {  	s3 =	sadd.s32 s3, s9;
	s6 =	sadd.s32 @!p0 $0x88, s6;
	s7 =	simm.s32 @p2 $0x1082  }
0x22: {  	[simem:s7], [sflag:s8] =	dma.local @!p0 [hbm:s6], $0xF7A  }
0x23: {  	s9 =	sor.u32 $0xD0000000, s2;
	s6 =	simm.s32 $0x108;
	_ =	swait.ge @!p0 [sflag:s8], $0x0  }
0x24: {  	s3 =	sadd.s32 $0x88, s3;
	s6 =	simm.s32 @!p1 $0x1082;
	[sflag:s4] =	ssyncset.s32 $0xFFFFF086  }
0x25: {  	[simem:s6], [sflag:s4] =	dma.local [hbm:s3], $0xF7A  }
0x26: {  	[smem:$0x3F93] =	sst s1;
	(tag) =	ssettag s2;
	_ =	strace s9  }
0x27: {  	s1 =	sld [smem:$0x3FA3]  }
0x28: {  	s2 =	sld [smem:$0x3FA4]  }
0x29: {  	s4 =	sld [smem:$0x3FA6]  }
0x2a: {  	p0 =	seq.s32 s5, $0x0;
	s5 =	sld [smem:$0x3FA7]  }
0x2b: {  	s6 =	sld [smem:$0x3FA8]  }
0x2c: {  	s7 =	sld [smem:$0x3FA9]  }
0x2d: {  	s3 =	simm.s32 $0x108;
	s8 =	sld [smem:$0x3FAA]  }
0x2e: {  	s3 =	simm.s32 @!p0 $0x1082;
	s9 =	sld [smem:$0x3FAB]  }
0x2f: {  	lr =	sadd.s32 s0, s3;
	s0 =	sld [smem:$0x3FA2]  }
0x30: {  	s3 =	sld [smem:$0x3FA5]  }
0x31: {  	[smem:$0x3FAE] =	sst s10  }
0x32: {  	s10 =	sld [smem:$0x3FAC];
	_ =	sdelay $0x3  }
0x33: {  	p0 =	seq.s32 s10, $0x1;
	s10 =	sld [smem:$0x3FAE];
	_ =	sdelay $0x3  }
0x34: {  	[smem:$0x3FAE] =	sst s10  }
0x35: {  	s10 =	sld [smem:$0x3FAD];
	_ =	sdelay $0x3  }
0x36: {  	p1 =	seq.s32 s10, $0x1;
	s10 =	sld [smem:$0x3FAE];
	_ =	sdelay $0x3  }
0x37: {  	[smem:$0x3FAE] =	sst s10  }
0x38: {  	s10 =	sld [smem:$0x3FAF]  }
0x39: {  	_ = 	snop;
	(pc) =	sbr.ind lr, $3  }
0x3a: {  	_ = 	snop  }
0x3b: {  	_ = 	snop  }
0x3c: {  	p2 =	seq.s32 s10, $0x1;
	s10 =	sld [smem:$0x3FAE]  }
0x3d: {  	_ =	shalt  }
0x3e: {  	_ =	shalt  }
0x3f: {  	_ =	shalt  }
0x40: {  	_ =	shalt  }
0x41: {  	_ =	shalt  }
0x42: {  	_ =	shalt  }
0x43: {  	_ =	shalt  }
0x44: {  	_ =	shalt  }
0x45: {  	_ =	shalt  }
0x46: {  	_ =	shalt  }
0x47: {  	_ =	shalt  }
0x48: {  	_ =	shalt  }
0x49: {  	_ =	shalt  }
0x4a: {  	_ =	shalt  }
0x4b: {  	_ =	shalt  }
0x4c: {  	_ =	shalt  }
0x4d: {  	_ =	shalt  }
0x4e: {  	_ =	shalt  }
0x4f: {  	_ =	shalt  }
0x50: {  	_ =	shalt  }
0x51: {  	_ =	shalt  }
0x52: {  	_ =	shalt  }
0x53: {  	_ =	shalt  }
0x54: {  	_ =	shalt  }
0x55: {  	_ =	shalt  }
0x56: {  	_ =	shalt  }
0x57: {  	_ =	shalt  }
0x58: {  	_ =	shalt  }
0x59: {  	_ =	shalt  }
0x5a: {  	_ =	shalt  }
0x5b: {  	_ =	shalt  }
0x5c: {  	_ =	shalt  }
0x5d: {  	_ =	shalt  }
0x5e: {  	_ =	shalt  }
0x5f: {  	_ =	shalt  }
0x60: {  	_ =	shalt  }
0x61: {  	_ =	shalt  }
0x62: {  	_ =	shalt  }
0x63: {  	_ =	shalt  }
0x64: {  	_ =	shalt  }
0x65: {  	_ =	shalt  }
0x66: {  	_ =	shalt  }
0x67: {  	_ =	shalt  }
0x68: {  	_ =	shalt  }
0x69: {  	_ =	shalt  }
0x6a: {  	_ =	shalt  }
0x6b: {  	_ =	shalt  }
0x6c: {  	_ =	shalt  }
0x6d: {  	_ =	shalt  }
0x6e: {  	_ =	shalt  }
0x6f: {  	_ =	shalt  }
0x70: {  	_ =	shalt  }
0x71: {  	_ =	shalt  }
0x72: {  	_ =	shalt  }
0x73: {  	_ =	shalt  }
0x74: {  	_ =	shalt  }
0x75: {  	_ =	shalt  }
0x76: {  	_ =	shalt  }
0x77: {  	_ =	shalt  }
0x78: {  	_ =	shalt  }
0x79: {  	_ =	shalt  }
0x7a: {  	_ =	shalt  }
0x7b: {  	_ =	shalt  }
0x7c: {  	_ =	shalt  }
0x7d: {  	_ =	shalt  }
0x7e: {  	_ =	shalt  }
0x7f: {  	_ =	shalt  }
0x80: {  	_ =	shalt  }
0x81: {  	_ =	shalt  }
0x82: {  	_ =	shalt  }
0x83: {  	_ =	shalt  }
0x84: {  	_ =	shalt  }
0x85: {  	_ =	shalt  }
0x86: {  	_ =	shalt  }
0x87: {  	_ =	shalt  }
.Lfunc_end0:
.L_simem_size_0:
called_computation.2_lowered:
.L_overlay_start_0:
0x88: {  	s2 =	sld [smem:$0x3FD9]  }
0x89: {  	s3 =	sld [smem:$0x3FFE];
	_ =	sdelay $0x1  }
0x8a: {  	s1 =	srdreg.scid  }
0x8b: {  	s0 =	sand.u32 $0x1, s1  }
0x8c: {  	s17 =	sshll.u32 s0, $0xA;
	s2 =	sadd.s32 s3, s2  }
0x8d: {  	s2 =	sadd.s32 s2, s17  }
0x8e: {  	[smem:$0x3FBA] =	sst s2  }
0x8f: {  	_ = 	snop  }
0x90: {  	s18 =	sld [smem:$0x3FD0];
	(tm) =	ssettm $0x1  }
0x91: {  	s19 =	sld [smem:$0x3FFB];
	_ =	sdelay $0x3  }
0x92: {  	_ =	strace s19  }
0x93: {  	s2 =	sld [smem:$0x3FFC];
	_ =	sdelay $0x3  }
0x94: {  	_ =	strace s2  }
0x95: {  	s2 =	sld [smem:$0x3FFD];
	_ =	sdelay $0x3  }
0x96: {  	_ =	strace s2  }
0x97: {  	_ =	strace $0x8FFFFFFF  }
0x98: {  	s20 =	sld [smem:$0x3FDB];
	_ =	sdelay $0x1  }
0x99: {  	s4 =	simm.s32 $_scs_section_size  }
0x9a: {  	s5 =	simm.s32 $_size__tile_overlayer_lowered;
	s6 =	simm.s32 $_tile_overlayer_lowered  }
0x9b: {  	s7 =	simm.s32 $0x1BFF;
	s21 =	sshll.u32 s6, $0x1;
	s4 =	sadd.s32 s4, s20  }
0x9c: {  	s22 =	simm.s32 $0x0;
	s5 =	sshll.u32 s5, $0x1;
	s6 =	sadd.s32 s21, s4  }
0x9d: {  	[timem:s22], [sflag:s7] =	dma.local [hbm:s6], s5  }
0x9e: {  	_ =	swait.ge [sflag:s7], s5  }
0x9f: {  	s5 =	ssub.s32 $0x0, s5;
	[sflag:s7] =	ssyncset.done $0x0  }
0xa0: {  	[sflag:s7] =	ssyncadd.s32 s5;
	_ =	sdelay $0x1  }
0xa1: {  	s23 =	simm.s32 $0x1B8B  }
0xa2: {  	_ =	swait.ge [sflag:s23], $0x1  }
0xa3: {  	[sflag:s23] =	ssyncset.done $0x0  }
0xa4: {  	[sflag:s23] =	ssyncadd.s32 $0xFFFFFFFF  }
0xa5: {  	s5 =	sld [smem:$0x0]  }
0xa6: {  	s6 =	sand.u32 $0xFFFFFFFE, s1  }
0xa7: {  	p0 =	sne.s32 s1, s6  }
0xa8: {  	s6 =	sshll.u32 @p0 s6, $0xE  }
0xa9: {  	s6 =	sadd.s32 @p0 $0x11B8D, s6;
	s7 =	sshll.u32 @p0 s5, $0x11  }
0xaa: {  	s6 =	sor.u32 @p0 s7, s6  }
0xab: {  	[sflag:s6] =	ssyncadd.remote.s32 @p0 $0x1;
	_ =	sdelay $0x1  }
0xac: {  	s6 =	simm.s32 @p0 $0x1B8D  }
0xad: {  	_ =	swait.eq @p0 [sflag:s6], $0x1  }
0xae: {  	[sflag:s6] =	ssyncadd.s32 @p0 $0xFFFFFFFF  }
0xaf: {  	s7 =	sshll.u32 @!p0 s1, $0xE  }
0xb0: {  	s7 =	sor.u32 @!p0 $0x4000, s7;
	s6 =	simm.s32 @!p0 $0x1B8D  }
0xb1: {  	s5 =	sshll.u32 @!p0 s5, $0x11;
	s7 =	sadd.s32 @!p0 $0x11B8D, s7;
	_ =	swait.eq @!p0 [sflag:s6], $0x1  }
0xb2: {  	s5 =	sor.u32 @!p0 s5, s7;
	[sflag:s6] =	ssyncadd.s32 @!p0 $0xFFFFFFFF  }
0xb3: {  	s25 =	simm.s32 $0x1B8E;
	s24 =	sld [smem:$0x3FFE];
	[sflag:s5] =	ssyncadd.remote.s32 @!p0 $0x1  }
0xb4: {  	s26 =	simm.s32 $execute0_lowered;
	[smem:$0x3FD2] =	sst s25  }
0xb5: {  	s6 =	sshll.u32 s26, $0x1;
	_ =	strace $0x8000004C;
	[dreg:$0x1] =	wrdreg $0xFFFFFFFF  }
0xb6: {  	s28 =	simm.s32 $_size_execute0_lowered;
	s4 =	sadd.s32 s4, s6;
	[dreg:$0x0] =	wrdreg $0x0  }
0xb7: {  	s6 =	sshll.u32 s28, $0x1;
	[dreg:$0x2] =	wrdreg s4  }
0xb8: {  	[dreg:$0x3] =	wrdreg s6  }
0xb9: {  	[dreg:$0x4] =	wrdreg $0xC0  }
0xba: {  	_ =	task [dreg:s22], $0x5FFFF  }
0xbb: {  	[dreg:$0x1] =	wrdreg $0xFFFFFFFF  }
0xbc: {  	[dreg:$0x0] =	wrdreg $0x60  }
0xbd: {  	[dreg:$0x2] =	wrdreg s24  }
0xbe: {  	[dreg:$0x3] =	wrdreg s18  }
0xbf: {  	[dreg:$0x4] =	wrdreg $0xBE400  }
0xc0: {  	[dreg:$0x5] =	wrdreg $0xA  }
0xc1: {  	_ =	task.clear_ibuf [dreg:s22], $0x6FFFF;
	_ =	strace $0x9000004C  }
0xc2: {  	s29 =	simm.s32 $0xA;
	_ =	strace $0x8000004E  }
0xc3: {  	_ =	swait.ge [sflag:s29], $0x1  }
0xc4: {  	[sflag:s29] =	ssyncadd.s32 $0xFFFFFFFF  }
0xc5: {  	_ =	strace $0x9000004E  }
0xc6: {  	_ =	sfence  }
0xc7: {  	s30 =	sld [smem:$0x0];
	_ =	sdelay $0x2  }
0xc8: {  	s31 =	sshll.u32 s1, $0xD;
	s1 =	sshrl.u32 s1, $0x2  }
0xc9: {  	s4 =	sand.u32 $0x4000, s31;
	s1 =	sadd.s32 s1, s30  }
0xca: {  	s0 =	sor.u32 s4, s0;
	s1 =	sshll.u32 s1, $0x11  }
0xcb: {  	s0 =	sor.u32 s1, s0  }
0xcc: {  	s0 =	sadd.s32 $0x8F2B, s0  }
0xcd: {  	[sflag:s0] =	ssyncadd.remote.s32 $0x1  }
0xce: {  	_ =	sfence.sel $0xFFFF  }
0xcf: {  	[dreg:$0x0] =	wrdreg $0xFFFFFFFF;
	(pc) =	sbr.abs _section_cstart, $3  }
0xd0: {  	[dreg:$0x1] =	wrdreg $0xFFFFFFFF  }
0xd1: {  	_ =	task.clear_ibuf [dreg:s22], $0x2FFFF;
	_ =	strace $0x9FFFFFFF  }
0xd2: {  	(tm) =	ssettm $0x7FFFFFFF  }
0xd3: {  	_ =	shalt  }
tec
execute0_lowered:
.L_overlay_start_1:
0x0: {  	(tag) =	ssettag $0x1  }
0x1: {  	s0 =	rddreg [dreg:$0x0]  }
0x2: {  	s2 =	rddreg [dreg:$0x1]  }
0x3: {  	s3 =	rddreg [dreg:$0x2];
	s9 =	stileid.u32  }
0x4: {  	s5 =	srdreg.scid;
	s1 =	smul.u32 $0x4E4, s9  }
0x5: {  	s4 =	simm.s32 $0x0;
	s6 =	smul.u32 $0x2800, s9;
	s7 =	sand.u32 $0x1, s5  }
0x6: {  	[smem:$0x7FF] =	sst s4;
	s9 =	smul.u32 $0x50000, s9;
	s8 =	ssub.s32 $0x2, s7  }
0x7: {  	_ =	strace $0x8000004D;
	s1 =	sadd.s32 s1, s0;
	s10 =	sshrl.u32 s8, $0x1  }
0x8: {  	p0 =	seq.s32 s7, $0x1;
	s31 =	ssub.s32 s8, s10;
	s11 =	sadd.s32 $0x7600, s1  }
0x9: {  	s10 =	sshrl.u32 s9, $0x2;
	s1 =	sadd.s32 $0x2600, s1;
	[dreg:$0x4] =	wrdreg s11  }
0xa: {  	s7 =	sadd.s32 s10, s3;
	[dreg:$0x5] =	wrdreg s1;
	s12 =	smax.u32 s31, $0x1  }
0xb: {  	[dreg:$0x6] =	wrdreg s12;
	s13 =	sadd.s32 $0x2000, s7  }
0xc: {  	s14 =	sadd.s32 $0x3000, s7;
	[dreg:$0x7] =	wrdreg s13  }
0xd: {  	s15 =	sadd.s32 $0x4000, s7;
	[dreg:$0x8] =	wrdreg s14  }
0xe: {  	s16 =	sadd.s32 $0x5000, s7;
	[dreg:$0x9] =	wrdreg s15  }
0xf: {  	s17 =	sadd.s32 $0x6000, s7;
	[dreg:$0xa] =	wrdreg s16  }
0x10: {  	s18 =	sadd.s32 $0x7000, s7;
	[dreg:$0xb] =	wrdreg s17  }
0x11: {  	s19 =	sadd.s32 $0x8000, s7;
	[dreg:$0xc] =	wrdreg s18  }
0x12: {  	s5 =	sadd.s32 $0x20600, s0;
	s20 =	sadd.s32 $0x9000, s7;
	[dreg:$0xd] =	wrdreg s19  }
0x13: {  	s0 =	sadd.s32 s6, s0;
	s21 =	sadd.s32 $0xA000, s7;
	[dreg:$0xe] =	wrdreg s20  }
0x14: {  	s6 =	simm.s32 $0x20;
	s22 =	sadd.s32 $0xB000, s7;
	[dreg:$0xf] =	wrdreg s21  }
0x15: {  	s8 =	simm.s32 $0x5E40;
	s23 =	sadd.s32 $0xC000, s7;
	[dreg:$0x10] =	wrdreg s22  }
0x16: {  	s9 =	simm.s32 $0x6E40;
	s24 =	sadd.s32 $0xD000, s7;
	[dreg:$0x11] =	wrdreg s23  }
0x17: {  	s1 =	simm.s32 $0x4E40;
	s25 =	sadd.s32 $0xE000, s7;
	[dreg:$0x12] =	wrdreg s24  }
0x18: {  	s11 =	simm.s32 $0x7E40;
	s26 =	sadd.s32 $0xF000, s7;
	[dreg:$0x13] =	wrdreg s25  }
0x19: {  	s10 =	sadd.s32 $0x1000, s7;
	s28 =	sadd.s32 $0x10000, s7;
	[dreg:$0x14] =	wrdreg s26  }
0x1a: {  	s29 =	sadd.s32 $0x11000, s7;
	s30 =	sadd.s32 $0x12000, s7;
	[dreg:$0x15] =	wrdreg s28  }
0x1b: {  	s31 =	sadd.s32 $0x13000, s7;
	s12 =	simm.s32 $0x8E40;
	[dreg:$0x16] =	wrdreg s29  }
.Ltmp0:
0x1c: {  	s24 =	sadd.s32 $0x48600, s0;
	[dreg:$0x17] =	wrdreg s30;
	(pc) =	sbr.rel .LBB2_1-.Ltmp0, $4  }
0x1d: {  	s25 =	sadd.s32 $0x70600, s0;
	[dreg:$0x18] =	wrdreg s31;
	s0 =	simm.s32 $0x8  }
0x1e: {  	s13 =	simm.s32 $0x9E40;
	s14 =	simm.s32 $0xAE40;
	s15 =	simm.s32 $0x1  }
0x1f: {  	s16 =	simm.s32 $0x2;
	s17 =	simm.s32 $0x4;
	s18 =	simm.s32 $0x5  }
0x20: {  	v0 =	vimm.f32 $0.0e+00;
	s19 =	simm.s32 $0x6;
	s20 =	simm.s32 $0x7;
	s21 =	simm.s32 $0x0  }
.LBB2_15:
0x21: {  	[sflag:s0] =	ssyncset.done $0x0  }
0x22: {  	[sflag:s0] =	ssyncadd.s32 $0xFFFFFE00  }
.LBB2_16:
0x23: {  	s21 =	sadd.s32 $0x1, s21;
	s22 =	rddreg [dreg:$0x6]  }
0x24: {  	p1 =	sne.s32 s21, s22  }
.Ltmp1:
0x25: {  	_ = 	snop;
	(pc) =	sbr.rel @!p1 .LBB2_17-.Ltmp1, $1  }
0x26: {  	_ =	sdelay $0x3  }
.LBB2_1:
0x27: {  	s22 =	rddreg [dreg:$0x4]  }
0x28: {  	[tilespmem:s4], [sflag:$0x8] =	stream.linear.gather [hbm4b:s22+s4], $0x2720, $0x38;
	[tilespmem:$0x1FE40] =	vst v63  }
0x29: {  	_ =	swait.ge [sflag:s0], $0x2720  }
0x2a: {  	s23 =	simm.s32 $0x2720;
	[sflag:s0] =	ssyncset.done $0x0  }
.Ltmp2:
0x2b: {  	s30 =	rddreg [dreg:$0x5];
	[sflag:s0] =	ssyncadd.s32 $0xFFFFD8E0;
	(pc) =	sbr.rel @!p0 .LBB2_2-.Ltmp2, $4  }
0x2c: {  	[tilespmem:s23], [sflag:$0x8] =	stream.linear.gather [hbm4b:s30+s4], $0x2720, $0x38;
	[tilespmem:$0x1FE40] =	vst v63  }
0x2d: {  	_ =	swait.ge [sflag:s0], $0x2720  }
0x2e: {  	s31 =	sand.u32 $0x3FC0, s4;
	[sflag:s0] =	ssyncset.done $0x0  }
0x2f: {  	s22 =	simm.s32 $0x40;
	s23 =	sshrl.u32 s31, $0x2;
	[sflag:s0] =	ssyncadd.s32 $0xFFFFD8E0  }
.LBB2_9:
0x30: {  	p1 =	sne.s32 s22, $0x3FC0;
	[tilespmem:s23+$0x4E40] =	vst v0;
	s23 =	smov.u32 s22;
	s22 =	sadd.s32 $0x40, s22  }
.Ltmp3:
0x31: {  	(pc) =	sbr.rel @p1 .LBB2_9-.Ltmp3, $3  }
0x32: {  	_ =	sdelay $0x1  }
0x33: {  	s23 =	sand.u32 $0x3FC0, s23  }
0x34: {  	s23 =	sshrl.u32 s23, $0x2  }
0x35: {  	[tilespmem:s23+$0x4E40] =	vst v0  }
0x36: {  	[spmem:s7] =	stream.linear.scatter [tilespmem:s1], [sflag:$0x8], $0x1000, $0x38;
	[tilespmem:$0x1FE40] =	vst v63  }
0x37: {  	_ =	swait.ge [sflag:s0], $0x1000  }
0x38: {  	[sflag:s0] =	ssyncset.done $0x0  }
0x39: {  	[sflag:s0] =	ssyncadd.s32 $0xFFFFF000  }
0x3a: {  	[spmem:s10] =	stream.linear.scatter [tilespmem:s1], [sflag:$0x8], $0x1000, $0x38;
	[tilespmem:$0x1FE40] =	vst v63  }
0x3b: {  	_ =	swait.ge [sflag:s0], $0x1000  }
0x3c: {  	[sflag:s0] =	ssyncset.done $0x0  }
0x3d: {  	s22 =	rddreg [dreg:$0x7];
	[sflag:s0] =	ssyncadd.s32 $0xFFFFF000  }
0x3e: {  	[spmem:s22] =	stream.linear.scatter [tilespmem:s1], [sflag:$0x8], $0x1000, $0x38;
	[tilespmem:$0x1FE40] =	vst v63  }
0x3f: {  	_ =	swait.ge [sflag:s0], $0x1000  }
0x40: {  	[sflag:s0] =	ssyncset.done $0x0  }
0x41: {  	s28 =	rddreg [dreg:$0x8];
	[sflag:s0] =	ssyncadd.s32 $0xFFFFF000  }
0x42: {  	[spmem:s28] =	stream.linear.scatter [tilespmem:s1], [sflag:$0x8], $0x1000, $0x38;
	[tilespmem:$0x1FE40] =	vst v63  }
0x43: {  	_ =	swait.ge [sflag:s0], $0x1000  }
0x44: {  	[sflag:s0] =	ssyncset.done $0x0  }
0x45: {  	s29 =	rddreg [dreg:$0x9];
	[sflag:s0] =	ssyncadd.s32 $0xFFFFF000  }
0x46: {  	[spmem:s29] =	stream.linear.scatter [tilespmem:s1], [sflag:$0x8], $0x1000, $0x38;
	[tilespmem:$0x1FE40] =	vst v63  }
0x47: {  	_ =	swait.ge [sflag:s0], $0x1000  }
0x48: {  	[sflag:s0] =	ssyncset.done $0x0  }
0x49: {  	s30 =	rddreg [dreg:$0xa];
	[sflag:s0] =	ssyncadd.s32 $0xFFFFF000  }
0x4a: {  	[spmem:s30] =	stream.linear.scatter [tilespmem:s1], [sflag:$0x8], $0x1000, $0x38;
	[tilespmem:$0x1FE40] =	vst v63  }
0x4b: {  	_ =	swait.ge [sflag:s0], $0x1000  }
0x4c: {  	[sflag:s0] =	ssyncset.done $0x0  }
0x4d: {  	s31 =	rddreg [dreg:$0xb];
	[sflag:s0] =	ssyncadd.s32 $0xFFFFF000  }
0x4e: {  	[spmem:s31] =	stream.linear.scatter [tilespmem:s1], [sflag:$0x8], $0x1000, $0x38;
	[tilespmem:$0x1FE40] =	vst v63  }
0x4f: {  	_ =	swait.ge [sflag:s0], $0x1000  }
0x50: {  	[sflag:s0] =	ssyncset.done $0x0  }
0x51: {  	s23 =	rddreg [dreg:$0xc];
	[sflag:s0] =	ssyncadd.s32 $0xFFFFF000  }
0x52: {  	[spmem:s23] =	stream.linear.scatter [tilespmem:s1], [sflag:$0x8], $0x1000, $0x38;
	[tilespmem:$0x1FE40] =	vst v63  }
0x53: {  	_ =	swait.ge [sflag:s0], $0x1000  }
0x54: {  	[sflag:s0] =	ssyncset.done $0x0  }
0x55: {  	s26 =	rddreg [dreg:$0xd];
	[sflag:s0] =	ssyncadd.s32 $0xFFFFF000  }
0x56: {  	[spmem:s26] =	stream.linear.scatter [tilespmem:s1], [sflag:$0x8], $0x1000, $0x38;
	[tilespmem:$0x1FE40] =	vst v63  }
0x57: {  	_ =	swait.ge [sflag:s0], $0x1000  }
0x58: {  	[sflag:s0] =	ssyncset.done $0x0  }
0x59: {  	s28 =	rddreg [dreg:$0xe];
	[sflag:s0] =	ssyncadd.s32 $0xFFFFF000  }
0x5a: {  	[spmem:s28] =	stream.linear.scatter [tilespmem:s1], [sflag:$0x8], $0x1000, $0x38;
	[tilespmem:$0x1FE40] =	vst v63  }
0x5b: {  	_ =	swait.ge [sflag:s0], $0x1000  }
0x5c: {  	[sflag:s0] =	ssyncset.done $0x0  }
0x5d: {  	s29 =	rddreg [dreg:$0xf];
	[sflag:s0] =	ssyncadd.s32 $0xFFFFF000  }
0x5e: {  	[spmem:s29] =	stream.linear.scatter [tilespmem:s1], [sflag:$0x8], $0x1000, $0x38;
	[tilespmem:$0x1FE40] =	vst v63  }
0x5f: {  	_ =	swait.ge [sflag:s0], $0x1000  }
0x60: {  	[sflag:s0] =	ssyncset.done $0x0  }
0x61: {  	s30 =	rddreg [dreg:$0x10];
	[sflag:s0] =	ssyncadd.s32 $0xFFFFF000  }
0x62: {  	[spmem:s30] =	stream.linear.scatter [tilespmem:s1], [sflag:$0x8], $0x1000, $0x38;
	[tilespmem:$0x1FE40] =	vst v63  }
0x63: {  	_ =	swait.ge [sflag:s0], $0x1000  }
0x64: {  	[sflag:s0] =	ssyncset.done $0x0  }
0x65: {  	s31 =	rddreg [dreg:$0x11];
	[sflag:s0] =	ssyncadd.s32 $0xFFFFF000  }
0x66: {  	[spmem:s31] =	stream.linear.scatter [tilespmem:s1], [sflag:$0x8], $0x1000, $0x38;
	[tilespmem:$0x1FE40] =	vst v63  }
0x67: {  	_ =	swait.ge [sflag:s0], $0x1000  }
0x68: {  	[sflag:s0] =	ssyncset.done $0x0  }
0x69: {  	s23 =	rddreg [dreg:$0x12];
	[sflag:s0] =	ssyncadd.s32 $0xFFFFF000  }
0x6a: {  	[spmem:s23] =	stream.linear.scatter [tilespmem:s1], [sflag:$0x8], $0x1000, $0x38;
	[tilespmem:$0x1FE40] =	vst v63  }
0x6b: {  	_ =	swait.ge [sflag:s0], $0x1000  }
0x6c: {  	[sflag:s0] =	ssyncset.done $0x0  }
0x6d: {  	s26 =	rddreg [dreg:$0x13];
	[sflag:s0] =	ssyncadd.s32 $0xFFFFF000  }
0x6e: {  	[spmem:s26] =	stream.linear.scatter [tilespmem:s1], [sflag:$0x8], $0x1000, $0x38;
	[tilespmem:$0x1FE40] =	vst v63  }
0x6f: {  	_ =	swait.ge [sflag:s0], $0x1000  }
0x70: {  	[sflag:s0] =	ssyncset.done $0x0  }
0x71: {  	s28 =	rddreg [dreg:$0x14];
	[sflag:s0] =	ssyncadd.s32 $0xFFFFF000  }
0x72: {  	[spmem:s28] =	stream.linear.scatter [tilespmem:s1], [sflag:$0x8], $0x1000, $0x38;
	[tilespmem:$0x1FE40] =	vst v63  }
0x73: {  	_ =	swait.ge [sflag:s0], $0x1000  }
0x74: {  	[sflag:s0] =	ssyncset.done $0x0  }
0x75: {  	s29 =	rddreg [dreg:$0x15];
	[sflag:s0] =	ssyncadd.s32 $0xFFFFF000  }
0x76: {  	[spmem:s29] =	stream.linear.scatter [tilespmem:s1], [sflag:$0x8], $0x1000, $0x38;
	[tilespmem:$0x1FE40] =	vst v63  }
0x77: {  	_ =	swait.ge [sflag:s0], $0x1000  }
0x78: {  	[sflag:s0] =	ssyncset.done $0x0  }
0x79: {  	s30 =	rddreg [dreg:$0x16];
	[sflag:s0] =	ssyncadd.s32 $0xFFFFF000  }
0x7a: {  	[spmem:s30] =	stream.linear.scatter [tilespmem:s1], [sflag:$0x8], $0x1000, $0x38;
	[tilespmem:$0x1FE40] =	vst v63  }
0x7b: {  	_ =	swait.ge [sflag:s0], $0x1000  }
0x7c: {  	[sflag:s0] =	ssyncset.done $0x0  }
0x7d: {  	s31 =	rddreg [dreg:$0x17];
	[sflag:s0] =	ssyncadd.s32 $0xFFFFF000  }
0x7e: {  	[spmem:s31] =	stream.linear.scatter [tilespmem:s1], [sflag:$0x8], $0x1000, $0x38;
	[tilespmem:$0x1FE40] =	vst v63  }
0x7f: {  	_ =	swait.ge [sflag:s0], $0x1000  }
0x80: {  	[sflag:s0] =	ssyncset.done $0x0  }
0x81: {  	s23 =	rddreg [dreg:$0x18];
	[sflag:s0] =	ssyncadd.s32 $0xFFFFF000  }
0x82: {  	[spmem:s23] =	stream.linear.scatter [tilespmem:s1], [sflag:$0x8], $0x1000, $0x38;
	[tilespmem:$0x1FE40] =	vst v63  }
0x83: {  	_ =	swait.ge [sflag:s0], $0x1000  }
0x84: {  	[sflag:s0] =	ssyncset.done $0x0  }
0x85: {  	[sflag:s0] =	ssyncadd.s32 $0xFFFFF000  }
0x86: {  	[bflag:$0x0] =	sbarrier.arrive $0xFFFF  }
0x87: {  	v1 =	vld [tilespmem:$0x0]  }
0x88: {  	v2 =	vld [tilespmem:$0x2720]  }
0x89: {  	v3 =	vld [tilespmem:$0x10]  }
0x8a: {  	v4 =	vld [tilespmem:$0x2730];
	_ =	sdelay $0x3  }
0x8b: {  	vm0 =	veq.s32 v1, v2  }
0x8c: {  	vm15 =	veq.s32 v3, v4;
	v1 =	vsel vm0, $0x2710, v1  }
0x8d: {  	[tilespmem:$0x0] =	vst v1;
	v1 =	vsel vm15, $0x2710, v3  }
0x8e: {  	s22 =	simm.s32 $0x0;
	[tilespmem:$0x10] =	vst v1  }
0x8f: {  	[tilespmem:s1], [sflag:$0x1] =	stream.indirect.gather [hbm4b:s5+s6], $0x80, s22, s6, $0xb8;
	[tilespmem:$0x1FE40] =	vst v63  }
0x90: {  	v1 =	vld [tilespmem:$0x20]  }
0x91: {  	v2 =	vld [tilespmem:$0x2740]  }
0x92: {  	v3 =	vld [tilespmem:$0x30]  }
0x93: {  	v58 =	vld [tilespmem:$0x2750];
	_ =	sdelay $0x3  }
0x94: {  	vm4 =	veq.s32 v1, v2  }
0x95: {  	vm5 =	veq.s32 v3, v58;
	v1 =	vsel vm4, $0x2710, v1  }
0x96: {  	[tilespmem:$0x20] =	vst v1;
	v1 =	vsel vm5, $0x2710, v3  }
0x97: {  	[tilespmem:$0x30] =	vst v1  }
0x98: {  	[tilespmem:s8], [sflag:$0x2] =	stream.indirect.gather [hbm4b:s5+s6], $0x80, s6, s6, $0xb8;
	[tilespmem:$0x1FE40] =	vst v63  }
0x99: {  	v1 =	vld [tilespmem:$0x40]  }
0x9a: {  	v2 =	vld [tilespmem:$0x2760]  }
0x9b: {  	v3 =	vld [tilespmem:$0x50]  }
0x9c: {  	v59 =	vld [tilespmem:$0x2770];
	_ =	sdelay $0x3  }
0x9d: {  	vm6 =	veq.s32 v1, v2  }
0x9e: {  	vm7 =	veq.s32 v3, v59;
	v1 =	vsel vm6, $0x2710, v1  }
0x9f: {  	[tilespmem:$0x40] =	vst v1;
	v1 =	vsel vm7, $0x2710, v3  }
0xa0: {  	s26 =	simm.s32 $0x40;
	[tilespmem:$0x50] =	vst v1  }
0xa1: {  	[tilespmem:s9], [sflag:$0x3] =	stream.indirect.gather [hbm4b:s5+s6], $0x80, s26, s6, $0xb8;
	[tilespmem:$0x1FE40] =	vst v63  }
0xa2: {  	v1 =	vld [tilespmem:$0x60]  }
0xa3: {  	v2 =	vld [tilespmem:$0x2780]  }
0xa4: {  	v3 =	vld [tilespmem:$0x70]  }
0xa5: {  	v60 =	vld [tilespmem:$0x2790];
	_ =	sdelay $0x3  }
0xa6: {  	vm8 =	veq.s32 v1, v2  }
0xa7: {  	vm9 =	veq.s32 v3, v60;
	v1 =	vsel vm8, $0x2710, v1  }
0xa8: {  	[tilespmem:$0x60] =	vst v1;
	v1 =	vsel vm9, $0x2710, v3  }
0xa9: {  	s28 =	simm.s32 $0x60;
	[tilespmem:$0x70] =	vst v1  }
0xaa: {  	[tilespmem:s11], [sflag:$0x4] =	stream.indirect.gather [hbm4b:s5+s6], $0x80, s28, s6, $0xb8;
	[tilespmem:$0x1FE40] =	vst v63  }
0xab: {  	v1 =	vld [tilespmem:$0x80]  }
0xac: {  	v2 =	vld [tilespmem:$0x27A0]  }
0xad: {  	v3 =	vld [tilespmem:$0x90]  }
0xae: {  	v61 =	vld [tilespmem:$0x27B0];
	_ =	sdelay $0x3  }
0xaf: {  	vm10 =	veq.s32 v1, v2  }
0xb0: {  	vm11 =	veq.s32 v3, v61;
	v1 =	vsel vm10, $0x2710, v1  }
0xb1: {  	[tilespmem:$0x80] =	vst v1;
	v1 =	vsel vm11, $0x2710, v3  }
0xb2: {  	s29 =	simm.s32 $0x80;
	[tilespmem:$0x90] =	vst v1  }
0xb3: {  	[tilespmem:s12], [sflag:$0x5] =	stream.indirect.gather [hbm4b:s5+s6], $0x80, s29, s6, $0xb8;
	[tilespmem:$0x1FE40] =	vst v63  }
0xb4: {  	v1 =	vld [tilespmem:$0xA0]  }
0xb5: {  	v2 =	vld [tilespmem:$0x27C0]  }
0xb6: {  	v3 =	vld [tilespmem:$0xB0]  }
0xb7: {  	v62 =	vld [tilespmem:$0x27D0];
	_ =	sdelay $0x3  }
0xb8: {  	vm12 =	veq.s32 v1, v2  }
0xb9: {  	vm13 =	veq.s32 v3, v62;
	v1 =	vsel vm12, $0x2710, v1  }
0xba: {  	[tilespmem:$0xA0] =	vst v1;
	v1 =	vsel vm13, $0x2710, v3  }
0xbb: {  	s30 =	simm.s32 $0xA0;
	[tilespmem:$0xB0] =	vst v1  }
0xbc: {  	[tilespmem:s13], [sflag:$0x6] =	stream.indirect.gather [hbm4b:s5+s6], $0x80, s30, s6, $0xb8;
	[tilespmem:$0x1FE40] =	vst v63  }
0xbd: {  	v1 =	vld [tilespmem:$0xC0]  }
0xbe: {  	v2 =	vld [tilespmem:$0x27E0]  }
0xbf: {  	v3 =	vld [tilespmem:$0xD0]  }
0xc0: {  	v63 =	vld [tilespmem:$0x27F0];
	_ =	sdelay $0x3  }
0xc1: {  	vm14 =	veq.s32 v1, v2  }
0xc2: {  	vm15 =	veq.s32 v3, v63;
	v1 =	vsel vm14, $0x2710, v1  }
0xc3: {  	[tilespmem:$0xC0] =	vst v1;
	v1 =	vsel vm15, $0x2710, v3  }
0xc4: {  	s31 =	simm.s32 $0xC0;
	s23 =	simm.s32 $0x0;
	[tilespmem:$0xD0] =	vst v1  }
0xc5: {  	[tilespmem:s14], [sflag:$0x7] =	stream.indirect.gather [hbm4b:s5+s6], $0x80, s31, s6, $0xb8;
	[tilespmem:$0x1FE40] =	vst v63  }
.LBB2_11:
0xc6: {  	_ =	swait.ge [sflag:s15], $0x1000  }
0xc7: {  	s26 =	sshra.s32 s22, $0x2;
	[sflag:s15] =	ssyncset.done $0x0  }
0xc8: {  	p1 =	seq.s32 s23, $0x0;
	s28 =	sadd.s32 $0x2720, s26;
	[sflag:s15] =	ssyncadd.s32 $0xFFFFF000  }
0xc9: {  	[spmem:s3] =	stream.indirect.scatter.add.f32 [tilespmem:s1], [sflag:$0x8], $0x80, s28, s6, $0xb8;
	[tilespmem:$0x1FE40] =	vst v63  }
0xca: {  	p2 =	seq.s32 @!p1 s23, $0x2C;
	_ =	swait.ge [sflag:s0], $0x1000  }
0xcb: {  	p1 =	por p2, p1;
	[sflag:s0] =	ssyncset.done $0x0  }
0xcc: {  	s28 =	sshra.s32 @!p1 s22, $0x2;
	[sflag:s0] =	ssyncadd.s32 $0xFFFFF000  }
0xcd: {  	v1 =	vld @!p1 [tilespmem:s28+$0xC0]  }
0xce: {  	v2 =	vld @!p1 [tilespmem:s28+$0x27E0]  }
0xcf: {  	v3 =	vld @!p1 [tilespmem:s28+$0xD0]  }
0xd0: {  	v4 =	vld @!p1 [tilespmem:s28+$0x27F0];
	_ =	sdelay $0x3  }
0xd1: {  	vm0 =	veq.s32 @!p1 v1, v2  }
0xd2: {  	v1 =	vsel @!p1 vm0, $0x2710, v1;
	vm0 =	veq.s32 @!p1 v3, v4  }
0xd3: {  	[tilespmem:s28+$0xC0] =	vst @!p1 v1;
	v1 =	vsel @!p1 vm0, $0x2710, v3  }
0xd4: {  	s30 =	simm.s32 @!p1 $0xAE40;
	s29 =	sadd.s32 @!p1 $0xC0, s28;
	[tilespmem:s28+$0xD0] =	vst @!p1 v1;
	s28 =	simm.s32 @!p1 $0x20  }
0xd5: {  	[tilespmem:s30], [sflag:$0x7] =	stream.indirect.gather @!p1 [hbm4b:s5+s28], $0x80, s29, s28, $0xb8;
	[tilespmem:$0x1FE40] =	vst v63  }
0xd6: {  	_ =	swait.ge [sflag:s16], $0x1000  }
0xd7: {  	[sflag:s16] =	ssyncset.done $0x0  }
0xd8: {  	s30 =	sadd.s32 $0x2740, s26;
	[sflag:s16] =	ssyncadd.s32 $0xFFFFF000  }
0xd9: {  	[spmem:s3] =	stream.indirect.scatter.add.f32 [tilespmem:s8], [sflag:$0x8], $0x80, s30, s6, $0xb8;
	[tilespmem:$0x1FE40] =	vst v63  }
0xda: {  	_ =	swait.ge [sflag:s0], $0x1000  }
0xdb: {  	p1 =	seq.s32 s22, $0x9A00;
	[sflag:s0] =	ssyncset.done $0x0  }
0xdc: {  	s28 =	simm.s32 @p1 $0x3;
	[sflag:s0] =	ssyncadd.s32 $0xFFFFF000  }
0xdd: {  	_ =	swait.ge @p1 [sflag:s28], $0x1000  }
0xde: {  	[sflag:s28] =	ssyncset.done @p1 $0x0  }
0xdf: {  	[sflag:s28] =	ssyncadd.s32 @p1 $0xFFFFF000;
	s28 =	sshra.s32 @p1 s22, $0x2  }
0xe0: {  	s29 =	simm.s32 @p1 $0x20;
	s30 =	simm.s32 @p1 $0x6E40;
	s28 =	sadd.s32 @p1 $0x2760, s28  }
0xe1: {  	[spmem:s3] =	stream.indirect.scatter.add.f32 @p1 [tilespmem:s30], [sflag:$0x8], $0x80, s28, s29, $0xb8;
	[tilespmem:$0x1FE40] =	vst v63  }
0xe2: {  	s28 =	simm.s32 @p1 $0x8  }
0xe3: {  	_ =	swait.ge @p1 [sflag:s28], $0x1000  }
0xe4: {  	[sflag:s28] =	ssyncset.done @p1 $0x0  }
0xe5: {  	[sflag:s28] =	ssyncadd.s32 @p1 $0xFFFFF000;
	s28 =	sshra.s32 @!p1 s22, $0x2  }
0xe6: {  	v1 =	vld @!p1 [tilespmem:s28+$0xE0]  }
0xe7: {  	v2 =	vld @!p1 [tilespmem:s28+$0x2800]  }
0xe8: {  	v3 =	vld @!p1 [tilespmem:s28+$0xF0]  }
0xe9: {  	v4 =	vld @!p1 [tilespmem:s28+$0x2810];
	_ =	sdelay $0x3  }
0xea: {  	vm0 =	veq.s32 @!p1 v1, v2  }
0xeb: {  	v1 =	vsel @!p1 vm0, $0x2710, v1;
	vm0 =	veq.s32 @!p1 v3, v4  }
0xec: {  	[tilespmem:s28+$0xE0] =	vst @!p1 v1;
	v1 =	vsel @!p1 vm0, $0x2710, v3  }
0xed: {  	s31 =	simm.s32 @!p1 $0x4E40;
	s30 =	simm.s32 @!p1 $0x20;
	s29 =	sadd.s32 @!p1 $0xE0, s28;
	[tilespmem:s28+$0xF0] =	vst @!p1 v1  }
0xee: {  	[tilespmem:s31], [sflag:$0x1] =	stream.indirect.gather @!p1 [hbm4b:s5+s30], $0x80, s29, s30, $0xb8;
	[tilespmem:$0x1FE40] =	vst v63  }
0xef: {  	s29 =	simm.s32 @!p1 $0x3  }
0xf0: {  	_ =	swait.ge @!p1 [sflag:s29], $0x1000  }
0xf1: {  	[sflag:s29] =	ssyncset.done @!p1 $0x0  }
0xf2: {  	s31 =	simm.s32 @!p1 $0x6E40;
	[sflag:s29] =	ssyncadd.s32 @!p1 $0xFFFFF000;
	s29 =	sadd.s32 @!p1 $0x2760, s28  }
0xf3: {  	[spmem:s3] =	stream.indirect.scatter.add.f32 @!p1 [tilespmem:s31], [sflag:$0x8], $0x80, s29, s30, $0xb8;
	[tilespmem:$0x1FE40] =	vst v63  }
0xf4: {  	s29 =	simm.s32 @!p1 $0x8  }
0xf5: {  	_ =	swait.ge @!p1 [sflag:s29], $0x1000  }
0xf6: {  	[sflag:s29] =	ssyncset.done @!p1 $0x0  }
0xf7: {  	[sflag:s29] =	ssyncadd.s32 @!p1 $0xFFFFF000  }
0xf8: {  	v1 =	vld @!p1 [tilespmem:s28+$0x100]  }
0xf9: {  	v2 =	vld @!p1 [tilespmem:s28+$0x2820]  }
0xfa: {  	v3 =	vld @!p1 [tilespmem:s28+$0x110]  }
0xfb: {  	v4 =	vld @!p1 [tilespmem:s28+$0x2830];
	_ =	sdelay $0x3  }
0xfc: {  	vm0 =	veq.s32 @!p1 v1, v2  }
0xfd: {  	v1 =	vsel @!p1 vm0, $0x2710, v1;
	vm0 =	veq.s32 @!p1 v3, v4  }
0xfe: {  	[tilespmem:s28+$0x100] =	vst @!p1 v1;
	v1 =	vsel @!p1 vm0, $0x2710, v3  }
0xff: {  	s29 =	sadd.s32 @!p1 $0x100, s28;
	[tilespmem:s28+$0x110] =	vst @!p1 v1;
	s28 =	simm.s32 @!p1 $0x5E40  }
0x100: {  	[tilespmem:s28], [sflag:$0x2] =	stream.indirect.gather @!p1 [hbm4b:s5+s30], $0x80, s29, s30, $0xb8;
	[tilespmem:$0x1FE40] =	vst v63  }
0x101: {  	_ =	swait.ge [sflag:s17], $0x1000  }
0x102: {  	[sflag:s17] =	ssyncset.done $0x0  }
.Ltmp4:
0x103: {  	s31 =	sadd.s32 $0x2780, s26;
	[sflag:s17] =	ssyncadd.s32 $0xFFFFF000;
	(pc) =	sbr.rel @p1 .LBB2_19-.Ltmp4, $4  }
0x104: {  	[spmem:s3] =	stream.indirect.scatter.add.f32 [tilespmem:s11], [sflag:$0x8], $0x80, s31, s6, $0xb8;
	[tilespmem:$0x1FE40] =	vst v63  }
0x105: {  	_ =	swait.ge [sflag:s0], $0x1000  }
0x106: {  	[sflag:s0] =	ssyncset.done $0x0  }
0x107: {  	[sflag:s0] =	ssyncadd.s32 $0xFFFFF000  }
0x108: {  	v1 =	vld [tilespmem:s26+$0x120]  }
0x109: {  	v2 =	vld [tilespmem:s26+$0x2840]  }
0x10a: {  	v3 =	vld [tilespmem:s26+$0x130]  }
0x10b: {  	v4 =	vld [tilespmem:s26+$0x2850];
	_ =	sdelay $0x3  }
0x10c: {  	vm0 =	veq.s32 v1, v2  }
0x10d: {  	vm11 =	veq.s32 v3, v4;
	v1 =	vsel vm0, $0x2710, v1  }
0x10e: {  	[tilespmem:s26+$0x120] =	vst v1;
	v1 =	vsel vm11, $0x2710, v3  }
0x10f: {  	s28 =	sadd.s32 $0x120, s26;
	[tilespmem:s26+$0x130] =	vst v1  }
0x110: {  	[tilespmem:s9], [sflag:$0x3] =	stream.indirect.gather [hbm4b:s5+s6], $0x80, s28, s6, $0xb8;
	[tilespmem:$0x1FE40] =	vst v63  }
0x111: {  	_ =	swait.ge [sflag:s18], $0x1000  }
0x112: {  	[sflag:s18] =	ssyncset.done $0x0  }
0x113: {  	s30 =	sadd.s32 $0x27A0, s26;
	[sflag:s18] =	ssyncadd.s32 $0xFFFFF000  }
0x114: {  	[spmem:s3] =	stream.indirect.scatter.add.f32 [tilespmem:s12], [sflag:$0x8], $0x80, s30, s6, $0xb8;
	[tilespmem:$0x1FE40] =	vst v63  }
0x115: {  	_ =	swait.ge [sflag:s0], $0x1000  }
0x116: {  	[sflag:s0] =	ssyncset.done $0x0  }
0x117: {  	[sflag:s0] =	ssyncadd.s32 $0xFFFFF000  }
0x118: {  	v1 =	vld [tilespmem:s26+$0x140]  }
0x119: {  	v2 =	vld [tilespmem:s26+$0x2860]  }
0x11a: {  	v3 =	vld [tilespmem:s26+$0x150]  }
0x11b: {  	v62 =	vld [tilespmem:s26+$0x2870];
	_ =	sdelay $0x3  }
0x11c: {  	vm12 =	veq.s32 v1, v2  }
0x11d: {  	vm13 =	veq.s32 v3, v62;
	v1 =	vsel vm12, $0x2710, v1  }
0x11e: {  	[tilespmem:s26+$0x140] =	vst v1;
	v1 =	vsel vm13, $0x2710, v3  }
0x11f: {  	s31 =	sadd.s32 $0x140, s26;
	[tilespmem:s26+$0x150] =	vst v1  }
0x120: {  	[tilespmem:s11], [sflag:$0x4] =	stream.indirect.gather [hbm4b:s5+s6], $0x80, s31, s6, $0xb8;
	[tilespmem:$0x1FE40] =	vst v63  }
0x121: {  	_ =	swait.ge [sflag:s19], $0x1000  }
0x122: {  	[sflag:s19] =	ssyncset.done $0x0  }
0x123: {  	s29 =	sadd.s32 $0x27C0, s26;
	[sflag:s19] =	ssyncadd.s32 $0xFFFFF000  }
0x124: {  	[spmem:s3] =	stream.indirect.scatter.add.f32 [tilespmem:s13], [sflag:$0x8], $0x80, s29, s6, $0xb8;
	[tilespmem:$0x1FE40] =	vst v63  }
0x125: {  	_ =	swait.ge [sflag:s0], $0x1000  }
0x126: {  	[sflag:s0] =	ssyncset.done $0x0  }
0x127: {  	[sflag:s0] =	ssyncadd.s32 $0xFFFFF000  }
0x128: {  	v1 =	vld [tilespmem:s26+$0x160]  }
0x129: {  	v2 =	vld [tilespmem:s26+$0x2880]  }
0x12a: {  	v3 =	vld [tilespmem:s26+$0x170]  }
0x12b: {  	v63 =	vld [tilespmem:s26+$0x2890];
	_ =	sdelay $0x3  }
0x12c: {  	vm14 =	veq.s32 v1, v2  }
0x12d: {  	vm15 =	veq.s32 v3, v63;
	v1 =	vsel vm14, $0x2710, v1  }
0x12e: {  	[tilespmem:s26+$0x160] =	vst v1;
	v1 =	vsel vm15, $0x2710, v3  }
0x12f: {  	s30 =	sadd.s32 $0x160, s26;
	[tilespmem:s26+$0x170] =	vst v1  }
0x130: {  	[tilespmem:s12], [sflag:$0x5] =	stream.indirect.gather [hbm4b:s5+s6], $0x80, s30, s6, $0xb8;
	[tilespmem:$0x1FE40] =	vst v63  }
0x131: {  	_ =	swait.ge [sflag:s20], $0x1000  }
0x132: {  	[sflag:s20] =	ssyncset.done $0x0  }
0x133: {  	s31 =	sadd.s32 $0x27E0, s26;
	[sflag:s20] =	ssyncadd.s32 $0xFFFFF000  }
0x134: {  	[spmem:s3] =	stream.indirect.scatter.add.f32 [tilespmem:s14], [sflag:$0x8], $0x80, s31, s6, $0xb8;
	[tilespmem:$0x1FE40] =	vst v63  }
0x135: {  	_ =	swait.ge [sflag:s0], $0x1000  }
0x136: {  	p1 =	sgt.u32 s23, $0x2A;
	[sflag:s0] =	ssyncset.done $0x0  }
0x137: {  	s26 =	sshra.s32 @!p1 s22, $0x2;
	[sflag:s0] =	ssyncadd.s32 $0xFFFFF000  }
0x138: {  	v1 =	vld @!p1 [tilespmem:s26+$0x180]  }
0x139: {  	v2 =	vld @!p1 [tilespmem:s26+$0x28A0]  }
0x13a: {  	v3 =	vld @!p1 [tilespmem:s26+$0x190]  }
0x13b: {  	v4 =	vld @!p1 [tilespmem:s26+$0x28B0];
	_ =	sdelay $0x3  }
0x13c: {  	vm0 =	veq.s32 @!p1 v1, v2  }
0x13d: {  	v1 =	vsel @!p1 vm0, $0x2710, v1;
	vm0 =	veq.s32 @!p1 v3, v4  }
0x13e: {  	s29 =	simm.s32 @!p1 $0x9E40;
	[tilespmem:s26+$0x180] =	vst @!p1 v1;
	v1 =	vsel @!p1 vm0, $0x2710, v3  }
0x13f: {  	s22 =	sadd.s32 $0x380, s22;
	s28 =	sadd.s32 @!p1 $0x180, s26;
	[tilespmem:s26+$0x190] =	vst @!p1 v1;
	s26 =	simm.s32 @!p1 $0x20  }
0x140: {  	[tilespmem:s29], [sflag:$0x6] =	stream.indirect.gather @!p1 [hbm4b:s5+s26], $0x80, s28, s26, $0xb8;
	[tilespmem:$0x1FE40] =	vst v63  }
0x141: {  	p1 =	sne.s32 s22, $0x9D80  }
.Ltmp5:
0x142: {  	_ = 	snop;
	(pc) =	sbr.rel @p1 .LBB2_11-.Ltmp5, $4  }
.Ltmp6:
0x143: {  	_ = 	snop;
	(pc) =	sbr.rel @!p1 .LBB2_13-.Ltmp6, $4  }
0x144: {  	_ = 	snop  }
0x145: {  	_ = 	snop  }
0x146: {  	s23 =	sadd.s32 $0x1, s23  }
0x147: {  	_ = 	snop  }
.LBB2_2:
0x148: {  	p1 =	sne.s32 s22, $0x3FC0;
	[tilespmem:s23+$0x4E40] =	vst v0;
	s23 =	smov.u32 s22;
	s22 =	sadd.s32 $0x40, s22  }
.Ltmp7:
0x149: {  	(pc) =	sbr.rel @p1 .LBB2_2-.Ltmp7, $3  }
0x14a: {  	_ =	sdelay $0x1  }
0x14b: {  	s23 =	sand.u32 $0x3FC0, s23  }
0x14c: {  	s23 =	sshrl.u32 s23, $0x2  }
0x14d: {  	[tilespmem:s23+$0x4E40] =	vst v0  }
0x14e: {  	[spmem:s7] =	stream.linear.scatter [tilespmem:s1], [sflag:$0x8], $0x1000, $0x38;
	[tilespmem:$0x1FE40] =	vst v63  }
0x14f: {  	_ =	swait.ge [sflag:s0], $0x1000  }
0x150: {  	[sflag:s0] =	ssyncset.done $0x0  }
0x151: {  	[sflag:s0] =	ssyncadd.s32 $0xFFFFF000  }
0x152: {  	[spmem:s10] =	stream.linear.scatter [tilespmem:s1], [sflag:$0x8], $0x1000, $0x38;
	[tilespmem:$0x1FE40] =	vst v63  }
0x153: {  	_ =	swait.ge [sflag:s0], $0x1000  }
0x154: {  	[sflag:s0] =	ssyncset.done $0x0  }
0x155: {  	s22 =	rddreg [dreg:$0x7];
	[sflag:s0] =	ssyncadd.s32 $0xFFFFF000  }
0x156: {  	[spmem:s22] =	stream.linear.scatter [tilespmem:s1], [sflag:$0x8], $0x1000, $0x38;
	[tilespmem:$0x1FE40] =	vst v63  }
0x157: {  	_ =	swait.ge [sflag:s0], $0x1000  }
0x158: {  	[sflag:s0] =	ssyncset.done $0x0  }
0x159: {  	s28 =	rddreg [dreg:$0x8];
	[sflag:s0] =	ssyncadd.s32 $0xFFFFF000  }
0x15a: {  	[spmem:s28] =	stream.linear.scatter [tilespmem:s1], [sflag:$0x8], $0x1000, $0x38;
	[tilespmem:$0x1FE40] =	vst v63  }
0x15b: {  	_ =	swait.ge [sflag:s0], $0x1000  }
0x15c: {  	[sflag:s0] =	ssyncset.done $0x0  }
0x15d: {  	s29 =	rddreg [dreg:$0x9];
	[sflag:s0] =	ssyncadd.s32 $0xFFFFF000  }
0x15e: {  	[spmem:s29] =	stream.linear.scatter [tilespmem:s1], [sflag:$0x8], $0x1000, $0x38;
	[tilespmem:$0x1FE40] =	vst v63  }
0x15f: {  	_ =	swait.ge [sflag:s0], $0x1000  }
0x160: {  	[sflag:s0] =	ssyncset.done $0x0  }
0x161: {  	s30 =	rddreg [dreg:$0xa];
	[sflag:s0] =	ssyncadd.s32 $0xFFFFF000  }
0x162: {  	[spmem:s30] =	stream.linear.scatter [tilespmem:s1], [sflag:$0x8], $0x1000, $0x38;
	[tilespmem:$0x1FE40] =	vst v63  }
0x163: {  	_ =	swait.ge [sflag:s0], $0x1000  }
0x164: {  	[sflag:s0] =	ssyncset.done $0x0  }
0x165: {  	s31 =	rddreg [dreg:$0xb];
	[sflag:s0] =	ssyncadd.s32 $0xFFFFF000  }
0x166: {  	[spmem:s31] =	stream.linear.scatter [tilespmem:s1], [sflag:$0x8], $0x1000, $0x38;
	[tilespmem:$0x1FE40] =	vst v63  }
0x167: {  	_ =	swait.ge [sflag:s0], $0x1000  }
0x168: {  	[sflag:s0] =	ssyncset.done $0x0  }
0x169: {  	s23 =	rddreg [dreg:$0xc];
	[sflag:s0] =	ssyncadd.s32 $0xFFFFF000  }
0x16a: {  	[spmem:s23] =	stream.linear.scatter [tilespmem:s1], [sflag:$0x8], $0x1000, $0x38;
	[tilespmem:$0x1FE40] =	vst v63  }
0x16b: {  	_ =	swait.ge [sflag:s0], $0x1000  }
0x16c: {  	[sflag:s0] =	ssyncset.done $0x0  }
0x16d: {  	s26 =	rddreg [dreg:$0xd];
	[sflag:s0] =	ssyncadd.s32 $0xFFFFF000  }
0x16e: {  	[spmem:s26] =	stream.linear.scatter [tilespmem:s1], [sflag:$0x8], $0x1000, $0x38;
	[tilespmem:$0x1FE40] =	vst v63  }
0x16f: {  	_ =	swait.ge [sflag:s0], $0x1000  }
0x170: {  	[sflag:s0] =	ssyncset.done $0x0  }
0x171: {  	s28 =	rddreg [dreg:$0xe];
	[sflag:s0] =	ssyncadd.s32 $0xFFFFF000  }
0x172: {  	[spmem:s28] =	stream.linear.scatter [tilespmem:s1], [sflag:$0x8], $0x1000, $0x38;
	[tilespmem:$0x1FE40] =	vst v63  }
0x173: {  	_ =	swait.ge [sflag:s0], $0x1000  }
0x174: {  	[sflag:s0] =	ssyncset.done $0x0  }
0x175: {  	s29 =	rddreg [dreg:$0xf];
	[sflag:s0] =	ssyncadd.s32 $0xFFFFF000  }
0x176: {  	[spmem:s29] =	stream.linear.scatter [tilespmem:s1], [sflag:$0x8], $0x1000, $0x38;
	[tilespmem:$0x1FE40] =	vst v63  }
0x177: {  	_ =	swait.ge [sflag:s0], $0x1000  }
0x178: {  	[sflag:s0] =	ssyncset.done $0x0  }
0x179: {  	s30 =	rddreg [dreg:$0x10];
	[sflag:s0] =	ssyncadd.s32 $0xFFFFF000  }
0x17a: {  	[spmem:s30] =	stream.linear.scatter [tilespmem:s1], [sflag:$0x8], $0x1000, $0x38;
	[tilespmem:$0x1FE40] =	vst v63  }
0x17b: {  	_ =	swait.ge [sflag:s0], $0x1000  }
0x17c: {  	[sflag:s0] =	ssyncset.done $0x0  }
0x17d: {  	s31 =	rddreg [dreg:$0x11];
	[sflag:s0] =	ssyncadd.s32 $0xFFFFF000  }
0x17e: {  	[spmem:s31] =	stream.linear.scatter [tilespmem:s1], [sflag:$0x8], $0x1000, $0x38;
	[tilespmem:$0x1FE40] =	vst v63  }
0x17f: {  	_ =	swait.ge [sflag:s0], $0x1000  }
0x180: {  	[sflag:s0] =	ssyncset.done $0x0  }
0x181: {  	s23 =	rddreg [dreg:$0x12];
	[sflag:s0] =	ssyncadd.s32 $0xFFFFF000  }
0x182: {  	[spmem:s23] =	stream.linear.scatter [tilespmem:s1], [sflag:$0x8], $0x1000, $0x38;
	[tilespmem:$0x1FE40] =	vst v63  }
0x183: {  	_ =	swait.ge [sflag:s0], $0x1000  }
0x184: {  	[sflag:s0] =	ssyncset.done $0x0  }
0x185: {  	s26 =	rddreg [dreg:$0x13];
	[sflag:s0] =	ssyncadd.s32 $0xFFFFF000  }
0x186: {  	[spmem:s26] =	stream.linear.scatter [tilespmem:s1], [sflag:$0x8], $0x1000, $0x38;
	[tilespmem:$0x1FE40] =	vst v63  }
0x187: {  	_ =	swait.ge [sflag:s0], $0x1000  }
0x188: {  	[sflag:s0] =	ssyncset.done $0x0  }
0x189: {  	s28 =	rddreg [dreg:$0x14];
	[sflag:s0] =	ssyncadd.s32 $0xFFFFF000  }
0x18a: {  	[spmem:s28] =	stream.linear.scatter [tilespmem:s1], [sflag:$0x8], $0x1000, $0x38;
	[tilespmem:$0x1FE40] =	vst v63  }
0x18b: {  	_ =	swait.ge [sflag:s0], $0x1000  }
0x18c: {  	[sflag:s0] =	ssyncset.done $0x0  }
0x18d: {  	s29 =	rddreg [dreg:$0x15];
	[sflag:s0] =	ssyncadd.s32 $0xFFFFF000  }
0x18e: {  	[spmem:s29] =	stream.linear.scatter [tilespmem:s1], [sflag:$0x8], $0x1000, $0x38;
	[tilespmem:$0x1FE40] =	vst v63  }
0x18f: {  	_ =	swait.ge [sflag:s0], $0x1000  }
0x190: {  	[sflag:s0] =	ssyncset.done $0x0  }
0x191: {  	s30 =	rddreg [dreg:$0x16];
	[sflag:s0] =	ssyncadd.s32 $0xFFFFF000  }
0x192: {  	[spmem:s30] =	stream.linear.scatter [tilespmem:s1], [sflag:$0x8], $0x1000, $0x38;
	[tilespmem:$0x1FE40] =	vst v63  }
0x193: {  	_ =	swait.ge [sflag:s0], $0x1000  }
0x194: {  	[sflag:s0] =	ssyncset.done $0x0  }
0x195: {  	s31 =	rddreg [dreg:$0x17];
	[sflag:s0] =	ssyncadd.s32 $0xFFFFF000  }
0x196: {  	[spmem:s31] =	stream.linear.scatter [tilespmem:s1], [sflag:$0x8], $0x1000, $0x38;
	[tilespmem:$0x1FE40] =	vst v63  }
0x197: {  	_ =	swait.ge [sflag:s0], $0x1000  }
0x198: {  	[sflag:s0] =	ssyncset.done $0x0  }
0x199: {  	s23 =	rddreg [dreg:$0x18];
	[sflag:s0] =	ssyncadd.s32 $0xFFFFF000  }
0x19a: {  	[spmem:s23] =	stream.linear.scatter [tilespmem:s1], [sflag:$0x8], $0x1000, $0x38;
	[tilespmem:$0x1FE40] =	vst v63  }
0x19b: {  	_ =	swait.ge [sflag:s0], $0x1000  }
0x19c: {  	[sflag:s0] =	ssyncset.done $0x0  }
0x19d: {  	[sflag:s0] =	ssyncadd.s32 $0xFFFFF000  }
0x19e: {  	[bflag:$0x0] =	sbarrier.arrive $0xFFFF  }
0x19f: {  	v1 =	vld [tilespmem:$0x0]  }
0x1a0: {  	v2 =	vld [tilespmem:$0x2720]  }
0x1a1: {  	v3 =	vld [tilespmem:$0x10]  }
0x1a2: {  	v4 =	vld [tilespmem:$0x2730];
	_ =	sdelay $0x3  }
0x1a3: {  	vm0 =	veq.s32 v1, v2  }
0x1a4: {  	vm15 =	veq.s32 v3, v4;
	v1 =	vsel vm0, $0x2710, v1  }
0x1a5: {  	[tilespmem:$0x0] =	vst v1;
	v1 =	vsel vm15, $0x2710, v3  }
0x1a6: {  	s22 =	simm.s32 $0x0;
	[tilespmem:$0x10] =	vst v1  }
0x1a7: {  	[tilespmem:s1], [sflag:$0x1] =	stream.indirect.gather [hbm4b:s2+s6], $0x80, s22, s6, $0xb8;
	[tilespmem:$0x1FE40] =	vst v63  }
0x1a8: {  	v1 =	vld [tilespmem:$0x20]  }
0x1a9: {  	v2 =	vld [tilespmem:$0x2740]  }
0x1aa: {  	v3 =	vld [tilespmem:$0x30]  }
0x1ab: {  	v58 =	vld [tilespmem:$0x2750];
	_ =	sdelay $0x3  }
0x1ac: {  	vm4 =	veq.s32 v1, v2  }
0x1ad: {  	vm5 =	veq.s32 v3, v58;
	v1 =	vsel vm4, $0x2710, v1  }
0x1ae: {  	[tilespmem:$0x20] =	vst v1;
	v1 =	vsel vm5, $0x2710, v3  }
0x1af: {  	[tilespmem:$0x30] =	vst v1  }
0x1b0: {  	[tilespmem:s8], [sflag:$0x2] =	stream.indirect.gather [hbm4b:s2+s6], $0x80, s6, s6, $0xb8;
	[tilespmem:$0x1FE40] =	vst v63  }
0x1b1: {  	v1 =	vld [tilespmem:$0x40]  }
0x1b2: {  	v2 =	vld [tilespmem:$0x2760]  }
0x1b3: {  	v3 =	vld [tilespmem:$0x50]  }
0x1b4: {  	v59 =	vld [tilespmem:$0x2770];
	_ =	sdelay $0x3  }
0x1b5: {  	vm6 =	veq.s32 v1, v2  }
0x1b6: {  	vm7 =	veq.s32 v3, v59;
	v1 =	vsel vm6, $0x2710, v1  }
0x1b7: {  	[tilespmem:$0x40] =	vst v1;
	v1 =	vsel vm7, $0x2710, v3  }
0x1b8: {  	s26 =	simm.s32 $0x40;
	[tilespmem:$0x50] =	vst v1  }
0x1b9: {  	[tilespmem:s9], [sflag:$0x3] =	stream.indirect.gather [hbm4b:s2+s6], $0x80, s26, s6, $0xb8;
	[tilespmem:$0x1FE40] =	vst v63  }
0x1ba: {  	v1 =	vld [tilespmem:$0x60]  }
0x1bb: {  	v2 =	vld [tilespmem:$0x2780]  }
0x1bc: {  	v3 =	vld [tilespmem:$0x70]  }
0x1bd: {  	v60 =	vld [tilespmem:$0x2790];
	_ =	sdelay $0x3  }
0x1be: {  	vm8 =	veq.s32 v1, v2  }
0x1bf: {  	vm9 =	veq.s32 v3, v60;
	v1 =	vsel vm8, $0x2710, v1  }
0x1c0: {  	[tilespmem:$0x60] =	vst v1;
	v1 =	vsel vm9, $0x2710, v3  }
0x1c1: {  	s28 =	simm.s32 $0x60;
	[tilespmem:$0x70] =	vst v1  }
0x1c2: {  	[tilespmem:s11], [sflag:$0x4] =	stream.indirect.gather [hbm4b:s2+s6], $0x80, s28, s6, $0xb8;
	[tilespmem:$0x1FE40] =	vst v63  }
0x1c3: {  	v1 =	vld [tilespmem:$0x80]  }
0x1c4: {  	v2 =	vld [tilespmem:$0x27A0]  }
0x1c5: {  	v3 =	vld [tilespmem:$0x90]  }
0x1c6: {  	v61 =	vld [tilespmem:$0x27B0];
	_ =	sdelay $0x3  }
0x1c7: {  	vm10 =	veq.s32 v1, v2  }
0x1c8: {  	vm11 =	veq.s32 v3, v61;
	v1 =	vsel vm10, $0x2710, v1  }
0x1c9: {  	[tilespmem:$0x80] =	vst v1;
	v1 =	vsel vm11, $0x2710, v3  }
0x1ca: {  	s29 =	simm.s32 $0x80;
	[tilespmem:$0x90] =	vst v1  }
0x1cb: {  	[tilespmem:s12], [sflag:$0x5] =	stream.indirect.gather [hbm4b:s2+s6], $0x80, s29, s6, $0xb8;
	[tilespmem:$0x1FE40] =	vst v63  }
0x1cc: {  	v1 =	vld [tilespmem:$0xA0]  }
0x1cd: {  	v2 =	vld [tilespmem:$0x27C0]  }
0x1ce: {  	v3 =	vld [tilespmem:$0xB0]  }
0x1cf: {  	v62 =	vld [tilespmem:$0x27D0];
	_ =	sdelay $0x3  }
0x1d0: {  	vm12 =	veq.s32 v1, v2  }
0x1d1: {  	vm13 =	veq.s32 v3, v62;
	v1 =	vsel vm12, $0x2710, v1  }
0x1d2: {  	[tilespmem:$0xA0] =	vst v1;
	v1 =	vsel vm13, $0x2710, v3  }
0x1d3: {  	s30 =	simm.s32 $0xA0;
	[tilespmem:$0xB0] =	vst v1  }
0x1d4: {  	[tilespmem:s13], [sflag:$0x6] =	stream.indirect.gather [hbm4b:s2+s6], $0x80, s30, s6, $0xb8;
	[tilespmem:$0x1FE40] =	vst v63  }
0x1d5: {  	v1 =	vld [tilespmem:$0xC0]  }
0x1d6: {  	v2 =	vld [tilespmem:$0x27E0]  }
0x1d7: {  	v3 =	vld [tilespmem:$0xD0]  }
0x1d8: {  	v63 =	vld [tilespmem:$0x27F0];
	_ =	sdelay $0x3  }
0x1d9: {  	vm14 =	veq.s32 v1, v2  }
0x1da: {  	vm15 =	veq.s32 v3, v63;
	v1 =	vsel vm14, $0x2710, v1  }
0x1db: {  	[tilespmem:$0xC0] =	vst v1;
	v1 =	vsel vm15, $0x2710, v3  }
0x1dc: {  	s31 =	simm.s32 $0xC0;
	s23 =	simm.s32 $0x0;
	[tilespmem:$0xD0] =	vst v1  }
0x1dd: {  	[tilespmem:s14], [sflag:$0x7] =	stream.indirect.gather [hbm4b:s2+s6], $0x80, s31, s6, $0xb8;
	[tilespmem:$0x1FE40] =	vst v63  }
.LBB2_4:
0x1de: {  	_ =	swait.ge [sflag:s15], $0x1000  }
0x1df: {  	s26 =	sshra.s32 s22, $0x2;
	[sflag:s15] =	ssyncset.done $0x0  }
0x1e0: {  	p1 =	seq.s32 s23, $0x0;
	s28 =	sadd.s32 $0x2720, s26;
	[sflag:s15] =	ssyncadd.s32 $0xFFFFF000  }
0x1e1: {  	[spmem:s3] =	stream.indirect.scatter.add.f32 [tilespmem:s1], [sflag:$0x8], $0x80, s28, s6, $0xb8;
	[tilespmem:$0x1FE40] =	vst v63  }
0x1e2: {  	p2 =	seq.s32 @!p1 s23, $0x2C;
	_ =	swait.ge [sflag:s0], $0x1000  }
0x1e3: {  	p1 =	por p2, p1;
	[sflag:s0] =	ssyncset.done $0x0  }
0x1e4: {  	s28 =	sshra.s32 @!p1 s22, $0x2;
	[sflag:s0] =	ssyncadd.s32 $0xFFFFF000  }
0x1e5: {  	v1 =	vld @!p1 [tilespmem:s28+$0xC0]  }
0x1e6: {  	v2 =	vld @!p1 [tilespmem:s28+$0x27E0]  }
0x1e7: {  	v3 =	vld @!p1 [tilespmem:s28+$0xD0]  }
0x1e8: {  	v4 =	vld @!p1 [tilespmem:s28+$0x27F0];
	_ =	sdelay $0x3  }
0x1e9: {  	vm0 =	veq.s32 @!p1 v1, v2  }
0x1ea: {  	v1 =	vsel @!p1 vm0, $0x2710, v1;
	vm0 =	veq.s32 @!p1 v3, v4  }
0x1eb: {  	[tilespmem:s28+$0xC0] =	vst @!p1 v1;
	v1 =	vsel @!p1 vm0, $0x2710, v3  }
0x1ec: {  	s30 =	simm.s32 @!p1 $0xAE40;
	s29 =	sadd.s32 @!p1 $0xC0, s28;
	[tilespmem:s28+$0xD0] =	vst @!p1 v1;
	s28 =	simm.s32 @!p1 $0x20  }
0x1ed: {  	[tilespmem:s30], [sflag:$0x7] =	stream.indirect.gather @!p1 [hbm4b:s2+s28], $0x80, s29, s28, $0xb8;
	[tilespmem:$0x1FE40] =	vst v63  }
0x1ee: {  	_ =	swait.ge [sflag:s16], $0x1000  }
0x1ef: {  	[sflag:s16] =	ssyncset.done $0x0  }
0x1f0: {  	s30 =	sadd.s32 $0x2740, s26;
	[sflag:s16] =	ssyncadd.s32 $0xFFFFF000  }
0x1f1: {  	[spmem:s3] =	stream.indirect.scatter.add.f32 [tilespmem:s8], [sflag:$0x8], $0x80, s30, s6, $0xb8;
	[tilespmem:$0x1FE40] =	vst v63  }
0x1f2: {  	_ =	swait.ge [sflag:s0], $0x1000  }
0x1f3: {  	p1 =	seq.s32 s22, $0x9A00;
	[sflag:s0] =	ssyncset.done $0x0  }
0x1f4: {  	s28 =	simm.s32 @p1 $0x3;
	[sflag:s0] =	ssyncadd.s32 $0xFFFFF000  }
0x1f5: {  	_ =	swait.ge @p1 [sflag:s28], $0x1000  }
0x1f6: {  	[sflag:s28] =	ssyncset.done @p1 $0x0  }
0x1f7: {  	[sflag:s28] =	ssyncadd.s32 @p1 $0xFFFFF000;
	s28 =	sshra.s32 @p1 s22, $0x2  }
0x1f8: {  	s29 =	simm.s32 @p1 $0x20;
	s30 =	simm.s32 @p1 $0x6E40;
	s28 =	sadd.s32 @p1 $0x2760, s28  }
0x1f9: {  	[spmem:s3] =	stream.indirect.scatter.add.f32 @p1 [tilespmem:s30], [sflag:$0x8], $0x80, s28, s29, $0xb8;
	[tilespmem:$0x1FE40] =	vst v63  }
0x1fa: {  	s28 =	simm.s32 @p1 $0x8  }
0x1fb: {  	_ =	swait.ge @p1 [sflag:s28], $0x1000  }
0x1fc: {  	[sflag:s28] =	ssyncset.done @p1 $0x0  }
0x1fd: {  	[sflag:s28] =	ssyncadd.s32 @p1 $0xFFFFF000;
	s28 =	sshra.s32 @!p1 s22, $0x2  }
0x1fe: {  	v1 =	vld @!p1 [tilespmem:s28+$0xE0]  }
0x1ff: {  	v2 =	vld @!p1 [tilespmem:s28+$0x2800]  }
0x200: {  	v3 =	vld @!p1 [tilespmem:s28+$0xF0]  }
0x201: {  	v4 =	vld @!p1 [tilespmem:s28+$0x2810];
	_ =	sdelay $0x3  }
0x202: {  	vm0 =	veq.s32 @!p1 v1, v2  }
0x203: {  	v1 =	vsel @!p1 vm0, $0x2710, v1;
	vm0 =	veq.s32 @!p1 v3, v4  }
0x204: {  	[tilespmem:s28+$0xE0] =	vst @!p1 v1;
	v1 =	vsel @!p1 vm0, $0x2710, v3  }
0x205: {  	s31 =	simm.s32 @!p1 $0x4E40;
	s30 =	simm.s32 @!p1 $0x20;
	s29 =	sadd.s32 @!p1 $0xE0, s28;
	[tilespmem:s28+$0xF0] =	vst @!p1 v1  }
0x206: {  	[tilespmem:s31], [sflag:$0x1] =	stream.indirect.gather @!p1 [hbm4b:s2+s30], $0x80, s29, s30, $0xb8;
	[tilespmem:$0x1FE40] =	vst v63  }
0x207: {  	s29 =	simm.s32 @!p1 $0x3  }
0x208: {  	_ =	swait.ge @!p1 [sflag:s29], $0x1000  }
0x209: {  	[sflag:s29] =	ssyncset.done @!p1 $0x0  }
0x20a: {  	s31 =	simm.s32 @!p1 $0x6E40;
	[sflag:s29] =	ssyncadd.s32 @!p1 $0xFFFFF000;
	s29 =	sadd.s32 @!p1 $0x2760, s28  }
0x20b: {  	[spmem:s3] =	stream.indirect.scatter.add.f32 @!p1 [tilespmem:s31], [sflag:$0x8], $0x80, s29, s30, $0xb8;
	[tilespmem:$0x1FE40] =	vst v63  }
0x20c: {  	s29 =	simm.s32 @!p1 $0x8  }
0x20d: {  	_ =	swait.ge @!p1 [sflag:s29], $0x1000  }
0x20e: {  	[sflag:s29] =	ssyncset.done @!p1 $0x0  }
0x20f: {  	[sflag:s29] =	ssyncadd.s32 @!p1 $0xFFFFF000  }
0x210: {  	v1 =	vld @!p1 [tilespmem:s28+$0x100]  }
0x211: {  	v2 =	vld @!p1 [tilespmem:s28+$0x2820]  }
0x212: {  	v3 =	vld @!p1 [tilespmem:s28+$0x110]  }
0x213: {  	v4 =	vld @!p1 [tilespmem:s28+$0x2830];
	_ =	sdelay $0x3  }
0x214: {  	vm0 =	veq.s32 @!p1 v1, v2  }
0x215: {  	v1 =	vsel @!p1 vm0, $0x2710, v1;
	vm0 =	veq.s32 @!p1 v3, v4  }
0x216: {  	[tilespmem:s28+$0x100] =	vst @!p1 v1;
	v1 =	vsel @!p1 vm0, $0x2710, v3  }
0x217: {  	s29 =	sadd.s32 @!p1 $0x100, s28;
	[tilespmem:s28+$0x110] =	vst @!p1 v1;
	s28 =	simm.s32 @!p1 $0x5E40  }
0x218: {  	[tilespmem:s28], [sflag:$0x2] =	stream.indirect.gather @!p1 [hbm4b:s2+s30], $0x80, s29, s30, $0xb8;
	[tilespmem:$0x1FE40] =	vst v63  }
0x219: {  	_ =	swait.ge [sflag:s17], $0x1000  }
0x21a: {  	[sflag:s17] =	ssyncset.done $0x0  }
.Ltmp8:
0x21b: {  	s31 =	sadd.s32 $0x2780, s26;
	[sflag:s17] =	ssyncadd.s32 $0xFFFFF000;
	(pc) =	sbr.rel @p1 .LBB2_18-.Ltmp8, $4  }
0x21c: {  	[spmem:s3] =	stream.indirect.scatter.add.f32 [tilespmem:s11], [sflag:$0x8], $0x80, s31, s6, $0xb8;
	[tilespmem:$0x1FE40] =	vst v63  }
0x21d: {  	_ =	swait.ge [sflag:s0], $0x1000  }
0x21e: {  	[sflag:s0] =	ssyncset.done $0x0  }
0x21f: {  	[sflag:s0] =	ssyncadd.s32 $0xFFFFF000  }
0x220: {  	v1 =	vld [tilespmem:s26+$0x120]  }
0x221: {  	v2 =	vld [tilespmem:s26+$0x2840]  }
0x222: {  	v3 =	vld [tilespmem:s26+$0x130]  }
0x223: {  	v4 =	vld [tilespmem:s26+$0x2850];
	_ =	sdelay $0x3  }
0x224: {  	vm0 =	veq.s32 v1, v2  }
0x225: {  	vm11 =	veq.s32 v3, v4;
	v1 =	vsel vm0, $0x2710, v1  }
0x226: {  	[tilespmem:s26+$0x120] =	vst v1;
	v1 =	vsel vm11, $0x2710, v3  }
0x227: {  	s28 =	sadd.s32 $0x120, s26;
	[tilespmem:s26+$0x130] =	vst v1  }
0x228: {  	[tilespmem:s9], [sflag:$0x3] =	stream.indirect.gather [hbm4b:s2+s6], $0x80, s28, s6, $0xb8;
	[tilespmem:$0x1FE40] =	vst v63  }
0x229: {  	_ =	swait.ge [sflag:s18], $0x1000  }
0x22a: {  	[sflag:s18] =	ssyncset.done $0x0  }
0x22b: {  	s30 =	sadd.s32 $0x27A0, s26;
	[sflag:s18] =	ssyncadd.s32 $0xFFFFF000  }
0x22c: {  	[spmem:s3] =	stream.indirect.scatter.add.f32 [tilespmem:s12], [sflag:$0x8], $0x80, s30, s6, $0xb8;
	[tilespmem:$0x1FE40] =	vst v63  }
0x22d: {  	_ =	swait.ge [sflag:s0], $0x1000  }
0x22e: {  	[sflag:s0] =	ssyncset.done $0x0  }
0x22f: {  	[sflag:s0] =	ssyncadd.s32 $0xFFFFF000  }
0x230: {  	v1 =	vld [tilespmem:s26+$0x140]  }
0x231: {  	v2 =	vld [tilespmem:s26+$0x2860]  }
0x232: {  	v3 =	vld [tilespmem:s26+$0x150]  }
0x233: {  	v62 =	vld [tilespmem:s26+$0x2870];
	_ =	sdelay $0x3  }
0x234: {  	vm12 =	veq.s32 v1, v2  }
0x235: {  	vm13 =	veq.s32 v3, v62;
	v1 =	vsel vm12, $0x2710, v1  }
0x236: {  	[tilespmem:s26+$0x140] =	vst v1;
	v1 =	vsel vm13, $0x2710, v3  }
0x237: {  	s31 =	sadd.s32 $0x140, s26;
	[tilespmem:s26+$0x150] =	vst v1  }
0x238: {  	[tilespmem:s11], [sflag:$0x4] =	stream.indirect.gather [hbm4b:s2+s6], $0x80, s31, s6, $0xb8;
	[tilespmem:$0x1FE40] =	vst v63  }
0x239: {  	_ =	swait.ge [sflag:s19], $0x1000  }
0x23a: {  	[sflag:s19] =	ssyncset.done $0x0  }
0x23b: {  	s29 =	sadd.s32 $0x27C0, s26;
	[sflag:s19] =	ssyncadd.s32 $0xFFFFF000  }
0x23c: {  	[spmem:s3] =	stream.indirect.scatter.add.f32 [tilespmem:s13], [sflag:$0x8], $0x80, s29, s6, $0xb8;
	[tilespmem:$0x1FE40] =	vst v63  }
0x23d: {  	_ =	swait.ge [sflag:s0], $0x1000  }
0x23e: {  	[sflag:s0] =	ssyncset.done $0x0  }
0x23f: {  	[sflag:s0] =	ssyncadd.s32 $0xFFFFF000  }
0x240: {  	v1 =	vld [tilespmem:s26+$0x160]  }
0x241: {  	v2 =	vld [tilespmem:s26+$0x2880]  }
0x242: {  	v3 =	vld [tilespmem:s26+$0x170]  }
0x243: {  	v63 =	vld [tilespmem:s26+$0x2890];
	_ =	sdelay $0x3  }
0x244: {  	vm14 =	veq.s32 v1, v2  }
0x245: {  	vm15 =	veq.s32 v3, v63;
	v1 =	vsel vm14, $0x2710, v1  }
0x246: {  	[tilespmem:s26+$0x160] =	vst v1;
	v1 =	vsel vm15, $0x2710, v3  }
0x247: {  	s30 =	sadd.s32 $0x160, s26;
	[tilespmem:s26+$0x170] =	vst v1  }
0x248: {  	[tilespmem:s12], [sflag:$0x5] =	stream.indirect.gather [hbm4b:s2+s6], $0x80, s30, s6, $0xb8;
	[tilespmem:$0x1FE40] =	vst v63  }
0x249: {  	_ =	swait.ge [sflag:s20], $0x1000  }
0x24a: {  	[sflag:s20] =	ssyncset.done $0x0  }
0x24b: {  	s31 =	sadd.s32 $0x27E0, s26;
	[sflag:s20] =	ssyncadd.s32 $0xFFFFF000  }
0x24c: {  	[spmem:s3] =	stream.indirect.scatter.add.f32 [tilespmem:s14], [sflag:$0x8], $0x80, s31, s6, $0xb8;
	[tilespmem:$0x1FE40] =	vst v63  }
0x24d: {  	_ =	swait.ge [sflag:s0], $0x1000  }
0x24e: {  	p1 =	sgt.u32 s23, $0x2A;
	[sflag:s0] =	ssyncset.done $0x0  }
0x24f: {  	s26 =	sshra.s32 @!p1 s22, $0x2;
	[sflag:s0] =	ssyncadd.s32 $0xFFFFF000  }
0x250: {  	v1 =	vld @!p1 [tilespmem:s26+$0x180]  }
0x251: {  	v2 =	vld @!p1 [tilespmem:s26+$0x28A0]  }
0x252: {  	v3 =	vld @!p1 [tilespmem:s26+$0x190]  }
0x253: {  	v4 =	vld @!p1 [tilespmem:s26+$0x28B0];
	_ =	sdelay $0x3  }
0x254: {  	vm0 =	veq.s32 @!p1 v1, v2  }
0x255: {  	v1 =	vsel @!p1 vm0, $0x2710, v1;
	vm0 =	veq.s32 @!p1 v3, v4  }
0x256: {  	s29 =	simm.s32 @!p1 $0x9E40;
	[tilespmem:s26+$0x180] =	vst @!p1 v1;
	v1 =	vsel @!p1 vm0, $0x2710, v3  }
0x257: {  	s22 =	sadd.s32 $0x380, s22;
	s28 =	sadd.s32 @!p1 $0x180, s26;
	[tilespmem:s26+$0x190] =	vst @!p1 v1;
	s26 =	simm.s32 @!p1 $0x20  }
0x258: {  	[tilespmem:s29], [sflag:$0x6] =	stream.indirect.gather @!p1 [hbm4b:s2+s26], $0x80, s28, s26, $0xb8;
	[tilespmem:$0x1FE40] =	vst v63  }
0x259: {  	p1 =	sne.s32 s22, $0x9D80  }
.Ltmp9:
0x25a: {  	_ = 	snop;
	(pc) =	sbr.rel @p1 .LBB2_4-.Ltmp9, $4  }
.Ltmp10:
0x25b: {  	_ = 	snop;
	(pc) =	sbr.rel @!p1 .LBB2_6-.Ltmp10, $4  }
0x25c: {  	_ = 	snop  }
0x25d: {  	_ = 	snop  }
0x25e: {  	s23 =	sadd.s32 $0x1, s23  }
0x25f: {  	_ = 	snop  }
.LBB2_19:
0x260: {  	_ =	swait.ge [sflag:s18], $0x1000  }
0x261: {  	[sflag:s18] =	ssyncset.done $0x0  }
0x262: {  	s22 =	sadd.s32 $0x27A0, s26;
	[sflag:s18] =	ssyncadd.s32 $0xFFFFF000  }
0x263: {  	[spmem:s3] =	stream.indirect.scatter.add.f32 [tilespmem:s12], [sflag:$0x8], $0x80, s22, s6, $0xb8;
	[tilespmem:$0x1FE40] =	vst v63  }
0x264: {  	_ =	swait.ge [sflag:s0], $0x1000  }
0x265: {  	[sflag:s0] =	ssyncset.done $0x0  }
0x266: {  	[sflag:s0] =	ssyncadd.s32 $0xFFFFF000  }
.LBB2_13:
0x267: {  	s22 =	stileid.u32  }
0x268: {  	[bflag:$0x0] =	sbarrier.arrive $0xFFFF;
	s22 =	sshll.u32 s22, $0x6  }
0x269: {  	s23 =	sadd.s32 $0x0, s25;
	s26 =	sshrl.u32 s7, $0x3;
	s22 =	sor.u32 $0x1C08, s22  }
0x26a: {  	[hbm:s23], [sflag:s22] =	dma.local [spmem:s26], $0x200  }
0x26b: {  	s23 =	simm.s32 $0x200;
	s26 =	sadd.s32 $0x1000, s7;
	_ =	swait.ge [sflag:s0], $0x200  }
.LBB2_14:
0x26c: {  	s28 =	sadd.s32 s23, s25;
	[sflag:s0] =	ssyncset.done $0x0;
	p1 =	sne.s32 s23, $0x2600  }
.Ltmp11:
0x26d: {  	s29 =	sshrl.u32 s26, $0x3;
	[sflag:s0] =	ssyncadd.s32 $0xFFFFFE00;
	(pc) =	sbr.rel @p1 .LBB2_14-.Ltmp11, $3  }
0x26e: {  	[hbm:s28], [sflag:s22] =	dma.local [spmem:s29], $0x200  }
0x26f: {  	s23 =	sadd.s32 $0x200, s23;
	_ =	sdelay $0x1  }
0x270: {  	s26 =	sadd.s32 $0x1000, s26;
	_ =	swait.ge [sflag:s0], $0x200  }
.Ltmp12:
0x271: {  	_ = 	snop;
	(pc) =	sbr.rel .LBB2_15-.Ltmp12, $1  }
0x272: {  	_ =	sdelay $0x3  }
.LBB2_18:
0x273: {  	_ =	swait.ge [sflag:s18], $0x1000  }
0x274: {  	[sflag:s18] =	ssyncset.done $0x0  }
0x275: {  	s22 =	sadd.s32 $0x27A0, s26;
	[sflag:s18] =	ssyncadd.s32 $0xFFFFF000  }
0x276: {  	[spmem:s3] =	stream.indirect.scatter.add.f32 [tilespmem:s12], [sflag:$0x8], $0x80, s22, s6, $0xb8;
	[tilespmem:$0x1FE40] =	vst v63  }
0x277: {  	_ =	swait.ge [sflag:s0], $0x1000  }
0x278: {  	[sflag:s0] =	ssyncset.done $0x0  }
0x279: {  	[sflag:s0] =	ssyncadd.s32 $0xFFFFF000  }
.LBB2_6:
0x27a: {  	s22 =	stileid.u32  }
0x27b: {  	[bflag:$0x0] =	sbarrier.arrive $0xFFFF;
	s22 =	sshll.u32 s22, $0x6  }
0x27c: {  	s23 =	sadd.s32 $0x0, s24;
	s26 =	sshrl.u32 s7, $0x3;
	s22 =	sor.u32 $0x1C08, s22  }
0x27d: {  	[hbm:s23], [sflag:s22] =	dma.local [spmem:s26], $0x200  }
0x27e: {  	s23 =	simm.s32 $0x200;
	s26 =	smov.u32 s10;
	_ =	swait.ge [sflag:s0], $0x200  }
.LBB2_7:
0x27f: {  	s28 =	sadd.s32 s23, s24;
	[sflag:s0] =	ssyncset.done $0x0;
	p1 =	seq.s32 s23, $0x2600  }
.Ltmp13:
0x280: {  	s29 =	sshrl.u32 s26, $0x3;
	[sflag:s0] =	ssyncadd.s32 $0xFFFFFE00;
	(pc) =	sbr.rel @!p1 .LBB2_7-.Ltmp13, $3  }
0x281: {  	[hbm:s28], [sflag:s22] =	dma.local [spmem:s29], $0x200  }
0x282: {  	s23 =	sadd.s32 $0x200, s23;
	_ =	sdelay $0x1  }
0x283: {  	s26 =	sadd.s32 $0x1000, s26;
	_ =	swait.ge [sflag:s0], $0x200  }
.Ltmp14:
0x284: {  	(pc) =	sbr.rel .LBB2_16-.Ltmp14, $3  }
0x285: {  	_ =	sdelay $0x1  }
0x286: {  	[sflag:s0] =	ssyncset.done $0x0  }
0x287: {  	[sflag:s0] =	ssyncadd.s32 $0xFFFFFE00  }
.LBB2_17:
0x288: {  	_ =	sfence.sel $0x180000  }
0x289: {  	[bflag:$0x0] =	sbarrier.arrive $0xFFFF  }
0x28a: {  	_ =	strace $0x9000004D  }
0x28b: {  	s0 =	stileid.u32;
	[bflag:$0x2] =	sbarrier.arrive $0xFFFF  }
0x28c: {  	p0 =	sne.s32 s0, $0x0;
	s0 =	rddreg [dreg:$0x3]  }
0x28d: {  	s0 =	sadd.s32 @!p0 $0x100000, s0  }
0x28e: {  	[sflag:s0] =	ssyncadd.tile.s32 @!p0 $0x1;
	_ =	shalt  }
.Lfunc_end2:
_tile_overlayer_lowered:
.L_overlay_start_2:
0x28f: {  	(tag) =	ssettag $0x2  }
0x290: {  	s0 =	rddreg [dreg:$0x0];
	s2 =	stileid.u32  }
0x291: {  	s1 =	rddreg [dreg:$0x1];
	p0 =	sne.s32 s2, $0x0  }
0x292: {  	s3 =	rddreg [dreg:$0x2];
	[bflag:$0x3] =	sbarrier.arrive $0xFFFF;
	s2 =	simm.s32 @!p0 $0x1C08  }
0x293: {  	[timem:s3], [sflag:s2] =	dma.local @!p0 [hbm:s0], s1  }
0x294: {  	s0 =	simm.s32 @!p0 $0x8  }
0x295: {  	_ =	swait.ge @!p0 [sflag:s0], s1  }
0x296: {  	s1 =	ssub.s32 @!p0 $0x0, s1;
	[sflag:s0] =	ssyncset.done @!p0 $0x0  }
0x297: {  	[sflag:s0] =	ssyncadd.s32 @!p0 s1  }
0x298: {  	[bflag:$0x3] =	sbarrier.arrive $0xFFFF  }
0x299: {  	_ =	shalt  }

// kernel: kernel.7.cloned.1.call-start
scs
__scs_entry_jumppad:
0x0: {  	(pc) =	sbr.rel $0x88, $3  }
0x1: {  	(tag) =	ssettag $0x0;
	lr =	simm.s32 $0x1  }
0x2: {  	[smem:$0x3F93] =	sst lr;
	_ =	strace $0xD0000000  }
0x3: {  	_ = 	snop  }
0x4: {  	_ = 	snop  }
0x5: {  	_ = 	snop  }
0x6: {  	_ = 	snop  }
0x7: {  	_ = 	snop  }
__scs_overlays_trampoline_lowered:
0x8: {  	[smem:$0x3FA2] =	sst s0  }
0x9: {  	[smem:$0x3FA3] =	sst s1  }
0xa: {  	[smem:$0x3FA4] =	sst s2  }
0xb: {  	[smem:$0x3FA5] =	sst s3  }
0xc: {  	[smem:$0x3FA6] =	sst s4  }
0xd: {  	[smem:$0x3FA7] =	sst s5  }
0xe: {  	[smem:$0x3FA8] =	sst s6  }
0xf: {  	[smem:$0x3FA9] =	sst s7  }
0x10: {  	[smem:$0x3FAA] =	sst s8  }
0x11: {  	[smem:$0x3FAB] =	sst s9;
	s0 =	simm.s32 @!p0 $0x0  }
0x12: {  	s1 =	sld [smem:$0x3F91];
	s0 =	simm.s32 @p0 $0x1  }
0x13: {  	[smem:$0x3FAC] =	sst s0;
	s0 =	simm.s32 @!p1 $0x0  }
0x14: {  	s2 =	sld [smem:$0x3F90];
	s0 =	simm.s32 @p1 $0x1  }
0x15: {  	[smem:$0x3FAD] =	sst s0;
	s0 =	simm.s32 @!p2 $0x0  }
0x16: {  	s3 =	sld [smem:$0x3FDB];
	s0 =	simm.s32 @p2 $0x1  }
0x17: {  	s4 =	simm.s32 $0x1BF5;
	[smem:$0x3FAF] =	sst s0  }
0x18: {  	s0 =	sld [smem:$0x3F92];
	_ =	swait.ge [sflag:s4], $0x0  }
0x19: {  	s7 =	sld [smem:$0x3F93]  }
0x1a: {  	s8 =	sadd.s32 $0xFFFFE003, lr  }
0x1b: {  	s9 =	sadd.s32 $0xFFFFFEF7, lr;
	s5 =	simm.s32 $0xFFFFFFFF;
	p2 =	slt.u32 s8, $0xFFFFF086  }
0x1c: {  	p1 =	slt.u32 s9, $0xF7A;
	s5 =	simm.s32 @!p2 $0x0  }
0x1d: {  	s5 =	simm.s32 @p1 $0x1;
	p0 =	seq.s32 s7, s2  }
0x1e: {  	s7 =	smul.u32 @!p0 $0xF7A, s2;
	p2 =	seq.s32 @!p0 s5, $0x0  }
0x1f: {  	s9 =	smul.u32 $0xF7A, s1;
	s8 =	simm.s32 @!p0 $0x1BF5;
	p2 =	por !p2, p0  }
0x20: {  	[sflag:s8] =	ssyncset.s32 @!p0 $0xFFFFF086;
	s6 =	sadd.s32 @!p0 s3, s7;
	s7 =	simm.s32 @!p0 $0x108  }
0x21: {  	s3 =	sadd.s32 s3, s9;
	s6 =	sadd.s32 @!p0 $0x88, s6;
	s7 =	simm.s32 @p2 $0x1082  }
0x22: {  	[simem:s7], [sflag:s8] =	dma.local @!p0 [hbm:s6], $0xF7A  }
0x23: {  	s9 =	sor.u32 $0xD0000000, s2;
	s6 =	simm.s32 $0x108;
	_ =	swait.ge @!p0 [sflag:s8], $0x0  }
0x24: {  	s3 =	sadd.s32 $0x88, s3;
	s6 =	simm.s32 @!p1 $0x1082;
	[sflag:s4] =	ssyncset.s32 $0xFFFFF086  }
0x25: {  	[simem:s6], [sflag:s4] =	dma.local [hbm:s3], $0xF7A  }
0x26: {  	[smem:$0x3F93] =	sst s1;
	(tag) =	ssettag s2;
	_ =	strace s9  }
0x27: {  	s1 =	sld [smem:$0x3FA3]  }
0x28: {  	s2 =	sld [smem:$0x3FA4]  }
0x29: {  	s4 =	sld [smem:$0x3FA6]  }
0x2a: {  	p0 =	seq.s32 s5, $0x0;
	s5 =	sld [smem:$0x3FA7]  }
0x2b: {  	s6 =	sld [smem:$0x3FA8]  }
0x2c: {  	s7 =	sld [smem:$0x3FA9]  }
0x2d: {  	s3 =	simm.s32 $0x108;
	s8 =	sld [smem:$0x3FAA]  }
0x2e: {  	s3 =	simm.s32 @!p0 $0x1082;
	s9 =	sld [smem:$0x3FAB]  }
0x2f: {  	lr =	sadd.s32 s0, s3;
	s0 =	sld [smem:$0x3FA2]  }
0x30: {  	s3 =	sld [smem:$0x3FA5]  }
0x31: {  	[smem:$0x3FAE] =	sst s10  }
0x32: {  	s10 =	sld [smem:$0x3FAC];
	_ =	sdelay $0x3  }
0x33: {  	p0 =	seq.s32 s10, $0x1;
	s10 =	sld [smem:$0x3FAE];
	_ =	sdelay $0x3  }
0x34: {  	[smem:$0x3FAE] =	sst s10  }
0x35: {  	s10 =	sld [smem:$0x3FAD];
	_ =	sdelay $0x3  }
0x36: {  	p1 =	seq.s32 s10, $0x1;
	s10 =	sld [smem:$0x3FAE];
	_ =	sdelay $0x3  }
0x37: {  	[smem:$0x3FAE] =	sst s10  }
0x38: {  	s10 =	sld [smem:$0x3FAF]  }
0x39: {  	_ = 	snop;
	(pc) =	sbr.ind lr, $3  }
0x3a: {  	_ = 	snop  }
0x3b: {  	_ = 	snop  }
0x3c: {  	p2 =	seq.s32 s10, $0x1;
	s10 =	sld [smem:$0x3FAE]  }
0x3d: {  	_ =	shalt  }
0x3e: {  	_ =	shalt  }
0x3f: {  	_ =	shalt  }
0x40: {  	_ =	shalt  }
0x41: {  	_ =	shalt  }
0x42: {  	_ =	shalt  }
0x43: {  	_ =	shalt  }
0x44: {  	_ =	shalt  }
0x45: {  	_ =	shalt  }
0x46: {  	_ =	shalt  }
0x47: {  	_ =	shalt  }
0x48: {  	_ =	shalt  }
0x49: {  	_ =	shalt  }
0x4a: {  	_ =	shalt  }
0x4b: {  	_ =	shalt  }
0x4c: {  	_ =	shalt  }
0x4d: {  	_ =	shalt  }
0x4e: {  	_ =	shalt  }
0x4f: {  	_ =	shalt  }
0x50: {  	_ =	shalt  }
0x51: {  	_ =	shalt  }
0x52: {  	_ =	shalt  }
0x53: {  	_ =	shalt  }
0x54: {  	_ =	shalt  }
0x55: {  	_ =	shalt  }
0x56: {  	_ =	shalt  }
0x57: {  	_ =	shalt  }
0x58: {  	_ =	shalt  }
0x59: {  	_ =	shalt  }
0x5a: {  	_ =	shalt  }
0x5b: {  	_ =	shalt  }
0x5c: {  	_ =	shalt  }
0x5d: {  	_ =	shalt  }
0x5e: {  	_ =	shalt  }
0x5f: {  	_ =	shalt  }
0x60: {  	_ =	shalt  }
0x61: {  	_ =	shalt  }
0x62: {  	_ =	shalt  }
0x63: {  	_ =	shalt  }
0x64: {  	_ =	shalt  }
0x65: {  	_ =	shalt  }
0x66: {  	_ =	shalt  }
0x67: {  	_ =	shalt  }
0x68: {  	_ =	shalt  }
0x69: {  	_ =	shalt  }
0x6a: {  	_ =	shalt  }
0x6b: {  	_ =	shalt  }
0x6c: {  	_ =	shalt  }
0x6d: {  	_ =	shalt  }
0x6e: {  	_ =	shalt  }
0x6f: {  	_ =	shalt  }
0x70: {  	_ =	shalt  }
0x71: {  	_ =	shalt  }
0x72: {  	_ =	shalt  }
0x73: {  	_ =	shalt  }
0x74: {  	_ =	shalt  }
0x75: {  	_ =	shalt  }
0x76: {  	_ =	shalt  }
0x77: {  	_ =	shalt  }
0x78: {  	_ =	shalt  }
0x79: {  	_ =	shalt  }
0x7a: {  	_ =	shalt  }
0x7b: {  	_ =	shalt  }
0x7c: {  	_ =	shalt  }
0x7d: {  	_ =	shalt  }
0x7e: {  	_ =	shalt  }
0x7f: {  	_ =	shalt  }
0x80: {  	_ =	shalt  }
0x81: {  	_ =	shalt  }
0x82: {  	_ =	shalt  }
0x83: {  	_ =	shalt  }
0x84: {  	_ =	shalt  }
0x85: {  	_ =	shalt  }
0x86: {  	_ =	shalt  }
0x87: {  	_ =	shalt  }
.Lfunc_end0:
.L_simem_size_0:
called_computation_lowered:
.L_overlay_start_0:
0x88: {  	s2 =	sld [smem:$0x3FD9]  }
0x89: {  	s3 =	sld [smem:$0x3FFE];
	_ =	sdelay $0x1  }
0x8a: {  	s1 =	srdreg.scid  }
0x8b: {  	s0 =	sand.u32 $0x1, s1  }
0x8c: {  	s16 =	sshll.u32 s0, $0xA;
	s2 =	sadd.s32 s3, s2  }
0x8d: {  	s2 =	sadd.s32 s2, s16  }
0x8e: {  	[smem:$0x3FBA] =	sst s2  }
0x8f: {  	_ = 	snop  }
0x90: {  	(tm) =	ssettm $0x1  }
0x91: {  	s17 =	sld [smem:$0x3FFB];
	_ =	sdelay $0x3  }
0x92: {  	_ =	strace s17  }
0x93: {  	s2 =	sld [smem:$0x3FFC];
	_ =	sdelay $0x3  }
0x94: {  	_ =	strace s2  }
0x95: {  	s2 =	sld [smem:$0x3FFD];
	_ =	sdelay $0x3  }
0x96: {  	_ =	strace s2  }
0x97: {  	_ =	strace $0x8FFFFFFF  }
0x98: {  	s18 =	sld [smem:$0x3FDB];
	_ =	sdelay $0x1  }
0x99: {  	s19 =	simm.s32 $_scs_section_size  }
0x9a: {  	s4 =	simm.s32 $_size__tile_overlayer_lowered;
	s5 =	simm.s32 $_tile_overlayer_lowered  }
0x9b: {  	s22 =	simm.s32 $0x1BFF;
	s21 =	sshll.u32 s5, $0x1;
	s2 =	sadd.s32 s19, s18  }
0x9c: {  	s6 =	simm.s32 $0x0;
	s20 =	sshll.u32 s4, $0x1;
	s4 =	sadd.s32 s21, s2  }
0x9d: {  	[timem:s6], [sflag:s22] =	dma.local [hbm:s4], s20  }
0x9e: {  	_ =	swait.ge [sflag:s22], s20  }
0x9f: {  	s3 =	ssub.s32 $0x0, s20;
	[sflag:s22] =	ssyncset.done $0x0  }
0xa0: {  	[sflag:s22] =	ssyncadd.s32 s3;
	_ =	sdelay $0x1  }
0xa1: {  	s23 =	simm.s32 $0x1B8B  }
0xa2: {  	_ =	swait.ge [sflag:s23], $0x1  }
0xa3: {  	[sflag:s23] =	ssyncset.done $0x0  }
0xa4: {  	s25 =	simm.s32 $0x1B8E;
	s24 =	sld [smem:$0x3FFE];
	[sflag:s23] =	ssyncadd.s32 $0xFFFFFFFF  }
0xa5: {  	s26 =	simm.s32 $execute0_lowered;
	[smem:$0x3FD2] =	sst s25  }
0xa6: {  	s4 =	sshll.u32 s26, $0x1;
	_ =	strace $0x80000046;
	[dreg:$0x1] =	wrdreg $0xFFFFFFFF  }
0xa7: {  	s28 =	simm.s32 $_size_execute0_lowered;
	s2 =	sadd.s32 s2, s4;
	[dreg:$0x0] =	wrdreg $0x0  }
0xa8: {  	s4 =	sshll.u32 s28, $0x1;
	[dreg:$0x2] =	wrdreg s2  }
0xa9: {  	[dreg:$0x3] =	wrdreg s4  }
0xaa: {  	[dreg:$0x4] =	wrdreg $0xC0  }
0xab: {  	_ =	task [dreg:s6], $0x5FFFF  }
0xac: {  	[dreg:$0x1] =	wrdreg $0xFFFFFFFF  }
0xad: {  	[dreg:$0x0] =	wrdreg $0x60  }
0xae: {  	[dreg:$0x2] =	wrdreg s24  }
0xaf: {  	[dreg:$0x3] =	wrdreg $0x9  }
0xb0: {  	_ =	task.clear_ibuf [dreg:s6], $0x4FFFF;
	_ =	strace $0x90000046  }
0xb1: {  	s29 =	simm.s32 $0x9;
	_ =	strace $0x80000048  }
0xb2: {  	_ =	swait.ge [sflag:s29], $0x1  }
0xb3: {  	[sflag:s29] =	ssyncadd.s32 $0xFFFFFFFF  }
0xb4: {  	_ =	strace $0x90000048  }
0xb5: {  	_ =	sfence  }
0xb6: {  	s30 =	sld [smem:$0x0];
	_ =	sdelay $0x2  }
0xb7: {  	s31 =	sshll.u32 s1, $0xD;
	s1 =	sshrl.u32 s1, $0x2  }
0xb8: {  	s3 =	sand.u32 $0x4000, s31;
	s1 =	sadd.s32 s1, s30  }
0xb9: {  	s0 =	sor.u32 s3, s0;
	s1 =	sshll.u32 s1, $0x11  }
0xba: {  	s0 =	sor.u32 s1, s0  }
0xbb: {  	s0 =	sadd.s32 $0x8F2B, s0  }
0xbc: {  	[sflag:s0] =	ssyncadd.remote.s32 $0x1  }
0xbd: {  	_ =	sfence.sel $0xFFFF  }
0xbe: {  	[dreg:$0x0] =	wrdreg $0xFFFFFFFF;
	(pc) =	sbr.abs _section_cstart, $3  }
0xbf: {  	[dreg:$0x1] =	wrdreg $0xFFFFFFFF  }
0xc0: {  	_ =	task.clear_ibuf [dreg:s6], $0x2FFFF;
	_ =	strace $0x9FFFFFFF  }
0xc1: {  	(tm) =	ssettm $0x7FFFFFFF  }
tec
execute0_lowered:
.L_overlay_start_1:
0x0: {  	(tag) =	ssettag $0x1  }
0x1: {  	s1 =	srdreg.scid  }
0x2: {  	s0 =	stileid.u32;
	s4 =	rddreg [dreg:$0x0];
	s2 =	simm.s32 $0x0  }
0x3: {  	s8 =	simm.s32 $0x1390;
	s3 =	sand.u32 $0x1, s1;
	s30 =	sshll.u32 s0, $0x1  }
0x4: {  	s9 =	simm.s32 $0x2720;
	s10 =	simm.s32 $0x0;
	s5 =	sor.u32 s3, s30  }
0x5: {  	s1 =	rddreg [dreg:$0x1];
	s3 =	ssub.s32 $0x2, s3;
	s6 =	smul.u32 $0x272, s5  }
0x6: {  	[smem:$0x7FF] =	sst s2;
	s5 =	smul.u32 $0x500, s5;
	s31 =	sshrl.u32 s3, $0x1  }
0x7: {  	_ =	strace $0x80000047;
	s7 =	ssub.s32 s3, s31;
	s6 =	sadd.s32 s6, s4  }
0x8: {  	s5 =	sadd.s32 s5, s4;
	s3 =	sadd.s32 $0x7600, s6;
	s4 =	sadd.s32 $0x2600, s6  }
0x9: {  	v0 =	vimm.f32 $0.0e+00;
	v1 =	vimm.f32 $1.000000000e+00;
	s5 =	sadd.s32 $0xC600, s5;
	s6 =	smax.u32 s7, $0x1;
	s7 =	simm.s32 $0x1  }
.LBB2_1:
0xa: {  	[tilespmem:s2], [sflag:$0x1] =	stream.linear.gather [hbm4b:s3+s2], $0x1390, $0x38;
	[tilespmem:$0x4F20] =	vst v63  }
0xb: {  	_ =	swait.ge [sflag:s7], $0x1390  }
0xc: {  	[sflag:s7] =	ssyncset.done $0x0  }
0xd: {  	[sflag:s7] =	ssyncadd.s32 $0xFFFFEC70  }
0xe: {  	[tilespmem:s8], [sflag:$0x1] =	stream.linear.gather [hbm4b:s4+s2], $0x1390, $0x38;
	[tilespmem:$0x4F20] =	vst v63  }
0xf: {  	_ =	swait.ge [sflag:s7], $0x1390  }
0x10: {  	[sflag:s7] =	ssyncset.done $0x0  }
0x11: {  	s11 =	simm.s32 $0x0;
	[sflag:s7] =	ssyncadd.s32 $0xFFFFEC70  }
.LBB2_2:
0x12: {  	p0 =	sne.s32 s11, $0x9FC0  }
.Ltmp0:
0x13: {  	_ = 	snop;
	(pc) =	sbr.rel @p0 .LBB2_2-.Ltmp0, $3  }
0x14: {  	_ =	sdelay $0x1  }
0x15: {  	s12 =	sshra.s32 s11, $0x2  }
0x16: {  	s11 =	sadd.s32 $0x40, s11;
	[tilespmem:s12+$0x2720] =	vst v0  }
0x17: {  	s12 =	simm.s32 $0x0  }
0x18: {  	s11 =	simm.s32 $0x40;
	v2 =	vld [tilespmem:s12+$0x1390]  }
.LBB2_4:
0x19: {  	p0 =	sne.s32 s11, $0x4E00;
	v3 =	vld [tilespmem:s12+$0x0];
	_ =	sdelay $0x4  }
0x1a: {  	vm0 =	vne.s32 v3, v2;
	_ =	sdelay $0x2  }
.Ltmp1:
0x1b: {  	(pc) =	sbr.rel @p0 .LBB2_4-.Ltmp1, $3  }
0x1c: {  	_ =	sdelay $0x1  }
0x1d: {  	s12 =	sshra.s32 s11, $0x2;
	[tilespmem:v2+s9+$0x0] =	vst.idx.add.f32.msk vm0, v1  }
0x1e: {  	s11 =	sadd.s32 $0x40, s11;
	v2 =	vld [tilespmem:s12+$0x1390]  }
0x1f: {  	v3 =	vld [tilespmem:s12+$0x0];
	_ =	sdelay $0x4  }
0x20: {  	vm0 =	vne.s32 v3, v2;
	_ =	sdelay $0x3  }
0x21: {  	s10 =	sadd.s32 $0x1, s10  }
0x22: {  	p0 =	sne.s32 s10, s6  }
.Ltmp2:
0x23: {  	[tilespmem:v2+s9+$0x0] =	vst.idx.add.f32.msk vm0, v1;
	(pc) =	sbr.rel @p0 .LBB2_1-.Ltmp2, $4  }
0x24: {  	[hbm4b:s5+s2] =	stream.linear.scatter [tilespmem:s9], [sflag:$0x1], $0x2800, $0x38;
	[tilespmem:$0x4F20] =	vst v63  }
0x25: {  	_ =	swait.ge [sflag:s7], $0x2800  }
0x26: {  	[sflag:s7] =	ssyncset.done $0x0  }
0x27: {  	[sflag:s7] =	ssyncadd.s32 $0xFFFFD800  }
0x28: {  	_ =	sfence.sel $0x180000  }
0x29: {  	[bflag:$0x0] =	sbarrier.arrive $0xFFFF  }
0x2a: {  	p0 =	sne.s32 s0, $0x0;
	_ =	strace $0x90000047  }
0x2b: {  	s0 =	sadd.s32 @!p0 $0x100000, s1;
	[bflag:$0x2] =	sbarrier.arrive $0xFFFF  }
0x2c: {  	[sflag:s0] =	ssyncadd.tile.s32 @!p0 $0x1;
	_ =	shalt  }
.Lfunc_end2:
_tile_overlayer_lowered:
.L_overlay_start_2:
0x2d: {  	(tag) =	ssettag $0x2  }
0x2e: {  	s0 =	rddreg [dreg:$0x0];
	s2 =	stileid.u32  }
0x2f: {  	s1 =	rddreg [dreg:$0x1];
	p0 =	sne.s32 s2, $0x0  }
0x30: {  	s3 =	rddreg [dreg:$0x2];
	[bflag:$0x3] =	sbarrier.arrive $0xFFFF;
	s2 =	simm.s32 @!p0 $0x1C01  }
0x31: {  	[timem:s3], [sflag:s2] =	dma.local @!p0 [hbm:s0], s1  }
0x32: {  	s0 =	simm.s32 @!p0 $0x1  }
0x33: {  	_ =	swait.ge @!p0 [sflag:s0], s1  }
0x34: {  	s1 =	ssub.s32 @!p0 $0x0, s1;
	[sflag:s0] =	ssyncset.done @!p0 $0x0  }
0x35: {  	[sflag:s0] =	ssyncadd.s32 @!p0 s1  }
0x36: {  	[bflag:$0x3] =	sbarrier.arrive $0xFFFF  }
0x37: {  	_ =	shalt  }

</sc_bundles>
